<compile_context>
chip_gen: v7x
topology: tpu7x:2x2x1
jax: 0.10.2.dev20260603
libtpu: 0.0.44.dev20260713+nightly
codegen_flags: <defaults>
</compile_context>

<pallas_src>
import functools

import jax
import jax.numpy as jnp
from jax import lax
from jax.experimental import pallas as pl
from jax.experimental.pallas import tpu as pltpu
from jax.experimental.pallas import tpu_sc as plsc

N = 10000
E = 320000
D = 128
NC = 2
NS = 16
NW = NC * NS
CH = 125
NCHT = E // CH
NCHUNK = NCHT // NW
UNROLL = 4
NITER = NCHUNK // UNROLL
RPT = 632
RPT_LAST = N - (NS - 1) * RPT
N2 = 10240
DPT = N2 // NS

_mesh = plsc.VectorSubcoreMesh(
    core_axis_name="c", subcore_axis_name="s", num_cores=NC, num_subcores=NS
)


CHD = 128
NCHD_TOT = E // CHD
NCHD = (NCHD_TOT + NW - 1) // NW


@functools.partial(
    pl.kernel,
    out_type=jax.ShapeDtypeStruct((NC, N2), jnp.float32),
    mesh=_mesh,
    compiler_params=pltpu.CompilerParams(needs_layout_passes=False),
    scratch_types=[
        pltpu.VMEM((N2,), jnp.float32),
        pltpu.VMEM((4, CHD), jnp.int32),
        pltpu.VMEM((NS, DPT), jnp.float32),
        pltpu.VMEM_SHARED((NS, N2), jnp.float32),
        pltpu.SemaphoreType.DMA,
        pltpu.SemaphoreType.DMA,
        pltpu.SemaphoreType.DMA,
        pltpu.SemaphoreType.DMA,
    ],
)
def _deg_kernel(ei_hbm, out_hbm, hist_v, idx_v, mrg_v, slab_sh, i0, i1, i2, i3):
    c = lax.axis_index("c")
    s = lax.axis_index("s")
    w = c * NS + s
    isems = (i0, i1, i2, i3)

    def zero(i, carry):
        for u in range(4):
            hist_v[pl.ds(i * 64 + u * 16, 16)] = jnp.zeros((16,), jnp.float32)
        return carry

    lax.fori_loop(0, N2 // 64, zero, 0)

    for q in range(3):

        def prime(q=q):
            pltpu.async_copy(
                ei_hbm.at[1, pl.ds((w + q * NW) * CHD, CHD)], idx_v.at[q], isems[q]
            )

        pl.when(w + q * NW < NCHD_TOT)(prime)

    ones16 = jnp.full((16,), 1.0, jnp.float32)

    def accum(q):
        for i in range(CHD // 16):
            idx16 = idx_v[q, pl.ds(i * 16, 16)]
            plsc.addupdate_scatter(hist_v, [idx16], ones16)

    def body(t, carry):
        for u in range(4):
            k = t * 4 + u
            q3 = (u + 3) % 4

            def sub(k=k, u=u, q3=q3):
                pltpu.make_async_copy(
                    ei_hbm.at[1, pl.ds(0, CHD)], idx_v.at[u], isems[u]
                ).wait()

                @pl.when(w + (k + 3) * NW < NCHD_TOT)
                def _():
                    pltpu.async_copy(
                        ei_hbm.at[1, pl.ds((w + (k + 3) * NW) * CHD, CHD)],
                        idx_v.at[q3],
                        isems[q3],
                    )

                accum(u)

            pl.when(w + k * NW < NCHD_TOT)(sub)
        return carry

    lax.fori_loop(0, (NCHD + 3) // 4, body, 0)

    pltpu.sync_copy(hist_v, slab_sh.at[s])
    plsc.subcore_barrier()
    pltpu.sync_copy(slab_sh.at[:, pl.ds(s * DPT, DPT)], mrg_v)

    def merge(i, carry):
        acc = jnp.full((16,), 0.5, jnp.float32)
        for t in range(NS):
            acc = acc + mrg_v[t, pl.ds(i * 16, 16)]
        hist_v[pl.ds(i * 16, 16)] = acc
        return carry

    lax.fori_loop(0, DPT // 16, merge, 0)
    pltpu.sync_copy(
        hist_v.at[pl.ds(0, DPT)], out_hbm.at[c, pl.ds(s * DPT, DPT)]
    )


@functools.partial(
    pl.kernel,
    out_type=jax.ShapeDtypeStruct((NC, N, D), jnp.float32),
    mesh=_mesh,
    scratch_types=[
        pltpu.VMEM((UNROLL, 2, CH), jnp.int32),
        pltpu.VMEM((3, CH, D), jnp.float32),
        pltpu.VMEM_SHARED((N, D), jnp.float32),
        pltpu.SemaphoreType.DMA,
        pltpu.SemaphoreType.DMA,
        pltpu.SemaphoreType.DMA,
        pltpu.SemaphoreType.DMA,
    ],
)
def _edge_kernel(
    h_hbm, z_hbm, idx_hbm, out_hbm, idx_v, rows_v, acc_sh, isem, gsemA, gsemB, asem
):
    c = lax.axis_index("c")
    s = lax.axis_index("s")
    w = c * NS + s
    base = w * NCHUNK

    def prologue(row0, nrows):
        def from_h():
            pltpu.async_copy(
                h_hbm.at[pl.ds(row0, nrows)], acc_sh.at[pl.ds(row0, nrows)], asem
            )

        def from_z():
            pltpu.async_copy(
                z_hbm.at[pl.ds(0, nrows)], acc_sh.at[pl.ds(row0, nrows)], asem
            )

        pl.when(c == 0)(from_h)
        pl.when(c != 0)(from_z)
        ainit = pltpu.make_async_copy(
            h_hbm.at[pl.ds(row0, nrows)], acc_sh.at[pl.ds(row0, nrows)], asem
        )
        ip = pltpu.async_copy(
            idx_hbm.at[pl.ds(base, 3)], idx_v.at[pl.ds(0, 3)], isem
        )
        ip.wait()
        g0 = pltpu.async_copy(h_hbm.at[idx_v.at[0, 0]], rows_v.at[0], gsemA)
        pltpu.async_copy(h_hbm.at[idx_v.at[1, 0]], rows_v.at[1], gsemB)
        g0.wait()
        ainit.wait()


    pl.when(s < NS - 1)(lambda: prologue(s * RPT, RPT))
    pl.when(s == NS - 1)(lambda: prologue((NS - 1) * RPT, RPT_LAST))

    plsc.subcore_barrier()

    def body(t, carry):
        for u in range(UNROLL):
            k = t * UNROLL + u
            q, q1, q2, q3 = u, (u + 1) % 4, (u + 2) % 4, (u + 3) % 4
            r = lax.rem(k, 3)
            r1 = lax.rem(k + 1, 3)
            r2 = lax.rem(k + 2, 3)
            gs_issue = (gsemA, gsemB)[u % 2]
            gs_wait = (gsemA, gsemB)[(u + 1) % 2]

            def chunk(do_pf, do_g2, do_w1):
                if do_pf:
                    dpf = pltpu.async_copy(
                        idx_hbm.at[base + k + 3], idx_v.at[q3], isem
                    )
                if do_g2:
                    pltpu.async_copy(
                        h_hbm.at[idx_v.at[q2, 0]], rows_v.at[r2], gs_issue
                    )
                pltpu.sync_copy(rows_v.at[r], acc_sh.at[idx_v.at[q, 1]], add=True)
                if do_w1:
                    pltpu.make_async_copy(
                        h_hbm.at[idx_v.at[q1, 0]], rows_v.at[r1], gs_wait
                    ).wait()
                if do_pf:
                    dpf.wait()

            if u == 0:
                chunk(True, True, True)
            else:
                tails = {1: (False, True, True), 2: (False, False, True),
                         3: (False, False, False)}[u]
                pl.when(t < NITER - 1)(lambda: chunk(True, True, True))
                pl.when(t == NITER - 1)(lambda: chunk(*tails))
        return carry

    lax.fori_loop(0, NITER, body, 0)

    plsc.subcore_barrier()

    @pl.when(s < NS - 1)
    def _():
        pltpu.sync_copy(
            acc_sh.at[pl.ds(s * RPT, RPT)], out_hbm.at[c, pl.ds(s * RPT, RPT)]
        )

    @pl.when(s == NS - 1)
    def _():
        pltpu.sync_copy(
            acc_sh.at[pl.ds((NS - 1) * RPT, RPT_LAST)],
            out_hbm.at[c, pl.ds((NS - 1) * RPT, RPT_LAST)],
        )


_RB = 2000


def _mm0_body(x_ref, w_ref, u_ref):
    u_ref[...] = jnp.dot(x_ref[...], w_ref[...], preferred_element_type=jnp.float32)


def _scale_body(u_ref, dg_ref, h_ref, dinv_ref):
    dinv = lax.rsqrt(dg_ref[:, 0:1] + dg_ref[:, 1:2])
    h_ref[...] = u_ref[...] * dinv
    dinv_ref[...] = dinv


def _mid_body(acc_ref, dinv_ref, b_ref, w_ref, out_ref):
    z = dinv_ref[...] * (acc_ref[0] + acc_ref[1]) + b_ref[...]
    z = jnp.maximum(z, 0.0)
    out_ref[...] = (
        jnp.dot(z, w_ref[...], preferred_element_type=jnp.float32) * dinv_ref[...]
    )


def _fin_body(acc_ref, dinv_ref, b_ref, out_ref):
    out_ref[...] = dinv_ref[...] * (acc_ref[0] + acc_ref[1]) + b_ref[...]


def _row_spec(width):
    return pl.BlockSpec((_RB, width), lambda i: (i, 0))


def _acc_spec():
    return pl.BlockSpec((2, _RB, D), lambda i: (0, i, 0))


def _const_spec(shape):
    return pl.BlockSpec(shape, lambda i: (0, 0))


_mm0 = pl.pallas_call(
    _mm0_body,
    grid=(N // _RB,),
    in_specs=[_row_spec(D), _const_spec((D, D))],
    out_specs=_row_spec(D),
    out_shape=jax.ShapeDtypeStruct((N, D), jnp.float32),
)

_scale = pl.pallas_call(
    _scale_body,
    grid=(N // _RB,),
    in_specs=[_row_spec(D), _row_spec(2)],
    out_specs=[_row_spec(D), _row_spec(1)],
    out_shape=[
        jax.ShapeDtypeStruct((N, D), jnp.float32),
        jax.ShapeDtypeStruct((N, 1), jnp.float32),
    ],
)

_mid = pl.pallas_call(
    _mid_body,
    grid=(N // _RB,),
    in_specs=[
        _acc_spec(), _row_spec(1), _const_spec((1, D)), _const_spec((D, D)),
    ],
    out_specs=_row_spec(D),
    out_shape=jax.ShapeDtypeStruct((N, D), jnp.float32),
)

_fin = pl.pallas_call(
    _fin_body,
    grid=(N // _RB,),
    in_specs=[_acc_spec(), _row_spec(1), _const_spec((1, D))],
    out_specs=_row_spec(D),
    out_shape=jax.ShapeDtypeStruct((N, D), jnp.float32),
)


def kernel(x, edge_index, W1, b1, W2, b2):
    ei = edge_index.astype(jnp.int32)
    idx3 = ei.reshape(2, NCHT, CH).transpose(1, 0, 2)

    deg2 = _deg_kernel(ei)
    u1 = _mm0(x, W1)

    zeros = jnp.zeros((RPT, D), jnp.float32)
    h1p, dinv = _scale(u1, deg2.T)
    acc1 = _edge_kernel(h1p, zeros, idx3)
    h2p = _mid(acc1, dinv, b1.reshape(1, D), W2)
    acc2 = _edge_kernel(h2p, zeros, idx3)
    return _fin(acc2, dinv, b2.reshape(1, D))

# --- scband reference (transcript-rebuilt; emitter-appended) ---
"""Pipeline reference for scband-sparse-gcn-47132971106900 (READ-ONLY COPY).

The authoritative reference and input builder live on the scoring server;
editing this copy changes nothing except your own understanding.
"""

import jax, jax.numpy as jnp
import numpy as np


def gcn_conv(x, src, dst, W, b):
    # GCNConv with symmetric normalization (self-loops already appended to src/dst)
    N = x.shape[0]
    deg = jnp.zeros((N,), dtype=x.dtype).at[dst].add(1.0)
    dinv = jnp.where(deg > 0, 1.0 / jnp.sqrt(deg), 0.0)
    norm = dinv[src] * dinv[dst]
    h = x @ W
    out = jnp.zeros_like(h).at[dst].add(h[src] * norm[:, None])
    return out + b


def setup_inputs(seed: int = 0) -> dict:
    key = jax.random.key(seed)
    ks = jax.random.split(key, 6)
    N, E, D = 10000, 320000, 128
    x = jax.random.normal(ks[0], (N, D), dtype=jnp.float32)
    edge_index = jax.random.randint(ks[1], (2, E), 0, N)
    W1 = jax.random.normal(ks[2], (D, D), dtype=jnp.float32) * (1.0 / np.sqrt(D))
    b1 = jnp.zeros((D,), dtype=jnp.float32)
    W2 = jax.random.normal(ks[3], (D, D), dtype=jnp.float32) * (1.0 / np.sqrt(D))
    b2 = jnp.zeros((D,), dtype=jnp.float32)
    return {"x": x, "edge_index": edge_index, "W1": W1, "b1": b1, "W2": W2, "b2": b2}


def reference(x, edge_index, W1, b1, W2, b2):
    N = x.shape[0]
    src = edge_index[0]
    dst = edge_index[1]
    loop = jnp.arange(N, dtype=src.dtype)
    src = jnp.concatenate([src, loop])
    dst = jnp.concatenate([dst, loop])
    h = gcn_conv(x, src, dst, W1, b1)
    h = jax.nn.relu(h)
    # dropout p=0.0 and eval mode -> identity
    h = gcn_conv(h, src, dst, W2, b2)
    return h

if __name__ == "__main__":
    import jax
    _d = setup_inputs()
    print(jax.jit(kernel)(*tuple(_d.values())))

</pallas_src>

<mosaic_0001>
#map = affine_map<(d0, d1) -> (0, 0)>
module attributes {stable_mosaic.version = 14 : i64} {
  func.func @_deg_kernel(%arg0: i32, %arg1: i32, %arg2: memref<2x320000xi32, #tpu.memory_space<hbm>>, %arg3: memref<2x10240xf32, #tpu.memory_space<hbm>>, %arg4: memref<10240xf32, #tpu.memory_space<vmem>>, %arg5: memref<4x128xi32, #tpu.memory_space<vmem>>, %arg6: memref<16x640xf32, #tpu.memory_space<vmem>>, %arg7: memref<16x10240xf32, #tpu.memory_space<vmem_shared>>, %arg8: memref<!tpu.dma_semaphore, #tpu.memory_space<semaphore_mem>>, %arg9: memref<!tpu.dma_semaphore, #tpu.memory_space<semaphore_mem>>, %arg10: memref<!tpu.dma_semaphore, #tpu.memory_space<semaphore_mem>>, %arg11: memref<!tpu.dma_semaphore, #tpu.memory_space<semaphore_mem>>) attributes {dimension_semantics = [#tpu.dimension_semantics<core_parallel>, #tpu.dimension_semantics<subcore_parallel>], iteration_bounds = array<i64: 2, 16>, scalar_prefetch = 0 : i64, scratch_operands = 8 : i64, tpu.core_type = #tpu.core_type<sc_vector_subcore>, window_params = [{transform_indices = #map}, {transform_indices = #map}]} {
    %mul3A = arith.constant 16 : i32
    %mul3A_0 = arith.muli %arg0, %mul3A : i32
    %add3A = arith.addi %mul3A_0, %arg1 : i32
    %scan3A = arith.constant 0 : i32
    %scan3A_1 = arith.constant 0 : i32
    %scan3A_2 = arith.constant 160 : i32
    %scan3A_3 = arith.addi %scan3A_1, %scan3A_2 : i32
    %scan3A_4 = arith.constant 1 : i32
    scf.for %scan3A_41 = %scan3A_1 to %scan3A_3 step %scan3A_4  : i32 {
      %broadcast_in_dim3A_42 = arith.constant 0.000000e+00 : f32
      %broadcast_in_dim3A_43 = vector.broadcast %broadcast_in_dim3A_42 : f32 to vector<16xf32>
      %mul3A_44 = arith.constant 64 : i32
      %mul3A_45 = arith.muli %scan3A_41, %mul3A_44 : i32
      %add3A_46 = arith.constant 0 : i32
      %add3A_47 = arith.addi %mul3A_45, %add3A_46 : i32
      %swap3A = arith.index_cast %add3A_47 : i32 to index
      %swap3A_48 = tpu.vector_load %arg4[%swap3A] {strides = array<i32>} : memref<10240xf32, #tpu.memory_space<vmem>>, vector<16xf32>,
      tpu.vector_store %arg4[%swap3A], %broadcast_in_dim3A_43 {strides = array<i32>} : memref<10240xf32, #tpu.memory_space<vmem>>, vector<16xf32>,
      %broadcast_in_dim3A_49 = arith.constant 0.000000e+00 : f32
      %broadcast_in_dim3A_50 = vector.broadcast %broadcast_in_dim3A_49 : f32 to vector<16xf32>
      %mul3A_51 = arith.constant 64 : i32
      %mul3A_52 = arith.muli %scan3A_41, %mul3A_51 : i32
      %add3A_53 = arith.constant 16 : i32
      %add3A_54 = arith.addi %mul3A_52, %add3A_53 : i32
      %swap3A_55 = arith.index_cast %add3A_54 : i32 to index
      %swap3A_56 = tpu.vector_load %arg4[%swap3A_55] {strides = array<i32>} : memref<10240xf32, #tpu.memory_space<vmem>>, vector<16xf32>,
      tpu.vector_store %arg4[%swap3A_55], %broadcast_in_dim3A_50 {strides = array<i32>} : memref<10240xf32, #tpu.memory_space<vmem>>, vector<16xf32>,
      %broadcast_in_dim3A_57 = arith.constant 0.000000e+00 : f32
      %broadcast_in_dim3A_58 = vector.broadcast %broadcast_in_dim3A_57 : f32 to vector<16xf32>
      %mul3A_59 = arith.constant 64 : i32
      %mul3A_60 = arith.muli %scan3A_41, %mul3A_59 : i32
      %add3A_61 = arith.constant 32 : i32
      %add3A_62 = arith.addi %mul3A_60, %add3A_61 : i32
      %swap3A_63 = arith.index_cast %add3A_62 : i32 to index
      %swap3A_64 = tpu.vector_load %arg4[%swap3A_63] {strides = array<i32>} : memref<10240xf32, #tpu.memory_space<vmem>>, vector<16xf32>,
      tpu.vector_store %arg4[%swap3A_63], %broadcast_in_dim3A_58 {strides = array<i32>} : memref<10240xf32, #tpu.memory_space<vmem>>, vector<16xf32>,
      %broadcast_in_dim3A_65 = arith.constant 0.000000e+00 : f32
      %broadcast_in_dim3A_66 = vector.broadcast %broadcast_in_dim3A_65 : f32 to vector<16xf32>
      %mul3A_67 = arith.constant 64 : i32
      %mul3A_68 = arith.muli %scan3A_41, %mul3A_67 : i32
      %add3A_69 = arith.constant 48 : i32
      %add3A_70 = arith.addi %mul3A_68, %add3A_69 : i32
      %swap3A_71 = arith.index_cast %add3A_70 : i32 to index
      %swap3A_72 = tpu.vector_load %arg4[%swap3A_71] {strides = array<i32>} : memref<10240xf32, #tpu.memory_space<vmem>>, vector<16xf32>,
      tpu.vector_store %arg4[%swap3A_71], %broadcast_in_dim3A_66 {strides = array<i32>} : memref<10240xf32, #tpu.memory_space<vmem>>, vector<16xf32>,
    }
    %scan3A_5 = arith.constant 160 : i32
    %add3A_6 = arith.constant 0 : i32
    %add3A_7 = arith.addi %add3A, %add3A_6 : i32
    %lt3A = arith.constant 2500 : i32
    %lt3A_8 = arith.cmpi slt, %add3A_7, %lt3A : i32
    %convert_element_type3A = arith.extui %lt3A_8 : i1 to i32
    %cond3A = arith.constant 0 : i32
    %cond3A_9 = arith.cmpi ne, %convert_element_type3A, %cond3A : i32
    scf.if %cond3A_9 {
      %add3A_41 = arith.constant 0 : i32
      %add3A_42 = arith.addi %add3A, %add3A_41 : i32
      %mul3A_43 = arith.constant 128 : i32
      %mul3A_44 = arith.muli %add3A_42, %mul3A_43 : i32
      %dma_start3A = arith.constant 1 : i32
      %dma_start3A_45 = arith.constant 0 : i32
      %dma_start3A_46 = arith.constant 0 : i32
      %dma_start3A_47 = tpu.memref_slice %arg5[%dma_start3A_45, %dma_start3A_46] : memref<4x128xi32, #tpu.memory_space<vmem>> -> memref<1x128xi32, #tpu.memory_space<vmem>>
      %dma_start3A_48 = tpu.memref_squeeze %dma_start3A_47 : memref<1x128xi32, #tpu.memory_space<vmem>> -> memref<128xi32, #tpu.memory_space<vmem>>
      %dma_start3A_49 = tpu.memref_slice %arg2[%dma_start3A, %mul3A_44] : memref<2x320000xi32, #tpu.memory_space<hbm>> -> memref<1x128xi32, #tpu.memory_space<hbm>>
      %dma_start3A_50 = tpu.memref_squeeze %dma_start3A_49 : memref<1x128xi32, #tpu.memory_space<hbm>> -> memref<128xi32, #tpu.memory_space<hbm>>
      %dma_start3A_51 = arith.constant 0 : i32
      %dma_start3A_52 = tpu.memref_slice %arg5[%dma_start3A_45, %dma_start3A_51] : memref<4x128xi32, #tpu.memory_space<vmem>> -> memref<1x128xi32, #tpu.memory_space<vmem>>
      %dma_start3A_53 = tpu.memref_squeeze %dma_start3A_52 : memref<1x128xi32, #tpu.memory_space<vmem>> -> memref<128xi32, #tpu.memory_space<vmem>>
      %dma_start3A_54 = tpu.memref_slice %arg2[%dma_start3A, %mul3A_44] : memref<2x320000xi32, #tpu.memory_space<hbm>> -> memref<1x128xi32, #tpu.memory_space<hbm>>
      %dma_start3A_55 = tpu.memref_squeeze %dma_start3A_54 : memref<1x128xi32, #tpu.memory_space<hbm>> -> memref<128xi32, #tpu.memory_space<hbm>>
      tpu.enqueue_dma source(%dma_start3A_55 : memref<128xi32, #tpu.memory_space<hbm>>) target(%dma_start3A_53 : memref<128xi32, #tpu.memory_space<vmem>>) target_semaphore(%arg8 : memref<!tpu.dma_semaphore, #tpu.memory_space<semaphore_mem>>)
    } else {
    }
    %add3A_10 = arith.constant 32 : i32
    %add3A_11 = arith.addi %add3A, %add3A_10 : i32
    %lt3A_12 = arith.constant 2500 : i32
    %lt3A_13 = arith.cmpi slt, %add3A_11, %lt3A_12 : i32
    %convert_element_type3A_14 = arith.extui %lt3A_13 : i1 to i32
    %cond3A_15 = arith.constant 0 : i32
    %cond3A_16 = arith.cmpi ne, %convert_element_type3A_14, %cond3A_15 : i32
    scf.if %cond3A_16 {
      %add3A_41 = arith.constant 32 : i32
      %add3A_42 = arith.addi %add3A, %add3A_41 : i32
      %mul3A_43 = arith.constant 128 : i32
      %mul3A_44 = arith.muli %add3A_42, %mul3A_43 : i32
      %dma_start3A = arith.constant 1 : i32
      %dma_start3A_45 = arith.constant 1 : i32
      %dma_start3A_46 = arith.constant 0 : i32
      %dma_start3A_47 = tpu.memref_slice %arg5[%dma_start3A_45, %dma_start3A_46] : memref<4x128xi32, #tpu.memory_space<vmem>> -> memref<1x128xi32, #tpu.memory_space<vmem>>
      %dma_start3A_48 = tpu.memref_squeeze %dma_start3A_47 : memref<1x128xi32, #tpu.memory_space<vmem>> -> memref<128xi32, #tpu.memory_space<vmem>>
      %dma_start3A_49 = tpu.memref_slice %arg2[%dma_start3A, %mul3A_44] : memref<2x320000xi32, #tpu.memory_space<hbm>> -> memref<1x128xi32, #tpu.memory_space<hbm>>
      %dma_start3A_50 = tpu.memref_squeeze %dma_start3A_49 : memref<1x128xi32, #tpu.memory_space<hbm>> -> memref<128xi32, #tpu.memory_space<hbm>>
      %dma_start3A_51 = arith.constant 0 : i32
      %dma_start3A_52 = tpu.memref_slice %arg5[%dma_start3A_45, %dma_start3A_51] : memref<4x128xi32, #tpu.memory_space<vmem>> -> memref<1x128xi32, #tpu.memory_space<vmem>>
      %dma_start3A_53 = tpu.memref_squeeze %dma_start3A_52 : memref<1x128xi32, #tpu.memory_space<vmem>> -> memref<128xi32, #tpu.memory_space<vmem>>
      %dma_start3A_54 = tpu.memref_slice %arg2[%dma_start3A, %mul3A_44] : memref<2x320000xi32, #tpu.memory_space<hbm>> -> memref<1x128xi32, #tpu.memory_space<hbm>>
      %dma_start3A_55 = tpu.memref_squeeze %dma_start3A_54 : memref<1x128xi32, #tpu.memory_space<hbm>> -> memref<128xi32, #tpu.memory_space<hbm>>
      tpu.enqueue_dma source(%dma_start3A_55 : memref<128xi32, #tpu.memory_space<hbm>>) target(%dma_start3A_53 : memref<128xi32, #tpu.memory_space<vmem>>) target_semaphore(%arg9 : memref<!tpu.dma_semaphore, #tpu.memory_space<semaphore_mem>>)
    } else {
    }
    %add3A_17 = arith.constant 64 : i32
    %add3A_18 = arith.addi %add3A, %add3A_17 : i32
    %lt3A_19 = arith.constant 2500 : i32
    %lt3A_20 = arith.cmpi slt, %add3A_18, %lt3A_19 : i32
    %convert_element_type3A_21 = arith.extui %lt3A_20 : i1 to i32
    %cond3A_22 = arith.constant 0 : i32
    %cond3A_23 = arith.cmpi ne, %convert_element_type3A_21, %cond3A_22 : i32
    scf.if %cond3A_23 {
      %add3A_41 = arith.constant 64 : i32
      %add3A_42 = arith.addi %add3A, %add3A_41 : i32
      %mul3A_43 = arith.constant 128 : i32
      %mul3A_44 = arith.muli %add3A_42, %mul3A_43 : i32
      %dma_start3A = arith.constant 1 : i32
      %dma_start3A_45 = arith.constant 2 : i32
      %dma_start3A_46 = arith.constant 0 : i32
      %dma_start3A_47 = tpu.memref_slice %arg5[%dma_start3A_45, %dma_start3A_46] : memref<4x128xi32, #tpu.memory_space<vmem>> -> memref<1x128xi32, #tpu.memory_space<vmem>>
      %dma_start3A_48 = tpu.memref_squeeze %dma_start3A_47 : memref<1x128xi32, #tpu.memory_space<vmem>> -> memref<128xi32, #tpu.memory_space<vmem>>
      %dma_start3A_49 = tpu.memref_slice %arg2[%dma_start3A, %mul3A_44] : memref<2x320000xi32, #tpu.memory_space<hbm>> -> memref<1x128xi32, #tpu.memory_space<hbm>>
      %dma_start3A_50 = tpu.memref_squeeze %dma_start3A_49 : memref<1x128xi32, #tpu.memory_space<hbm>> -> memref<128xi32, #tpu.memory_space<hbm>>
      %dma_start3A_51 = arith.constant 0 : i32
      %dma_start3A_52 = tpu.memref_slice %arg5[%dma_start3A_45, %dma_start3A_51] : memref<4x128xi32, #tpu.memory_space<vmem>> -> memref<1x128xi32, #tpu.memory_space<vmem>>
      %dma_start3A_53 = tpu.memref_squeeze %dma_start3A_52 : memref<1x128xi32, #tpu.memory_space<vmem>> -> memref<128xi32, #tpu.memory_space<vmem>>
      %dma_start3A_54 = tpu.memref_slice %arg2[%dma_start3A, %mul3A_44] : memref<2x320000xi32, #tpu.memory_space<hbm>> -> memref<1x128xi32, #tpu.memory_space<hbm>>
      %dma_start3A_55 = tpu.memref_squeeze %dma_start3A_54 : memref<1x128xi32, #tpu.memory_space<hbm>> -> memref<128xi32, #tpu.memory_space<hbm>>
      tpu.enqueue_dma source(%dma_start3A_55 : memref<128xi32, #tpu.memory_space<hbm>>) target(%dma_start3A_53 : memref<128xi32, #tpu.memory_space<vmem>>) target_semaphore(%arg10 : memref<!tpu.dma_semaphore, #tpu.memory_space<semaphore_mem>>)
    } else {
    }
    %broadcast_in_dim3A = arith.constant 1.000000e+00 : f32
    %broadcast_in_dim3A_24 = vector.broadcast %broadcast_in_dim3A : f32 to vector<16xf32>
    %scan3A_25 = arith.constant 0 : i32
    %scan3A_26 = arith.constant 0 : i32
    %scan3A_27 = arith.constant 20 : i32
    %scan3A_28 = arith.addi %scan3A_26, %scan3A_27 : i32
    %scan3A_29 = arith.constant 1 : i32
    scf.for %scan3A_41 = %scan3A_26 to %scan3A_28 step %scan3A_29  : i32 {
      %mul3A_42 = arith.constant 4 : i32
      %mul3A_43 = arith.muli %scan3A_41, %mul3A_42 : i32
      %add3A_44 = arith.constant 0 : i32
      %add3A_45 = arith.addi %mul3A_43, %add3A_44 : i32
      %mul3A_46 = arith.constant 32 : i32
      %mul3A_47 = arith.muli %add3A_45, %mul3A_46 : i32
      %add3A_48 = arith.addi %add3A, %mul3A_47 : i32
      %lt3A_49 = arith.constant 2500 : i32
      %lt3A_50 = arith.cmpi slt, %add3A_48, %lt3A_49 : i32
      %convert_element_type3A_51 = arith.extui %lt3A_50 : i1 to i32
      %cond3A_52 = arith.constant 0 : i32
      %cond3A_53 = arith.cmpi ne, %convert_element_type3A_51, %cond3A_52 : i32
      scf.if %cond3A_53 {
        %dma_wait3A = arith.constant 1 : i32
        %dma_wait3A_90 = arith.constant 0 : i32
        %dma_wait3A_91 = arith.constant 0 : i32
        %dma_wait3A_92 = tpu.memref_slice %arg5[%dma_wait3A_90, %dma_wait3A_91] : memref<4x128xi32, #tpu.memory_space<vmem>> -> memref<1x128xi32, #tpu.memory_space<vmem>>
        %dma_wait3A_93 = tpu.memref_squeeze %dma_wait3A_92 : memref<1x128xi32, #tpu.memory_space<vmem>> -> memref<128xi32, #tpu.memory_space<vmem>>
        %dma_wait3A_94 = arith.constant 0 : i32
        %dma_wait3A_95 = tpu.memref_slice %arg2[%dma_wait3A, %dma_wait3A_94] : memref<2x320000xi32, #tpu.memory_space<hbm>> -> memref<1x128xi32, #tpu.memory_space<hbm>>
        %dma_wait3A_96 = tpu.memref_squeeze %dma_wait3A_95 : memref<1x128xi32, #tpu.memory_space<hbm>> -> memref<128xi32, #tpu.memory_space<hbm>>
        %dma_wait3A_97 = arith.constant 0 : i32
        %dma_wait3A_98 = tpu.memref_slice %arg5[%dma_wait3A_90, %dma_wait3A_97] : memref<4x128xi32, #tpu.memory_space<vmem>> -> memref<1x128xi32, #tpu.memory_space<vmem>>
        %dma_wait3A_99 = tpu.memref_squeeze %dma_wait3A_98 : memref<1x128xi32, #tpu.memory_space<vmem>> -> memref<128xi32, #tpu.memory_space<vmem>>
        %dma_wait3A_100 = arith.constant 0 : i32
        %dma_wait3A_101 = tpu.memref_slice %arg2[%dma_wait3A, %dma_wait3A_100] : memref<2x320000xi32, #tpu.memory_space<hbm>> -> memref<1x128xi32, #tpu.memory_space<hbm>>
        %dma_wait3A_102 = tpu.memref_squeeze %dma_wait3A_101 : memref<1x128xi32, #tpu.memory_space<hbm>> -> memref<128xi32, #tpu.memory_space<hbm>>
        tpu.wait_dma2 semaphore(%arg8 : memref<!tpu.dma_semaphore, #tpu.memory_space<semaphore_mem>>) src(%dma_wait3A_102 : memref<128xi32, #tpu.memory_space<hbm>>) dst(%dma_wait3A_99 : memref<128xi32, #tpu.memory_space<vmem>>)
        %add3A_103 = arith.constant 3 : i32
        %add3A_104 = arith.addi %add3A_45, %add3A_103 : i32
        %mul3A_105 = arith.constant 32 : i32
        %mul3A_106 = arith.muli %add3A_104, %mul3A_105 : i32
        %add3A_107 = arith.addi %add3A, %mul3A_106 : i32
        %lt3A_108 = arith.constant 2500 : i32
        %lt3A_109 = arith.cmpi slt, %add3A_107, %lt3A_108 : i32
        %convert_element_type3A_110 = arith.extui %lt3A_109 : i1 to i32
        %cond3A_111 = arith.constant 0 : i32
        %cond3A_112 = arith.cmpi ne, %convert_element_type3A_110, %cond3A_111 : i32
        scf.if %cond3A_112 {
          %add3A_144 = arith.constant 3 : i32
          %add3A_145 = arith.addi %add3A_45, %add3A_144 : i32
          %mul3A_146 = arith.constant 32 : i32
          %mul3A_147 = arith.muli %add3A_145, %mul3A_146 : i32
          %add3A_148 = arith.addi %add3A, %mul3A_147 : i32
          %mul3A_149 = arith.constant 128 : i32
          %mul3A_150 = arith.muli %add3A_148, %mul3A_149 : i32
          %dma_start3A = arith.constant 1 : i32
          %dma_start3A_151 = arith.constant 3 : i32
          %dma_start3A_152 = arith.constant 0 : i32
          %dma_start3A_153 = tpu.memref_slice %arg5[%dma_start3A_151, %dma_start3A_152] : memref<4x128xi32, #tpu.memory_space<vmem>> -> memref<1x128xi32, #tpu.memory_space<vmem>>
          %dma_start3A_154 = tpu.memref_squeeze %dma_start3A_153 : memref<1x128xi32, #tpu.memory_space<vmem>> -> memref<128xi32, #tpu.memory_space<vmem>>
          %dma_start3A_155 = tpu.memref_slice %arg2[%dma_start3A, %mul3A_150] : memref<2x320000xi32, #tpu.memory_space<hbm>> -> memref<1x128xi32, #tpu.memory_space<hbm>>
          %dma_start3A_156 = tpu.memref_squeeze %dma_start3A_155 : memref<1x128xi32, #tpu.memory_space<hbm>> -> memref<128xi32, #tpu.memory_space<hbm>>
          %dma_start3A_157 = arith.constant 0 : i32
          %dma_start3A_158 = tpu.memref_slice %arg5[%dma_start3A_151, %dma_start3A_157] : memref<4x128xi32, #tpu.memory_space<vmem>> -> memref<1x128xi32, #tpu.memory_space<vmem>>
          %dma_start3A_159 = tpu.memref_squeeze %dma_start3A_158 : memref<1x128xi32, #tpu.memory_space<vmem>> -> memref<128xi32, #tpu.memory_space<vmem>>
          %dma_start3A_160 = tpu.memref_slice %arg2[%dma_start3A, %mul3A_150] : memref<2x320000xi32, #tpu.memory_space<hbm>> -> memref<1x128xi32, #tpu.memory_space<hbm>>
          %dma_start3A_161 = tpu.memref_squeeze %dma_start3A_160 : memref<1x128xi32, #tpu.memory_space<hbm>> -> memref<128xi32, #tpu.memory_space<hbm>>
          tpu.enqueue_dma source(%dma_start3A_161 : memref<128xi32, #tpu.memory_space<hbm>>) target(%dma_start3A_159 : memref<128xi32, #tpu.memory_space<vmem>>) target_semaphore(%arg11 : memref<!tpu.dma_semaphore, #tpu.memory_space<semaphore_mem>>)
        } else {
        }
        %get3A = arith.constant 0 : i32
        %get3A_113 = arith.index_cast %get3A : i32 to index
        %get3A_114 = arith.constant 0 : index
        %get3A_115 = tpu.vector_load %arg5[%get3A_113, %get3A_114] {strides = array<i32>} : memref<4x128xi32, #tpu.memory_space<vmem>>, vector<16xi32>,
        tpu.vector_store_idx %arg4[%get3A_115], %broadcast_in_dim3A_24 {add = true} : memref<10240xf32, #tpu.memory_space<vmem>>[vector<16xi32>], vector<16xf32>,
        %get3A_116 = arith.constant 0 : i32
        %get3A_117 = arith.index_cast %get3A_116 : i32 to index
        %get3A_118 = arith.constant 16 : index
        %get3A_119 = tpu.vector_load %arg5[%get3A_117, %get3A_118] {strides = array<i32>} : memref<4x128xi32, #tpu.memory_space<vmem>>, vector<16xi32>,
        tpu.vector_store_idx %arg4[%get3A_119], %broadcast_in_dim3A_24 {add = true} : memref<10240xf32, #tpu.memory_space<vmem>>[vector<16xi32>], vector<16xf32>,
        %get3A_120 = arith.constant 0 : i32
        %get3A_121 = arith.index_cast %get3A_120 : i32 to index
        %get3A_122 = arith.constant 32 : index
        %get3A_123 = tpu.vector_load %arg5[%get3A_121, %get3A_122] {strides = array<i32>} : memref<4x128xi32, #tpu.memory_space<vmem>>, vector<16xi32>,
        tpu.vector_store_idx %arg4[%get3A_123], %broadcast_in_dim3A_24 {add = true} : memref<10240xf32, #tpu.memory_space<vmem>>[vector<16xi32>], vector<16xf32>,
        %get3A_124 = arith.constant 0 : i32
        %get3A_125 = arith.index_cast %get3A_124 : i32 to index
        %get3A_126 = arith.constant 48 : index
        %get3A_127 = tpu.vector_load %arg5[%get3A_125, %get3A_126] {strides = array<i32>} : memref<4x128xi32, #tpu.memory_space<vmem>>, vector<16xi32>,
        tpu.vector_store_idx %arg4[%get3A_127], %broadcast_in_dim3A_24 {add = true} : memref<10240xf32, #tpu.memory_space<vmem>>[vector<16xi32>], vector<16xf32>,
        %get3A_128 = arith.constant 0 : i32
        %get3A_129 = arith.index_cast %get3A_128 : i32 to index
        %get3A_130 = arith.constant 64 : index
        %get3A_131 = tpu.vector_load %arg5[%get3A_129, %get3A_130] {strides = array<i32>} : memref<4x128xi32, #tpu.memory_space<vmem>>, vector<16xi32>,
        tpu.vector_store_idx %arg4[%get3A_131], %broadcast_in_dim3A_24 {add = true} : memref<10240xf32, #tpu.memory_space<vmem>>[vector<16xi32>], vector<16xf32>,
        %get3A_132 = arith.constant 0 : i32
        %get3A_133 = arith.index_cast %get3A_132 : i32 to index
        %get3A_134 = arith.constant 80 : index
        %get3A_135 = tpu.vector_load %arg5[%get3A_133, %get3A_134] {strides = array<i32>} : memref<4x128xi32, #tpu.memory_space<vmem>>, vector<16xi32>,
        tpu.vector_store_idx %arg4[%get3A_135], %broadcast_in_dim3A_24 {add = true} : memref<10240xf32, #tpu.memory_space<vmem>>[vector<16xi32>], vector<16xf32>,
        %get3A_136 = arith.constant 0 : i32
        %get3A_137 = arith.index_cast %get3A_136 : i32 to index
        %get3A_138 = arith.constant 96 : index
        %get3A_139 = tpu.vector_load %arg5[%get3A_137, %get3A_138] {strides = array<i32>} : memref<4x128xi32, #tpu.memory_space<vmem>>, vector<16xi32>,
        tpu.vector_store_idx %arg4[%get3A_139], %broadcast_in_dim3A_24 {add = true} : memref<10240xf32, #tpu.memory_space<vmem>>[vector<16xi32>], vector<16xf32>,
        %get3A_140 = arith.constant 0 : i32
        %get3A_141 = arith.index_cast %get3A_140 : i32 to index
        %get3A_142 = arith.constant 112 : index
        %get3A_143 = tpu.vector_load %arg5[%get3A_141, %get3A_142] {strides = array<i32>} : memref<4x128xi32, #tpu.memory_space<vmem>>, vector<16xi32>,
        tpu.vector_store_idx %arg4[%get3A_143], %broadcast_in_dim3A_24 {add = true} : memref<10240xf32, #tpu.memory_space<vmem>>[vector<16xi32>], vector<16xf32>,
      } else {
      }
      %mul3A_54 = arith.constant 4 : i32
      %mul3A_55 = arith.muli %scan3A_41, %mul3A_54 : i32
      %add3A_56 = arith.constant 1 : i32
      %add3A_57 = arith.addi %mul3A_55, %add3A_56 : i32
      %mul3A_58 = arith.constant 32 : i32
      %mul3A_59 = arith.muli %add3A_57, %mul3A_58 : i32
      %add3A_60 = arith.addi %add3A, %mul3A_59 : i32
      %lt3A_61 = arith.constant 2500 : i32
      %lt3A_62 = arith.cmpi slt, %add3A_60, %lt3A_61 : i32
      %convert_element_type3A_63 = arith.extui %lt3A_62 : i1 to i32
      %cond3A_64 = arith.constant 0 : i32
      %cond3A_65 = arith.cmpi ne, %convert_element_type3A_63, %cond3A_64 : i32
      scf.if %cond3A_65 {
        %dma_wait3A = arith.constant 1 : i32
        %dma_wait3A_90 = arith.constant 1 : i32
        %dma_wait3A_91 = arith.constant 0 : i32
        %dma_wait3A_92 = tpu.memref_slice %arg5[%dma_wait3A_90, %dma_wait3A_91] : memref<4x128xi32, #tpu.memory_space<vmem>> -> memref<1x128xi32, #tpu.memory_space<vmem>>
        %dma_wait3A_93 = tpu.memref_squeeze %dma_wait3A_92 : memref<1x128xi32, #tpu.memory_space<vmem>> -> memref<128xi32, #tpu.memory_space<vmem>>
        %dma_wait3A_94 = arith.constant 0 : i32
        %dma_wait3A_95 = tpu.memref_slice %arg2[%dma_wait3A, %dma_wait3A_94] : memref<2x320000xi32, #tpu.memory_space<hbm>> -> memref<1x128xi32, #tpu.memory_space<hbm>>
        %dma_wait3A_96 = tpu.memref_squeeze %dma_wait3A_95 : memref<1x128xi32, #tpu.memory_space<hbm>> -> memref<128xi32, #tpu.memory_space<hbm>>
        %dma_wait3A_97 = arith.constant 0 : i32
        %dma_wait3A_98 = tpu.memref_slice %arg5[%dma_wait3A_90, %dma_wait3A_97] : memref<4x128xi32, #tpu.memory_space<vmem>> -> memref<1x128xi32, #tpu.memory_space<vmem>>
        %dma_wait3A_99 = tpu.memref_squeeze %dma_wait3A_98 : memref<1x128xi32, #tpu.memory_space<vmem>> -> memref<128xi32, #tpu.memory_space<vmem>>
        %dma_wait3A_100 = arith.constant 0 : i32
        %dma_wait3A_101 = tpu.memref_slice %arg2[%dma_wait3A, %dma_wait3A_100] : memref<2x320000xi32, #tpu.memory_space<hbm>> -> memref<1x128xi32, #tpu.memory_space<hbm>>
        %dma_wait3A_102 = tpu.memref_squeeze %dma_wait3A_101 : memref<1x128xi32, #tpu.memory_space<hbm>> -> memref<128xi32, #tpu.memory_space<hbm>>
        tpu.wait_dma2 semaphore(%arg9 : memref<!tpu.dma_semaphore, #tpu.memory_space<semaphore_mem>>) src(%dma_wait3A_102 : memref<128xi32, #tpu.memory_space<hbm>>) dst(%dma_wait3A_99 : memref<128xi32, #tpu.memory_space<vmem>>)
        %add3A_103 = arith.constant 3 : i32
        %add3A_104 = arith.addi %add3A_57, %add3A_103 : i32
        %mul3A_105 = arith.constant 32 : i32
        %mul3A_106 = arith.muli %add3A_104, %mul3A_105 : i32
        %add3A_107 = arith.addi %add3A, %mul3A_106 : i32
        %lt3A_108 = arith.constant 2500 : i32
        %lt3A_109 = arith.cmpi slt, %add3A_107, %lt3A_108 : i32
        %convert_element_type3A_110 = arith.extui %lt3A_109 : i1 to i32
        %cond3A_111 = arith.constant 0 : i32
        %cond3A_112 = arith.cmpi ne, %convert_element_type3A_110, %cond3A_111 : i32
        scf.if %cond3A_112 {
          %add3A_144 = arith.constant 3 : i32
          %add3A_145 = arith.addi %add3A_57, %add3A_144 : i32
          %mul3A_146 = arith.constant 32 : i32
          %mul3A_147 = arith.muli %add3A_145, %mul3A_146 : i32
          %add3A_148 = arith.addi %add3A, %mul3A_147 : i32
          %mul3A_149 = arith.constant 128 : i32
          %mul3A_150 = arith.muli %add3A_148, %mul3A_149 : i32
          %dma_start3A = arith.constant 1 : i32
          %dma_start3A_151 = arith.constant 0 : i32
          %dma_start3A_152 = arith.constant 0 : i32
          %dma_start3A_153 = tpu.memref_slice %arg5[%dma_start3A_151, %dma_start3A_152] : memref<4x128xi32, #tpu.memory_space<vmem>> -> memref<1x128xi32, #tpu.memory_space<vmem>>
          %dma_start3A_154 = tpu.memref_squeeze %dma_start3A_153 : memref<1x128xi32, #tpu.memory_space<vmem>> -> memref<128xi32, #tpu.memory_space<vmem>>
          %dma_start3A_155 = tpu.memref_slice %arg2[%dma_start3A, %mul3A_150] : memref<2x320000xi32, #tpu.memory_space<hbm>> -> memref<1x128xi32, #tpu.memory_space<hbm>>
          %dma_start3A_156 = tpu.memref_squeeze %dma_start3A_155 : memref<1x128xi32, #tpu.memory_space<hbm>> -> memref<128xi32, #tpu.memory_space<hbm>>
          %dma_start3A_157 = arith.constant 0 : i32
          %dma_start3A_158 = tpu.memref_slice %arg5[%dma_start3A_151, %dma_start3A_157] : memref<4x128xi32, #tpu.memory_space<vmem>> -> memref<1x128xi32, #tpu.memory_space<vmem>>
          %dma_start3A_159 = tpu.memref_squeeze %dma_start3A_158 : memref<1x128xi32, #tpu.memory_space<vmem>> -> memref<128xi32, #tpu.memory_space<vmem>>
          %dma_start3A_160 = tpu.memref_slice %arg2[%dma_start3A, %mul3A_150] : memref<2x320000xi32, #tpu.memory_space<hbm>> -> memref<1x128xi32, #tpu.memory_space<hbm>>
          %dma_start3A_161 = tpu.memref_squeeze %dma_start3A_160 : memref<1x128xi32, #tpu.memory_space<hbm>> -> memref<128xi32, #tpu.memory_space<hbm>>
          tpu.enqueue_dma source(%dma_start3A_161 : memref<128xi32, #tpu.memory_space<hbm>>) target(%dma_start3A_159 : memref<128xi32, #tpu.memory_space<vmem>>) target_semaphore(%arg8 : memref<!tpu.dma_semaphore, #tpu.memory_space<semaphore_mem>>)
        } else {
        }
        %get3A = arith.constant 1 : i32
        %get3A_113 = arith.index_cast %get3A : i32 to index
        %get3A_114 = arith.constant 0 : index
        %get3A_115 = tpu.vector_load %arg5[%get3A_113, %get3A_114] {strides = array<i32>} : memref<4x128xi32, #tpu.memory_space<vmem>>, vector<16xi32>,
        tpu.vector_store_idx %arg4[%get3A_115], %broadcast_in_dim3A_24 {add = true} : memref<10240xf32, #tpu.memory_space<vmem>>[vector<16xi32>], vector<16xf32>,
        %get3A_116 = arith.constant 1 : i32
        %get3A_117 = arith.index_cast %get3A_116 : i32 to index
        %get3A_118 = arith.constant 16 : index
        %get3A_119 = tpu.vector_load %arg5[%get3A_117, %get3A_118] {strides = array<i32>} : memref<4x128xi32, #tpu.memory_space<vmem>>, vector<16xi32>,
        tpu.vector_store_idx %arg4[%get3A_119], %broadcast_in_dim3A_24 {add = true} : memref<10240xf32, #tpu.memory_space<vmem>>[vector<16xi32>], vector<16xf32>,
        %get3A_120 = arith.constant 1 : i32
        %get3A_121 = arith.index_cast %get3A_120 : i32 to index
        %get3A_122 = arith.constant 32 : index
        %get3A_123 = tpu.vector_load %arg5[%get3A_121, %get3A_122] {strides = array<i32>} : memref<4x128xi32, #tpu.memory_space<vmem>>, vector<16xi32>,
        tpu.vector_store_idx %arg4[%get3A_123], %broadcast_in_dim3A_24 {add = true} : memref<10240xf32, #tpu.memory_space<vmem>>[vector<16xi32>], vector<16xf32>,
        %get3A_124 = arith.constant 1 : i32
        %get3A_125 = arith.index_cast %get3A_124 : i32 to index
        %get3A_126 = arith.constant 48 : index
        %get3A_127 = tpu.vector_load %arg5[%get3A_125, %get3A_126] {strides = array<i32>} : memref<4x128xi32, #tpu.memory_space<vmem>>, vector<16xi32>,
        tpu.vector_store_idx %arg4[%get3A_127], %broadcast_in_dim3A_24 {add = true} : memref<10240xf32, #tpu.memory_space<vmem>>[vector<16xi32>], vector<16xf32>,
        %get3A_128 = arith.constant 1 : i32
        %get3A_129 = arith.index_cast %get3A_128 : i32 to index
        %get3A_130 = arith.constant 64 : index
        %get3A_131 = tpu.vector_load %arg5[%get3A_129, %get3A_130] {strides = array<i32>} : memref<4x128xi32, #tpu.memory_space<vmem>>, vector<16xi32>,
        tpu.vector_store_idx %arg4[%get3A_131], %broadcast_in_dim3A_24 {add = true} : memref<10240xf32, #tpu.memory_space<vmem>>[vector<16xi32>], vector<16xf32>,
        %get3A_132 = arith.constant 1 : i32
        %get3A_133 = arith.index_cast %get3A_132 : i32 to index
        %get3A_134 = arith.constant 80 : index
        %get3A_135 = tpu.vector_load %arg5[%get3A_133, %get3A_134] {strides = array<i32>} : memref<4x128xi32, #tpu.memory_space<vmem>>, vector<16xi32>,
        tpu.vector_store_idx %arg4[%get3A_135], %broadcast_in_dim3A_24 {add = true} : memref<10240xf32, #tpu.memory_space<vmem>>[vector<16xi32>], vector<16xf32>,
        %get3A_136 = arith.constant 1 : i32
        %get3A_137 = arith.index_cast %get3A_136 : i32 to index
        %get3A_138 = arith.constant 96 : index
        %get3A_139 = tpu.vector_load %arg5[%get3A_137, %get3A_138] {strides = array<i32>} : memref<4x128xi32, #tpu.memory_space<vmem>>, vector<16xi32>,
        tpu.vector_store_idx %arg4[%get3A_139], %broadcast_in_dim3A_24 {add = true} : memref<10240xf32, #tpu.memory_space<vmem>>[vector<16xi32>], vector<16xf32>,
        %get3A_140 = arith.constant 1 : i32
        %get3A_141 = arith.index_cast %get3A_140 : i32 to index
        %get3A_142 = arith.constant 112 : index
        %get3A_143 = tpu.vector_load %arg5[%get3A_141, %get3A_142] {strides = array<i32>} : memref<4x128xi32, #tpu.memory_space<vmem>>, vector<16xi32>,
        tpu.vector_store_idx %arg4[%get3A_143], %broadcast_in_dim3A_24 {add = true} : memref<10240xf32, #tpu.memory_space<vmem>>[vector<16xi32>], vector<16xf32>,
      } else {
      }
      %mul3A_66 = arith.constant 4 : i32
      %mul3A_67 = arith.muli %scan3A_41, %mul3A_66 : i32
      %add3A_68 = arith.constant 2 : i32
      %add3A_69 = arith.addi %mul3A_67, %add3A_68 : i32
      %mul3A_70 = arith.constant 32 : i32
      %mul3A_71 = arith.muli %add3A_69, %mul3A_70 : i32
      %add3A_72 = arith.addi %add3A, %mul3A_71 : i32
      %lt3A_73 = arith.constant 2500 : i32
      %lt3A_74 = arith.cmpi slt, %add3A_72, %lt3A_73 : i32
      %convert_element_type3A_75 = arith.extui %lt3A_74 : i1 to i32
      %cond3A_76 = arith.constant 0 : i32
      %cond3A_77 = arith.cmpi ne, %convert_element_type3A_75, %cond3A_76 : i32
      scf.if %cond3A_77 {
        %dma_wait3A = arith.constant 1 : i32
        %dma_wait3A_90 = arith.constant 2 : i32
        %dma_wait3A_91 = arith.constant 0 : i32
        %dma_wait3A_92 = tpu.memref_slice %arg5[%dma_wait3A_90, %dma_wait3A_91] : memref<4x128xi32, #tpu.memory_space<vmem>> -> memref<1x128xi32, #tpu.memory_space<vmem>>
        %dma_wait3A_93 = tpu.memref_squeeze %dma_wait3A_92 : memref<1x128xi32, #tpu.memory_space<vmem>> -> memref<128xi32, #tpu.memory_space<vmem>>
        %dma_wait3A_94 = arith.constant 0 : i32
        %dma_wait3A_95 = tpu.memref_slice %arg2[%dma_wait3A, %dma_wait3A_94] : memref<2x320000xi32, #tpu.memory_space<hbm>> -> memref<1x128xi32, #tpu.memory_space<hbm>>
        %dma_wait3A_96 = tpu.memref_squeeze %dma_wait3A_95 : memref<1x128xi32, #tpu.memory_space<hbm>> -> memref<128xi32, #tpu.memory_space<hbm>>
        %dma_wait3A_97 = arith.constant 0 : i32
        %dma_wait3A_98 = tpu.memref_slice %arg5[%dma_wait3A_90, %dma_wait3A_97] : memref<4x128xi32, #tpu.memory_space<vmem>> -> memref<1x128xi32, #tpu.memory_space<vmem>>
        %dma_wait3A_99 = tpu.memref_squeeze %dma_wait3A_98 : memref<1x128xi32, #tpu.memory_space<vmem>> -> memref<128xi32, #tpu.memory_space<vmem>>
        %dma_wait3A_100 = arith.constant 0 : i32
        %dma_wait3A_101 = tpu.memref_slice %arg2[%dma_wait3A, %dma_wait3A_100] : memref<2x320000xi32, #tpu.memory_space<hbm>> -> memref<1x128xi32, #tpu.memory_space<hbm>>
        %dma_wait3A_102 = tpu.memref_squeeze %dma_wait3A_101 : memref<1x128xi32, #tpu.memory_space<hbm>> -> memref<128xi32, #tpu.memory_space<hbm>>
        tpu.wait_dma2 semaphore(%arg10 : memref<!tpu.dma_semaphore, #tpu.memory_space<semaphore_mem>>) src(%dma_wait3A_102 : memref<128xi32, #tpu.memory_space<hbm>>) dst(%dma_wait3A_99 : memref<128xi32, #tpu.memory_space<vmem>>)
        %add3A_103 = arith.constant 3 : i32
        %add3A_104 = arith.addi %add3A_69, %add3A_103 : i32
        %mul3A_105 = arith.constant 32 : i32
        %mul3A_106 = arith.muli %add3A_104, %mul3A_105 : i32
        %add3A_107 = arith.addi %add3A, %mul3A_106 : i32
        %lt3A_108 = arith.constant 2500 : i32
        %lt3A_109 = arith.cmpi slt, %add3A_107, %lt3A_108 : i32
        %convert_element_type3A_110 = arith.extui %lt3A_109 : i1 to i32
        %cond3A_111 = arith.constant 0 : i32
        %cond3A_112 = arith.cmpi ne, %convert_element_type3A_110, %cond3A_111 : i32
        scf.if %cond3A_112 {
          %add3A_144 = arith.constant 3 : i32
          %add3A_145 = arith.addi %add3A_69, %add3A_144 : i32
          %mul3A_146 = arith.constant 32 : i32
          %mul3A_147 = arith.muli %add3A_145, %mul3A_146 : i32
          %add3A_148 = arith.addi %add3A, %mul3A_147 : i32
          %mul3A_149 = arith.constant 128 : i32
          %mul3A_150 = arith.muli %add3A_148, %mul3A_149 : i32
          %dma_start3A = arith.constant 1 : i32
          %dma_start3A_151 = arith.constant 1 : i32
          %dma_start3A_152 = arith.constant 0 : i32
          %dma_start3A_153 = tpu.memref_slice %arg5[%dma_start3A_151, %dma_start3A_152] : memref<4x128xi32, #tpu.memory_space<vmem>> -> memref<1x128xi32, #tpu.memory_space<vmem>>
          %dma_start3A_154 = tpu.memref_squeeze %dma_start3A_153 : memref<1x128xi32, #tpu.memory_space<vmem>> -> memref<128xi32, #tpu.memory_space<vmem>>
          %dma_start3A_155 = tpu.memref_slice %arg2[%dma_start3A, %mul3A_150] : memref<2x320000xi32, #tpu.memory_space<hbm>> -> memref<1x128xi32, #tpu.memory_space<hbm>>
          %dma_start3A_156 = tpu.memref_squeeze %dma_start3A_155 : memref<1x128xi32, #tpu.memory_space<hbm>> -> memref<128xi32, #tpu.memory_space<hbm>>
          %dma_start3A_157 = arith.constant 0 : i32
          %dma_start3A_158 = tpu.memref_slice %arg5[%dma_start3A_151, %dma_start3A_157] : memref<4x128xi32, #tpu.memory_space<vmem>> -> memref<1x128xi32, #tpu.memory_space<vmem>>
          %dma_start3A_159 = tpu.memref_squeeze %dma_start3A_158 : memref<1x128xi32, #tpu.memory_space<vmem>> -> memref<128xi32, #tpu.memory_space<vmem>>
          %dma_start3A_160 = tpu.memref_slice %arg2[%dma_start3A, %mul3A_150] : memref<2x320000xi32, #tpu.memory_space<hbm>> -> memref<1x128xi32, #tpu.memory_space<hbm>>
          %dma_start3A_161 = tpu.memref_squeeze %dma_start3A_160 : memref<1x128xi32, #tpu.memory_space<hbm>> -> memref<128xi32, #tpu.memory_space<hbm>>
          tpu.enqueue_dma source(%dma_start3A_161 : memref<128xi32, #tpu.memory_space<hbm>>) target(%dma_start3A_159 : memref<128xi32, #tpu.memory_space<vmem>>) target_semaphore(%arg9 : memref<!tpu.dma_semaphore, #tpu.memory_space<semaphore_mem>>)
        } else {
        }
        %get3A = arith.constant 2 : i32
        %get3A_113 = arith.index_cast %get3A : i32 to index
        %get3A_114 = arith.constant 0 : index
        %get3A_115 = tpu.vector_load %arg5[%get3A_113, %get3A_114] {strides = array<i32>} : memref<4x128xi32, #tpu.memory_space<vmem>>, vector<16xi32>,
        tpu.vector_store_idx %arg4[%get3A_115], %broadcast_in_dim3A_24 {add = true} : memref<10240xf32, #tpu.memory_space<vmem>>[vector<16xi32>], vector<16xf32>,
        %get3A_116 = arith.constant 2 : i32
        %get3A_117 = arith.index_cast %get3A_116 : i32 to index
        %get3A_118 = arith.constant 16 : index
        %get3A_119 = tpu.vector_load %arg5[%get3A_117, %get3A_118] {strides = array<i32>} : memref<4x128xi32, #tpu.memory_space<vmem>>, vector<16xi32>,
        tpu.vector_store_idx %arg4[%get3A_119], %broadcast_in_dim3A_24 {add = true} : memref<10240xf32, #tpu.memory_space<vmem>>[vector<16xi32>], vector<16xf32>,
        %get3A_120 = arith.constant 2 : i32
        %get3A_121 = arith.index_cast %get3A_120 : i32 to index
        %get3A_122 = arith.constant 32 : index
        %get3A_123 = tpu.vector_load %arg5[%get3A_121, %get3A_122] {strides = array<i32>} : memref<4x128xi32, #tpu.memory_space<vmem>>, vector<16xi32>,
        tpu.vector_store_idx %arg4[%get3A_123], %broadcast_in_dim3A_24 {add = true} : memref<10240xf32, #tpu.memory_space<vmem>>[vector<16xi32>], vector<16xf32>,
        %get3A_124 = arith.constant 2 : i32
        %get3A_125 = arith.index_cast %get3A_124 : i32 to index
        %get3A_126 = arith.constant 48 : index
        %get3A_127 = tpu.vector_load %arg5[%get3A_125, %get3A_126] {strides = array<i32>} : memref<4x128xi32, #tpu.memory_space<vmem>>, vector<16xi32>,
        tpu.vector_store_idx %arg4[%get3A_127], %broadcast_in_dim3A_24 {add = true} : memref<10240xf32, #tpu.memory_space<vmem>>[vector<16xi32>], vector<16xf32>,
        %get3A_128 = arith.constant 2 : i32
        %get3A_129 = arith.index_cast %get3A_128 : i32 to index
        %get3A_130 = arith.constant 64 : index
        %get3A_131 = tpu.vector_load %arg5[%get3A_129, %get3A_130] {strides = array<i32>} : memref<4x128xi32, #tpu.memory_space<vmem>>, vector<16xi32>,
        tpu.vector_store_idx %arg4[%get3A_131], %broadcast_in_dim3A_24 {add = true} : memref<10240xf32, #tpu.memory_space<vmem>>[vector<16xi32>], vector<16xf32>,
        %get3A_132 = arith.constant 2 : i32
        %get3A_133 = arith.index_cast %get3A_132 : i32 to index
        %get3A_134 = arith.constant 80 : index
        %get3A_135 = tpu.vector_load %arg5[%get3A_133, %get3A_134] {strides = array<i32>} : memref<4x128xi32, #tpu.memory_space<vmem>>, vector<16xi32>,
        tpu.vector_store_idx %arg4[%get3A_135], %broadcast_in_dim3A_24 {add = true} : memref<10240xf32, #tpu.memory_space<vmem>>[vector<16xi32>], vector<16xf32>,
        %get3A_136 = arith.constant 2 : i32
        %get3A_137 = arith.index_cast %get3A_136 : i32 to index
        %get3A_138 = arith.constant 96 : index
        %get3A_139 = tpu.vector_load %arg5[%get3A_137, %get3A_138] {strides = array<i32>} : memref<4x128xi32, #tpu.memory_space<vmem>>, vector<16xi32>,
        tpu.vector_store_idx %arg4[%get3A_139], %broadcast_in_dim3A_24 {add = true} : memref<10240xf32, #tpu.memory_space<vmem>>[vector<16xi32>], vector<16xf32>,
        %get3A_140 = arith.constant 2 : i32
        %get3A_141 = arith.index_cast %get3A_140 : i32 to index
        %get3A_142 = arith.constant 112 : index
        %get3A_143 = tpu.vector_load %arg5[%get3A_141, %get3A_142] {strides = array<i32>} : memref<4x128xi32, #tpu.memory_space<vmem>>, vector<16xi32>,
        tpu.vector_store_idx %arg4[%get3A_143], %broadcast_in_dim3A_24 {add = true} : memref<10240xf32, #tpu.memory_space<vmem>>[vector<16xi32>], vector<16xf32>,
      } else {
      }
      %mul3A_78 = arith.constant 4 : i32
      %mul3A_79 = arith.muli %scan3A_41, %mul3A_78 : i32
      %add3A_80 = arith.constant 3 : i32
      %add3A_81 = arith.addi %mul3A_79, %add3A_80 : i32
      %mul3A_82 = arith.constant 32 : i32
      %mul3A_83 = arith.muli %add3A_81, %mul3A_82 : i32
      %add3A_84 = arith.addi %add3A, %mul3A_83 : i32
      %lt3A_85 = arith.constant 2500 : i32
      %lt3A_86 = arith.cmpi slt, %add3A_84, %lt3A_85 : i32
      %convert_element_type3A_87 = arith.extui %lt3A_86 : i1 to i32
      %cond3A_88 = arith.constant 0 : i32
      %cond3A_89 = arith.cmpi ne, %convert_element_type3A_87, %cond3A_88 : i32
      scf.if %cond3A_89 {
        %dma_wait3A = arith.constant 1 : i32
        %dma_wait3A_90 = arith.constant 3 : i32
        %dma_wait3A_91 = arith.constant 0 : i32
        %dma_wait3A_92 = tpu.memref_slice %arg5[%dma_wait3A_90, %dma_wait3A_91] : memref<4x128xi32, #tpu.memory_space<vmem>> -> memref<1x128xi32, #tpu.memory_space<vmem>>
        %dma_wait3A_93 = tpu.memref_squeeze %dma_wait3A_92 : memref<1x128xi32, #tpu.memory_space<vmem>> -> memref<128xi32, #tpu.memory_space<vmem>>
        %dma_wait3A_94 = arith.constant 0 : i32
        %dma_wait3A_95 = tpu.memref_slice %arg2[%dma_wait3A, %dma_wait3A_94] : memref<2x320000xi32, #tpu.memory_space<hbm>> -> memref<1x128xi32, #tpu.memory_space<hbm>>
        %dma_wait3A_96 = tpu.memref_squeeze %dma_wait3A_95 : memref<1x128xi32, #tpu.memory_space<hbm>> -> memref<128xi32, #tpu.memory_space<hbm>>
        %dma_wait3A_97 = arith.constant 0 : i32
        %dma_wait3A_98 = tpu.memref_slice %arg5[%dma_wait3A_90, %dma_wait3A_97] : memref<4x128xi32, #tpu.memory_space<vmem>> -> memref<1x128xi32, #tpu.memory_space<vmem>>
        %dma_wait3A_99 = tpu.memref_squeeze %dma_wait3A_98 : memref<1x128xi32, #tpu.memory_space<vmem>> -> memref<128xi32, #tpu.memory_space<vmem>>
        %dma_wait3A_100 = arith.constant 0 : i32
        %dma_wait3A_101 = tpu.memref_slice %arg2[%dma_wait3A, %dma_wait3A_100] : memref<2x320000xi32, #tpu.memory_space<hbm>> -> memref<1x128xi32, #tpu.memory_space<hbm>>
        %dma_wait3A_102 = tpu.memref_squeeze %dma_wait3A_101 : memref<1x128xi32, #tpu.memory_space<hbm>> -> memref<128xi32, #tpu.memory_space<hbm>>
        tpu.wait_dma2 semaphore(%arg11 : memref<!tpu.dma_semaphore, #tpu.memory_space<semaphore_mem>>) src(%dma_wait3A_102 : memref<128xi32, #tpu.memory_space<hbm>>) dst(%dma_wait3A_99 : memref<128xi32, #tpu.memory_space<vmem>>)
        %add3A_103 = arith.constant 3 : i32
        %add3A_104 = arith.addi %add3A_81, %add3A_103 : i32
        %mul3A_105 = arith.constant 32 : i32
        %mul3A_106 = arith.muli %add3A_104, %mul3A_105 : i32
        %add3A_107 = arith.addi %add3A, %mul3A_106 : i32
        %lt3A_108 = arith.constant 2500 : i32
        %lt3A_109 = arith.cmpi slt, %add3A_107, %lt3A_108 : i32
        %convert_element_type3A_110 = arith.extui %lt3A_109 : i1 to i32
        %cond3A_111 = arith.constant 0 : i32
        %cond3A_112 = arith.cmpi ne, %convert_element_type3A_110, %cond3A_111 : i32
        scf.if %cond3A_112 {
          %add3A_144 = arith.constant 3 : i32
          %add3A_145 = arith.addi %add3A_81, %add3A_144 : i32
          %mul3A_146 = arith.constant 32 : i32
          %mul3A_147 = arith.muli %add3A_145, %mul3A_146 : i32
          %add3A_148 = arith.addi %add3A, %mul3A_147 : i32
          %mul3A_149 = arith.constant 128 : i32
          %mul3A_150 = arith.muli %add3A_148, %mul3A_149 : i32
          %dma_start3A = arith.constant 1 : i32
          %dma_start3A_151 = arith.constant 2 : i32
          %dma_start3A_152 = arith.constant 0 : i32
          %dma_start3A_153 = tpu.memref_slice %arg5[%dma_start3A_151, %dma_start3A_152] : memref<4x128xi32, #tpu.memory_space<vmem>> -> memref<1x128xi32, #tpu.memory_space<vmem>>
          %dma_start3A_154 = tpu.memref_squeeze %dma_start3A_153 : memref<1x128xi32, #tpu.memory_space<vmem>> -> memref<128xi32, #tpu.memory_space<vmem>>
          %dma_start3A_155 = tpu.memref_slice %arg2[%dma_start3A, %mul3A_150] : memref<2x320000xi32, #tpu.memory_space<hbm>> -> memref<1x128xi32, #tpu.memory_space<hbm>>
          %dma_start3A_156 = tpu.memref_squeeze %dma_start3A_155 : memref<1x128xi32, #tpu.memory_space<hbm>> -> memref<128xi32, #tpu.memory_space<hbm>>
          %dma_start3A_157 = arith.constant 0 : i32
          %dma_start3A_158 = tpu.memref_slice %arg5[%dma_start3A_151, %dma_start3A_157] : memref<4x128xi32, #tpu.memory_space<vmem>> -> memref<1x128xi32, #tpu.memory_space<vmem>>
          %dma_start3A_159 = tpu.memref_squeeze %dma_start3A_158 : memref<1x128xi32, #tpu.memory_space<vmem>> -> memref<128xi32, #tpu.memory_space<vmem>>
          %dma_start3A_160 = tpu.memref_slice %arg2[%dma_start3A, %mul3A_150] : memref<2x320000xi32, #tpu.memory_space<hbm>> -> memref<1x128xi32, #tpu.memory_space<hbm>>
          %dma_start3A_161 = tpu.memref_squeeze %dma_start3A_160 : memref<1x128xi32, #tpu.memory_space<hbm>> -> memref<128xi32, #tpu.memory_space<hbm>>
          tpu.enqueue_dma source(%dma_start3A_161 : memref<128xi32, #tpu.memory_space<hbm>>) target(%dma_start3A_159 : memref<128xi32, #tpu.memory_space<vmem>>) target_semaphore(%arg10 : memref<!tpu.dma_semaphore, #tpu.memory_space<semaphore_mem>>)
        } else {
        }
        %get3A = arith.constant 3 : i32
        %get3A_113 = arith.index_cast %get3A : i32 to index
        %get3A_114 = arith.constant 0 : index
        %get3A_115 = tpu.vector_load %arg5[%get3A_113, %get3A_114] {strides = array<i32>} : memref<4x128xi32, #tpu.memory_space<vmem>>, vector<16xi32>,
        tpu.vector_store_idx %arg4[%get3A_115], %broadcast_in_dim3A_24 {add = true} : memref<10240xf32, #tpu.memory_space<vmem>>[vector<16xi32>], vector<16xf32>,
        %get3A_116 = arith.constant 3 : i32
        %get3A_117 = arith.index_cast %get3A_116 : i32 to index
        %get3A_118 = arith.constant 16 : index
        %get3A_119 = tpu.vector_load %arg5[%get3A_117, %get3A_118] {strides = array<i32>} : memref<4x128xi32, #tpu.memory_space<vmem>>, vector<16xi32>,
        tpu.vector_store_idx %arg4[%get3A_119], %broadcast_in_dim3A_24 {add = true} : memref<10240xf32, #tpu.memory_space<vmem>>[vector<16xi32>], vector<16xf32>,
        %get3A_120 = arith.constant 3 : i32
        %get3A_121 = arith.index_cast %get3A_120 : i32 to index
        %get3A_122 = arith.constant 32 : index
        %get3A_123 = tpu.vector_load %arg5[%get3A_121, %get3A_122] {strides = array<i32>} : memref<4x128xi32, #tpu.memory_space<vmem>>, vector<16xi32>,
        tpu.vector_store_idx %arg4[%get3A_123], %broadcast_in_dim3A_24 {add = true} : memref<10240xf32, #tpu.memory_space<vmem>>[vector<16xi32>], vector<16xf32>,
        %get3A_124 = arith.constant 3 : i32
        %get3A_125 = arith.index_cast %get3A_124 : i32 to index
        %get3A_126 = arith.constant 48 : index
        %get3A_127 = tpu.vector_load %arg5[%get3A_125, %get3A_126] {strides = array<i32>} : memref<4x128xi32, #tpu.memory_space<vmem>>, vector<16xi32>,
        tpu.vector_store_idx %arg4[%get3A_127], %broadcast_in_dim3A_24 {add = true} : memref<10240xf32, #tpu.memory_space<vmem>>[vector<16xi32>], vector<16xf32>,
        %get3A_128 = arith.constant 3 : i32
        %get3A_129 = arith.index_cast %get3A_128 : i32 to index
        %get3A_130 = arith.constant 64 : index
        %get3A_131 = tpu.vector_load %arg5[%get3A_129, %get3A_130] {strides = array<i32>} : memref<4x128xi32, #tpu.memory_space<vmem>>, vector<16xi32>,
        tpu.vector_store_idx %arg4[%get3A_131], %broadcast_in_dim3A_24 {add = true} : memref<10240xf32, #tpu.memory_space<vmem>>[vector<16xi32>], vector<16xf32>,
        %get3A_132 = arith.constant 3 : i32
        %get3A_133 = arith.index_cast %get3A_132 : i32 to index
        %get3A_134 = arith.constant 80 : index
        %get3A_135 = tpu.vector_load %arg5[%get3A_133, %get3A_134] {strides = array<i32>} : memref<4x128xi32, #tpu.memory_space<vmem>>, vector<16xi32>,
        tpu.vector_store_idx %arg4[%get3A_135], %broadcast_in_dim3A_24 {add = true} : memref<10240xf32, #tpu.memory_space<vmem>>[vector<16xi32>], vector<16xf32>,
        %get3A_136 = arith.constant 3 : i32
        %get3A_137 = arith.index_cast %get3A_136 : i32 to index
        %get3A_138 = arith.constant 96 : index
        %get3A_139 = tpu.vector_load %arg5[%get3A_137, %get3A_138] {strides = array<i32>} : memref<4x128xi32, #tpu.memory_space<vmem>>, vector<16xi32>,
        tpu.vector_store_idx %arg4[%get3A_139], %broadcast_in_dim3A_24 {add = true} : memref<10240xf32, #tpu.memory_space<vmem>>[vector<16xi32>], vector<16xf32>,
        %get3A_140 = arith.constant 3 : i32
        %get3A_141 = arith.index_cast %get3A_140 : i32 to index
        %get3A_142 = arith.constant 112 : index
        %get3A_143 = tpu.vector_load %arg5[%get3A_141, %get3A_142] {strides = array<i32>} : memref<4x128xi32, #tpu.memory_space<vmem>>, vector<16xi32>,
        tpu.vector_store_idx %arg4[%get3A_143], %broadcast_in_dim3A_24 {add = true} : memref<10240xf32, #tpu.memory_space<vmem>>[vector<16xi32>], vector<16xf32>,
      } else {
      }
    }
    %scan3A_30 = arith.constant 20 : i32
    "tpu.region"() ({
      %run_scoped3A = tpu.sem_alloc : memref<!tpu.dma_semaphore, #tpu.memory_space<semaphore_mem>>
      %dma_start3A = arith.constant 0 : i32
      %dma_start3A_41 = tpu.memref_slice %arg7[%arg1, %dma_start3A] : memref<16x10240xf32, #tpu.memory_space<vmem_shared>> -> memref<1x10240xf32, #tpu.memory_space<vmem_shared>>
      %dma_start3A_42 = tpu.memref_squeeze %dma_start3A_41 : memref<1x10240xf32, #tpu.memory_space<vmem_shared>> -> memref<10240xf32, #tpu.memory_space<vmem_shared>>
      %dma_start3A_43 = arith.constant 0 : i32
      %dma_start3A_44 = tpu.memref_slice %arg7[%arg1, %dma_start3A_43] : memref<16x10240xf32, #tpu.memory_space<vmem_shared>> -> memref<1x10240xf32, #tpu.memory_space<vmem_shared>>
      %dma_start3A_45 = tpu.memref_squeeze %dma_start3A_44 : memref<1x10240xf32, #tpu.memory_space<vmem_shared>> -> memref<10240xf32, #tpu.memory_space<vmem_shared>>
      tpu.enqueue_dma source(%arg4 : memref<10240xf32, #tpu.memory_space<vmem>>) target(%dma_start3A_45 : memref<10240xf32, #tpu.memory_space<vmem_shared>>) target_semaphore(%run_scoped3A : memref<!tpu.dma_semaphore, #tpu.memory_space<semaphore_mem>>)
      %dma_wait3A = arith.constant 0 : i32
      %dma_wait3A_46 = tpu.memref_slice %arg7[%arg1, %dma_wait3A] : memref<16x10240xf32, #tpu.memory_space<vmem_shared>> -> memref<1x10240xf32, #tpu.memory_space<vmem_shared>>
      %dma_wait3A_47 = tpu.memref_squeeze %dma_wait3A_46 : memref<1x10240xf32, #tpu.memory_space<vmem_shared>> -> memref<10240xf32, #tpu.memory_space<vmem_shared>>
      %dma_wait3A_48 = arith.constant 0 : i32
      %dma_wait3A_49 = tpu.memref_slice %arg7[%arg1, %dma_wait3A_48] : memref<16x10240xf32, #tpu.memory_space<vmem_shared>> -> memref<1x10240xf32, #tpu.memory_space<vmem_shared>>
      %dma_wait3A_50 = tpu.memref_squeeze %dma_wait3A_49 : memref<1x10240xf32, #tpu.memory_space<vmem_shared>> -> memref<10240xf32, #tpu.memory_space<vmem_shared>>
      tpu.wait_dma2 semaphore(%run_scoped3A : memref<!tpu.dma_semaphore, #tpu.memory_space<semaphore_mem>>) src(%arg4 : memref<10240xf32, #tpu.memory_space<vmem>>) dst(%dma_wait3A_50 : memref<10240xf32, #tpu.memory_space<vmem_shared>>)
      tpu.yield
    }) : () -> ()
    %barrier3A = arith.constant 0 : index
    tpu.barrier barrier_id(%barrier3A)
    %mul3A_31 = arith.constant 640 : i32
    %mul3A_32 = arith.muli %arg1, %mul3A_31 : i32
    "tpu.region"() ({
      %run_scoped3A = tpu.sem_alloc : memref<!tpu.dma_semaphore, #tpu.memory_space<semaphore_mem>>
      %dma_start3A = arith.constant 0 : i32
      %dma_start3A_41 = tpu.memref_slice %arg7[%dma_start3A, %mul3A_32] : memref<16x10240xf32, #tpu.memory_space<vmem_shared>> -> memref<16x640xf32, #tpu.memory_space<vmem_shared>>
      %dma_start3A_42 = arith.constant 0 : i32
      %dma_start3A_43 = tpu.memref_slice %arg7[%dma_start3A_42, %mul3A_32] : memref<16x10240xf32, #tpu.memory_space<vmem_shared>> -> memref<16x640xf32, #tpu.memory_space<vmem_shared>>
      tpu.enqueue_dma source(%dma_start3A_43 : memref<16x640xf32, #tpu.memory_space<vmem_shared>>) target(%arg6 : memref<16x640xf32, #tpu.memory_space<vmem>>) target_semaphore(%run_scoped3A : memref<!tpu.dma_semaphore, #tpu.memory_space<semaphore_mem>>)
      %dma_wait3A = arith.constant 0 : i32
      %dma_wait3A_44 = tpu.memref_slice %arg7[%dma_wait3A, %mul3A_32] : memref<16x10240xf32, #tpu.memory_space<vmem_shared>> -> memref<16x640xf32, #tpu.memory_space<vmem_shared>>
      %dma_wait3A_45 = arith.constant 0 : i32
      %dma_wait3A_46 = tpu.memref_slice %arg7[%dma_wait3A_45, %mul3A_32] : memref<16x10240xf32, #tpu.memory_space<vmem_shared>> -> memref<16x640xf32, #tpu.memory_space<vmem_shared>>
      tpu.wait_dma2 semaphore(%run_scoped3A : memref<!tpu.dma_semaphore, #tpu.memory_space<semaphore_mem>>) src(%dma_wait3A_46 : memref<16x640xf32, #tpu.memory_space<vmem_shared>>) dst(%arg6 : memref<16x640xf32, #tpu.memory_space<vmem>>)
      tpu.yield
    }) : () -> ()
    %scan3A_33 = arith.constant 0 : i32
    %scan3A_34 = arith.constant 0 : i32
    %scan3A_35 = arith.constant 40 : i32
    %scan3A_36 = arith.addi %scan3A_34, %scan3A_35 : i32
    %scan3A_37 = arith.constant 1 : i32
    scf.for %scan3A_41 = %scan3A_34 to %scan3A_36 step %scan3A_37  : i32 {
      %broadcast_in_dim3A_42 = arith.constant 5.000000e-01 : f32
      %broadcast_in_dim3A_43 = vector.broadcast %broadcast_in_dim3A_42 : f32 to vector<16xf32>
      %mul3A_44 = arith.constant 16 : i32
      %mul3A_45 = arith.muli %scan3A_41, %mul3A_44 : i32
      %get3A = arith.constant 0 : i32
      %get3A_46 = arith.index_cast %get3A : i32 to index
      %get3A_47 = arith.index_cast %mul3A_45 : i32 to index
      %get3A_48 = tpu.vector_load %arg6[%get3A_46, %get3A_47] {strides = array<i32>} : memref<16x640xf32, #tpu.memory_space<vmem>>, vector<16xf32>,
      %add3A_49 = arith.addf %broadcast_in_dim3A_43, %get3A_48 : vector<16xf32>
      %mul3A_50 = arith.constant 16 : i32
      %mul3A_51 = arith.muli %scan3A_41, %mul3A_50 : i32
      %get3A_52 = arith.constant 1 : i32
      %get3A_53 = arith.index_cast %get3A_52 : i32 to index
      %get3A_54 = arith.index_cast %mul3A_51 : i32 to index
      %get3A_55 = tpu.vector_load %arg6[%get3A_53, %get3A_54] {strides = array<i32>} : memref<16x640xf32, #tpu.memory_space<vmem>>, vector<16xf32>,
      %add3A_56 = arith.addf %add3A_49, %get3A_55 : vector<16xf32>
      %mul3A_57 = arith.constant 16 : i32
      %mul3A_58 = arith.muli %scan3A_41, %mul3A_57 : i32
      %get3A_59 = arith.constant 2 : i32
      %get3A_60 = arith.index_cast %get3A_59 : i32 to index
      %get3A_61 = arith.index_cast %mul3A_58 : i32 to index
      %get3A_62 = tpu.vector_load %arg6[%get3A_60, %get3A_61] {strides = array<i32>} : memref<16x640xf32, #tpu.memory_space<vmem>>, vector<16xf32>,
      %add3A_63 = arith.addf %add3A_56, %get3A_62 : vector<16xf32>
      %mul3A_64 = arith.constant 16 : i32
      %mul3A_65 = arith.muli %scan3A_41, %mul3A_64 : i32
      %get3A_66 = arith.constant 3 : i32
      %get3A_67 = arith.index_cast %get3A_66 : i32 to index
      %get3A_68 = arith.index_cast %mul3A_65 : i32 to index
      %get3A_69 = tpu.vector_load %arg6[%get3A_67, %get3A_68] {strides = array<i32>} : memref<16x640xf32, #tpu.memory_space<vmem>>, vector<16xf32>,
      %add3A_70 = arith.addf %add3A_63, %get3A_69 : vector<16xf32>
      %mul3A_71 = arith.constant 16 : i32
      %mul3A_72 = arith.muli %scan3A_41, %mul3A_71 : i32
      %get3A_73 = arith.constant 4 : i32
      %get3A_74 = arith.index_cast %get3A_73 : i32 to index
      %get3A_75 = arith.index_cast %mul3A_72 : i32 to index
      %get3A_76 = tpu.vector_load %arg6[%get3A_74, %get3A_75] {strides = array<i32>} : memref<16x640xf32, #tpu.memory_space<vmem>>, vector<16xf32>,
      %add3A_77 = arith.addf %add3A_70, %get3A_76 : vector<16xf32>
      %mul3A_78 = arith.constant 16 : i32
      %mul3A_79 = arith.muli %scan3A_41, %mul3A_78 : i32
      %get3A_80 = arith.constant 5 : i32
      %get3A_81 = arith.index_cast %get3A_80 : i32 to index
      %get3A_82 = arith.index_cast %mul3A_79 : i32 to index
      %get3A_83 = tpu.vector_load %arg6[%get3A_81, %get3A_82] {strides = array<i32>} : memref<16x640xf32, #tpu.memory_space<vmem>>, vector<16xf32>,
      %add3A_84 = arith.addf %add3A_77, %get3A_83 : vector<16xf32>
      %mul3A_85 = arith.constant 16 : i32
      %mul3A_86 = arith.muli %scan3A_41, %mul3A_85 : i32
      %get3A_87 = arith.constant 6 : i32
      %get3A_88 = arith.index_cast %get3A_87 : i32 to index
      %get3A_89 = arith.index_cast %mul3A_86 : i32 to index
      %get3A_90 = tpu.vector_load %arg6[%get3A_88, %get3A_89] {strides = array<i32>} : memref<16x640xf32, #tpu.memory_space<vmem>>, vector<16xf32>,
      %add3A_91 = arith.addf %add3A_84, %get3A_90 : vector<16xf32>
      %mul3A_92 = arith.constant 16 : i32
      %mul3A_93 = arith.muli %scan3A_41, %mul3A_92 : i32
      %get3A_94 = arith.constant 7 : i32
      %get3A_95 = arith.index_cast %get3A_94 : i32 to index
      %get3A_96 = arith.index_cast %mul3A_93 : i32 to index
      %get3A_97 = tpu.vector_load %arg6[%get3A_95, %get3A_96] {strides = array<i32>} : memref<16x640xf32, #tpu.memory_space<vmem>>, vector<16xf32>,
      %add3A_98 = arith.addf %add3A_91, %get3A_97 : vector<16xf32>
      %mul3A_99 = arith.constant 16 : i32
      %mul3A_100 = arith.muli %scan3A_41, %mul3A_99 : i32
      %get3A_101 = arith.constant 8 : i32
      %get3A_102 = arith.index_cast %get3A_101 : i32 to index
      %get3A_103 = arith.index_cast %mul3A_100 : i32 to index
      %get3A_104 = tpu.vector_load %arg6[%get3A_102, %get3A_103] {strides = array<i32>} : memref<16x640xf32, #tpu.memory_space<vmem>>, vector<16xf32>,
      %add3A_105 = arith.addf %add3A_98, %get3A_104 : vector<16xf32>
      %mul3A_106 = arith.constant 16 : i32
      %mul3A_107 = arith.muli %scan3A_41, %mul3A_106 : i32
      %get3A_108 = arith.constant 9 : i32
      %get3A_109 = arith.index_cast %get3A_108 : i32 to index
      %get3A_110 = arith.index_cast %mul3A_107 : i32 to index
      %get3A_111 = tpu.vector_load %arg6[%get3A_109, %get3A_110] {strides = array<i32>} : memref<16x640xf32, #tpu.memory_space<vmem>>, vector<16xf32>,
      %add3A_112 = arith.addf %add3A_105, %get3A_111 : vector<16xf32>
      %mul3A_113 = arith.constant 16 : i32
      %mul3A_114 = arith.muli %scan3A_41, %mul3A_113 : i32
      %get3A_115 = arith.constant 10 : i32
      %get3A_116 = arith.index_cast %get3A_115 : i32 to index
      %get3A_117 = arith.index_cast %mul3A_114 : i32 to index
      %get3A_118 = tpu.vector_load %arg6[%get3A_116, %get3A_117] {strides = array<i32>} : memref<16x640xf32, #tpu.memory_space<vmem>>, vector<16xf32>,
      %add3A_119 = arith.addf %add3A_112, %get3A_118 : vector<16xf32>
      %mul3A_120 = arith.constant 16 : i32
      %mul3A_121 = arith.muli %scan3A_41, %mul3A_120 : i32
      %get3A_122 = arith.constant 11 : i32
      %get3A_123 = arith.index_cast %get3A_122 : i32 to index
      %get3A_124 = arith.index_cast %mul3A_121 : i32 to index
      %get3A_125 = tpu.vector_load %arg6[%get3A_123, %get3A_124] {strides = array<i32>} : memref<16x640xf32, #tpu.memory_space<vmem>>, vector<16xf32>,
      %add3A_126 = arith.addf %add3A_119, %get3A_125 : vector<16xf32>
      %mul3A_127 = arith.constant 16 : i32
      %mul3A_128 = arith.muli %scan3A_41, %mul3A_127 : i32
      %get3A_129 = arith.constant 12 : i32
      %get3A_130 = arith.index_cast %get3A_129 : i32 to index
      %get3A_131 = arith.index_cast %mul3A_128 : i32 to index
      %get3A_132 = tpu.vector_load %arg6[%get3A_130, %get3A_131] {strides = array<i32>} : memref<16x640xf32, #tpu.memory_space<vmem>>, vector<16xf32>,
      %add3A_133 = arith.addf %add3A_126, %get3A_132 : vector<16xf32>
      %mul3A_134 = arith.constant 16 : i32
      %mul3A_135 = arith.muli %scan3A_41, %mul3A_134 : i32
      %get3A_136 = arith.constant 13 : i32
      %get3A_137 = arith.index_cast %get3A_136 : i32 to index
      %get3A_138 = arith.index_cast %mul3A_135 : i32 to index
      %get3A_139 = tpu.vector_load %arg6[%get3A_137, %get3A_138] {strides = array<i32>} : memref<16x640xf32, #tpu.memory_space<vmem>>, vector<16xf32>,
      %add3A_140 = arith.addf %add3A_133, %get3A_139 : vector<16xf32>
      %mul3A_141 = arith.constant 16 : i32
      %mul3A_142 = arith.muli %scan3A_41, %mul3A_141 : i32
      %get3A_143 = arith.constant 14 : i32
      %get3A_144 = arith.index_cast %get3A_143 : i32 to index
      %get3A_145 = arith.index_cast %mul3A_142 : i32 to index
      %get3A_146 = tpu.vector_load %arg6[%get3A_144, %get3A_145] {strides = array<i32>} : memref<16x640xf32, #tpu.memory_space<vmem>>, vector<16xf32>,
      %add3A_147 = arith.addf %add3A_140, %get3A_146 : vector<16xf32>
      %mul3A_148 = arith.constant 16 : i32
      %mul3A_149 = arith.muli %scan3A_41, %mul3A_148 : i32
      %get3A_150 = arith.constant 15 : i32
      %get3A_151 = arith.index_cast %get3A_150 : i32 to index
      %get3A_152 = arith.index_cast %mul3A_149 : i32 to index
      %get3A_153 = tpu.vector_load %arg6[%get3A_151, %get3A_152] {strides = array<i32>} : memref<16x640xf32, #tpu.memory_space<vmem>>, vector<16xf32>,
      %add3A_154 = arith.addf %add3A_147, %get3A_153 : vector<16xf32>
      %mul3A_155 = arith.constant 16 : i32
      %mul3A_156 = arith.muli %scan3A_41, %mul3A_155 : i32
      %swap3A = arith.index_cast %mul3A_156 : i32 to index
      %swap3A_157 = tpu.vector_load %arg4[%swap3A] {strides = array<i32>} : memref<10240xf32, #tpu.memory_space<vmem>>, vector<16xf32>,
      tpu.vector_store %arg4[%swap3A], %add3A_154 {strides = array<i32>} : memref<10240xf32, #tpu.memory_space<vmem>>, vector<16xf32>,
    }
    %scan3A_38 = arith.constant 40 : i32
    %mul3A_39 = arith.constant 640 : i32
    %mul3A_40 = arith.muli %arg1, %mul3A_39 : i32
    "tpu.region"() ({
      %run_scoped3A = tpu.sem_alloc : memref<!tpu.dma_semaphore, #tpu.memory_space<semaphore_mem>>
      %dma_start3A = arith.constant 0 : i32
      %dma_start3A_41 = tpu.memref_slice %arg4[%dma_start3A] : memref<10240xf32, #tpu.memory_space<vmem>> -> memref<640xf32, #tpu.memory_space<vmem>>
      %dma_start3A_42 = tpu.memref_slice %arg3[%arg0, %mul3A_40] : memref<2x10240xf32, #tpu.memory_space<hbm>> -> memref<1x640xf32, #tpu.memory_space<hbm>>
      %dma_start3A_43 = tpu.memref_squeeze %dma_start3A_42 : memref<1x640xf32, #tpu.memory_space<hbm>> -> memref<640xf32, #tpu.memory_space<hbm>>
      %dma_start3A_44 = tpu.memref_slice %arg3[%arg0, %mul3A_40] : memref<2x10240xf32, #tpu.memory_space<hbm>> -> memref<1x640xf32, #tpu.memory_space<hbm>>
      %dma_start3A_45 = tpu.memref_squeeze %dma_start3A_44 : memref<1x640xf32, #tpu.memory_space<hbm>> -> memref<640xf32, #tpu.memory_space<hbm>>
      %dma_start3A_46 = arith.constant 0 : i32
      %dma_start3A_47 = tpu.memref_slice %arg4[%dma_start3A_46] : memref<10240xf32, #tpu.memory_space<vmem>> -> memref<640xf32, #tpu.memory_space<vmem>>
      tpu.enqueue_dma source(%dma_start3A_47 : memref<640xf32, #tpu.memory_space<vmem>>) target(%dma_start3A_45 : memref<640xf32, #tpu.memory_space<hbm>>) target_semaphore(%run_scoped3A : memref<!tpu.dma_semaphore, #tpu.memory_space<semaphore_mem>>)
      %dma_wait3A = arith.constant 0 : i32
      %dma_wait3A_48 = tpu.memref_slice %arg4[%dma_wait3A] : memref<10240xf32, #tpu.memory_space<vmem>> -> memref<640xf32, #tpu.memory_space<vmem>>
      %dma_wait3A_49 = tpu.memref_slice %arg3[%arg0, %mul3A_40] : memref<2x10240xf32, #tpu.memory_space<hbm>> -> memref<1x640xf32, #tpu.memory_space<hbm>>
      %dma_wait3A_50 = tpu.memref_squeeze %dma_wait3A_49 : memref<1x640xf32, #tpu.memory_space<hbm>> -> memref<640xf32, #tpu.memory_space<hbm>>
      %dma_wait3A_51 = tpu.memref_slice %arg3[%arg0, %mul3A_40] : memref<2x10240xf32, #tpu.memory_space<hbm>> -> memref<1x640xf32, #tpu.memory_space<hbm>>
      %dma_wait3A_52 = tpu.memref_squeeze %dma_wait3A_51 : memref<1x640xf32, #tpu.memory_space<hbm>> -> memref<640xf32, #tpu.memory_space<hbm>>
      %dma_wait3A_53 = arith.constant 0 : i32
      %dma_wait3A_54 = tpu.memref_slice %arg4[%dma_wait3A_53] : memref<10240xf32, #tpu.memory_space<vmem>> -> memref<640xf32, #tpu.memory_space<vmem>>
      tpu.wait_dma2 semaphore(%run_scoped3A : memref<!tpu.dma_semaphore, #tpu.memory_space<semaphore_mem>>) src(%dma_wait3A_54 : memref<640xf32, #tpu.memory_space<vmem>>) dst(%dma_wait3A_52 : memref<640xf32, #tpu.memory_space<hbm>>)
      tpu.yield
    }) : () -> ()
    return
  }
}

#map = affine_map<(d0, d1) -> (0, 0)>
#map1 = affine_map<(d0, d1) -> (0, 0, 0)>
module attributes {stable_mosaic.version = 14 : i64} {
  func.func @_edge_kernel(%arg0: i32, %arg1: i32, %arg2: memref<10000x128xf32, #tpu.memory_space<hbm>>, %arg3: memref<632x128xf32, #tpu.memory_space<hbm>>, %arg4: memref<2560x2x125xi32, #tpu.memory_space<hbm>>, %arg5: memref<2x10000x128xf32, #tpu.memory_space<hbm>>, %arg6: memref<4x2x125xi32, #tpu.memory_space<vmem>>, %arg7: memref<3x125x128xf32, #tpu.memory_space<vmem>>, %arg8: memref<10000x128xf32, #tpu.memory_space<vmem_shared>>, %arg9: memref<!tpu.dma_semaphore, #tpu.memory_space<semaphore_mem>>, %arg10: memref<!tpu.dma_semaphore, #tpu.memory_space<semaphore_mem>>, %arg11: memref<!tpu.dma_semaphore, #tpu.memory_space<semaphore_mem>>, %arg12: memref<!tpu.dma_semaphore, #tpu.memory_space<semaphore_mem>>) attributes {dimension_semantics = [#tpu.dimension_semantics<core_parallel>, #tpu.dimension_semantics<subcore_parallel>], iteration_bounds = array<i64: 2, 16>, scalar_prefetch = 0 : i64, scratch_operands = 7 : i64, tpu.core_type = #tpu.core_type<sc_vector_subcore>, window_params = [{transform_indices = #map}, {transform_indices = #map}, {transform_indices = #map1}, {transform_indices = #map1}]} {
    %mul3A = arith.constant 16 : i32
    %mul3A_0 = arith.muli %arg0, %mul3A : i32
    %add3A = arith.addi %mul3A_0, %arg1 : i32
    %mul3A_1 = arith.constant 80 : i32
    %mul3A_2 = arith.muli %add3A, %mul3A_1 : i32
    %lt3A = arith.constant 15 : i32
    %lt3A_3 = arith.cmpi slt, %arg1, %lt3A : i32
    %convert_element_type3A = arith.extui %lt3A_3 : i1 to i32
    %cond3A = arith.constant 0 : i32
    %cond3A_4 = arith.cmpi ne, %convert_element_type3A, %cond3A : i32
    scf.if %cond3A_4 {
      %mul3A_25 = arith.constant 632 : i32
      %mul3A_26 = arith.muli %arg1, %mul3A_25 : i32
      %eq3A_27 = arith.constant 0 : i32
      %eq3A_28 = arith.cmpi eq, %arg0, %eq3A_27 : i32
      %convert_element_type3A_29 = arith.extui %eq3A_28 : i1 to i32
      %cond3A_30 = arith.constant 0 : i32
      %cond3A_31 = arith.cmpi ne, %convert_element_type3A_29, %cond3A_30 : i32
      scf.if %cond3A_31 {
        %dma_start3A_105 = arith.constant 0 : i32
        %dma_start3A_106 = tpu.memref_slice %arg8[%mul3A_26, %dma_start3A_105] : memref<10000x128xf32, #tpu.memory_space<vmem_shared>> -> memref<632x128xf32, #tpu.memory_space<vmem_shared>>
        %dma_start3A_107 = arith.constant 0 : i32
        %dma_start3A_108 = tpu.memref_slice %arg2[%mul3A_26, %dma_start3A_107] : memref<10000x128xf32, #tpu.memory_space<hbm>> -> memref<632x128xf32, #tpu.memory_space<hbm>>
        tpu.enqueue_dma source(%dma_start3A_108 : memref<632x128xf32, #tpu.memory_space<hbm>>) target(%dma_start3A_106 : memref<632x128xf32, #tpu.memory_space<vmem_shared>>) target_semaphore(%arg12 : memref<!tpu.dma_semaphore, #tpu.memory_space<semaphore_mem>>)
      } else {
      }
      %ne3A = arith.constant 0 : i32
      %ne3A_32 = arith.cmpi ne, %arg0, %ne3A : i32
      %convert_element_type3A_33 = arith.extui %ne3A_32 : i1 to i32
      %cond3A_34 = arith.constant 0 : i32
      %cond3A_35 = arith.cmpi ne, %convert_element_type3A_33, %cond3A_34 : i32
      scf.if %cond3A_35 {
        %dma_start3A_105 = arith.constant 0 : i32
        %dma_start3A_106 = tpu.memref_slice %arg8[%mul3A_26, %dma_start3A_105] : memref<10000x128xf32, #tpu.memory_space<vmem_shared>> -> memref<632x128xf32, #tpu.memory_space<vmem_shared>>
        %dma_start3A_107 = arith.constant 0 : i32
        %dma_start3A_108 = arith.constant 0 : i32
        %dma_start3A_109 = tpu.memref_slice %arg3[%dma_start3A_107, %dma_start3A_108] : memref<632x128xf32, #tpu.memory_space<hbm>> -> memref<632x128xf32, #tpu.memory_space<hbm>>
        tpu.enqueue_dma source(%dma_start3A_109 : memref<632x128xf32, #tpu.memory_space<hbm>>) target(%dma_start3A_106 : memref<632x128xf32, #tpu.memory_space<vmem_shared>>) target_semaphore(%arg12 : memref<!tpu.dma_semaphore, #tpu.memory_space<semaphore_mem>>)
      } else {
      }
      %dma_start3A = arith.constant 0 : i32
      %dma_start3A_36 = arith.constant 0 : i32
      %dma_start3A_37 = arith.constant 0 : i32
      %dma_start3A_38 = tpu.memref_slice %arg6[%dma_start3A, %dma_start3A_36, %dma_start3A_37] : memref<4x2x125xi32, #tpu.memory_space<vmem>> -> memref<3x2x125xi32, #tpu.memory_space<vmem>>
      %dma_start3A_39 = arith.constant 0 : i32
      %dma_start3A_40 = arith.constant 0 : i32
      %dma_start3A_41 = tpu.memref_slice %arg4[%mul3A_2, %dma_start3A_39, %dma_start3A_40] : memref<2560x2x125xi32, #tpu.memory_space<hbm>> -> memref<3x2x125xi32, #tpu.memory_space<hbm>>
      %dma_start3A_42 = arith.constant 0 : i32
      %dma_start3A_43 = arith.constant 0 : i32
      %dma_start3A_44 = arith.constant 0 : i32
      %dma_start3A_45 = tpu.memref_slice %arg6[%dma_start3A_42, %dma_start3A_43, %dma_start3A_44] : memref<4x2x125xi32, #tpu.memory_space<vmem>> -> memref<3x2x125xi32, #tpu.memory_space<vmem>>
      %dma_start3A_46 = arith.constant 0 : i32
      %dma_start3A_47 = arith.constant 0 : i32
      %dma_start3A_48 = tpu.memref_slice %arg4[%mul3A_2, %dma_start3A_46, %dma_start3A_47] : memref<2560x2x125xi32, #tpu.memory_space<hbm>> -> memref<3x2x125xi32, #tpu.memory_space<hbm>>
      tpu.enqueue_dma source(%dma_start3A_48 : memref<3x2x125xi32, #tpu.memory_space<hbm>>) target(%dma_start3A_45 : memref<3x2x125xi32, #tpu.memory_space<vmem>>) target_semaphore(%arg9 : memref<!tpu.dma_semaphore, #tpu.memory_space<semaphore_mem>>)
      %dma_wait3A = arith.constant 0 : i32
      %dma_wait3A_49 = arith.constant 0 : i32
      %dma_wait3A_50 = arith.constant 0 : i32
      %dma_wait3A_51 = tpu.memref_slice %arg6[%dma_wait3A, %dma_wait3A_49, %dma_wait3A_50] : memref<4x2x125xi32, #tpu.memory_space<vmem>> -> memref<3x2x125xi32, #tpu.memory_space<vmem>>
      %dma_wait3A_52 = arith.constant 0 : i32
      %dma_wait3A_53 = arith.constant 0 : i32
      %dma_wait3A_54 = tpu.memref_slice %arg4[%mul3A_2, %dma_wait3A_52, %dma_wait3A_53] : memref<2560x2x125xi32, #tpu.memory_space<hbm>> -> memref<3x2x125xi32, #tpu.memory_space<hbm>>
      %dma_wait3A_55 = arith.constant 0 : i32
      %dma_wait3A_56 = arith.constant 0 : i32
      %dma_wait3A_57 = arith.constant 0 : i32
      %dma_wait3A_58 = tpu.memref_slice %arg6[%dma_wait3A_55, %dma_wait3A_56, %dma_wait3A_57] : memref<4x2x125xi32, #tpu.memory_space<vmem>> -> memref<3x2x125xi32, #tpu.memory_space<vmem>>
      %dma_wait3A_59 = arith.constant 0 : i32
      %dma_wait3A_60 = arith.constant 0 : i32
      %dma_wait3A_61 = tpu.memref_slice %arg4[%mul3A_2, %dma_wait3A_59, %dma_wait3A_60] : memref<2560x2x125xi32, #tpu.memory_space<hbm>> -> memref<3x2x125xi32, #tpu.memory_space<hbm>>
      tpu.wait_dma2 semaphore(%arg9 : memref<!tpu.dma_semaphore, #tpu.memory_space<semaphore_mem>>) src(%dma_wait3A_61 : memref<3x2x125xi32, #tpu.memory_space<hbm>>) dst(%dma_wait3A_58 : memref<3x2x125xi32, #tpu.memory_space<vmem>>)
      %dma_start3A_62 = arith.constant 0 : i32
      %dma_start3A_63 = arith.constant 0 : i32
      %dma_start3A_64 = arith.constant 0 : i32
      %dma_start3A_65 = arith.constant 0 : i32
      %dma_start3A_66 = arith.constant 0 : i32
      %dma_start3A_67 = tpu.memref_slice %arg7[%dma_start3A_64, %dma_start3A_65, %dma_start3A_66] : memref<3x125x128xf32, #tpu.memory_space<vmem>> -> memref<1x125x128xf32, #tpu.memory_space<vmem>>
      %dma_start3A_68 = tpu.memref_squeeze %dma_start3A_67 : memref<1x125x128xf32, #tpu.memory_space<vmem>> -> memref<125x128xf32, #tpu.memory_space<vmem>>
      %dma_start3A_69 = arith.constant 0 : i32
      %dma_start3A_70 = tpu.memref_slice %arg6[%dma_start3A_62, %dma_start3A_63, %dma_start3A_69] : memref<4x2x125xi32, #tpu.memory_space<vmem>> -> memref<1x1x125xi32, #tpu.memory_space<vmem>>
      %dma_start3A_71 = tpu.memref_squeeze %dma_start3A_70 : memref<1x1x125xi32, #tpu.memory_space<vmem>> -> memref<125xi32, #tpu.memory_space<vmem>>
      %dma_start3A_72 = arith.constant 0 : i32
      %dma_start3A_73 = arith.constant 0 : i32
      %dma_start3A_74 = tpu.memref_slice %arg2[%dma_start3A_72, %dma_start3A_73] : memref<10000x128xf32, #tpu.memory_space<hbm>> -> memref<10000x128xf32, #tpu.memory_space<hbm>>
      tpu.enqueue_indirect_dma source(%dma_start3A_74 : memref<10000x128xf32, #tpu.memory_space<hbm>>) target(%dma_start3A_68 : memref<125x128xf32, #tpu.memory_space<vmem>>) offsets(%dma_start3A_71 : memref<125xi32, #tpu.memory_space<vmem>>) semaphore(%arg10 : memref<!tpu.dma_semaphore, #tpu.memory_space<semaphore_mem>>)
      %dma_start3A_75 = arith.constant 1 : i32
      %dma_start3A_76 = arith.constant 0 : i32
      %dma_start3A_77 = arith.constant 1 : i32
      %dma_start3A_78 = arith.constant 0 : i32
      %dma_start3A_79 = arith.constant 0 : i32
      %dma_start3A_80 = tpu.memref_slice %arg7[%dma_start3A_77, %dma_start3A_78, %dma_start3A_79] : memref<3x125x128xf32, #tpu.memory_space<vmem>> -> memref<1x125x128xf32, #tpu.memory_space<vmem>>
      %dma_start3A_81 = tpu.memref_squeeze %dma_start3A_80 : memref<1x125x128xf32, #tpu.memory_space<vmem>> -> memref<125x128xf32, #tpu.memory_space<vmem>>
      %dma_start3A_82 = arith.constant 0 : i32
      %dma_start3A_83 = tpu.memref_slice %arg6[%dma_start3A_75, %dma_start3A_76, %dma_start3A_82] : memref<4x2x125xi32, #tpu.memory_space<vmem>> -> memref<1x1x125xi32, #tpu.memory_space<vmem>>
      %dma_start3A_84 = tpu.memref_squeeze %dma_start3A_83 : memref<1x1x125xi32, #tpu.memory_space<vmem>> -> memref<125xi32, #tpu.memory_space<vmem>>
      %dma_start3A_85 = arith.constant 0 : i32
      %dma_start3A_86 = arith.constant 0 : i32
      %dma_start3A_87 = tpu.memref_slice %arg2[%dma_start3A_85, %dma_start3A_86] : memref<10000x128xf32, #tpu.memory_space<hbm>> -> memref<10000x128xf32, #tpu.memory_space<hbm>>
      tpu.enqueue_indirect_dma source(%dma_start3A_87 : memref<10000x128xf32, #tpu.memory_space<hbm>>) target(%dma_start3A_81 : memref<125x128xf32, #tpu.memory_space<vmem>>) offsets(%dma_start3A_84 : memref<125xi32, #tpu.memory_space<vmem>>) semaphore(%arg11 : memref<!tpu.dma_semaphore, #tpu.memory_space<semaphore_mem>>)
      %dma_wait3A_88 = arith.constant 0 : i32
      %dma_wait3A_89 = arith.constant 0 : i32
      %dma_wait3A_90 = arith.constant 0 : i32
      %dma_wait3A_91 = arith.constant 0 : i32
      %dma_wait3A_92 = arith.constant 0 : i32
      %dma_wait3A_93 = tpu.memref_slice %arg7[%dma_wait3A_90, %dma_wait3A_91, %dma_wait3A_92] : memref<3x125x128xf32, #tpu.memory_space<vmem>> -> memref<1x125x128xf32, #tpu.memory_space<vmem>>
      %dma_wait3A_94 = tpu.memref_squeeze %dma_wait3A_93 : memref<1x125x128xf32, #tpu.memory_space<vmem>> -> memref<125x128xf32, #tpu.memory_space<vmem>>
      %dma_wait3A_95 = arith.constant 0 : i32
      %dma_wait3A_96 = tpu.memref_slice %arg6[%dma_wait3A_88, %dma_wait3A_89, %dma_wait3A_95] : memref<4x2x125xi32, #tpu.memory_space<vmem>> -> memref<1x1x125xi32, #tpu.memory_space<vmem>>
      %dma_wait3A_97 = tpu.memref_squeeze %dma_wait3A_96 : memref<1x1x125xi32, #tpu.memory_space<vmem>> -> memref<125xi32, #tpu.memory_space<vmem>>
      %dma_wait3A_98 = arith.constant 0 : i32
      %dma_wait3A_99 = arith.constant 0 : i32
      %dma_wait3A_100 = tpu.memref_slice %arg2[%dma_wait3A_98, %dma_wait3A_99] : memref<10000x128xf32, #tpu.memory_space<hbm>> -> memref<10000x128xf32, #tpu.memory_space<hbm>>
      tpu.wait_indirect_dma semaphore(%arg10 : memref<!tpu.dma_semaphore, #tpu.memory_space<semaphore_mem>>) src(%dma_wait3A_100 : memref<10000x128xf32, #tpu.memory_space<hbm>>) dst(%dma_wait3A_94 : memref<125x128xf32, #tpu.memory_space<vmem>>)
      %dma_wait3A_101 = arith.constant 0 : i32
      %dma_wait3A_102 = tpu.memref_slice %arg8[%mul3A_26, %dma_wait3A_101] : memref<10000x128xf32, #tpu.memory_space<vmem_shared>> -> memref<632x128xf32, #tpu.memory_space<vmem_shared>>
      %dma_wait3A_103 = arith.constant 0 : i32
      %dma_wait3A_104 = tpu.memref_slice %arg2[%mul3A_26, %dma_wait3A_103] : memref<10000x128xf32, #tpu.memory_space<hbm>> -> memref<632x128xf32, #tpu.memory_space<hbm>>
      tpu.wait_dma2 semaphore(%arg12 : memref<!tpu.dma_semaphore, #tpu.memory_space<semaphore_mem>>) src(%dma_wait3A_104 : memref<632x128xf32, #tpu.memory_space<hbm>>) dst(%dma_wait3A_102 : memref<632x128xf32, #tpu.memory_space<vmem_shared>>)
    } else {
    }
    %eq3A = arith.constant 15 : i32
    %eq3A_5 = arith.cmpi eq, %arg1, %eq3A : i32
    %convert_element_type3A_6 = arith.extui %eq3A_5 : i1 to i32
    %cond3A_7 = arith.constant 0 : i32
    %cond3A_8 = arith.cmpi ne, %convert_element_type3A_6, %cond3A_7 : i32
    scf.if %cond3A_8 {
      %eq3A_25 = arith.constant 0 : i32
      %eq3A_26 = arith.cmpi eq, %arg0, %eq3A_25 : i32
      %convert_element_type3A_27 = arith.extui %eq3A_26 : i1 to i32
      %cond3A_28 = arith.constant 0 : i32
      %cond3A_29 = arith.cmpi ne, %convert_element_type3A_27, %cond3A_28 : i32
      scf.if %cond3A_29 {
        %dma_start3A_105 = arith.constant 9480 : i32
        %dma_start3A_106 = arith.constant 0 : i32
        %dma_start3A_107 = tpu.memref_slice %arg8[%dma_start3A_105, %dma_start3A_106] : memref<10000x128xf32, #tpu.memory_space<vmem_shared>> -> memref<520x128xf32, #tpu.memory_space<vmem_shared>>
        %dma_start3A_108 = arith.constant 9480 : i32
        %dma_start3A_109 = arith.constant 0 : i32
        %dma_start3A_110 = tpu.memref_slice %arg2[%dma_start3A_108, %dma_start3A_109] : memref<10000x128xf32, #tpu.memory_space<hbm>> -> memref<520x128xf32, #tpu.memory_space<hbm>>
        tpu.enqueue_dma source(%dma_start3A_110 : memref<520x128xf32, #tpu.memory_space<hbm>>) target(%dma_start3A_107 : memref<520x128xf32, #tpu.memory_space<vmem_shared>>) target_semaphore(%arg12 : memref<!tpu.dma_semaphore, #tpu.memory_space<semaphore_mem>>)
      } else {
      }
      %ne3A = arith.constant 0 : i32
      %ne3A_30 = arith.cmpi ne, %arg0, %ne3A : i32
      %convert_element_type3A_31 = arith.extui %ne3A_30 : i1 to i32
      %cond3A_32 = arith.constant 0 : i32
      %cond3A_33 = arith.cmpi ne, %convert_element_type3A_31, %cond3A_32 : i32
      scf.if %cond3A_33 {
        %dma_start3A_105 = arith.constant 9480 : i32
        %dma_start3A_106 = arith.constant 0 : i32
        %dma_start3A_107 = tpu.memref_slice %arg8[%dma_start3A_105, %dma_start3A_106] : memref<10000x128xf32, #tpu.memory_space<vmem_shared>> -> memref<520x128xf32, #tpu.memory_space<vmem_shared>>
        %dma_start3A_108 = arith.constant 0 : i32
        %dma_start3A_109 = arith.constant 0 : i32
        %dma_start3A_110 = tpu.memref_slice %arg3[%dma_start3A_108, %dma_start3A_109] : memref<632x128xf32, #tpu.memory_space<hbm>> -> memref<520x128xf32, #tpu.memory_space<hbm>>
        tpu.enqueue_dma source(%dma_start3A_110 : memref<520x128xf32, #tpu.memory_space<hbm>>) target(%dma_start3A_107 : memref<520x128xf32, #tpu.memory_space<vmem_shared>>) target_semaphore(%arg12 : memref<!tpu.dma_semaphore, #tpu.memory_space<semaphore_mem>>)
      } else {
      }
      %dma_start3A = arith.constant 0 : i32
      %dma_start3A_34 = arith.constant 0 : i32
      %dma_start3A_35 = arith.constant 0 : i32
      %dma_start3A_36 = tpu.memref_slice %arg6[%dma_start3A, %dma_start3A_34, %dma_start3A_35] : memref<4x2x125xi32, #tpu.memory_space<vmem>> -> memref<3x2x125xi32, #tpu.memory_space<vmem>>
      %dma_start3A_37 = arith.constant 0 : i32
      %dma_start3A_38 = arith.constant 0 : i32
      %dma_start3A_39 = tpu.memref_slice %arg4[%mul3A_2, %dma_start3A_37, %dma_start3A_38] : memref<2560x2x125xi32, #tpu.memory_space<hbm>> -> memref<3x2x125xi32, #tpu.memory_space<hbm>>
      %dma_start3A_40 = arith.constant 0 : i32
      %dma_start3A_41 = arith.constant 0 : i32
      %dma_start3A_42 = arith.constant 0 : i32
      %dma_start3A_43 = tpu.memref_slice %arg6[%dma_start3A_40, %dma_start3A_41, %dma_start3A_42] : memref<4x2x125xi32, #tpu.memory_space<vmem>> -> memref<3x2x125xi32, #tpu.memory_space<vmem>>
      %dma_start3A_44 = arith.constant 0 : i32
      %dma_start3A_45 = arith.constant 0 : i32
      %dma_start3A_46 = tpu.memref_slice %arg4[%mul3A_2, %dma_start3A_44, %dma_start3A_45] : memref<2560x2x125xi32, #tpu.memory_space<hbm>> -> memref<3x2x125xi32, #tpu.memory_space<hbm>>
      tpu.enqueue_dma source(%dma_start3A_46 : memref<3x2x125xi32, #tpu.memory_space<hbm>>) target(%dma_start3A_43 : memref<3x2x125xi32, #tpu.memory_space<vmem>>) target_semaphore(%arg9 : memref<!tpu.dma_semaphore, #tpu.memory_space<semaphore_mem>>)
      %dma_wait3A = arith.constant 0 : i32
      %dma_wait3A_47 = arith.constant 0 : i32
      %dma_wait3A_48 = arith.constant 0 : i32
      %dma_wait3A_49 = tpu.memref_slice %arg6[%dma_wait3A, %dma_wait3A_47, %dma_wait3A_48] : memref<4x2x125xi32, #tpu.memory_space<vmem>> -> memref<3x2x125xi32, #tpu.memory_space<vmem>>
      %dma_wait3A_50 = arith.constant 0 : i32
      %dma_wait3A_51 = arith.constant 0 : i32
      %dma_wait3A_52 = tpu.memref_slice %arg4[%mul3A_2, %dma_wait3A_50, %dma_wait3A_51] : memref<2560x2x125xi32, #tpu.memory_space<hbm>> -> memref<3x2x125xi32, #tpu.memory_space<hbm>>
      %dma_wait3A_53 = arith.constant 0 : i32
      %dma_wait3A_54 = arith.constant 0 : i32
      %dma_wait3A_55 = arith.constant 0 : i32
      %dma_wait3A_56 = tpu.memref_slice %arg6[%dma_wait3A_53, %dma_wait3A_54, %dma_wait3A_55] : memref<4x2x125xi32, #tpu.memory_space<vmem>> -> memref<3x2x125xi32, #tpu.memory_space<vmem>>
      %dma_wait3A_57 = arith.constant 0 : i32
      %dma_wait3A_58 = arith.constant 0 : i32
      %dma_wait3A_59 = tpu.memref_slice %arg4[%mul3A_2, %dma_wait3A_57, %dma_wait3A_58] : memref<2560x2x125xi32, #tpu.memory_space<hbm>> -> memref<3x2x125xi32, #tpu.memory_space<hbm>>
      tpu.wait_dma2 semaphore(%arg9 : memref<!tpu.dma_semaphore, #tpu.memory_space<semaphore_mem>>) src(%dma_wait3A_59 : memref<3x2x125xi32, #tpu.memory_space<hbm>>) dst(%dma_wait3A_56 : memref<3x2x125xi32, #tpu.memory_space<vmem>>)
      %dma_start3A_60 = arith.constant 0 : i32
      %dma_start3A_61 = arith.constant 0 : i32
      %dma_start3A_62 = arith.constant 0 : i32
      %dma_start3A_63 = arith.constant 0 : i32
      %dma_start3A_64 = arith.constant 0 : i32
      %dma_start3A_65 = tpu.memref_slice %arg7[%dma_start3A_62, %dma_start3A_63, %dma_start3A_64] : memref<3x125x128xf32, #tpu.memory_space<vmem>> -> memref<1x125x128xf32, #tpu.memory_space<vmem>>
      %dma_start3A_66 = tpu.memref_squeeze %dma_start3A_65 : memref<1x125x128xf32, #tpu.memory_space<vmem>> -> memref<125x128xf32, #tpu.memory_space<vmem>>
      %dma_start3A_67 = arith.constant 0 : i32
      %dma_start3A_68 = tpu.memref_slice %arg6[%dma_start3A_60, %dma_start3A_61, %dma_start3A_67] : memref<4x2x125xi32, #tpu.memory_space<vmem>> -> memref<1x1x125xi32, #tpu.memory_space<vmem>>
      %dma_start3A_69 = tpu.memref_squeeze %dma_start3A_68 : memref<1x1x125xi32, #tpu.memory_space<vmem>> -> memref<125xi32, #tpu.memory_space<vmem>>
      %dma_start3A_70 = arith.constant 0 : i32
      %dma_start3A_71 = arith.constant 0 : i32
      %dma_start3A_72 = tpu.memref_slice %arg2[%dma_start3A_70, %dma_start3A_71] : memref<10000x128xf32, #tpu.memory_space<hbm>> -> memref<10000x128xf32, #tpu.memory_space<hbm>>
      tpu.enqueue_indirect_dma source(%dma_start3A_72 : memref<10000x128xf32, #tpu.memory_space<hbm>>) target(%dma_start3A_66 : memref<125x128xf32, #tpu.memory_space<vmem>>) offsets(%dma_start3A_69 : memref<125xi32, #tpu.memory_space<vmem>>) semaphore(%arg10 : memref<!tpu.dma_semaphore, #tpu.memory_space<semaphore_mem>>)
      %dma_start3A_73 = arith.constant 1 : i32
      %dma_start3A_74 = arith.constant 0 : i32
      %dma_start3A_75 = arith.constant 1 : i32
      %dma_start3A_76 = arith.constant 0 : i32
      %dma_start3A_77 = arith.constant 0 : i32
      %dma_start3A_78 = tpu.memref_slice %arg7[%dma_start3A_75, %dma_start3A_76, %dma_start3A_77] : memref<3x125x128xf32, #tpu.memory_space<vmem>> -> memref<1x125x128xf32, #tpu.memory_space<vmem>>
      %dma_start3A_79 = tpu.memref_squeeze %dma_start3A_78 : memref<1x125x128xf32, #tpu.memory_space<vmem>> -> memref<125x128xf32, #tpu.memory_space<vmem>>
      %dma_start3A_80 = arith.constant 0 : i32
      %dma_start3A_81 = tpu.memref_slice %arg6[%dma_start3A_73, %dma_start3A_74, %dma_start3A_80] : memref<4x2x125xi32, #tpu.memory_space<vmem>> -> memref<1x1x125xi32, #tpu.memory_space<vmem>>
      %dma_start3A_82 = tpu.memref_squeeze %dma_start3A_81 : memref<1x1x125xi32, #tpu.memory_space<vmem>> -> memref<125xi32, #tpu.memory_space<vmem>>
      %dma_start3A_83 = arith.constant 0 : i32
      %dma_start3A_84 = arith.constant 0 : i32
      %dma_start3A_85 = tpu.memref_slice %arg2[%dma_start3A_83, %dma_start3A_84] : memref<10000x128xf32, #tpu.memory_space<hbm>> -> memref<10000x128xf32, #tpu.memory_space<hbm>>
      tpu.enqueue_indirect_dma source(%dma_start3A_85 : memref<10000x128xf32, #tpu.memory_space<hbm>>) target(%dma_start3A_79 : memref<125x128xf32, #tpu.memory_space<vmem>>) offsets(%dma_start3A_82 : memref<125xi32, #tpu.memory_space<vmem>>) semaphore(%arg11 : memref<!tpu.dma_semaphore, #tpu.memory_space<semaphore_mem>>)
      %dma_wait3A_86 = arith.constant 0 : i32
      %dma_wait3A_87 = arith.constant 0 : i32
      %dma_wait3A_88 = arith.constant 0 : i32
      %dma_wait3A_89 = arith.constant 0 : i32
      %dma_wait3A_90 = arith.constant 0 : i32
      %dma_wait3A_91 = tpu.memref_slice %arg7[%dma_wait3A_88, %dma_wait3A_89, %dma_wait3A_90] : memref<3x125x128xf32, #tpu.memory_space<vmem>> -> memref<1x125x128xf32, #tpu.memory_space<vmem>>
      %dma_wait3A_92 = tpu.memref_squeeze %dma_wait3A_91 : memref<1x125x128xf32, #tpu.memory_space<vmem>> -> memref<125x128xf32, #tpu.memory_space<vmem>>
      %dma_wait3A_93 = arith.constant 0 : i32
      %dma_wait3A_94 = tpu.memref_slice %arg6[%dma_wait3A_86, %dma_wait3A_87, %dma_wait3A_93] : memref<4x2x125xi32, #tpu.memory_space<vmem>> -> memref<1x1x125xi32, #tpu.memory_space<vmem>>
      %dma_wait3A_95 = tpu.memref_squeeze %dma_wait3A_94 : memref<1x1x125xi32, #tpu.memory_space<vmem>> -> memref<125xi32, #tpu.memory_space<vmem>>
      %dma_wait3A_96 = arith.constant 0 : i32
      %dma_wait3A_97 = arith.constant 0 : i32
      %dma_wait3A_98 = tpu.memref_slice %arg2[%dma_wait3A_96, %dma_wait3A_97] : memref<10000x128xf32, #tpu.memory_space<hbm>> -> memref<10000x128xf32, #tpu.memory_space<hbm>>
      tpu.wait_indirect_dma semaphore(%arg10 : memref<!tpu.dma_semaphore, #tpu.memory_space<semaphore_mem>>) src(%dma_wait3A_98 : memref<10000x128xf32, #tpu.memory_space<hbm>>) dst(%dma_wait3A_92 : memref<125x128xf32, #tpu.memory_space<vmem>>)
      %dma_wait3A_99 = arith.constant 9480 : i32
      %dma_wait3A_100 = arith.constant 0 : i32
      %dma_wait3A_101 = tpu.memref_slice %arg8[%dma_wait3A_99, %dma_wait3A_100] : memref<10000x128xf32, #tpu.memory_space<vmem_shared>> -> memref<520x128xf32, #tpu.memory_space<vmem_shared>>
      %dma_wait3A_102 = arith.constant 9480 : i32
      %dma_wait3A_103 = arith.constant 0 : i32
      %dma_wait3A_104 = tpu.memref_slice %arg2[%dma_wait3A_102, %dma_wait3A_103] : memref<10000x128xf32, #tpu.memory_space<hbm>> -> memref<520x128xf32, #tpu.memory_space<hbm>>
      tpu.wait_dma2 semaphore(%arg12 : memref<!tpu.dma_semaphore, #tpu.memory_space<semaphore_mem>>) src(%dma_wait3A_104 : memref<520x128xf32, #tpu.memory_space<hbm>>) dst(%dma_wait3A_101 : memref<520x128xf32, #tpu.memory_space<vmem_shared>>)
    } else {
    }
    %barrier3A = arith.constant 0 : index
    tpu.barrier barrier_id(%barrier3A)
    %scan3A = arith.constant 0 : i32
    %scan3A_9 = arith.constant 0 : i32
    %scan3A_10 = arith.constant 20 : i32
    %scan3A_11 = arith.addi %scan3A_9, %scan3A_10 : i32
    %scan3A_12 = arith.constant 1 : i32
    scf.for %scan3A_25 = %scan3A_9 to %scan3A_11 step %scan3A_12  : i32 {
      %mul3A_26 = arith.constant 4 : i32
      %mul3A_27 = arith.muli %scan3A_25, %mul3A_26 : i32
      %add3A_28 = arith.constant 0 : i32
      %add3A_29 = arith.addi %mul3A_27, %add3A_28 : i32
      %rem3A = arith.constant 3 : i32
      %rem3A_30 = arith.remsi %add3A_29, %rem3A : i32
      %add3A_31 = arith.constant 1 : i32
      %add3A_32 = arith.addi %add3A_29, %add3A_31 : i32
      %rem3A_33 = arith.constant 3 : i32
      %rem3A_34 = arith.remsi %add3A_32, %rem3A_33 : i32
      %add3A_35 = arith.constant 2 : i32
      %add3A_36 = arith.addi %add3A_29, %add3A_35 : i32
      %rem3A_37 = arith.constant 3 : i32
      %rem3A_38 = arith.remsi %add3A_36, %rem3A_37 : i32
      %add3A_39 = arith.addi %mul3A_2, %add3A_29 : i32
      %add3A_40 = arith.constant 3 : i32
      %add3A_41 = arith.addi %add3A_39, %add3A_40 : i32
      %dma_start3A = arith.constant 3 : i32
      %dma_start3A_42 = arith.constant 0 : i32
      %dma_start3A_43 = arith.constant 0 : i32
      %dma_start3A_44 = tpu.memref_slice %arg6[%dma_start3A, %dma_start3A_42, %dma_start3A_43] : memref<4x2x125xi32, #tpu.memory_space<vmem>> -> memref<1x2x125xi32, #tpu.memory_space<vmem>>
      %dma_start3A_45 = tpu.memref_squeeze %dma_start3A_44 : memref<1x2x125xi32, #tpu.memory_space<vmem>> -> memref<2x125xi32, #tpu.memory_space<vmem>>
      %dma_start3A_46 = arith.constant 0 : i32
      %dma_start3A_47 = arith.constant 0 : i32
      %dma_start3A_48 = tpu.memref_slice %arg4[%add3A_41, %dma_start3A_46, %dma_start3A_47] : memref<2560x2x125xi32, #tpu.memory_space<hbm>> -> memref<1x2x125xi32, #tpu.memory_space<hbm>>
      %dma_start3A_49 = tpu.memref_squeeze %dma_start3A_48 : memref<1x2x125xi32, #tpu.memory_space<hbm>> -> memref<2x125xi32, #tpu.memory_space<hbm>>
      %dma_start3A_50 = arith.constant 0 : i32
      %dma_start3A_51 = arith.constant 0 : i32
      %dma_start3A_52 = tpu.memref_slice %arg6[%dma_start3A, %dma_start3A_50, %dma_start3A_51] : memref<4x2x125xi32, #tpu.memory_space<vmem>> -> memref<1x2x125xi32, #tpu.memory_space<vmem>>
      %dma_start3A_53 = tpu.memref_squeeze %dma_start3A_52 : memref<1x2x125xi32, #tpu.memory_space<vmem>> -> memref<2x125xi32, #tpu.memory_space<vmem>>
      %dma_start3A_54 = arith.constant 0 : i32
      %dma_start3A_55 = arith.constant 0 : i32
      %dma_start3A_56 = tpu.memref_slice %arg4[%add3A_41, %dma_start3A_54, %dma_start3A_55] : memref<2560x2x125xi32, #tpu.memory_space<hbm>> -> memref<1x2x125xi32, #tpu.memory_space<hbm>>
      %dma_start3A_57 = tpu.memref_squeeze %dma_start3A_56 : memref<1x2x125xi32, #tpu.memory_space<hbm>> -> memref<2x125xi32, #tpu.memory_space<hbm>>
      tpu.enqueue_dma source(%dma_start3A_57 : memref<2x125xi32, #tpu.memory_space<hbm>>) target(%dma_start3A_53 : memref<2x125xi32, #tpu.memory_space<vmem>>) target_semaphore(%arg9 : memref<!tpu.dma_semaphore, #tpu.memory_space<semaphore_mem>>)
      %dma_start3A_58 = arith.constant 2 : i32
      %dma_start3A_59 = arith.constant 0 : i32
      %dma_start3A_60 = arith.constant 0 : i32
      %dma_start3A_61 = arith.constant 0 : i32
      %dma_start3A_62 = tpu.memref_slice %arg7[%rem3A_38, %dma_start3A_60, %dma_start3A_61] : memref<3x125x128xf32, #tpu.memory_space<vmem>> -> memref<1x125x128xf32, #tpu.memory_space<vmem>>
      %dma_start3A_63 = tpu.memref_squeeze %dma_start3A_62 : memref<1x125x128xf32, #tpu.memory_space<vmem>> -> memref<125x128xf32, #tpu.memory_space<vmem>>
      %dma_start3A_64 = arith.constant 0 : i32
      %dma_start3A_65 = tpu.memref_slice %arg6[%dma_start3A_58, %dma_start3A_59, %dma_start3A_64] : memref<4x2x125xi32, #tpu.memory_space<vmem>> -> memref<1x1x125xi32, #tpu.memory_space<vmem>>
      %dma_start3A_66 = tpu.memref_squeeze %dma_start3A_65 : memref<1x1x125xi32, #tpu.memory_space<vmem>> -> memref<125xi32, #tpu.memory_space<vmem>>
      %dma_start3A_67 = arith.constant 0 : i32
      %dma_start3A_68 = arith.constant 0 : i32
      %dma_start3A_69 = tpu.memref_slice %arg2[%dma_start3A_67, %dma_start3A_68] : memref<10000x128xf32, #tpu.memory_space<hbm>> -> memref<10000x128xf32, #tpu.memory_space<hbm>>
      tpu.enqueue_indirect_dma source(%dma_start3A_69 : memref<10000x128xf32, #tpu.memory_space<hbm>>) target(%dma_start3A_63 : memref<125x128xf32, #tpu.memory_space<vmem>>) offsets(%dma_start3A_66 : memref<125xi32, #tpu.memory_space<vmem>>) semaphore(%arg10 : memref<!tpu.dma_semaphore, #tpu.memory_space<semaphore_mem>>)
      %run_scoped3A = arith.constant 0 : i32
      %run_scoped3A_70 = arith.constant 1 : i32
      "tpu.region"() ({
        %run_scoped3A_171 = tpu.sem_alloc : memref<!tpu.dma_semaphore, #tpu.memory_space<semaphore_mem>>
        %dma_start3A_172 = arith.constant 0 : i32
        %dma_start3A_173 = arith.constant 0 : i32
        %dma_start3A_174 = tpu.memref_slice %arg7[%rem3A_30, %dma_start3A_172, %dma_start3A_173] : memref<3x125x128xf32, #tpu.memory_space<vmem>> -> memref<1x125x128xf32, #tpu.memory_space<vmem>>
        %dma_start3A_175 = tpu.memref_squeeze %dma_start3A_174 : memref<1x125x128xf32, #tpu.memory_space<vmem>> -> memref<125x128xf32, #tpu.memory_space<vmem>>
        %dma_start3A_176 = arith.constant 0 : i32
        %dma_start3A_177 = tpu.memref_slice %arg6[%run_scoped3A, %run_scoped3A_70, %dma_start3A_176] : memref<4x2x125xi32, #tpu.memory_space<vmem>> -> memref<1x1x125xi32, #tpu.memory_space<vmem>>
        %dma_start3A_178 = tpu.memref_squeeze %dma_start3A_177 : memref<1x1x125xi32, #tpu.memory_space<vmem>> -> memref<125xi32, #tpu.memory_space<vmem>>
        %dma_start3A_179 = arith.constant 0 : i32
        %dma_start3A_180 = arith.constant 0 : i32
        %dma_start3A_181 = tpu.memref_slice %arg8[%dma_start3A_179, %dma_start3A_180] : memref<10000x128xf32, #tpu.memory_space<vmem_shared>> -> memref<10000x128xf32, #tpu.memory_space<vmem_shared>>
        tpu.enqueue_indirect_dma source(%dma_start3A_175 : memref<125x128xf32, #tpu.memory_space<vmem>>) target(%dma_start3A_181 : memref<10000x128xf32, #tpu.memory_space<vmem_shared>>) offsets(%dma_start3A_178 : memref<125xi32, #tpu.memory_space<vmem>>) semaphore(%run_scoped3A_171 : memref<!tpu.dma_semaphore, #tpu.memory_space<semaphore_mem>>) {add = true}
        %dma_wait3A_182 = arith.constant 0 : i32
        %dma_wait3A_183 = arith.constant 0 : i32
        %dma_wait3A_184 = tpu.memref_slice %arg7[%rem3A_30, %dma_wait3A_182, %dma_wait3A_183] : memref<3x125x128xf32, #tpu.memory_space<vmem>> -> memref<1x125x128xf32, #tpu.memory_space<vmem>>
        %dma_wait3A_185 = tpu.memref_squeeze %dma_wait3A_184 : memref<1x125x128xf32, #tpu.memory_space<vmem>> -> memref<125x128xf32, #tpu.memory_space<vmem>>
        %dma_wait3A_186 = arith.constant 0 : i32
        %dma_wait3A_187 = tpu.memref_slice %arg6[%run_scoped3A, %run_scoped3A_70, %dma_wait3A_186] : memref<4x2x125xi32, #tpu.memory_space<vmem>> -> memref<1x1x125xi32, #tpu.memory_space<vmem>>
        %dma_wait3A_188 = tpu.memref_squeeze %dma_wait3A_187 : memref<1x1x125xi32, #tpu.memory_space<vmem>> -> memref<125xi32, #tpu.memory_space<vmem>>
        %dma_wait3A_189 = arith.constant 0 : i32
        %dma_wait3A_190 = arith.constant 0 : i32
        %dma_wait3A_191 = tpu.memref_slice %arg8[%dma_wait3A_189, %dma_wait3A_190] : memref<10000x128xf32, #tpu.memory_space<vmem_shared>> -> memref<10000x128xf32, #tpu.memory_space<vmem_shared>>
        tpu.wait_indirect_dma semaphore(%run_scoped3A_171 : memref<!tpu.dma_semaphore, #tpu.memory_space<semaphore_mem>>) src(%dma_wait3A_185 : memref<125x128xf32, #tpu.memory_space<vmem>>) dst(%dma_wait3A_191 : memref<10000x128xf32, #tpu.memory_space<vmem_shared>>)
        tpu.yield
      }) : () -> ()
      %dma_wait3A = arith.constant 1 : i32
      %dma_wait3A_71 = arith.constant 0 : i32
      %dma_wait3A_72 = arith.constant 0 : i32
      %dma_wait3A_73 = arith.constant 0 : i32
      %dma_wait3A_74 = tpu.memref_slice %arg7[%rem3A_34, %dma_wait3A_72, %dma_wait3A_73] : memref<3x125x128xf32, #tpu.memory_space<vmem>> -> memref<1x125x128xf32, #tpu.memory_space<vmem>>
      %dma_wait3A_75 = tpu.memref_squeeze %dma_wait3A_74 : memref<1x125x128xf32, #tpu.memory_space<vmem>> -> memref<125x128xf32, #tpu.memory_space<vmem>>
      %dma_wait3A_76 = arith.constant 0 : i32
      %dma_wait3A_77 = tpu.memref_slice %arg6[%dma_wait3A, %dma_wait3A_71, %dma_wait3A_76] : memref<4x2x125xi32, #tpu.memory_space<vmem>> -> memref<1x1x125xi32, #tpu.memory_space<vmem>>
      %dma_wait3A_78 = tpu.memref_squeeze %dma_wait3A_77 : memref<1x1x125xi32, #tpu.memory_space<vmem>> -> memref<125xi32, #tpu.memory_space<vmem>>
      %dma_wait3A_79 = arith.constant 0 : i32
      %dma_wait3A_80 = arith.constant 0 : i32
      %dma_wait3A_81 = tpu.memref_slice %arg2[%dma_wait3A_79, %dma_wait3A_80] : memref<10000x128xf32, #tpu.memory_space<hbm>> -> memref<10000x128xf32, #tpu.memory_space<hbm>>
      tpu.wait_indirect_dma semaphore(%arg11 : memref<!tpu.dma_semaphore, #tpu.memory_space<semaphore_mem>>) src(%dma_wait3A_81 : memref<10000x128xf32, #tpu.memory_space<hbm>>) dst(%dma_wait3A_75 : memref<125x128xf32, #tpu.memory_space<vmem>>)
      %dma_wait3A_82 = arith.constant 3 : i32
      %dma_wait3A_83 = arith.constant 0 : i32
      %dma_wait3A_84 = arith.constant 0 : i32
      %dma_wait3A_85 = tpu.memref_slice %arg6[%dma_wait3A_82, %dma_wait3A_83, %dma_wait3A_84] : memref<4x2x125xi32, #tpu.memory_space<vmem>> -> memref<1x2x125xi32, #tpu.memory_space<vmem>>
      %dma_wait3A_86 = tpu.memref_squeeze %dma_wait3A_85 : memref<1x2x125xi32, #tpu.memory_space<vmem>> -> memref<2x125xi32, #tpu.memory_space<vmem>>
      %dma_wait3A_87 = arith.constant 0 : i32
      %dma_wait3A_88 = arith.constant 0 : i32
      %dma_wait3A_89 = tpu.memref_slice %arg4[%add3A_41, %dma_wait3A_87, %dma_wait3A_88] : memref<2560x2x125xi32, #tpu.memory_space<hbm>> -> memref<1x2x125xi32, #tpu.memory_space<hbm>>
      %dma_wait3A_90 = tpu.memref_squeeze %dma_wait3A_89 : memref<1x2x125xi32, #tpu.memory_space<hbm>> -> memref<2x125xi32, #tpu.memory_space<hbm>>
      %dma_wait3A_91 = arith.constant 0 : i32
      %dma_wait3A_92 = arith.constant 0 : i32
      %dma_wait3A_93 = tpu.memref_slice %arg6[%dma_wait3A_82, %dma_wait3A_91, %dma_wait3A_92] : memref<4x2x125xi32, #tpu.memory_space<vmem>> -> memref<1x2x125xi32, #tpu.memory_space<vmem>>
      %dma_wait3A_94 = tpu.memref_squeeze %dma_wait3A_93 : memref<1x2x125xi32, #tpu.memory_space<vmem>> -> memref<2x125xi32, #tpu.memory_space<vmem>>
      %dma_wait3A_95 = arith.constant 0 : i32
      %dma_wait3A_96 = arith.constant 0 : i32
      %dma_wait3A_97 = tpu.memref_slice %arg4[%add3A_41, %dma_wait3A_95, %dma_wait3A_96] : memref<2560x2x125xi32, #tpu.memory_space<hbm>> -> memref<1x2x125xi32, #tpu.memory_space<hbm>>
      %dma_wait3A_98 = tpu.memref_squeeze %dma_wait3A_97 : memref<1x2x125xi32, #tpu.memory_space<hbm>> -> memref<2x125xi32, #tpu.memory_space<hbm>>
      tpu.wait_dma2 semaphore(%arg9 : memref<!tpu.dma_semaphore, #tpu.memory_space<semaphore_mem>>) src(%dma_wait3A_98 : memref<2x125xi32, #tpu.memory_space<hbm>>) dst(%dma_wait3A_94 : memref<2x125xi32, #tpu.memory_space<vmem>>)
      %mul3A_99 = arith.constant 4 : i32
      %mul3A_100 = arith.muli %scan3A_25, %mul3A_99 : i32
      %add3A_101 = arith.constant 1 : i32
      %add3A_102 = arith.addi %mul3A_100, %add3A_101 : i32
      %rem3A_103 = arith.constant 3 : i32
      %rem3A_104 = arith.remsi %add3A_102, %rem3A_103 : i32
      %add3A_105 = arith.constant 1 : i32
      %add3A_106 = arith.addi %add3A_102, %add3A_105 : i32
      %rem3A_107 = arith.constant 3 : i32
      %rem3A_108 = arith.remsi %add3A_106, %rem3A_107 : i32
      %add3A_109 = arith.constant 2 : i32
      %add3A_110 = arith.addi %add3A_102, %add3A_109 : i32
      %rem3A_111 = arith.constant 3 : i32
      %rem3A_112 = arith.remsi %add3A_110, %rem3A_111 : i32
      %lt3A_113 = arith.constant 19 : i32
      %lt3A_114 = arith.cmpi slt, %scan3A_25, %lt3A_113 : i32
      %convert_element_type3A_115 = arith.extui %lt3A_114 : i1 to i32
      %cond3A_116 = arith.constant 0 : i32
      %cond3A_117 = arith.cmpi ne, %convert_element_type3A_115, %cond3A_116 : i32
      scf.if %cond3A_117 {
        %add3A_171 = arith.addi %mul3A_2, %add3A_102 : i32
        %add3A_172 = arith.constant 3 : i32
        %add3A_173 = arith.addi %add3A_171, %add3A_172 : i32
        %dma_start3A_174 = arith.constant 0 : i32
        %dma_start3A_175 = arith.constant 0 : i32
        %dma_start3A_176 = arith.constant 0 : i32
        %dma_start3A_177 = tpu.memref_slice %arg6[%dma_start3A_174, %dma_start3A_175, %dma_start3A_176] : memref<4x2x125xi32, #tpu.memory_space<vmem>> -> memref<1x2x125xi32, #tpu.memory_space<vmem>>
        %dma_start3A_178 = tpu.memref_squeeze %dma_start3A_177 : memref<1x2x125xi32, #tpu.memory_space<vmem>> -> memref<2x125xi32, #tpu.memory_space<vmem>>
        %dma_start3A_179 = arith.constant 0 : i32
        %dma_start3A_180 = arith.constant 0 : i32
        %dma_start3A_181 = tpu.memref_slice %arg4[%add3A_173, %dma_start3A_179, %dma_start3A_180] : memref<2560x2x125xi32, #tpu.memory_space<hbm>> -> memref<1x2x125xi32, #tpu.memory_space<hbm>>
        %dma_start3A_182 = tpu.memref_squeeze %dma_start3A_181 : memref<1x2x125xi32, #tpu.memory_space<hbm>> -> memref<2x125xi32, #tpu.memory_space<hbm>>
        %dma_start3A_183 = arith.constant 0 : i32
        %dma_start3A_184 = arith.constant 0 : i32
        %dma_start3A_185 = tpu.memref_slice %arg6[%dma_start3A_174, %dma_start3A_183, %dma_start3A_184] : memref<4x2x125xi32, #tpu.memory_space<vmem>> -> memref<1x2x125xi32, #tpu.memory_space<vmem>>
        %dma_start3A_186 = tpu.memref_squeeze %dma_start3A_185 : memref<1x2x125xi32, #tpu.memory_space<vmem>> -> memref<2x125xi32, #tpu.memory_space<vmem>>
        %dma_start3A_187 = arith.constant 0 : i32
        %dma_start3A_188 = arith.constant 0 : i32
        %dma_start3A_189 = tpu.memref_slice %arg4[%add3A_173, %dma_start3A_187, %dma_start3A_188] : memref<2560x2x125xi32, #tpu.memory_space<hbm>> -> memref<1x2x125xi32, #tpu.memory_space<hbm>>
        %dma_start3A_190 = tpu.memref_squeeze %dma_start3A_189 : memref<1x2x125xi32, #tpu.memory_space<hbm>> -> memref<2x125xi32, #tpu.memory_space<hbm>>
        tpu.enqueue_dma source(%dma_start3A_190 : memref<2x125xi32, #tpu.memory_space<hbm>>) target(%dma_start3A_186 : memref<2x125xi32, #tpu.memory_space<vmem>>) target_semaphore(%arg9 : memref<!tpu.dma_semaphore, #tpu.memory_space<semaphore_mem>>)
        %dma_start3A_191 = arith.constant 3 : i32
        %dma_start3A_192 = arith.constant 0 : i32
        %dma_start3A_193 = arith.constant 0 : i32
        %dma_start3A_194 = arith.constant 0 : i32
        %dma_start3A_195 = tpu.memref_slice %arg7[%rem3A_112, %dma_start3A_193, %dma_start3A_194] : memref<3x125x128xf32, #tpu.memory_space<vmem>> -> memref<1x125x128xf32, #tpu.memory_space<vmem>>
        %dma_start3A_196 = tpu.memref_squeeze %dma_start3A_195 : memref<1x125x128xf32, #tpu.memory_space<vmem>> -> memref<125x128xf32, #tpu.memory_space<vmem>>
        %dma_start3A_197 = arith.constant 0 : i32
        %dma_start3A_198 = tpu.memref_slice %arg6[%dma_start3A_191, %dma_start3A_192, %dma_start3A_197] : memref<4x2x125xi32, #tpu.memory_space<vmem>> -> memref<1x1x125xi32, #tpu.memory_space<vmem>>
        %dma_start3A_199 = tpu.memref_squeeze %dma_start3A_198 : memref<1x1x125xi32, #tpu.memory_space<vmem>> -> memref<125xi32, #tpu.memory_space<vmem>>
        %dma_start3A_200 = arith.constant 0 : i32
        %dma_start3A_201 = arith.constant 0 : i32
        %dma_start3A_202 = tpu.memref_slice %arg2[%dma_start3A_200, %dma_start3A_201] : memref<10000x128xf32, #tpu.memory_space<hbm>> -> memref<10000x128xf32, #tpu.memory_space<hbm>>
        tpu.enqueue_indirect_dma source(%dma_start3A_202 : memref<10000x128xf32, #tpu.memory_space<hbm>>) target(%dma_start3A_196 : memref<125x128xf32, #tpu.memory_space<vmem>>) offsets(%dma_start3A_199 : memref<125xi32, #tpu.memory_space<vmem>>) semaphore(%arg11 : memref<!tpu.dma_semaphore, #tpu.memory_space<semaphore_mem>>)
        %run_scoped3A_203 = arith.constant 1 : i32
        %run_scoped3A_204 = arith.constant 1 : i32
        "tpu.region"() ({
          %run_scoped3A_234 = tpu.sem_alloc : memref<!tpu.dma_semaphore, #tpu.memory_space<semaphore_mem>>
          %dma_start3A_235 = arith.constant 0 : i32
          %dma_start3A_236 = arith.constant 0 : i32
          %dma_start3A_237 = tpu.memref_slice %arg7[%rem3A_104, %dma_start3A_235, %dma_start3A_236] : memref<3x125x128xf32, #tpu.memory_space<vmem>> -> memref<1x125x128xf32, #tpu.memory_space<vmem>>
          %dma_start3A_238 = tpu.memref_squeeze %dma_start3A_237 : memref<1x125x128xf32, #tpu.memory_space<vmem>> -> memref<125x128xf32, #tpu.memory_space<vmem>>
          %dma_start3A_239 = arith.constant 0 : i32
          %dma_start3A_240 = tpu.memref_slice %arg6[%run_scoped3A_203, %run_scoped3A_204, %dma_start3A_239] : memref<4x2x125xi32, #tpu.memory_space<vmem>> -> memref<1x1x125xi32, #tpu.memory_space<vmem>>
          %dma_start3A_241 = tpu.memref_squeeze %dma_start3A_240 : memref<1x1x125xi32, #tpu.memory_space<vmem>> -> memref<125xi32, #tpu.memory_space<vmem>>
          %dma_start3A_242 = arith.constant 0 : i32
          %dma_start3A_243 = arith.constant 0 : i32
          %dma_start3A_244 = tpu.memref_slice %arg8[%dma_start3A_242, %dma_start3A_243] : memref<10000x128xf32, #tpu.memory_space<vmem_shared>> -> memref<10000x128xf32, #tpu.memory_space<vmem_shared>>
          tpu.enqueue_indirect_dma source(%dma_start3A_238 : memref<125x128xf32, #tpu.memory_space<vmem>>) target(%dma_start3A_244 : memref<10000x128xf32, #tpu.memory_space<vmem_shared>>) offsets(%dma_start3A_241 : memref<125xi32, #tpu.memory_space<vmem>>) semaphore(%run_scoped3A_234 : memref<!tpu.dma_semaphore, #tpu.memory_space<semaphore_mem>>) {add = true}
          %dma_wait3A_245 = arith.constant 0 : i32
          %dma_wait3A_246 = arith.constant 0 : i32
          %dma_wait3A_247 = tpu.memref_slice %arg7[%rem3A_104, %dma_wait3A_245, %dma_wait3A_246] : memref<3x125x128xf32, #tpu.memory_space<vmem>> -> memref<1x125x128xf32, #tpu.memory_space<vmem>>
          %dma_wait3A_248 = tpu.memref_squeeze %dma_wait3A_247 : memref<1x125x128xf32, #tpu.memory_space<vmem>> -> memref<125x128xf32, #tpu.memory_space<vmem>>
          %dma_wait3A_249 = arith.constant 0 : i32
          %dma_wait3A_250 = tpu.memref_slice %arg6[%run_scoped3A_203, %run_scoped3A_204, %dma_wait3A_249] : memref<4x2x125xi32, #tpu.memory_space<vmem>> -> memref<1x1x125xi32, #tpu.memory_space<vmem>>
          %dma_wait3A_251 = tpu.memref_squeeze %dma_wait3A_250 : memref<1x1x125xi32, #tpu.memory_space<vmem>> -> memref<125xi32, #tpu.memory_space<vmem>>
          %dma_wait3A_252 = arith.constant 0 : i32
          %dma_wait3A_253 = arith.constant 0 : i32
          %dma_wait3A_254 = tpu.memref_slice %arg8[%dma_wait3A_252, %dma_wait3A_253] : memref<10000x128xf32, #tpu.memory_space<vmem_shared>> -> memref<10000x128xf32, #tpu.memory_space<vmem_shared>>
          tpu.wait_indirect_dma semaphore(%run_scoped3A_234 : memref<!tpu.dma_semaphore, #tpu.memory_space<semaphore_mem>>) src(%dma_wait3A_248 : memref<125x128xf32, #tpu.memory_space<vmem>>) dst(%dma_wait3A_254 : memref<10000x128xf32, #tpu.memory_space<vmem_shared>>)
          tpu.yield
        }) : () -> ()
        %dma_wait3A_205 = arith.constant 2 : i32
        %dma_wait3A_206 = arith.constant 0 : i32
        %dma_wait3A_207 = arith.constant 0 : i32
        %dma_wait3A_208 = arith.constant 0 : i32
        %dma_wait3A_209 = tpu.memref_slice %arg7[%rem3A_108, %dma_wait3A_207, %dma_wait3A_208] : memref<3x125x128xf32, #tpu.memory_space<vmem>> -> memref<1x125x128xf32, #tpu.memory_space<vmem>>
        %dma_wait3A_210 = tpu.memref_squeeze %dma_wait3A_209 : memref<1x125x128xf32, #tpu.memory_space<vmem>> -> memref<125x128xf32, #tpu.memory_space<vmem>>
        %dma_wait3A_211 = arith.constant 0 : i32
        %dma_wait3A_212 = tpu.memref_slice %arg6[%dma_wait3A_205, %dma_wait3A_206, %dma_wait3A_211] : memref<4x2x125xi32, #tpu.memory_space<vmem>> -> memref<1x1x125xi32, #tpu.memory_space<vmem>>
        %dma_wait3A_213 = tpu.memref_squeeze %dma_wait3A_212 : memref<1x1x125xi32, #tpu.memory_space<vmem>> -> memref<125xi32, #tpu.memory_space<vmem>>
        %dma_wait3A_214 = arith.constant 0 : i32
        %dma_wait3A_215 = arith.constant 0 : i32
        %dma_wait3A_216 = tpu.memref_slice %arg2[%dma_wait3A_214, %dma_wait3A_215] : memref<10000x128xf32, #tpu.memory_space<hbm>> -> memref<10000x128xf32, #tpu.memory_space<hbm>>
        tpu.wait_indirect_dma semaphore(%arg10 : memref<!tpu.dma_semaphore, #tpu.memory_space<semaphore_mem>>) src(%dma_wait3A_216 : memref<10000x128xf32, #tpu.memory_space<hbm>>) dst(%dma_wait3A_210 : memref<125x128xf32, #tpu.memory_space<vmem>>)
        %dma_wait3A_217 = arith.constant 0 : i32
        %dma_wait3A_218 = arith.constant 0 : i32
        %dma_wait3A_219 = arith.constant 0 : i32
        %dma_wait3A_220 = tpu.memref_slice %arg6[%dma_wait3A_217, %dma_wait3A_218, %dma_wait3A_219] : memref<4x2x125xi32, #tpu.memory_space<vmem>> -> memref<1x2x125xi32, #tpu.memory_space<vmem>>
        %dma_wait3A_221 = tpu.memref_squeeze %dma_wait3A_220 : memref<1x2x125xi32, #tpu.memory_space<vmem>> -> memref<2x125xi32, #tpu.memory_space<vmem>>
        %dma_wait3A_222 = arith.constant 0 : i32
        %dma_wait3A_223 = arith.constant 0 : i32
        %dma_wait3A_224 = tpu.memref_slice %arg4[%add3A_173, %dma_wait3A_222, %dma_wait3A_223] : memref<2560x2x125xi32, #tpu.memory_space<hbm>> -> memref<1x2x125xi32, #tpu.memory_space<hbm>>
        %dma_wait3A_225 = tpu.memref_squeeze %dma_wait3A_224 : memref<1x2x125xi32, #tpu.memory_space<hbm>> -> memref<2x125xi32, #tpu.memory_space<hbm>>
        %dma_wait3A_226 = arith.constant 0 : i32
        %dma_wait3A_227 = arith.constant 0 : i32
        %dma_wait3A_228 = tpu.memref_slice %arg6[%dma_wait3A_217, %dma_wait3A_226, %dma_wait3A_227] : memref<4x2x125xi32, #tpu.memory_space<vmem>> -> memref<1x2x125xi32, #tpu.memory_space<vmem>>
        %dma_wait3A_229 = tpu.memref_squeeze %dma_wait3A_228 : memref<1x2x125xi32, #tpu.memory_space<vmem>> -> memref<2x125xi32, #tpu.memory_space<vmem>>
        %dma_wait3A_230 = arith.constant 0 : i32
        %dma_wait3A_231 = arith.constant 0 : i32
        %dma_wait3A_232 = tpu.memref_slice %arg4[%add3A_173, %dma_wait3A_230, %dma_wait3A_231] : memref<2560x2x125xi32, #tpu.memory_space<hbm>> -> memref<1x2x125xi32, #tpu.memory_space<hbm>>
        %dma_wait3A_233 = tpu.memref_squeeze %dma_wait3A_232 : memref<1x2x125xi32, #tpu.memory_space<hbm>> -> memref<2x125xi32, #tpu.memory_space<hbm>>
        tpu.wait_dma2 semaphore(%arg9 : memref<!tpu.dma_semaphore, #tpu.memory_space<semaphore_mem>>) src(%dma_wait3A_233 : memref<2x125xi32, #tpu.memory_space<hbm>>) dst(%dma_wait3A_229 : memref<2x125xi32, #tpu.memory_space<vmem>>)
      } else {
      }
      %eq3A_118 = arith.constant 19 : i32
      %eq3A_119 = arith.cmpi eq, %scan3A_25, %eq3A_118 : i32
      %convert_element_type3A_120 = arith.extui %eq3A_119 : i1 to i32
      %cond3A_121 = arith.constant 0 : i32
      %cond3A_122 = arith.cmpi ne, %convert_element_type3A_120, %cond3A_121 : i32
      scf.if %cond3A_122 {
        %dma_start3A_171 = arith.constant 3 : i32
        %dma_start3A_172 = arith.constant 0 : i32
        %dma_start3A_173 = arith.constant 0 : i32
        %dma_start3A_174 = arith.constant 0 : i32
        %dma_start3A_175 = tpu.memref_slice %arg7[%rem3A_112, %dma_start3A_173, %dma_start3A_174] : memref<3x125x128xf32, #tpu.memory_space<vmem>> -> memref<1x125x128xf32, #tpu.memory_space<vmem>>
        %dma_start3A_176 = tpu.memref_squeeze %dma_start3A_175 : memref<1x125x128xf32, #tpu.memory_space<vmem>> -> memref<125x128xf32, #tpu.memory_space<vmem>>
        %dma_start3A_177 = arith.constant 0 : i32
        %dma_start3A_178 = tpu.memref_slice %arg6[%dma_start3A_171, %dma_start3A_172, %dma_start3A_177] : memref<4x2x125xi32, #tpu.memory_space<vmem>> -> memref<1x1x125xi32, #tpu.memory_space<vmem>>
        %dma_start3A_179 = tpu.memref_squeeze %dma_start3A_178 : memref<1x1x125xi32, #tpu.memory_space<vmem>> -> memref<125xi32, #tpu.memory_space<vmem>>
        %dma_start3A_180 = arith.constant 0 : i32
        %dma_start3A_181 = arith.constant 0 : i32
        %dma_start3A_182 = tpu.memref_slice %arg2[%dma_start3A_180, %dma_start3A_181] : memref<10000x128xf32, #tpu.memory_space<hbm>> -> memref<10000x128xf32, #tpu.memory_space<hbm>>
        tpu.enqueue_indirect_dma source(%dma_start3A_182 : memref<10000x128xf32, #tpu.memory_space<hbm>>) target(%dma_start3A_176 : memref<125x128xf32, #tpu.memory_space<vmem>>) offsets(%dma_start3A_179 : memref<125xi32, #tpu.memory_space<vmem>>) semaphore(%arg11 : memref<!tpu.dma_semaphore, #tpu.memory_space<semaphore_mem>>)
        %run_scoped3A_183 = arith.constant 1 : i32
        %run_scoped3A_184 = arith.constant 1 : i32
        "tpu.region"() ({
          %run_scoped3A_197 = tpu.sem_alloc : memref<!tpu.dma_semaphore, #tpu.memory_space<semaphore_mem>>
          %dma_start3A_198 = arith.constant 0 : i32
          %dma_start3A_199 = arith.constant 0 : i32
          %dma_start3A_200 = tpu.memref_slice %arg7[%rem3A_104, %dma_start3A_198, %dma_start3A_199] : memref<3x125x128xf32, #tpu.memory_space<vmem>> -> memref<1x125x128xf32, #tpu.memory_space<vmem>>
          %dma_start3A_201 = tpu.memref_squeeze %dma_start3A_200 : memref<1x125x128xf32, #tpu.memory_space<vmem>> -> memref<125x128xf32, #tpu.memory_space<vmem>>
          %dma_start3A_202 = arith.constant 0 : i32
          %dma_start3A_203 = tpu.memref_slice %arg6[%run_scoped3A_183, %run_scoped3A_184, %dma_start3A_202] : memref<4x2x125xi32, #tpu.memory_space<vmem>> -> memref<1x1x125xi32, #tpu.memory_space<vmem>>
          %dma_start3A_204 = tpu.memref_squeeze %dma_start3A_203 : memref<1x1x125xi32, #tpu.memory_space<vmem>> -> memref<125xi32, #tpu.memory_space<vmem>>
          %dma_start3A_205 = arith.constant 0 : i32
          %dma_start3A_206 = arith.constant 0 : i32
          %dma_start3A_207 = tpu.memref_slice %arg8[%dma_start3A_205, %dma_start3A_206] : memref<10000x128xf32, #tpu.memory_space<vmem_shared>> -> memref<10000x128xf32, #tpu.memory_space<vmem_shared>>
          tpu.enqueue_indirect_dma source(%dma_start3A_201 : memref<125x128xf32, #tpu.memory_space<vmem>>) target(%dma_start3A_207 : memref<10000x128xf32, #tpu.memory_space<vmem_shared>>) offsets(%dma_start3A_204 : memref<125xi32, #tpu.memory_space<vmem>>) semaphore(%run_scoped3A_197 : memref<!tpu.dma_semaphore, #tpu.memory_space<semaphore_mem>>) {add = true}
          %dma_wait3A_208 = arith.constant 0 : i32
          %dma_wait3A_209 = arith.constant 0 : i32
          %dma_wait3A_210 = tpu.memref_slice %arg7[%rem3A_104, %dma_wait3A_208, %dma_wait3A_209] : memref<3x125x128xf32, #tpu.memory_space<vmem>> -> memref<1x125x128xf32, #tpu.memory_space<vmem>>
          %dma_wait3A_211 = tpu.memref_squeeze %dma_wait3A_210 : memref<1x125x128xf32, #tpu.memory_space<vmem>> -> memref<125x128xf32, #tpu.memory_space<vmem>>
          %dma_wait3A_212 = arith.constant 0 : i32
          %dma_wait3A_213 = tpu.memref_slice %arg6[%run_scoped3A_183, %run_scoped3A_184, %dma_wait3A_212] : memref<4x2x125xi32, #tpu.memory_space<vmem>> -> memref<1x1x125xi32, #tpu.memory_space<vmem>>
          %dma_wait3A_214 = tpu.memref_squeeze %dma_wait3A_213 : memref<1x1x125xi32, #tpu.memory_space<vmem>> -> memref<125xi32, #tpu.memory_space<vmem>>
          %dma_wait3A_215 = arith.constant 0 : i32
          %dma_wait3A_216 = arith.constant 0 : i32
          %dma_wait3A_217 = tpu.memref_slice %arg8[%dma_wait3A_215, %dma_wait3A_216] : memref<10000x128xf32, #tpu.memory_space<vmem_shared>> -> memref<10000x128xf32, #tpu.memory_space<vmem_shared>>
          tpu.wait_indirect_dma semaphore(%run_scoped3A_197 : memref<!tpu.dma_semaphore, #tpu.memory_space<semaphore_mem>>) src(%dma_wait3A_211 : memref<125x128xf32, #tpu.memory_space<vmem>>) dst(%dma_wait3A_217 : memref<10000x128xf32, #tpu.memory_space<vmem_shared>>)
          tpu.yield
        }) : () -> ()
        %dma_wait3A_185 = arith.constant 2 : i32
        %dma_wait3A_186 = arith.constant 0 : i32
        %dma_wait3A_187 = arith.constant 0 : i32
        %dma_wait3A_188 = arith.constant 0 : i32
        %dma_wait3A_189 = tpu.memref_slice %arg7[%rem3A_108, %dma_wait3A_187, %dma_wait3A_188] : memref<3x125x128xf32, #tpu.memory_space<vmem>> -> memref<1x125x128xf32, #tpu.memory_space<vmem>>
        %dma_wait3A_190 = tpu.memref_squeeze %dma_wait3A_189 : memref<1x125x128xf32, #tpu.memory_space<vmem>> -> memref<125x128xf32, #tpu.memory_space<vmem>>
        %dma_wait3A_191 = arith.constant 0 : i32
        %dma_wait3A_192 = tpu.memref_slice %arg6[%dma_wait3A_185, %dma_wait3A_186, %dma_wait3A_191] : memref<4x2x125xi32, #tpu.memory_space<vmem>> -> memref<1x1x125xi32, #tpu.memory_space<vmem>>
        %dma_wait3A_193 = tpu.memref_squeeze %dma_wait3A_192 : memref<1x1x125xi32, #tpu.memory_space<vmem>> -> memref<125xi32, #tpu.memory_space<vmem>>
        %dma_wait3A_194 = arith.constant 0 : i32
        %dma_wait3A_195 = arith.constant 0 : i32
        %dma_wait3A_196 = tpu.memref_slice %arg2[%dma_wait3A_194, %dma_wait3A_195] : memref<10000x128xf32, #tpu.memory_space<hbm>> -> memref<10000x128xf32, #tpu.memory_space<hbm>>
        tpu.wait_indirect_dma semaphore(%arg10 : memref<!tpu.dma_semaphore, #tpu.memory_space<semaphore_mem>>) src(%dma_wait3A_196 : memref<10000x128xf32, #tpu.memory_space<hbm>>) dst(%dma_wait3A_190 : memref<125x128xf32, #tpu.memory_space<vmem>>)
      } else {
      }
      %mul3A_123 = arith.constant 4 : i32
      %mul3A_124 = arith.muli %scan3A_25, %mul3A_123 : i32
      %add3A_125 = arith.constant 2 : i32
      %add3A_126 = arith.addi %mul3A_124, %add3A_125 : i32
      %rem3A_127 = arith.constant 3 : i32
      %rem3A_128 = arith.remsi %add3A_126, %rem3A_127 : i32
      %add3A_129 = arith.constant 1 : i32
      %add3A_130 = arith.addi %add3A_126, %add3A_129 : i32
      %rem3A_131 = arith.constant 3 : i32
      %rem3A_132 = arith.remsi %add3A_130, %rem3A_131 : i32
      %add3A_133 = arith.constant 2 : i32
      %add3A_134 = arith.addi %add3A_126, %add3A_133 : i32
      %rem3A_135 = arith.constant 3 : i32
      %rem3A_136 = arith.remsi %add3A_134, %rem3A_135 : i32
      %lt3A_137 = arith.constant 19 : i32
      %lt3A_138 = arith.cmpi slt, %scan3A_25, %lt3A_137 : i32
      %convert_element_type3A_139 = arith.extui %lt3A_138 : i1 to i32
      %cond3A_140 = arith.constant 0 : i32
      %cond3A_141 = arith.cmpi ne, %convert_element_type3A_139, %cond3A_140 : i32
      scf.if %cond3A_141 {
        %add3A_171 = arith.addi %mul3A_2, %add3A_126 : i32
        %add3A_172 = arith.constant 3 : i32
        %add3A_173 = arith.addi %add3A_171, %add3A_172 : i32
        %dma_start3A_174 = arith.constant 1 : i32
        %dma_start3A_175 = arith.constant 0 : i32
        %dma_start3A_176 = arith.constant 0 : i32
        %dma_start3A_177 = tpu.memref_slice %arg6[%dma_start3A_174, %dma_start3A_175, %dma_start3A_176] : memref<4x2x125xi32, #tpu.memory_space<vmem>> -> memref<1x2x125xi32, #tpu.memory_space<vmem>>
        %dma_start3A_178 = tpu.memref_squeeze %dma_start3A_177 : memref<1x2x125xi32, #tpu.memory_space<vmem>> -> memref<2x125xi32, #tpu.memory_space<vmem>>
        %dma_start3A_179 = arith.constant 0 : i32
        %dma_start3A_180 = arith.constant 0 : i32
        %dma_start3A_181 = tpu.memref_slice %arg4[%add3A_173, %dma_start3A_179, %dma_start3A_180] : memref<2560x2x125xi32, #tpu.memory_space<hbm>> -> memref<1x2x125xi32, #tpu.memory_space<hbm>>
        %dma_start3A_182 = tpu.memref_squeeze %dma_start3A_181 : memref<1x2x125xi32, #tpu.memory_space<hbm>> -> memref<2x125xi32, #tpu.memory_space<hbm>>
        %dma_start3A_183 = arith.constant 0 : i32
        %dma_start3A_184 = arith.constant 0 : i32
        %dma_start3A_185 = tpu.memref_slice %arg6[%dma_start3A_174, %dma_start3A_183, %dma_start3A_184] : memref<4x2x125xi32, #tpu.memory_space<vmem>> -> memref<1x2x125xi32, #tpu.memory_space<vmem>>
        %dma_start3A_186 = tpu.memref_squeeze %dma_start3A_185 : memref<1x2x125xi32, #tpu.memory_space<vmem>> -> memref<2x125xi32, #tpu.memory_space<vmem>>
        %dma_start3A_187 = arith.constant 0 : i32
        %dma_start3A_188 = arith.constant 0 : i32
        %dma_start3A_189 = tpu.memref_slice %arg4[%add3A_173, %dma_start3A_187, %dma_start3A_188] : memref<2560x2x125xi32, #tpu.memory_space<hbm>> -> memref<1x2x125xi32, #tpu.memory_space<hbm>>
        %dma_start3A_190 = tpu.memref_squeeze %dma_start3A_189 : memref<1x2x125xi32, #tpu.memory_space<hbm>> -> memref<2x125xi32, #tpu.memory_space<hbm>>
        tpu.enqueue_dma source(%dma_start3A_190 : memref<2x125xi32, #tpu.memory_space<hbm>>) target(%dma_start3A_186 : memref<2x125xi32, #tpu.memory_space<vmem>>) target_semaphore(%arg9 : memref<!tpu.dma_semaphore, #tpu.memory_space<semaphore_mem>>)
        %dma_start3A_191 = arith.constant 0 : i32
        %dma_start3A_192 = arith.constant 0 : i32
        %dma_start3A_193 = arith.constant 0 : i32
        %dma_start3A_194 = arith.constant 0 : i32
        %dma_start3A_195 = tpu.memref_slice %arg7[%rem3A_136, %dma_start3A_193, %dma_start3A_194] : memref<3x125x128xf32, #tpu.memory_space<vmem>> -> memref<1x125x128xf32, #tpu.memory_space<vmem>>
        %dma_start3A_196 = tpu.memref_squeeze %dma_start3A_195 : memref<1x125x128xf32, #tpu.memory_space<vmem>> -> memref<125x128xf32, #tpu.memory_space<vmem>>
        %dma_start3A_197 = arith.constant 0 : i32
        %dma_start3A_198 = tpu.memref_slice %arg6[%dma_start3A_191, %dma_start3A_192, %dma_start3A_197] : memref<4x2x125xi32, #tpu.memory_space<vmem>> -> memref<1x1x125xi32, #tpu.memory_space<vmem>>
        %dma_start3A_199 = tpu.memref_squeeze %dma_start3A_198 : memref<1x1x125xi32, #tpu.memory_space<vmem>> -> memref<125xi32, #tpu.memory_space<vmem>>
        %dma_start3A_200 = arith.constant 0 : i32
        %dma_start3A_201 = arith.constant 0 : i32
        %dma_start3A_202 = tpu.memref_slice %arg2[%dma_start3A_200, %dma_start3A_201] : memref<10000x128xf32, #tpu.memory_space<hbm>> -> memref<10000x128xf32, #tpu.memory_space<hbm>>
        tpu.enqueue_indirect_dma source(%dma_start3A_202 : memref<10000x128xf32, #tpu.memory_space<hbm>>) target(%dma_start3A_196 : memref<125x128xf32, #tpu.memory_space<vmem>>) offsets(%dma_start3A_199 : memref<125xi32, #tpu.memory_space<vmem>>) semaphore(%arg10 : memref<!tpu.dma_semaphore, #tpu.memory_space<semaphore_mem>>)
        %run_scoped3A_203 = arith.constant 2 : i32
        %run_scoped3A_204 = arith.constant 1 : i32
        "tpu.region"() ({
          %run_scoped3A_234 = tpu.sem_alloc : memref<!tpu.dma_semaphore, #tpu.memory_space<semaphore_mem>>
          %dma_start3A_235 = arith.constant 0 : i32
          %dma_start3A_236 = arith.constant 0 : i32
          %dma_start3A_237 = tpu.memref_slice %arg7[%rem3A_128, %dma_start3A_235, %dma_start3A_236] : memref<3x125x128xf32, #tpu.memory_space<vmem>> -> memref<1x125x128xf32, #tpu.memory_space<vmem>>
          %dma_start3A_238 = tpu.memref_squeeze %dma_start3A_237 : memref<1x125x128xf32, #tpu.memory_space<vmem>> -> memref<125x128xf32, #tpu.memory_space<vmem>>
          %dma_start3A_239 = arith.constant 0 : i32
          %dma_start3A_240 = tpu.memref_slice %arg6[%run_scoped3A_203, %run_scoped3A_204, %dma_start3A_239] : memref<4x2x125xi32, #tpu.memory_space<vmem>> -> memref<1x1x125xi32, #tpu.memory_space<vmem>>
          %dma_start3A_241 = tpu.memref_squeeze %dma_start3A_240 : memref<1x1x125xi32, #tpu.memory_space<vmem>> -> memref<125xi32, #tpu.memory_space<vmem>>
          %dma_start3A_242 = arith.constant 0 : i32
          %dma_start3A_243 = arith.constant 0 : i32
          %dma_start3A_244 = tpu.memref_slice %arg8[%dma_start3A_242, %dma_start3A_243] : memref<10000x128xf32, #tpu.memory_space<vmem_shared>> -> memref<10000x128xf32, #tpu.memory_space<vmem_shared>>
          tpu.enqueue_indirect_dma source(%dma_start3A_238 : memref<125x128xf32, #tpu.memory_space<vmem>>) target(%dma_start3A_244 : memref<10000x128xf32, #tpu.memory_space<vmem_shared>>) offsets(%dma_start3A_241 : memref<125xi32, #tpu.memory_space<vmem>>) semaphore(%run_scoped3A_234 : memref<!tpu.dma_semaphore, #tpu.memory_space<semaphore_mem>>) {add = true}
          %dma_wait3A_245 = arith.constant 0 : i32
          %dma_wait3A_246 = arith.constant 0 : i32
          %dma_wait3A_247 = tpu.memref_slice %arg7[%rem3A_128, %dma_wait3A_245, %dma_wait3A_246] : memref<3x125x128xf32, #tpu.memory_space<vmem>> -> memref<1x125x128xf32, #tpu.memory_space<vmem>>
          %dma_wait3A_248 = tpu.memref_squeeze %dma_wait3A_247 : memref<1x125x128xf32, #tpu.memory_space<vmem>> -> memref<125x128xf32, #tpu.memory_space<vmem>>
          %dma_wait3A_249 = arith.constant 0 : i32
          %dma_wait3A_250 = tpu.memref_slice %arg6[%run_scoped3A_203, %run_scoped3A_204, %dma_wait3A_249] : memref<4x2x125xi32, #tpu.memory_space<vmem>> -> memref<1x1x125xi32, #tpu.memory_space<vmem>>
          %dma_wait3A_251 = tpu.memref_squeeze %dma_wait3A_250 : memref<1x1x125xi32, #tpu.memory_space<vmem>> -> memref<125xi32, #tpu.memory_space<vmem>>
          %dma_wait3A_252 = arith.constant 0 : i32
          %dma_wait3A_253 = arith.constant 0 : i32
          %dma_wait3A_254 = tpu.memref_slice %arg8[%dma_wait3A_252, %dma_wait3A_253] : memref<10000x128xf32, #tpu.memory_space<vmem_shared>> -> memref<10000x128xf32, #tpu.memory_space<vmem_shared>>
          tpu.wait_indirect_dma semaphore(%run_scoped3A_234 : memref<!tpu.dma_semaphore, #tpu.memory_space<semaphore_mem>>) src(%dma_wait3A_248 : memref<125x128xf32, #tpu.memory_space<vmem>>) dst(%dma_wait3A_254 : memref<10000x128xf32, #tpu.memory_space<vmem_shared>>)
          tpu.yield
        }) : () -> ()
        %dma_wait3A_205 = arith.constant 3 : i32
        %dma_wait3A_206 = arith.constant 0 : i32
        %dma_wait3A_207 = arith.constant 0 : i32
        %dma_wait3A_208 = arith.constant 0 : i32
        %dma_wait3A_209 = tpu.memref_slice %arg7[%rem3A_132, %dma_wait3A_207, %dma_wait3A_208] : memref<3x125x128xf32, #tpu.memory_space<vmem>> -> memref<1x125x128xf32, #tpu.memory_space<vmem>>
        %dma_wait3A_210 = tpu.memref_squeeze %dma_wait3A_209 : memref<1x125x128xf32, #tpu.memory_space<vmem>> -> memref<125x128xf32, #tpu.memory_space<vmem>>
        %dma_wait3A_211 = arith.constant 0 : i32
        %dma_wait3A_212 = tpu.memref_slice %arg6[%dma_wait3A_205, %dma_wait3A_206, %dma_wait3A_211] : memref<4x2x125xi32, #tpu.memory_space<vmem>> -> memref<1x1x125xi32, #tpu.memory_space<vmem>>
        %dma_wait3A_213 = tpu.memref_squeeze %dma_wait3A_212 : memref<1x1x125xi32, #tpu.memory_space<vmem>> -> memref<125xi32, #tpu.memory_space<vmem>>
        %dma_wait3A_214 = arith.constant 0 : i32
        %dma_wait3A_215 = arith.constant 0 : i32
        %dma_wait3A_216 = tpu.memref_slice %arg2[%dma_wait3A_214, %dma_wait3A_215] : memref<10000x128xf32, #tpu.memory_space<hbm>> -> memref<10000x128xf32, #tpu.memory_space<hbm>>
        tpu.wait_indirect_dma semaphore(%arg11 : memref<!tpu.dma_semaphore, #tpu.memory_space<semaphore_mem>>) src(%dma_wait3A_216 : memref<10000x128xf32, #tpu.memory_space<hbm>>) dst(%dma_wait3A_210 : memref<125x128xf32, #tpu.memory_space<vmem>>)
        %dma_wait3A_217 = arith.constant 1 : i32
        %dma_wait3A_218 = arith.constant 0 : i32
        %dma_wait3A_219 = arith.constant 0 : i32
        %dma_wait3A_220 = tpu.memref_slice %arg6[%dma_wait3A_217, %dma_wait3A_218, %dma_wait3A_219] : memref<4x2x125xi32, #tpu.memory_space<vmem>> -> memref<1x2x125xi32, #tpu.memory_space<vmem>>
        %dma_wait3A_221 = tpu.memref_squeeze %dma_wait3A_220 : memref<1x2x125xi32, #tpu.memory_space<vmem>> -> memref<2x125xi32, #tpu.memory_space<vmem>>
        %dma_wait3A_222 = arith.constant 0 : i32
        %dma_wait3A_223 = arith.constant 0 : i32
        %dma_wait3A_224 = tpu.memref_slice %arg4[%add3A_173, %dma_wait3A_222, %dma_wait3A_223] : memref<2560x2x125xi32, #tpu.memory_space<hbm>> -> memref<1x2x125xi32, #tpu.memory_space<hbm>>
        %dma_wait3A_225 = tpu.memref_squeeze %dma_wait3A_224 : memref<1x2x125xi32, #tpu.memory_space<hbm>> -> memref<2x125xi32, #tpu.memory_space<hbm>>
        %dma_wait3A_226 = arith.constant 0 : i32
        %dma_wait3A_227 = arith.constant 0 : i32
        %dma_wait3A_228 = tpu.memref_slice %arg6[%dma_wait3A_217, %dma_wait3A_226, %dma_wait3A_227] : memref<4x2x125xi32, #tpu.memory_space<vmem>> -> memref<1x2x125xi32, #tpu.memory_space<vmem>>
        %dma_wait3A_229 = tpu.memref_squeeze %dma_wait3A_228 : memref<1x2x125xi32, #tpu.memory_space<vmem>> -> memref<2x125xi32, #tpu.memory_space<vmem>>
        %dma_wait3A_230 = arith.constant 0 : i32
        %dma_wait3A_231 = arith.constant 0 : i32
        %dma_wait3A_232 = tpu.memref_slice %arg4[%add3A_173, %dma_wait3A_230, %dma_wait3A_231] : memref<2560x2x125xi32, #tpu.memory_space<hbm>> -> memref<1x2x125xi32, #tpu.memory_space<hbm>>
        %dma_wait3A_233 = tpu.memref_squeeze %dma_wait3A_232 : memref<1x2x125xi32, #tpu.memory_space<hbm>> -> memref<2x125xi32, #tpu.memory_space<hbm>>
        tpu.wait_dma2 semaphore(%arg9 : memref<!tpu.dma_semaphore, #tpu.memory_space<semaphore_mem>>) src(%dma_wait3A_233 : memref<2x125xi32, #tpu.memory_space<hbm>>) dst(%dma_wait3A_229 : memref<2x125xi32, #tpu.memory_space<vmem>>)
      } else {
      }
      %eq3A_142 = arith.constant 19 : i32
      %eq3A_143 = arith.cmpi eq, %scan3A_25, %eq3A_142 : i32
      %convert_element_type3A_144 = arith.extui %eq3A_143 : i1 to i32
      %cond3A_145 = arith.constant 0 : i32
      %cond3A_146 = arith.cmpi ne, %convert_element_type3A_144, %cond3A_145 : i32
      scf.if %cond3A_146 {
        %run_scoped3A_171 = arith.constant 2 : i32
        %run_scoped3A_172 = arith.constant 1 : i32
        "tpu.region"() ({
          %run_scoped3A_185 = tpu.sem_alloc : memref<!tpu.dma_semaphore, #tpu.memory_space<semaphore_mem>>
          %dma_start3A_186 = arith.constant 0 : i32
          %dma_start3A_187 = arith.constant 0 : i32
          %dma_start3A_188 = tpu.memref_slice %arg7[%rem3A_128, %dma_start3A_186, %dma_start3A_187] : memref<3x125x128xf32, #tpu.memory_space<vmem>> -> memref<1x125x128xf32, #tpu.memory_space<vmem>>
          %dma_start3A_189 = tpu.memref_squeeze %dma_start3A_188 : memref<1x125x128xf32, #tpu.memory_space<vmem>> -> memref<125x128xf32, #tpu.memory_space<vmem>>
          %dma_start3A_190 = arith.constant 0 : i32
          %dma_start3A_191 = tpu.memref_slice %arg6[%run_scoped3A_171, %run_scoped3A_172, %dma_start3A_190] : memref<4x2x125xi32, #tpu.memory_space<vmem>> -> memref<1x1x125xi32, #tpu.memory_space<vmem>>
          %dma_start3A_192 = tpu.memref_squeeze %dma_start3A_191 : memref<1x1x125xi32, #tpu.memory_space<vmem>> -> memref<125xi32, #tpu.memory_space<vmem>>
          %dma_start3A_193 = arith.constant 0 : i32
          %dma_start3A_194 = arith.constant 0 : i32
          %dma_start3A_195 = tpu.memref_slice %arg8[%dma_start3A_193, %dma_start3A_194] : memref<10000x128xf32, #tpu.memory_space<vmem_shared>> -> memref<10000x128xf32, #tpu.memory_space<vmem_shared>>
          tpu.enqueue_indirect_dma source(%dma_start3A_189 : memref<125x128xf32, #tpu.memory_space<vmem>>) target(%dma_start3A_195 : memref<10000x128xf32, #tpu.memory_space<vmem_shared>>) offsets(%dma_start3A_192 : memref<125xi32, #tpu.memory_space<vmem>>) semaphore(%run_scoped3A_185 : memref<!tpu.dma_semaphore, #tpu.memory_space<semaphore_mem>>) {add = true}
          %dma_wait3A_196 = arith.constant 0 : i32
          %dma_wait3A_197 = arith.constant 0 : i32
          %dma_wait3A_198 = tpu.memref_slice %arg7[%rem3A_128, %dma_wait3A_196, %dma_wait3A_197] : memref<3x125x128xf32, #tpu.memory_space<vmem>> -> memref<1x125x128xf32, #tpu.memory_space<vmem>>
          %dma_wait3A_199 = tpu.memref_squeeze %dma_wait3A_198 : memref<1x125x128xf32, #tpu.memory_space<vmem>> -> memref<125x128xf32, #tpu.memory_space<vmem>>
          %dma_wait3A_200 = arith.constant 0 : i32
          %dma_wait3A_201 = tpu.memref_slice %arg6[%run_scoped3A_171, %run_scoped3A_172, %dma_wait3A_200] : memref<4x2x125xi32, #tpu.memory_space<vmem>> -> memref<1x1x125xi32, #tpu.memory_space<vmem>>
          %dma_wait3A_202 = tpu.memref_squeeze %dma_wait3A_201 : memref<1x1x125xi32, #tpu.memory_space<vmem>> -> memref<125xi32, #tpu.memory_space<vmem>>
          %dma_wait3A_203 = arith.constant 0 : i32
          %dma_wait3A_204 = arith.constant 0 : i32
          %dma_wait3A_205 = tpu.memref_slice %arg8[%dma_wait3A_203, %dma_wait3A_204] : memref<10000x128xf32, #tpu.memory_space<vmem_shared>> -> memref<10000x128xf32, #tpu.memory_space<vmem_shared>>
          tpu.wait_indirect_dma semaphore(%run_scoped3A_185 : memref<!tpu.dma_semaphore, #tpu.memory_space<semaphore_mem>>) src(%dma_wait3A_199 : memref<125x128xf32, #tpu.memory_space<vmem>>) dst(%dma_wait3A_205 : memref<10000x128xf32, #tpu.memory_space<vmem_shared>>)
          tpu.yield
        }) : () -> ()
        %dma_wait3A_173 = arith.constant 3 : i32
        %dma_wait3A_174 = arith.constant 0 : i32
        %dma_wait3A_175 = arith.constant 0 : i32
        %dma_wait3A_176 = arith.constant 0 : i32
        %dma_wait3A_177 = tpu.memref_slice %arg7[%rem3A_132, %dma_wait3A_175, %dma_wait3A_176] : memref<3x125x128xf32, #tpu.memory_space<vmem>> -> memref<1x125x128xf32, #tpu.memory_space<vmem>>
        %dma_wait3A_178 = tpu.memref_squeeze %dma_wait3A_177 : memref<1x125x128xf32, #tpu.memory_space<vmem>> -> memref<125x128xf32, #tpu.memory_space<vmem>>
        %dma_wait3A_179 = arith.constant 0 : i32
        %dma_wait3A_180 = tpu.memref_slice %arg6[%dma_wait3A_173, %dma_wait3A_174, %dma_wait3A_179] : memref<4x2x125xi32, #tpu.memory_space<vmem>> -> memref<1x1x125xi32, #tpu.memory_space<vmem>>
        %dma_wait3A_181 = tpu.memref_squeeze %dma_wait3A_180 : memref<1x1x125xi32, #tpu.memory_space<vmem>> -> memref<125xi32, #tpu.memory_space<vmem>>
        %dma_wait3A_182 = arith.constant 0 : i32
        %dma_wait3A_183 = arith.constant 0 : i32
        %dma_wait3A_184 = tpu.memref_slice %arg2[%dma_wait3A_182, %dma_wait3A_183] : memref<10000x128xf32, #tpu.memory_space<hbm>> -> memref<10000x128xf32, #tpu.memory_space<hbm>>
        tpu.wait_indirect_dma semaphore(%arg11 : memref<!tpu.dma_semaphore, #tpu.memory_space<semaphore_mem>>) src(%dma_wait3A_184 : memref<10000x128xf32, #tpu.memory_space<hbm>>) dst(%dma_wait3A_178 : memref<125x128xf32, #tpu.memory_space<vmem>>)
      } else {
      }
      %mul3A_147 = arith.constant 4 : i32
      %mul3A_148 = arith.muli %scan3A_25, %mul3A_147 : i32
      %add3A_149 = arith.constant 3 : i32
      %add3A_150 = arith.addi %mul3A_148, %add3A_149 : i32
      %rem3A_151 = arith.constant 3 : i32
      %rem3A_152 = arith.remsi %add3A_150, %rem3A_151 : i32
      %add3A_153 = arith.constant 1 : i32
      %add3A_154 = arith.addi %add3A_150, %add3A_153 : i32
      %rem3A_155 = arith.constant 3 : i32
      %rem3A_156 = arith.remsi %add3A_154, %rem3A_155 : i32
      %add3A_157 = arith.constant 2 : i32
      %add3A_158 = arith.addi %add3A_150, %add3A_157 : i32
      %rem3A_159 = arith.constant 3 : i32
      %rem3A_160 = arith.remsi %add3A_158, %rem3A_159 : i32
      %lt3A_161 = arith.constant 19 : i32
      %lt3A_162 = arith.cmpi slt, %scan3A_25, %lt3A_161 : i32
      %convert_element_type3A_163 = arith.extui %lt3A_162 : i1 to i32
      %cond3A_164 = arith.constant 0 : i32
      %cond3A_165 = arith.cmpi ne, %convert_element_type3A_163, %cond3A_164 : i32
      scf.if %cond3A_165 {
        %add3A_171 = arith.addi %mul3A_2, %add3A_150 : i32
        %add3A_172 = arith.constant 3 : i32
        %add3A_173 = arith.addi %add3A_171, %add3A_172 : i32
        %dma_start3A_174 = arith.constant 2 : i32
        %dma_start3A_175 = arith.constant 0 : i32
        %dma_start3A_176 = arith.constant 0 : i32
        %dma_start3A_177 = tpu.memref_slice %arg6[%dma_start3A_174, %dma_start3A_175, %dma_start3A_176] : memref<4x2x125xi32, #tpu.memory_space<vmem>> -> memref<1x2x125xi32, #tpu.memory_space<vmem>>
        %dma_start3A_178 = tpu.memref_squeeze %dma_start3A_177 : memref<1x2x125xi32, #tpu.memory_space<vmem>> -> memref<2x125xi32, #tpu.memory_space<vmem>>
        %dma_start3A_179 = arith.constant 0 : i32
        %dma_start3A_180 = arith.constant 0 : i32
        %dma_start3A_181 = tpu.memref_slice %arg4[%add3A_173, %dma_start3A_179, %dma_start3A_180] : memref<2560x2x125xi32, #tpu.memory_space<hbm>> -> memref<1x2x125xi32, #tpu.memory_space<hbm>>
        %dma_start3A_182 = tpu.memref_squeeze %dma_start3A_181 : memref<1x2x125xi32, #tpu.memory_space<hbm>> -> memref<2x125xi32, #tpu.memory_space<hbm>>
        %dma_start3A_183 = arith.constant 0 : i32
        %dma_start3A_184 = arith.constant 0 : i32
        %dma_start3A_185 = tpu.memref_slice %arg6[%dma_start3A_174, %dma_start3A_183, %dma_start3A_184] : memref<4x2x125xi32, #tpu.memory_space<vmem>> -> memref<1x2x125xi32, #tpu.memory_space<vmem>>
        %dma_start3A_186 = tpu.memref_squeeze %dma_start3A_185 : memref<1x2x125xi32, #tpu.memory_space<vmem>> -> memref<2x125xi32, #tpu.memory_space<vmem>>
        %dma_start3A_187 = arith.constant 0 : i32
        %dma_start3A_188 = arith.constant 0 : i32
        %dma_start3A_189 = tpu.memref_slice %arg4[%add3A_173, %dma_start3A_187, %dma_start3A_188] : memref<2560x2x125xi32, #tpu.memory_space<hbm>> -> memref<1x2x125xi32, #tpu.memory_space<hbm>>
        %dma_start3A_190 = tpu.memref_squeeze %dma_start3A_189 : memref<1x2x125xi32, #tpu.memory_space<hbm>> -> memref<2x125xi32, #tpu.memory_space<hbm>>
        tpu.enqueue_dma source(%dma_start3A_190 : memref<2x125xi32, #tpu.memory_space<hbm>>) target(%dma_start3A_186 : memref<2x125xi32, #tpu.memory_space<vmem>>) target_semaphore(%arg9 : memref<!tpu.dma_semaphore, #tpu.memory_space<semaphore_mem>>)
        %dma_start3A_191 = arith.constant 1 : i32
        %dma_start3A_192 = arith.constant 0 : i32
        %dma_start3A_193 = arith.constant 0 : i32
        %dma_start3A_194 = arith.constant 0 : i32
        %dma_start3A_195 = tpu.memref_slice %arg7[%rem3A_160, %dma_start3A_193, %dma_start3A_194] : memref<3x125x128xf32, #tpu.memory_space<vmem>> -> memref<1x125x128xf32, #tpu.memory_space<vmem>>
        %dma_start3A_196 = tpu.memref_squeeze %dma_start3A_195 : memref<1x125x128xf32, #tpu.memory_space<vmem>> -> memref<125x128xf32, #tpu.memory_space<vmem>>
        %dma_start3A_197 = arith.constant 0 : i32
        %dma_start3A_198 = tpu.memref_slice %arg6[%dma_start3A_191, %dma_start3A_192, %dma_start3A_197] : memref<4x2x125xi32, #tpu.memory_space<vmem>> -> memref<1x1x125xi32, #tpu.memory_space<vmem>>
        %dma_start3A_199 = tpu.memref_squeeze %dma_start3A_198 : memref<1x1x125xi32, #tpu.memory_space<vmem>> -> memref<125xi32, #tpu.memory_space<vmem>>
        %dma_start3A_200 = arith.constant 0 : i32
        %dma_start3A_201 = arith.constant 0 : i32
        %dma_start3A_202 = tpu.memref_slice %arg2[%dma_start3A_200, %dma_start3A_201] : memref<10000x128xf32, #tpu.memory_space<hbm>> -> memref<10000x128xf32, #tpu.memory_space<hbm>>
        tpu.enqueue_indirect_dma source(%dma_start3A_202 : memref<10000x128xf32, #tpu.memory_space<hbm>>) target(%dma_start3A_196 : memref<125x128xf32, #tpu.memory_space<vmem>>) offsets(%dma_start3A_199 : memref<125xi32, #tpu.memory_space<vmem>>) semaphore(%arg11 : memref<!tpu.dma_semaphore, #tpu.memory_space<semaphore_mem>>)
        %run_scoped3A_203 = arith.constant 3 : i32
        %run_scoped3A_204 = arith.constant 1 : i32
        "tpu.region"() ({
          %run_scoped3A_234 = tpu.sem_alloc : memref<!tpu.dma_semaphore, #tpu.memory_space<semaphore_mem>>
          %dma_start3A_235 = arith.constant 0 : i32
          %dma_start3A_236 = arith.constant 0 : i32
          %dma_start3A_237 = tpu.memref_slice %arg7[%rem3A_152, %dma_start3A_235, %dma_start3A_236] : memref<3x125x128xf32, #tpu.memory_space<vmem>> -> memref<1x125x128xf32, #tpu.memory_space<vmem>>
          %dma_start3A_238 = tpu.memref_squeeze %dma_start3A_237 : memref<1x125x128xf32, #tpu.memory_space<vmem>> -> memref<125x128xf32, #tpu.memory_space<vmem>>
          %dma_start3A_239 = arith.constant 0 : i32
          %dma_start3A_240 = tpu.memref_slice %arg6[%run_scoped3A_203, %run_scoped3A_204, %dma_start3A_239] : memref<4x2x125xi32, #tpu.memory_space<vmem>> -> memref<1x1x125xi32, #tpu.memory_space<vmem>>
          %dma_start3A_241 = tpu.memref_squeeze %dma_start3A_240 : memref<1x1x125xi32, #tpu.memory_space<vmem>> -> memref<125xi32, #tpu.memory_space<vmem>>
          %dma_start3A_242 = arith.constant 0 : i32
          %dma_start3A_243 = arith.constant 0 : i32
          %dma_start3A_244 = tpu.memref_slice %arg8[%dma_start3A_242, %dma_start3A_243] : memref<10000x128xf32, #tpu.memory_space<vmem_shared>> -> memref<10000x128xf32, #tpu.memory_space<vmem_shared>>
          tpu.enqueue_indirect_dma source(%dma_start3A_238 : memref<125x128xf32, #tpu.memory_space<vmem>>) target(%dma_start3A_244 : memref<10000x128xf32, #tpu.memory_space<vmem_shared>>) offsets(%dma_start3A_241 : memref<125xi32, #tpu.memory_space<vmem>>) semaphore(%run_scoped3A_234 : memref<!tpu.dma_semaphore, #tpu.memory_space<semaphore_mem>>) {add = true}
          %dma_wait3A_245 = arith.constant 0 : i32
          %dma_wait3A_246 = arith.constant 0 : i32
          %dma_wait3A_247 = tpu.memref_slice %arg7[%rem3A_152, %dma_wait3A_245, %dma_wait3A_246] : memref<3x125x128xf32, #tpu.memory_space<vmem>> -> memref<1x125x128xf32, #tpu.memory_space<vmem>>
          %dma_wait3A_248 = tpu.memref_squeeze %dma_wait3A_247 : memref<1x125x128xf32, #tpu.memory_space<vmem>> -> memref<125x128xf32, #tpu.memory_space<vmem>>
          %dma_wait3A_249 = arith.constant 0 : i32
          %dma_wait3A_250 = tpu.memref_slice %arg6[%run_scoped3A_203, %run_scoped3A_204, %dma_wait3A_249] : memref<4x2x125xi32, #tpu.memory_space<vmem>> -> memref<1x1x125xi32, #tpu.memory_space<vmem>>
          %dma_wait3A_251 = tpu.memref_squeeze %dma_wait3A_250 : memref<1x1x125xi32, #tpu.memory_space<vmem>> -> memref<125xi32, #tpu.memory_space<vmem>>
          %dma_wait3A_252 = arith.constant 0 : i32
          %dma_wait3A_253 = arith.constant 0 : i32
          %dma_wait3A_254 = tpu.memref_slice %arg8[%dma_wait3A_252, %dma_wait3A_253] : memref<10000x128xf32, #tpu.memory_space<vmem_shared>> -> memref<10000x128xf32, #tpu.memory_space<vmem_shared>>
          tpu.wait_indirect_dma semaphore(%run_scoped3A_234 : memref<!tpu.dma_semaphore, #tpu.memory_space<semaphore_mem>>) src(%dma_wait3A_248 : memref<125x128xf32, #tpu.memory_space<vmem>>) dst(%dma_wait3A_254 : memref<10000x128xf32, #tpu.memory_space<vmem_shared>>)
          tpu.yield
        }) : () -> ()
        %dma_wait3A_205 = arith.constant 0 : i32
        %dma_wait3A_206 = arith.constant 0 : i32
        %dma_wait3A_207 = arith.constant 0 : i32
        %dma_wait3A_208 = arith.constant 0 : i32
        %dma_wait3A_209 = tpu.memref_slice %arg7[%rem3A_156, %dma_wait3A_207, %dma_wait3A_208] : memref<3x125x128xf32, #tpu.memory_space<vmem>> -> memref<1x125x128xf32, #tpu.memory_space<vmem>>
        %dma_wait3A_210 = tpu.memref_squeeze %dma_wait3A_209 : memref<1x125x128xf32, #tpu.memory_space<vmem>> -> memref<125x128xf32, #tpu.memory_space<vmem>>
        %dma_wait3A_211 = arith.constant 0 : i32
        %dma_wait3A_212 = tpu.memref_slice %arg6[%dma_wait3A_205, %dma_wait3A_206, %dma_wait3A_211] : memref<4x2x125xi32, #tpu.memory_space<vmem>> -> memref<1x1x125xi32, #tpu.memory_space<vmem>>
        %dma_wait3A_213 = tpu.memref_squeeze %dma_wait3A_212 : memref<1x1x125xi32, #tpu.memory_space<vmem>> -> memref<125xi32, #tpu.memory_space<vmem>>
        %dma_wait3A_214 = arith.constant 0 : i32
        %dma_wait3A_215 = arith.constant 0 : i32
        %dma_wait3A_216 = tpu.memref_slice %arg2[%dma_wait3A_214, %dma_wait3A_215] : memref<10000x128xf32, #tpu.memory_space<hbm>> -> memref<10000x128xf32, #tpu.memory_space<hbm>>
        tpu.wait_indirect_dma semaphore(%arg10 : memref<!tpu.dma_semaphore, #tpu.memory_space<semaphore_mem>>) src(%dma_wait3A_216 : memref<10000x128xf32, #tpu.memory_space<hbm>>) dst(%dma_wait3A_210 : memref<125x128xf32, #tpu.memory_space<vmem>>)
        %dma_wait3A_217 = arith.constant 2 : i32
        %dma_wait3A_218 = arith.constant 0 : i32
        %dma_wait3A_219 = arith.constant 0 : i32
        %dma_wait3A_220 = tpu.memref_slice %arg6[%dma_wait3A_217, %dma_wait3A_218, %dma_wait3A_219] : memref<4x2x125xi32, #tpu.memory_space<vmem>> -> memref<1x2x125xi32, #tpu.memory_space<vmem>>
        %dma_wait3A_221 = tpu.memref_squeeze %dma_wait3A_220 : memref<1x2x125xi32, #tpu.memory_space<vmem>> -> memref<2x125xi32, #tpu.memory_space<vmem>>
        %dma_wait3A_222 = arith.constant 0 : i32
        %dma_wait3A_223 = arith.constant 0 : i32
        %dma_wait3A_224 = tpu.memref_slice %arg4[%add3A_173, %dma_wait3A_222, %dma_wait3A_223] : memref<2560x2x125xi32, #tpu.memory_space<hbm>> -> memref<1x2x125xi32, #tpu.memory_space<hbm>>
        %dma_wait3A_225 = tpu.memref_squeeze %dma_wait3A_224 : memref<1x2x125xi32, #tpu.memory_space<hbm>> -> memref<2x125xi32, #tpu.memory_space<hbm>>
        %dma_wait3A_226 = arith.constant 0 : i32
        %dma_wait3A_227 = arith.constant 0 : i32
        %dma_wait3A_228 = tpu.memref_slice %arg6[%dma_wait3A_217, %dma_wait3A_226, %dma_wait3A_227] : memref<4x2x125xi32, #tpu.memory_space<vmem>> -> memref<1x2x125xi32, #tpu.memory_space<vmem>>
        %dma_wait3A_229 = tpu.memref_squeeze %dma_wait3A_228 : memref<1x2x125xi32, #tpu.memory_space<vmem>> -> memref<2x125xi32, #tpu.memory_space<vmem>>
        %dma_wait3A_230 = arith.constant 0 : i32
        %dma_wait3A_231 = arith.constant 0 : i32
        %dma_wait3A_232 = tpu.memref_slice %arg4[%add3A_173, %dma_wait3A_230, %dma_wait3A_231] : memref<2560x2x125xi32, #tpu.memory_space<hbm>> -> memref<1x2x125xi32, #tpu.memory_space<hbm>>
        %dma_wait3A_233 = tpu.memref_squeeze %dma_wait3A_232 : memref<1x2x125xi32, #tpu.memory_space<hbm>> -> memref<2x125xi32, #tpu.memory_space<hbm>>
        tpu.wait_dma2 semaphore(%arg9 : memref<!tpu.dma_semaphore, #tpu.memory_space<semaphore_mem>>) src(%dma_wait3A_233 : memref<2x125xi32, #tpu.memory_space<hbm>>) dst(%dma_wait3A_229 : memref<2x125xi32, #tpu.memory_space<vmem>>)
      } else {
      }
      %eq3A_166 = arith.constant 19 : i32
      %eq3A_167 = arith.cmpi eq, %scan3A_25, %eq3A_166 : i32
      %convert_element_type3A_168 = arith.extui %eq3A_167 : i1 to i32
      %cond3A_169 = arith.constant 0 : i32
      %cond3A_170 = arith.cmpi ne, %convert_element_type3A_168, %cond3A_169 : i32
      scf.if %cond3A_170 {
        %run_scoped3A_171 = arith.constant 3 : i32
        %run_scoped3A_172 = arith.constant 1 : i32
        "tpu.region"() ({
          %run_scoped3A_173 = tpu.sem_alloc : memref<!tpu.dma_semaphore, #tpu.memory_space<semaphore_mem>>
          %dma_start3A_174 = arith.constant 0 : i32
          %dma_start3A_175 = arith.constant 0 : i32
          %dma_start3A_176 = tpu.memref_slice %arg7[%rem3A_152, %dma_start3A_174, %dma_start3A_175] : memref<3x125x128xf32, #tpu.memory_space<vmem>> -> memref<1x125x128xf32, #tpu.memory_space<vmem>>
          %dma_start3A_177 = tpu.memref_squeeze %dma_start3A_176 : memref<1x125x128xf32, #tpu.memory_space<vmem>> -> memref<125x128xf32, #tpu.memory_space<vmem>>
          %dma_start3A_178 = arith.constant 0 : i32
          %dma_start3A_179 = tpu.memref_slice %arg6[%run_scoped3A_171, %run_scoped3A_172, %dma_start3A_178] : memref<4x2x125xi32, #tpu.memory_space<vmem>> -> memref<1x1x125xi32, #tpu.memory_space<vmem>>
          %dma_start3A_180 = tpu.memref_squeeze %dma_start3A_179 : memref<1x1x125xi32, #tpu.memory_space<vmem>> -> memref<125xi32, #tpu.memory_space<vmem>>
          %dma_start3A_181 = arith.constant 0 : i32
          %dma_start3A_182 = arith.constant 0 : i32
          %dma_start3A_183 = tpu.memref_slice %arg8[%dma_start3A_181, %dma_start3A_182] : memref<10000x128xf32, #tpu.memory_space<vmem_shared>> -> memref<10000x128xf32, #tpu.memory_space<vmem_shared>>
          tpu.enqueue_indirect_dma source(%dma_start3A_177 : memref<125x128xf32, #tpu.memory_space<vmem>>) target(%dma_start3A_183 : memref<10000x128xf32, #tpu.memory_space<vmem_shared>>) offsets(%dma_start3A_180 : memref<125xi32, #tpu.memory_space<vmem>>) semaphore(%run_scoped3A_173 : memref<!tpu.dma_semaphore, #tpu.memory_space<semaphore_mem>>) {add = true}
          %dma_wait3A_184 = arith.constant 0 : i32
          %dma_wait3A_185 = arith.constant 0 : i32
          %dma_wait3A_186 = tpu.memref_slice %arg7[%rem3A_152, %dma_wait3A_184, %dma_wait3A_185] : memref<3x125x128xf32, #tpu.memory_space<vmem>> -> memref<1x125x128xf32, #tpu.memory_space<vmem>>
          %dma_wait3A_187 = tpu.memref_squeeze %dma_wait3A_186 : memref<1x125x128xf32, #tpu.memory_space<vmem>> -> memref<125x128xf32, #tpu.memory_space<vmem>>
          %dma_wait3A_188 = arith.constant 0 : i32
          %dma_wait3A_189 = tpu.memref_slice %arg6[%run_scoped3A_171, %run_scoped3A_172, %dma_wait3A_188] : memref<4x2x125xi32, #tpu.memory_space<vmem>> -> memref<1x1x125xi32, #tpu.memory_space<vmem>>
          %dma_wait3A_190 = tpu.memref_squeeze %dma_wait3A_189 : memref<1x1x125xi32, #tpu.memory_space<vmem>> -> memref<125xi32, #tpu.memory_space<vmem>>
          %dma_wait3A_191 = arith.constant 0 : i32
          %dma_wait3A_192 = arith.constant 0 : i32
          %dma_wait3A_193 = tpu.memref_slice %arg8[%dma_wait3A_191, %dma_wait3A_192] : memref<10000x128xf32, #tpu.memory_space<vmem_shared>> -> memref<10000x128xf32, #tpu.memory_space<vmem_shared>>
          tpu.wait_indirect_dma semaphore(%run_scoped3A_173 : memref<!tpu.dma_semaphore, #tpu.memory_space<semaphore_mem>>) src(%dma_wait3A_187 : memref<125x128xf32, #tpu.memory_space<vmem>>) dst(%dma_wait3A_193 : memref<10000x128xf32, #tpu.memory_space<vmem_shared>>)
          tpu.yield
        }) : () -> ()
      } else {
      }
    }
    %scan3A_13 = arith.constant 20 : i32
    %barrier3A_14 = arith.constant 0 : index
    tpu.barrier barrier_id(%barrier3A_14)
    %lt3A_15 = arith.constant 15 : i32
    %lt3A_16 = arith.cmpi slt, %arg1, %lt3A_15 : i32
    %convert_element_type3A_17 = arith.extui %lt3A_16 : i1 to i32
    %cond3A_18 = arith.constant 0 : i32
    %cond3A_19 = arith.cmpi ne, %convert_element_type3A_17, %cond3A_18 : i32
    scf.if %cond3A_19 {
      %mul3A_25 = arith.constant 632 : i32
      %mul3A_26 = arith.muli %arg1, %mul3A_25 : i32
      %mul3A_27 = arith.constant 632 : i32
      %mul3A_28 = arith.muli %arg1, %mul3A_27 : i32
      "tpu.region"() ({
        %run_scoped3A = tpu.sem_alloc : memref<!tpu.dma_semaphore, #tpu.memory_space<semaphore_mem>>
        %dma_start3A = arith.constant 0 : i32
        %dma_start3A_29 = tpu.memref_slice %arg5[%arg0, %mul3A_28, %dma_start3A] : memref<2x10000x128xf32, #tpu.memory_space<hbm>> -> memref<1x632x128xf32, #tpu.memory_space<hbm>>
        %dma_start3A_30 = tpu.memref_squeeze %dma_start3A_29 : memref<1x632x128xf32, #tpu.memory_space<hbm>> -> memref<632x128xf32, #tpu.memory_space<hbm>>
        %dma_start3A_31 = arith.constant 0 : i32
        %dma_start3A_32 = tpu.memref_slice %arg8[%mul3A_26, %dma_start3A_31] : memref<10000x128xf32, #tpu.memory_space<vmem_shared>> -> memref<632x128xf32, #tpu.memory_space<vmem_shared>>
        tpu.enqueue_dma source(%dma_start3A_32 : memref<632x128xf32, #tpu.memory_space<vmem_shared>>) target(%dma_start3A_30 : memref<632x128xf32, #tpu.memory_space<hbm>>) target_semaphore(%run_scoped3A : memref<!tpu.dma_semaphore, #tpu.memory_space<semaphore_mem>>)
        %dma_wait3A = arith.constant 0 : i32
        %dma_wait3A_33 = tpu.memref_slice %arg5[%arg0, %mul3A_28, %dma_wait3A] : memref<2x10000x128xf32, #tpu.memory_space<hbm>> -> memref<1x632x128xf32, #tpu.memory_space<hbm>>
        %dma_wait3A_34 = tpu.memref_squeeze %dma_wait3A_33 : memref<1x632x128xf32, #tpu.memory_space<hbm>> -> memref<632x128xf32, #tpu.memory_space<hbm>>
        %dma_wait3A_35 = arith.constant 0 : i32
        %dma_wait3A_36 = tpu.memref_slice %arg8[%mul3A_26, %dma_wait3A_35] : memref<10000x128xf32, #tpu.memory_space<vmem_shared>> -> memref<632x128xf32, #tpu.memory_space<vmem_shared>>
        tpu.wait_dma2 semaphore(%run_scoped3A : memref<!tpu.dma_semaphore, #tpu.memory_space<semaphore_mem>>) src(%dma_wait3A_36 : memref<632x128xf32, #tpu.memory_space<vmem_shared>>) dst(%dma_wait3A_34 : memref<632x128xf32, #tpu.memory_space<hbm>>)
        tpu.yield
      }) : () -> ()
    } else {
    }
    %eq3A_20 = arith.constant 15 : i32
    %eq3A_21 = arith.cmpi eq, %arg1, %eq3A_20 : i32
    %convert_element_type3A_22 = arith.extui %eq3A_21 : i1 to i32
    %cond3A_23 = arith.constant 0 : i32
    %cond3A_24 = arith.cmpi ne, %convert_element_type3A_22, %cond3A_23 : i32
    scf.if %cond3A_24 {
      "tpu.region"() ({
        %run_scoped3A = tpu.sem_alloc : memref<!tpu.dma_semaphore, #tpu.memory_space<semaphore_mem>>
        %dma_start3A = arith.constant 9480 : i32
        %dma_start3A_25 = arith.constant 0 : i32
        %dma_start3A_26 = tpu.memref_slice %arg5[%arg0, %dma_start3A, %dma_start3A_25] : memref<2x10000x128xf32, #tpu.memory_space<hbm>> -> memref<1x520x128xf32, #tpu.memory_space<hbm>>
        %dma_start3A_27 = tpu.memref_squeeze %dma_start3A_26 : memref<1x520x128xf32, #tpu.memory_space<hbm>> -> memref<520x128xf32, #tpu.memory_space<hbm>>
        %dma_start3A_28 = arith.constant 9480 : i32
        %dma_start3A_29 = arith.constant 0 : i32
        %dma_start3A_30 = tpu.memref_slice %arg8[%dma_start3A_28, %dma_start3A_29] : memref<10000x128xf32, #tpu.memory_space<vmem_shared>> -> memref<520x128xf32, #tpu.memory_space<vmem_shared>>
        tpu.enqueue_dma source(%dma_start3A_30 : memref<520x128xf32, #tpu.memory_space<vmem_shared>>) target(%dma_start3A_27 : memref<520x128xf32, #tpu.memory_space<hbm>>) target_semaphore(%run_scoped3A : memref<!tpu.dma_semaphore, #tpu.memory_space<semaphore_mem>>)
        %dma_wait3A = arith.constant 9480 : i32
        %dma_wait3A_31 = arith.constant 0 : i32
        %dma_wait3A_32 = tpu.memref_slice %arg5[%arg0, %dma_wait3A, %dma_wait3A_31] : memref<2x10000x128xf32, #tpu.memory_space<hbm>> -> memref<1x520x128xf32, #tpu.memory_space<hbm>>
        %dma_wait3A_33 = tpu.memref_squeeze %dma_wait3A_32 : memref<1x520x128xf32, #tpu.memory_space<hbm>> -> memref<520x128xf32, #tpu.memory_space<hbm>>
        %dma_wait3A_34 = arith.constant 9480 : i32
        %dma_wait3A_35 = arith.constant 0 : i32
        %dma_wait3A_36 = tpu.memref_slice %arg8[%dma_wait3A_34, %dma_wait3A_35] : memref<10000x128xf32, #tpu.memory_space<vmem_shared>> -> memref<520x128xf32, #tpu.memory_space<vmem_shared>>
        tpu.wait_dma2 semaphore(%run_scoped3A : memref<!tpu.dma_semaphore, #tpu.memory_space<semaphore_mem>>) src(%dma_wait3A_36 : memref<520x128xf32, #tpu.memory_space<vmem_shared>>) dst(%dma_wait3A_33 : memref<520x128xf32, #tpu.memory_space<hbm>>)
        tpu.yield
      }) : () -> ()
    } else {
    }
    return
  }
}

#map = affine_map<(d0, d1) -> (0, 0)>
#map1 = affine_map<(d0, d1) -> (0, 0, 0)>
module attributes {stable_mosaic.version = 14 : i64} {
  func.func @_edge_kernel(%arg0: i32, %arg1: i32, %arg2: memref<10000x128xf32, #tpu.memory_space<hbm>>, %arg3: memref<632x128xf32, #tpu.memory_space<hbm>>, %arg4: memref<2560x2x125xi32, #tpu.memory_space<hbm>>, %arg5: memref<2x10000x128xf32, #tpu.memory_space<hbm>>, %arg6: memref<4x2x125xi32, #tpu.memory_space<vmem>>, %arg7: memref<3x125x128xf32, #tpu.memory_space<vmem>>, %arg8: memref<10000x128xf32, #tpu.memory_space<vmem_shared>>, %arg9: memref<!tpu.dma_semaphore, #tpu.memory_space<semaphore_mem>>, %arg10: memref<!tpu.dma_semaphore, #tpu.memory_space<semaphore_mem>>, %arg11: memref<!tpu.dma_semaphore, #tpu.memory_space<semaphore_mem>>, %arg12: memref<!tpu.dma_semaphore, #tpu.memory_space<semaphore_mem>>) attributes {dimension_semantics = [#tpu.dimension_semantics<core_parallel>, #tpu.dimension_semantics<subcore_parallel>], iteration_bounds = array<i64: 2, 16>, scalar_prefetch = 0 : i64, scratch_operands = 7 : i64, tpu.core_type = #tpu.core_type<sc_vector_subcore>, window_params = [{transform_indices = #map}, {transform_indices = #map}, {transform_indices = #map1}, {transform_indices = #map1}]} {
    %mul3A = arith.constant 16 : i32
    %mul3A_0 = arith.muli %arg0, %mul3A : i32
    %add3A = arith.addi %mul3A_0, %arg1 : i32
    %mul3A_1 = arith.constant 80 : i32
    %mul3A_2 = arith.muli %add3A, %mul3A_1 : i32
    %lt3A = arith.constant 15 : i32
    %lt3A_3 = arith.cmpi slt, %arg1, %lt3A : i32
    %convert_element_type3A = arith.extui %lt3A_3 : i1 to i32
    %cond3A = arith.constant 0 : i32
    %cond3A_4 = arith.cmpi ne, %convert_element_type3A, %cond3A : i32
    scf.if %cond3A_4 {
      %mul3A_25 = arith.constant 632 : i32
      %mul3A_26 = arith.muli %arg1, %mul3A_25 : i32
      %eq3A_27 = arith.constant 0 : i32
      %eq3A_28 = arith.cmpi eq, %arg0, %eq3A_27 : i32
      %convert_element_type3A_29 = arith.extui %eq3A_28 : i1 to i32
      %cond3A_30 = arith.constant 0 : i32
      %cond3A_31 = arith.cmpi ne, %convert_element_type3A_29, %cond3A_30 : i32
      scf.if %cond3A_31 {
        %dma_start3A_105 = arith.constant 0 : i32
        %dma_start3A_106 = tpu.memref_slice %arg8[%mul3A_26, %dma_start3A_105] : memref<10000x128xf32, #tpu.memory_space<vmem_shared>> -> memref<632x128xf32, #tpu.memory_space<vmem_shared>>
        %dma_start3A_107 = arith.constant 0 : i32
        %dma_start3A_108 = tpu.memref_slice %arg2[%mul3A_26, %dma_start3A_107] : memref<10000x128xf32, #tpu.memory_space<hbm>> -> memref<632x128xf32, #tpu.memory_space<hbm>>
        tpu.enqueue_dma source(%dma_start3A_108 : memref<632x128xf32, #tpu.memory_space<hbm>>) target(%dma_start3A_106 : memref<632x128xf32, #tpu.memory_space<vmem_shared>>) target_semaphore(%arg12 : memref<!tpu.dma_semaphore, #tpu.memory_space<semaphore_mem>>)
      } else {
      }
      %ne3A = arith.constant 0 : i32
      %ne3A_32 = arith.cmpi ne, %arg0, %ne3A : i32
      %convert_element_type3A_33 = arith.extui %ne3A_32 : i1 to i32
      %cond3A_34 = arith.constant 0 : i32
      %cond3A_35 = arith.cmpi ne, %convert_element_type3A_33, %cond3A_34 : i32
      scf.if %cond3A_35 {
        %dma_start3A_105 = arith.constant 0 : i32
        %dma_start3A_106 = tpu.memref_slice %arg8[%mul3A_26, %dma_start3A_105] : memref<10000x128xf32, #tpu.memory_space<vmem_shared>> -> memref<632x128xf32, #tpu.memory_space<vmem_shared>>
        %dma_start3A_107 = arith.constant 0 : i32
        %dma_start3A_108 = arith.constant 0 : i32
        %dma_start3A_109 = tpu.memref_slice %arg3[%dma_start3A_107, %dma_start3A_108] : memref<632x128xf32, #tpu.memory_space<hbm>> -> memref<632x128xf32, #tpu.memory_space<hbm>>
        tpu.enqueue_dma source(%dma_start3A_109 : memref<632x128xf32, #tpu.memory_space<hbm>>) target(%dma_start3A_106 : memref<632x128xf32, #tpu.memory_space<vmem_shared>>) target_semaphore(%arg12 : memref<!tpu.dma_semaphore, #tpu.memory_space<semaphore_mem>>)
      } else {
      }
      %dma_start3A = arith.constant 0 : i32
      %dma_start3A_36 = arith.constant 0 : i32
      %dma_start3A_37 = arith.constant 0 : i32
      %dma_start3A_38 = tpu.memref_slice %arg6[%dma_start3A, %dma_start3A_36, %dma_start3A_37] : memref<4x2x125xi32, #tpu.memory_space<vmem>> -> memref<3x2x125xi32, #tpu.memory_space<vmem>>
      %dma_start3A_39 = arith.constant 0 : i32
      %dma_start3A_40 = arith.constant 0 : i32
      %dma_start3A_41 = tpu.memref_slice %arg4[%mul3A_2, %dma_start3A_39, %dma_start3A_40] : memref<2560x2x125xi32, #tpu.memory_space<hbm>> -> memref<3x2x125xi32, #tpu.memory_space<hbm>>
      %dma_start3A_42 = arith.constant 0 : i32
      %dma_start3A_43 = arith.constant 0 : i32
      %dma_start3A_44 = arith.constant 0 : i32
      %dma_start3A_45 = tpu.memref_slice %arg6[%dma_start3A_42, %dma_start3A_43, %dma_start3A_44] : memref<4x2x125xi32, #tpu.memory_space<vmem>> -> memref<3x2x125xi32, #tpu.memory_space<vmem>>
      %dma_start3A_46 = arith.constant 0 : i32
      %dma_start3A_47 = arith.constant 0 : i32
      %dma_start3A_48 = tpu.memref_slice %arg4[%mul3A_2, %dma_start3A_46, %dma_start3A_47] : memref<2560x2x125xi32, #tpu.memory_space<hbm>> -> memref<3x2x125xi32, #tpu.memory_space<hbm>>
      tpu.enqueue_dma source(%dma_start3A_48 : memref<3x2x125xi32, #tpu.memory_space<hbm>>) target(%dma_start3A_45 : memref<3x2x125xi32, #tpu.memory_space<vmem>>) target_semaphore(%arg9 : memref<!tpu.dma_semaphore, #tpu.memory_space<semaphore_mem>>)
      %dma_wait3A = arith.constant 0 : i32
      %dma_wait3A_49 = arith.constant 0 : i32
      %dma_wait3A_50 = arith.constant 0 : i32
      %dma_wait3A_51 = tpu.memref_slice %arg6[%dma_wait3A, %dma_wait3A_49, %dma_wait3A_50] : memref<4x2x125xi32, #tpu.memory_space<vmem>> -> memref<3x2x125xi32, #tpu.memory_space<vmem>>
      %dma_wait3A_52 = arith.constant 0 : i32
      %dma_wait3A_53 = arith.constant 0 : i32
      %dma_wait3A_54 = tpu.memref_slice %arg4[%mul3A_2, %dma_wait3A_52, %dma_wait3A_53] : memref<2560x2x125xi32, #tpu.memory_space<hbm>> -> memref<3x2x125xi32, #tpu.memory_space<hbm>>
      %dma_wait3A_55 = arith.constant 0 : i32
      %dma_wait3A_56 = arith.constant 0 : i32
      %dma_wait3A_57 = arith.constant 0 : i32
      %dma_wait3A_58 = tpu.memref_slice %arg6[%dma_wait3A_55, %dma_wait3A_56, %dma_wait3A_57] : memref<4x2x125xi32, #tpu.memory_space<vmem>> -> memref<3x2x125xi32, #tpu.memory_space<vmem>>
      %dma_wait3A_59 = arith.constant 0 : i32
      %dma_wait3A_60 = arith.constant 0 : i32
      %dma_wait3A_61 = tpu.memref_slice %arg4[%mul3A_2, %dma_wait3A_59, %dma_wait3A_60] : memref<2560x2x125xi32, #tpu.memory_space<hbm>> -> memref<3x2x125xi32, #tpu.memory_space<hbm>>
      tpu.wait_dma2 semaphore(%arg9 : memref<!tpu.dma_semaphore, #tpu.memory_space<semaphore_mem>>) src(%dma_wait3A_61 : memref<3x2x125xi32, #tpu.memory_space<hbm>>) dst(%dma_wait3A_58 : memref<3x2x125xi32, #tpu.memory_space<vmem>>)
      %dma_start3A_62 = arith.constant 0 : i32
      %dma_start3A_63 = arith.constant 0 : i32
      %dma_start3A_64 = arith.constant 0 : i32
      %dma_start3A_65 = arith.constant 0 : i32
      %dma_start3A_66 = arith.constant 0 : i32
      %dma_start3A_67 = tpu.memref_slice %arg7[%dma_start3A_64, %dma_start3A_65, %dma_start3A_66] : memref<3x125x128xf32, #tpu.memory_space<vmem>> -> memref<1x125x128xf32, #tpu.memory_space<vmem>>
      %dma_start3A_68 = tpu.memref_squeeze %dma_start3A_67 : memref<1x125x128xf32, #tpu.memory_space<vmem>> -> memref<125x128xf32, #tpu.memory_space<vmem>>
      %dma_start3A_69 = arith.constant 0 : i32
      %dma_start3A_70 = tpu.memref_slice %arg6[%dma_start3A_62, %dma_start3A_63, %dma_start3A_69] : memref<4x2x125xi32, #tpu.memory_space<vmem>> -> memref<1x1x125xi32, #tpu.memory_space<vmem>>
      %dma_start3A_71 = tpu.memref_squeeze %dma_start3A_70 : memref<1x1x125xi32, #tpu.memory_space<vmem>> -> memref<125xi32, #tpu.memory_space<vmem>>
      %dma_start3A_72 = arith.constant 0 : i32
      %dma_start3A_73 = arith.constant 0 : i32
      %dma_start3A_74 = tpu.memref_slice %arg2[%dma_start3A_72, %dma_start3A_73] : memref<10000x128xf32, #tpu.memory_space<hbm>> -> memref<10000x128xf32, #tpu.memory_space<hbm>>
      tpu.enqueue_indirect_dma source(%dma_start3A_74 : memref<10000x128xf32, #tpu.memory_space<hbm>>) target(%dma_start3A_68 : memref<125x128xf32, #tpu.memory_space<vmem>>) offsets(%dma_start3A_71 : memref<125xi32, #tpu.memory_space<vmem>>) semaphore(%arg10 : memref<!tpu.dma_semaphore, #tpu.memory_space<semaphore_mem>>)
      %dma_start3A_75 = arith.constant 1 : i32
      %dma_start3A_76 = arith.constant 0 : i32
      %dma_start3A_77 = arith.constant 1 : i32
      %dma_start3A_78 = arith.constant 0 : i32
      %dma_start3A_79 = arith.constant 0 : i32
      %dma_start3A_80 = tpu.memref_slice %arg7[%dma_start3A_77, %dma_start3A_78, %dma_start3A_79] : memref<3x125x128xf32, #tpu.memory_space<vmem>> -> memref<1x125x128xf32, #tpu.memory_space<vmem>>
      %dma_start3A_81 = tpu.memref_squeeze %dma_start3A_80 : memref<1x125x128xf32, #tpu.memory_space<vmem>> -> memref<125x128xf32, #tpu.memory_space<vmem>>
      %dma_start3A_82 = arith.constant 0 : i32
      %dma_start3A_83 = tpu.memref_slice %arg6[%dma_start3A_75, %dma_start3A_76, %dma_start3A_82] : memref<4x2x125xi32, #tpu.memory_space<vmem>> -> memref<1x1x125xi32, #tpu.memory_space<vmem>>
      %dma_start3A_84 = tpu.memref_squeeze %dma_start3A_83 : memref<1x1x125xi32, #tpu.memory_space<vmem>> -> memref<125xi32, #tpu.memory_space<vmem>>
      %dma_start3A_85 = arith.constant 0 : i32
      %dma_start3A_86 = arith.constant 0 : i32
      %dma_start3A_87 = tpu.memref_slice %arg2[%dma_start3A_85, %dma_start3A_86] : memref<10000x128xf32, #tpu.memory_space<hbm>> -> memref<10000x128xf32, #tpu.memory_space<hbm>>
      tpu.enqueue_indirect_dma source(%dma_start3A_87 : memref<10000x128xf32, #tpu.memory_space<hbm>>) target(%dma_start3A_81 : memref<125x128xf32, #tpu.memory_space<vmem>>) offsets(%dma_start3A_84 : memref<125xi32, #tpu.memory_space<vmem>>) semaphore(%arg11 : memref<!tpu.dma_semaphore, #tpu.memory_space<semaphore_mem>>)
      %dma_wait3A_88 = arith.constant 0 : i32
      %dma_wait3A_89 = arith.constant 0 : i32
      %dma_wait3A_90 = arith.constant 0 : i32
      %dma_wait3A_91 = arith.constant 0 : i32
      %dma_wait3A_92 = arith.constant 0 : i32
      %dma_wait3A_93 = tpu.memref_slice %arg7[%dma_wait3A_90, %dma_wait3A_91, %dma_wait3A_92] : memref<3x125x128xf32, #tpu.memory_space<vmem>> -> memref<1x125x128xf32, #tpu.memory_space<vmem>>
      %dma_wait3A_94 = tpu.memref_squeeze %dma_wait3A_93 : memref<1x125x128xf32, #tpu.memory_space<vmem>> -> memref<125x128xf32, #tpu.memory_space<vmem>>
      %dma_wait3A_95 = arith.constant 0 : i32
      %dma_wait3A_96 = tpu.memref_slice %arg6[%dma_wait3A_88, %dma_wait3A_89, %dma_wait3A_95] : memref<4x2x125xi32, #tpu.memory_space<vmem>> -> memref<1x1x125xi32, #tpu.memory_space<vmem>>
      %dma_wait3A_97 = tpu.memref_squeeze %dma_wait3A_96 : memref<1x1x125xi32, #tpu.memory_space<vmem>> -> memref<125xi32, #tpu.memory_space<vmem>>
      %dma_wait3A_98 = arith.constant 0 : i32
      %dma_wait3A_99 = arith.constant 0 : i32
      %dma_wait3A_100 = tpu.memref_slice %arg2[%dma_wait3A_98, %dma_wait3A_99] : memref<10000x128xf32, #tpu.memory_space<hbm>> -> memref<10000x128xf32, #tpu.memory_space<hbm>>
      tpu.wait_indirect_dma semaphore(%arg10 : memref<!tpu.dma_semaphore, #tpu.memory_space<semaphore_mem>>) src(%dma_wait3A_100 : memref<10000x128xf32, #tpu.memory_space<hbm>>) dst(%dma_wait3A_94 : memref<125x128xf32, #tpu.memory_space<vmem>>)
      %dma_wait3A_101 = arith.constant 0 : i32
      %dma_wait3A_102 = tpu.memref_slice %arg8[%mul3A_26, %dma_wait3A_101] : memref<10000x128xf32, #tpu.memory_space<vmem_shared>> -> memref<632x128xf32, #tpu.memory_space<vmem_shared>>
      %dma_wait3A_103 = arith.constant 0 : i32
      %dma_wait3A_104 = tpu.memref_slice %arg2[%mul3A_26, %dma_wait3A_103] : memref<10000x128xf32, #tpu.memory_space<hbm>> -> memref<632x128xf32, #tpu.memory_space<hbm>>
      tpu.wait_dma2 semaphore(%arg12 : memref<!tpu.dma_semaphore, #tpu.memory_space<semaphore_mem>>) src(%dma_wait3A_104 : memref<632x128xf32, #tpu.memory_space<hbm>>) dst(%dma_wait3A_102 : memref<632x128xf32, #tpu.memory_space<vmem_shared>>)
    } else {
    }
    %eq3A = arith.constant 15 : i32
    %eq3A_5 = arith.cmpi eq, %arg1, %eq3A : i32
    %convert_element_type3A_6 = arith.extui %eq3A_5 : i1 to i32
    %cond3A_7 = arith.constant 0 : i32
    %cond3A_8 = arith.cmpi ne, %convert_element_type3A_6, %cond3A_7 : i32
    scf.if %cond3A_8 {
      %eq3A_25 = arith.constant 0 : i32
      %eq3A_26 = arith.cmpi eq, %arg0, %eq3A_25 : i32
      %convert_element_type3A_27 = arith.extui %eq3A_26 : i1 to i32
      %cond3A_28 = arith.constant 0 : i32
      %cond3A_29 = arith.cmpi ne, %convert_element_type3A_27, %cond3A_28 : i32
      scf.if %cond3A_29 {
        %dma_start3A_105 = arith.constant 9480 : i32
        %dma_start3A_106 = arith.constant 0 : i32
        %dma_start3A_107 = tpu.memref_slice %arg8[%dma_start3A_105, %dma_start3A_106] : memref<10000x128xf32, #tpu.memory_space<vmem_shared>> -> memref<520x128xf32, #tpu.memory_space<vmem_shared>>
        %dma_start3A_108 = arith.constant 9480 : i32
        %dma_start3A_109 = arith.constant 0 : i32
        %dma_start3A_110 = tpu.memref_slice %arg2[%dma_start3A_108, %dma_start3A_109] : memref<10000x128xf32, #tpu.memory_space<hbm>> -> memref<520x128xf32, #tpu.memory_space<hbm>>
        tpu.enqueue_dma source(%dma_start3A_110 : memref<520x128xf32, #tpu.memory_space<hbm>>) target(%dma_start3A_107 : memref<520x128xf32, #tpu.memory_space<vmem_shared>>) target_semaphore(%arg12 : memref<!tpu.dma_semaphore, #tpu.memory_space<semaphore_mem>>)
      } else {
      }
      %ne3A = arith.constant 0 : i32
      %ne3A_30 = arith.cmpi ne, %arg0, %ne3A : i32
      %convert_element_type3A_31 = arith.extui %ne3A_30 : i1 to i32
      %cond3A_32 = arith.constant 0 : i32
      %cond3A_33 = arith.cmpi ne, %convert_element_type3A_31, %cond3A_32 : i32
      scf.if %cond3A_33 {
        %dma_start3A_105 = arith.constant 9480 : i32
        %dma_start3A_106 = arith.constant 0 : i32
        %dma_start3A_107 = tpu.memref_slice %arg8[%dma_start3A_105, %dma_start3A_106] : memref<10000x128xf32, #tpu.memory_space<vmem_shared>> -> memref<520x128xf32, #tpu.memory_space<vmem_shared>>
        %dma_start3A_108 = arith.constant 0 : i32
        %dma_start3A_109 = arith.constant 0 : i32
        %dma_start3A_110 = tpu.memref_slice %arg3[%dma_start3A_108, %dma_start3A_109] : memref<632x128xf32, #tpu.memory_space<hbm>> -> memref<520x128xf32, #tpu.memory_space<hbm>>
        tpu.enqueue_dma source(%dma_start3A_110 : memref<520x128xf32, #tpu.memory_space<hbm>>) target(%dma_start3A_107 : memref<520x128xf32, #tpu.memory_space<vmem_shared>>) target_semaphore(%arg12 : memref<!tpu.dma_semaphore, #tpu.memory_space<semaphore_mem>>)
      } else {
      }
      %dma_start3A = arith.constant 0 : i32
      %dma_start3A_34 = arith.constant 0 : i32
      %dma_start3A_35 = arith.constant 0 : i32
      %dma_start3A_36 = tpu.memref_slice %arg6[%dma_start3A, %dma_start3A_34, %dma_start3A_35] : memref<4x2x125xi32, #tpu.memory_space<vmem>> -> memref<3x2x125xi32, #tpu.memory_space<vmem>>
      %dma_start3A_37 = arith.constant 0 : i32
      %dma_start3A_38 = arith.constant 0 : i32
      %dma_start3A_39 = tpu.memref_slice %arg4[%mul3A_2, %dma_start3A_37, %dma_start3A_38] : memref<2560x2x125xi32, #tpu.memory_space<hbm>> -> memref<3x2x125xi32, #tpu.memory_space<hbm>>
      %dma_start3A_40 = arith.constant 0 : i32
      %dma_start3A_41 = arith.constant 0 : i32
      %dma_start3A_42 = arith.constant 0 : i32
      %dma_start3A_43 = tpu.memref_slice %arg6[%dma_start3A_40, %dma_start3A_41, %dma_start3A_42] : memref<4x2x125xi32, #tpu.memory_space<vmem>> -> memref<3x2x125xi32, #tpu.memory_space<vmem>>
      %dma_start3A_44 = arith.constant 0 : i32
      %dma_start3A_45 = arith.constant 0 : i32
      %dma_start3A_46 = tpu.memref_slice %arg4[%mul3A_2, %dma_start3A_44, %dma_start3A_45] : memref<2560x2x125xi32, #tpu.memory_space<hbm>> -> memref<3x2x125xi32, #tpu.memory_space<hbm>>
      tpu.enqueue_dma source(%dma_start3A_46 : memref<3x2x125xi32, #tpu.memory_space<hbm>>) target(%dma_start3A_43 : memref<3x2x125xi32, #tpu.memory_space<vmem>>) target_semaphore(%arg9 : memref<!tpu.dma_semaphore, #tpu.memory_space<semaphore_mem>>)
      %dma_wait3A = arith.constant 0 : i32
      %dma_wait3A_47 = arith.constant 0 : i32
      %dma_wait3A_48 = arith.constant 0 : i32
      %dma_wait3A_49 = tpu.memref_slice %arg6[%dma_wait3A, %dma_wait3A_47, %dma_wait3A_48] : memref<4x2x125xi32, #tpu.memory_space<vmem>> -> memref<3x2x125xi32, #tpu.memory_space<vmem>>
      %dma_wait3A_50 = arith.constant 0 : i32
      %dma_wait3A_51 = arith.constant 0 : i32
      %dma_wait3A_52 = tpu.memref_slice %arg4[%mul3A_2, %dma_wait3A_50, %dma_wait3A_51] : memref<2560x2x125xi32, #tpu.memory_space<hbm>> -> memref<3x2x125xi32, #tpu.memory_space<hbm>>
      %dma_wait3A_53 = arith.constant 0 : i32
      %dma_wait3A_54 = arith.constant 0 : i32
      %dma_wait3A_55 = arith.constant 0 : i32
      %dma_wait3A_56 = tpu.memref_slice %arg6[%dma_wait3A_53, %dma_wait3A_54, %dma_wait3A_55] : memref<4x2x125xi32, #tpu.memory_space<vmem>> -> memref<3x2x125xi32, #tpu.memory_space<vmem>>
      %dma_wait3A_57 = arith.constant 0 : i32
      %dma_wait3A_58 = arith.constant 0 : i32
      %dma_wait3A_59 = tpu.memref_slice %arg4[%mul3A_2, %dma_wait3A_57, %dma_wait3A_58] : memref<2560x2x125xi32, #tpu.memory_space<hbm>> -> memref<3x2x125xi32, #tpu.memory_space<hbm>>
      tpu.wait_dma2 semaphore(%arg9 : memref<!tpu.dma_semaphore, #tpu.memory_space<semaphore_mem>>) src(%dma_wait3A_59 : memref<3x2x125xi32, #tpu.memory_space<hbm>>) dst(%dma_wait3A_56 : memref<3x2x125xi32, #tpu.memory_space<vmem>>)
      %dma_start3A_60 = arith.constant 0 : i32
      %dma_start3A_61 = arith.constant 0 : i32
      %dma_start3A_62 = arith.constant 0 : i32
      %dma_start3A_63 = arith.constant 0 : i32
      %dma_start3A_64 = arith.constant 0 : i32
      %dma_start3A_65 = tpu.memref_slice %arg7[%dma_start3A_62, %dma_start3A_63, %dma_start3A_64] : memref<3x125x128xf32, #tpu.memory_space<vmem>> -> memref<1x125x128xf32, #tpu.memory_space<vmem>>
      %dma_start3A_66 = tpu.memref_squeeze %dma_start3A_65 : memref<1x125x128xf32, #tpu.memory_space<vmem>> -> memref<125x128xf32, #tpu.memory_space<vmem>>
      %dma_start3A_67 = arith.constant 0 : i32
      %dma_start3A_68 = tpu.memref_slice %arg6[%dma_start3A_60, %dma_start3A_61, %dma_start3A_67] : memref<4x2x125xi32, #tpu.memory_space<vmem>> -> memref<1x1x125xi32, #tpu.memory_space<vmem>>
      %dma_start3A_69 = tpu.memref_squeeze %dma_start3A_68 : memref<1x1x125xi32, #tpu.memory_space<vmem>> -> memref<125xi32, #tpu.memory_space<vmem>>
      %dma_start3A_70 = arith.constant 0 : i32
      %dma_start3A_71 = arith.constant 0 : i32
      %dma_start3A_72 = tpu.memref_slice %arg2[%dma_start3A_70, %dma_start3A_71] : memref<10000x128xf32, #tpu.memory_space<hbm>> -> memref<10000x128xf32, #tpu.memory_space<hbm>>
      tpu.enqueue_indirect_dma source(%dma_start3A_72 : memref<10000x128xf32, #tpu.memory_space<hbm>>) target(%dma_start3A_66 : memref<125x128xf32, #tpu.memory_space<vmem>>) offsets(%dma_start3A_69 : memref<125xi32, #tpu.memory_space<vmem>>) semaphore(%arg10 : memref<!tpu.dma_semaphore, #tpu.memory_space<semaphore_mem>>)
      %dma_start3A_73 = arith.constant 1 : i32
      %dma_start3A_74 = arith.constant 0 : i32
      %dma_start3A_75 = arith.constant 1 : i32
      %dma_start3A_76 = arith.constant 0 : i32
      %dma_start3A_77 = arith.constant 0 : i32
      %dma_start3A_78 = tpu.memref_slice %arg7[%dma_start3A_75, %dma_start3A_76, %dma_start3A_77] : memref<3x125x128xf32, #tpu.memory_space<vmem>> -> memref<1x125x128xf32, #tpu.memory_space<vmem>>
      %dma_start3A_79 = tpu.memref_squeeze %dma_start3A_78 : memref<1x125x128xf32, #tpu.memory_space<vmem>> -> memref<125x128xf32, #tpu.memory_space<vmem>>
      %dma_start3A_80 = arith.constant 0 : i32
      %dma_start3A_81 = tpu.memref_slice %arg6[%dma_start3A_73, %dma_start3A_74, %dma_start3A_80] : memref<4x2x125xi32, #tpu.memory_space<vmem>> -> memref<1x1x125xi32, #tpu.memory_space<vmem>>
      %dma_start3A_82 = tpu.memref_squeeze %dma_start3A_81 : memref<1x1x125xi32, #tpu.memory_space<vmem>> -> memref<125xi32, #tpu.memory_space<vmem>>
      %dma_start3A_83 = arith.constant 0 : i32
      %dma_start3A_84 = arith.constant 0 : i32
      %dma_start3A_85 = tpu.memref_slice %arg2[%dma_start3A_83, %dma_start3A_84] : memref<10000x128xf32, #tpu.memory_space<hbm>> -> memref<10000x128xf32, #tpu.memory_space<hbm>>
      tpu.enqueue_indirect_dma source(%dma_start3A_85 : memref<10000x128xf32, #tpu.memory_space<hbm>>) target(%dma_start3A_79 : memref<125x128xf32, #tpu.memory_space<vmem>>) offsets(%dma_start3A_82 : memref<125xi32, #tpu.memory_space<vmem>>) semaphore(%arg11 : memref<!tpu.dma_semaphore, #tpu.memory_space<semaphore_mem>>)
      %dma_wait3A_86 = arith.constant 0 : i32
      %dma_wait3A_87 = arith.constant 0 : i32
      %dma_wait3A_88 = arith.constant 0 : i32
      %dma_wait3A_89 = arith.constant 0 : i32
      %dma_wait3A_90 = arith.constant 0 : i32
      %dma_wait3A_91 = tpu.memref_slice %arg7[%dma_wait3A_88, %dma_wait3A_89, %dma_wait3A_90] : memref<3x125x128xf32, #tpu.memory_space<vmem>> -> memref<1x125x128xf32, #tpu.memory_space<vmem>>
      %dma_wait3A_92 = tpu.memref_squeeze %dma_wait3A_91 : memref<1x125x128xf32, #tpu.memory_space<vmem>> -> memref<125x128xf32, #tpu.memory_space<vmem>>
      %dma_wait3A_93 = arith.constant 0 : i32
      %dma_wait3A_94 = tpu.memref_slice %arg6[%dma_wait3A_86, %dma_wait3A_87, %dma_wait3A_93] : memref<4x2x125xi32, #tpu.memory_space<vmem>> -> memref<1x1x125xi32, #tpu.memory_space<vmem>>
      %dma_wait3A_95 = tpu.memref_squeeze %dma_wait3A_94 : memref<1x1x125xi32, #tpu.memory_space<vmem>> -> memref<125xi32, #tpu.memory_space<vmem>>
      %dma_wait3A_96 = arith.constant 0 : i32
      %dma_wait3A_97 = arith.constant 0 : i32
      %dma_wait3A_98 = tpu.memref_slice %arg2[%dma_wait3A_96, %dma_wait3A_97] : memref<10000x128xf32, #tpu.memory_space<hbm>> -> memref<10000x128xf32, #tpu.memory_space<hbm>>
      tpu.wait_indirect_dma semaphore(%arg10 : memref<!tpu.dma_semaphore, #tpu.memory_space<semaphore_mem>>) src(%dma_wait3A_98 : memref<10000x128xf32, #tpu.memory_space<hbm>>) dst(%dma_wait3A_92 : memref<125x128xf32, #tpu.memory_space<vmem>>)
      %dma_wait3A_99 = arith.constant 9480 : i32
      %dma_wait3A_100 = arith.constant 0 : i32
      %dma_wait3A_101 = tpu.memref_slice %arg8[%dma_wait3A_99, %dma_wait3A_100] : memref<10000x128xf32, #tpu.memory_space<vmem_shared>> -> memref<520x128xf32, #tpu.memory_space<vmem_shared>>
      %dma_wait3A_102 = arith.constant 9480 : i32
      %dma_wait3A_103 = arith.constant 0 : i32
      %dma_wait3A_104 = tpu.memref_slice %arg2[%dma_wait3A_102, %dma_wait3A_103] : memref<10000x128xf32, #tpu.memory_space<hbm>> -> memref<520x128xf32, #tpu.memory_space<hbm>>
      tpu.wait_dma2 semaphore(%arg12 : memref<!tpu.dma_semaphore, #tpu.memory_space<semaphore_mem>>) src(%dma_wait3A_104 : memref<520x128xf32, #tpu.memory_space<hbm>>) dst(%dma_wait3A_101 : memref<520x128xf32, #tpu.memory_space<vmem_shared>>)
    } else {
    }
    %barrier3A = arith.constant 0 : index
    tpu.barrier barrier_id(%barrier3A)
    %scan3A = arith.constant 0 : i32
    %scan3A_9 = arith.constant 0 : i32
    %scan3A_10 = arith.constant 20 : i32
    %scan3A_11 = arith.addi %scan3A_9, %scan3A_10 : i32
    %scan3A_12 = arith.constant 1 : i32
    scf.for %scan3A_25 = %scan3A_9 to %scan3A_11 step %scan3A_12  : i32 {
      %mul3A_26 = arith.constant 4 : i32
      %mul3A_27 = arith.muli %scan3A_25, %mul3A_26 : i32
      %add3A_28 = arith.constant 0 : i32
      %add3A_29 = arith.addi %mul3A_27, %add3A_28 : i32
      %rem3A = arith.constant 3 : i32
      %rem3A_30 = arith.remsi %add3A_29, %rem3A : i32
      %add3A_31 = arith.constant 1 : i32
      %add3A_32 = arith.addi %add3A_29, %add3A_31 : i32
      %rem3A_33 = arith.constant 3 : i32
      %rem3A_34 = arith.remsi %add3A_32, %rem3A_33 : i32
      %add3A_35 = arith.constant 2 : i32
      %add3A_36 = arith.addi %add3A_29, %add3A_35 : i32
      %rem3A_37 = arith.constant 3 : i32
      %rem3A_38 = arith.remsi %add3A_36, %rem3A_37 : i32
      %add3A_39 = arith.addi %mul3A_2, %add3A_29 : i32
      %add3A_40 = arith.constant 3 : i32
      %add3A_41 = arith.addi %add3A_39, %add3A_40 : i32
      %dma_start3A = arith.constant 3 : i32
      %dma_start3A_42 = arith.constant 0 : i32
      %dma_start3A_43 = arith.constant 0 : i32
      %dma_start3A_44 = tpu.memref_slice %arg6[%dma_start3A, %dma_start3A_42, %dma_start3A_43] : memref<4x2x125xi32, #tpu.memory_space<vmem>> -> memref<1x2x125xi32, #tpu.memory_space<vmem>>
      %dma_start3A_45 = tpu.memref_squeeze %dma_start3A_44 : memref<1x2x125xi32, #tpu.memory_space<vmem>> -> memref<2x125xi32, #tpu.memory_space<vmem>>
      %dma_start3A_46 = arith.constant 0 : i32
      %dma_start3A_47 = arith.constant 0 : i32
      %dma_start3A_48 = tpu.memref_slice %arg4[%add3A_41, %dma_start3A_46, %dma_start3A_47] : memref<2560x2x125xi32, #tpu.memory_space<hbm>> -> memref<1x2x125xi32, #tpu.memory_space<hbm>>
      %dma_start3A_49 = tpu.memref_squeeze %dma_start3A_48 : memref<1x2x125xi32, #tpu.memory_space<hbm>> -> memref<2x125xi32, #tpu.memory_space<hbm>>
      %dma_start3A_50 = arith.constant 0 : i32
      %dma_start3A_51 = arith.constant 0 : i32
      %dma_start3A_52 = tpu.memref_slice %arg6[%dma_start3A, %dma_start3A_50, %dma_start3A_51] : memref<4x2x125xi32, #tpu.memory_space<vmem>> -> memref<1x2x125xi32, #tpu.memory_space<vmem>>
      %dma_start3A_53 = tpu.memref_squeeze %dma_start3A_52 : memref<1x2x125xi32, #tpu.memory_space<vmem>> -> memref<2x125xi32, #tpu.memory_space<vmem>>
      %dma_start3A_54 = arith.constant 0 : i32
      %dma_start3A_55 = arith.constant 0 : i32
      %dma_start3A_56 = tpu.memref_slice %arg4[%add3A_41, %dma_start3A_54, %dma_start3A_55] : memref<2560x2x125xi32, #tpu.memory_space<hbm>> -> memref<1x2x125xi32, #tpu.memory_space<hbm>>
      %dma_start3A_57 = tpu.memref_squeeze %dma_start3A_56 : memref<1x2x125xi32, #tpu.memory_space<hbm>> -> memref<2x125xi32, #tpu.memory_space<hbm>>
      tpu.enqueue_dma source(%dma_start3A_57 : memref<2x125xi32, #tpu.memory_space<hbm>>) target(%dma_start3A_53 : memref<2x125xi32, #tpu.memory_space<vmem>>) target_semaphore(%arg9 : memref<!tpu.dma_semaphore, #tpu.memory_space<semaphore_mem>>)
      %dma_start3A_58 = arith.constant 2 : i32
      %dma_start3A_59 = arith.constant 0 : i32
      %dma_start3A_60 = arith.constant 0 : i32
      %dma_start3A_61 = arith.constant 0 : i32
      %dma_start3A_62 = tpu.memref_slice %arg7[%rem3A_38, %dma_start3A_60, %dma_start3A_61] : memref<3x125x128xf32, #tpu.memory_space<vmem>> -> memref<1x125x128xf32, #tpu.memory_space<vmem>>
      %dma_start3A_63 = tpu.memref_squeeze %dma_start3A_62 : memref<1x125x128xf32, #tpu.memory_space<vmem>> -> memref<125x128xf32, #tpu.memory_space<vmem>>
      %dma_start3A_64 = arith.constant 0 : i32
      %dma_start3A_65 = tpu.memref_slice %arg6[%dma_start3A_58, %dma_start3A_59, %dma_start3A_64] : memref<4x2x125xi32, #tpu.memory_space<vmem>> -> memref<1x1x125xi32, #tpu.memory_space<vmem>>
      %dma_start3A_66 = tpu.memref_squeeze %dma_start3A_65 : memref<1x1x125xi32, #tpu.memory_space<vmem>> -> memref<125xi32, #tpu.memory_space<vmem>>
      %dma_start3A_67 = arith.constant 0 : i32
      %dma_start3A_68 = arith.constant 0 : i32
      %dma_start3A_69 = tpu.memref_slice %arg2[%dma_start3A_67, %dma_start3A_68] : memref<10000x128xf32, #tpu.memory_space<hbm>> -> memref<10000x128xf32, #tpu.memory_space<hbm>>
      tpu.enqueue_indirect_dma source(%dma_start3A_69 : memref<10000x128xf32, #tpu.memory_space<hbm>>) target(%dma_start3A_63 : memref<125x128xf32, #tpu.memory_space<vmem>>) offsets(%dma_start3A_66 : memref<125xi32, #tpu.memory_space<vmem>>) semaphore(%arg10 : memref<!tpu.dma_semaphore, #tpu.memory_space<semaphore_mem>>)
      %run_scoped3A = arith.constant 0 : i32
      %run_scoped3A_70 = arith.constant 1 : i32
      "tpu.region"() ({
        %run_scoped3A_171 = tpu.sem_alloc : memref<!tpu.dma_semaphore, #tpu.memory_space<semaphore_mem>>
        %dma_start3A_172 = arith.constant 0 : i32
        %dma_start3A_173 = arith.constant 0 : i32
        %dma_start3A_174 = tpu.memref_slice %arg7[%rem3A_30, %dma_start3A_172, %dma_start3A_173] : memref<3x125x128xf32, #tpu.memory_space<vmem>> -> memref<1x125x128xf32, #tpu.memory_space<vmem>>
        %dma_start3A_175 = tpu.memref_squeeze %dma_start3A_174 : memref<1x125x128xf32, #tpu.memory_space<vmem>> -> memref<125x128xf32, #tpu.memory_space<vmem>>
        %dma_start3A_176 = arith.constant 0 : i32
        %dma_start3A_177 = tpu.memref_slice %arg6[%run_scoped3A, %run_scoped3A_70, %dma_start3A_176] : memref<4x2x125xi32, #tpu.memory_space<vmem>> -> memref<1x1x125xi32, #tpu.memory_space<vmem>>
        %dma_start3A_178 = tpu.memref_squeeze %dma_start3A_177 : memref<1x1x125xi32, #tpu.memory_space<vmem>> -> memref<125xi32, #tpu.memory_space<vmem>>
        %dma_start3A_179 = arith.constant 0 : i32
        %dma_start3A_180 = arith.constant 0 : i32
        %dma_start3A_181 = tpu.memref_slice %arg8[%dma_start3A_179, %dma_start3A_180] : memref<10000x128xf32, #tpu.memory_space<vmem_shared>> -> memref<10000x128xf32, #tpu.memory_space<vmem_shared>>
        tpu.enqueue_indirect_dma source(%dma_start3A_175 : memref<125x128xf32, #tpu.memory_space<vmem>>) target(%dma_start3A_181 : memref<10000x128xf32, #tpu.memory_space<vmem_shared>>) offsets(%dma_start3A_178 : memref<125xi32, #tpu.memory_space<vmem>>) semaphore(%run_scoped3A_171 : memref<!tpu.dma_semaphore, #tpu.memory_space<semaphore_mem>>) {add = true}
        %dma_wait3A_182 = arith.constant 0 : i32
        %dma_wait3A_183 = arith.constant 0 : i32
        %dma_wait3A_184 = tpu.memref_slice %arg7[%rem3A_30, %dma_wait3A_182, %dma_wait3A_183] : memref<3x125x128xf32, #tpu.memory_space<vmem>> -> memref<1x125x128xf32, #tpu.memory_space<vmem>>
        %dma_wait3A_185 = tpu.memref_squeeze %dma_wait3A_184 : memref<1x125x128xf32, #tpu.memory_space<vmem>> -> memref<125x128xf32, #tpu.memory_space<vmem>>
        %dma_wait3A_186 = arith.constant 0 : i32
        %dma_wait3A_187 = tpu.memref_slice %arg6[%run_scoped3A, %run_scoped3A_70, %dma_wait3A_186] : memref<4x2x125xi32, #tpu.memory_space<vmem>> -> memref<1x1x125xi32, #tpu.memory_space<vmem>>
        %dma_wait3A_188 = tpu.memref_squeeze %dma_wait3A_187 : memref<1x1x125xi32, #tpu.memory_space<vmem>> -> memref<125xi32, #tpu.memory_space<vmem>>
        %dma_wait3A_189 = arith.constant 0 : i32
        %dma_wait3A_190 = arith.constant 0 : i32
        %dma_wait3A_191 = tpu.memref_slice %arg8[%dma_wait3A_189, %dma_wait3A_190] : memref<10000x128xf32, #tpu.memory_space<vmem_shared>> -> memref<10000x128xf32, #tpu.memory_space<vmem_shared>>
        tpu.wait_indirect_dma semaphore(%run_scoped3A_171 : memref<!tpu.dma_semaphore, #tpu.memory_space<semaphore_mem>>) src(%dma_wait3A_185 : memref<125x128xf32, #tpu.memory_space<vmem>>) dst(%dma_wait3A_191 : memref<10000x128xf32, #tpu.memory_space<vmem_shared>>)
        tpu.yield
      }) : () -> ()
      %dma_wait3A = arith.constant 1 : i32
      %dma_wait3A_71 = arith.constant 0 : i32
      %dma_wait3A_72 = arith.constant 0 : i32
      %dma_wait3A_73 = arith.constant 0 : i32
      %dma_wait3A_74 = tpu.memref_slice %arg7[%rem3A_34, %dma_wait3A_72, %dma_wait3A_73] : memref<3x125x128xf32, #tpu.memory_space<vmem>> -> memref<1x125x128xf32, #tpu.memory_space<vmem>>
      %dma_wait3A_75 = tpu.memref_squeeze %dma_wait3A_74 : memref<1x125x128xf32, #tpu.memory_space<vmem>> -> memref<125x128xf32, #tpu.memory_space<vmem>>
      %dma_wait3A_76 = arith.constant 0 : i32
      %dma_wait3A_77 = tpu.memref_slice %arg6[%dma_wait3A, %dma_wait3A_71, %dma_wait3A_76] : memref<4x2x125xi32, #tpu.memory_space<vmem>> -> memref<1x1x125xi32, #tpu.memory_space<vmem>>
      %dma_wait3A_78 = tpu.memref_squeeze %dma_wait3A_77 : memref<1x1x125xi32, #tpu.memory_space<vmem>> -> memref<125xi32, #tpu.memory_space<vmem>>
      %dma_wait3A_79 = arith.constant 0 : i32
      %dma_wait3A_80 = arith.constant 0 : i32
      %dma_wait3A_81 = tpu.memref_slice %arg2[%dma_wait3A_79, %dma_wait3A_80] : memref<10000x128xf32, #tpu.memory_space<hbm>> -> memref<10000x128xf32, #tpu.memory_space<hbm>>
      tpu.wait_indirect_dma semaphore(%arg11 : memref<!tpu.dma_semaphore, #tpu.memory_space<semaphore_mem>>) src(%dma_wait3A_81 : memref<10000x128xf32, #tpu.memory_space<hbm>>) dst(%dma_wait3A_75 : memref<125x128xf32, #tpu.memory_space<vmem>>)
      %dma_wait3A_82 = arith.constant 3 : i32
      %dma_wait3A_83 = arith.constant 0 : i32
      %dma_wait3A_84 = arith.constant 0 : i32
      %dma_wait3A_85 = tpu.memref_slice %arg6[%dma_wait3A_82, %dma_wait3A_83, %dma_wait3A_84] : memref<4x2x125xi32, #tpu.memory_space<vmem>> -> memref<1x2x125xi32, #tpu.memory_space<vmem>>
      %dma_wait3A_86 = tpu.memref_squeeze %dma_wait3A_85 : memref<1x2x125xi32, #tpu.memory_space<vmem>> -> memref<2x125xi32, #tpu.memory_space<vmem>>
      %dma_wait3A_87 = arith.constant 0 : i32
      %dma_wait3A_88 = arith.constant 0 : i32
      %dma_wait3A_89 = tpu.memref_slice %arg4[%add3A_41, %dma_wait3A_87, %dma_wait3A_88] : memref<2560x2x125xi32, #tpu.memory_space<hbm>> -> memref<1x2x125xi32, #tpu.memory_space<hbm>>
      %dma_wait3A_90 = tpu.memref_squeeze %dma_wait3A_89 : memref<1x2x125xi32, #tpu.memory_space<hbm>> -> memref<2x125xi32, #tpu.memory_space<hbm>>
      %dma_wait3A_91 = arith.constant 0 : i32
      %dma_wait3A_92 = arith.constant 0 : i32
      %dma_wait3A_93 = tpu.memref_slice %arg6[%dma_wait3A_82, %dma_wait3A_91, %dma_wait3A_92] : memref<4x2x125xi32, #tpu.memory_space<vmem>> -> memref<1x2x125xi32, #tpu.memory_space<vmem>>
      %dma_wait3A_94 = tpu.memref_squeeze %dma_wait3A_93 : memref<1x2x125xi32, #tpu.memory_space<vmem>> -> memref<2x125xi32, #tpu.memory_space<vmem>>
      %dma_wait3A_95 = arith.constant 0 : i32
      %dma_wait3A_96 = arith.constant 0 : i32
      %dma_wait3A_97 = tpu.memref_slice %arg4[%add3A_41, %dma_wait3A_95, %dma_wait3A_96] : memref<2560x2x125xi32, #tpu.memory_space<hbm>> -> memref<1x2x125xi32, #tpu.memory_space<hbm>>
      %dma_wait3A_98 = tpu.memref_squeeze %dma_wait3A_97 : memref<1x2x125xi32, #tpu.memory_space<hbm>> -> memref<2x125xi32, #tpu.memory_space<hbm>>
      tpu.wait_dma2 semaphore(%arg9 : memref<!tpu.dma_semaphore, #tpu.memory_space<semaphore_mem>>) src(%dma_wait3A_98 : memref<2x125xi32, #tpu.memory_space<hbm>>) dst(%dma_wait3A_94 : memref<2x125xi32, #tpu.memory_space<vmem>>)
      %mul3A_99 = arith.constant 4 : i32
      %mul3A_100 = arith.muli %scan3A_25, %mul3A_99 : i32
      %add3A_101 = arith.constant 1 : i32
      %add3A_102 = arith.addi %mul3A_100, %add3A_101 : i32
      %rem3A_103 = arith.constant 3 : i32
      %rem3A_104 = arith.remsi %add3A_102, %rem3A_103 : i32
      %add3A_105 = arith.constant 1 : i32
      %add3A_106 = arith.addi %add3A_102, %add3A_105 : i32
      %rem3A_107 = arith.constant 3 : i32
      %rem3A_108 = arith.remsi %add3A_106, %rem3A_107 : i32
      %add3A_109 = arith.constant 2 : i32
      %add3A_110 = arith.addi %add3A_102, %add3A_109 : i32
      %rem3A_111 = arith.constant 3 : i32
      %rem3A_112 = arith.remsi %add3A_110, %rem3A_111 : i32
      %lt3A_113 = arith.constant 19 : i32
      %lt3A_114 = arith.cmpi slt, %scan3A_25, %lt3A_113 : i32
      %convert_element_type3A_115 = arith.extui %lt3A_114 : i1 to i32
      %cond3A_116 = arith.constant 0 : i32
      %cond3A_117 = arith.cmpi ne, %convert_element_type3A_115, %cond3A_116 : i32
      scf.if %cond3A_117 {
        %add3A_171 = arith.addi %mul3A_2, %add3A_102 : i32
        %add3A_172 = arith.constant 3 : i32
        %add3A_173 = arith.addi %add3A_171, %add3A_172 : i32
        %dma_start3A_174 = arith.constant 0 : i32
        %dma_start3A_175 = arith.constant 0 : i32
        %dma_start3A_176 = arith.constant 0 : i32
        %dma_start3A_177 = tpu.memref_slice %arg6[%dma_start3A_174, %dma_start3A_175, %dma_start3A_176] : memref<4x2x125xi32, #tpu.memory_space<vmem>> -> memref<1x2x125xi32, #tpu.memory_space<vmem>>
        %dma_start3A_178 = tpu.memref_squeeze %dma_start3A_177 : memref<1x2x125xi32, #tpu.memory_space<vmem>> -> memref<2x125xi32, #tpu.memory_space<vmem>>
        %dma_start3A_179 = arith.constant 0 : i32
        %dma_start3A_180 = arith.constant 0 : i32
        %dma_start3A_181 = tpu.memref_slice %arg4[%add3A_173, %dma_start3A_179, %dma_start3A_180] : memref<2560x2x125xi32, #tpu.memory_space<hbm>> -> memref<1x2x125xi32, #tpu.memory_space<hbm>>
        %dma_start3A_182 = tpu.memref_squeeze %dma_start3A_181 : memref<1x2x125xi32, #tpu.memory_space<hbm>> -> memref<2x125xi32, #tpu.memory_space<hbm>>
        %dma_start3A_183 = arith.constant 0 : i32
        %dma_start3A_184 = arith.constant 0 : i32
        %dma_start3A_185 = tpu.memref_slice %arg6[%dma_start3A_174, %dma_start3A_183, %dma_start3A_184] : memref<4x2x125xi32, #tpu.memory_space<vmem>> -> memref<1x2x125xi32, #tpu.memory_space<vmem>>
        %dma_start3A_186 = tpu.memref_squeeze %dma_start3A_185 : memref<1x2x125xi32, #tpu.memory_space<vmem>> -> memref<2x125xi32, #tpu.memory_space<vmem>>
        %dma_start3A_187 = arith.constant 0 : i32
        %dma_start3A_188 = arith.constant 0 : i32
        %dma_start3A_189 = tpu.memref_slice %arg4[%add3A_173, %dma_start3A_187, %dma_start3A_188] : memref<2560x2x125xi32, #tpu.memory_space<hbm>> -> memref<1x2x125xi32, #tpu.memory_space<hbm>>
        %dma_start3A_190 = tpu.memref_squeeze %dma_start3A_189 : memref<1x2x125xi32, #tpu.memory_space<hbm>> -> memref<2x125xi32, #tpu.memory_space<hbm>>
        tpu.enqueue_dma source(%dma_start3A_190 : memref<2x125xi32, #tpu.memory_space<hbm>>) target(%dma_start3A_186 : memref<2x125xi32, #tpu.memory_space<vmem>>) target_semaphore(%arg9 : memref<!tpu.dma_semaphore, #tpu.memory_space<semaphore_mem>>)
        %dma_start3A_191 = arith.constant 3 : i32
        %dma_start3A_192 = arith.constant 0 : i32
        %dma_start3A_193 = arith.constant 0 : i32
        %dma_start3A_194 = arith.constant 0 : i32
        %dma_start3A_195 = tpu.memref_slice %arg7[%rem3A_112, %dma_start3A_193, %dma_start3A_194] : memref<3x125x128xf32, #tpu.memory_space<vmem>> -> memref<1x125x128xf32, #tpu.memory_space<vmem>>
        %dma_start3A_196 = tpu.memref_squeeze %dma_start3A_195 : memref<1x125x128xf32, #tpu.memory_space<vmem>> -> memref<125x128xf32, #tpu.memory_space<vmem>>
        %dma_start3A_197 = arith.constant 0 : i32
        %dma_start3A_198 = tpu.memref_slice %arg6[%dma_start3A_191, %dma_start3A_192, %dma_start3A_197] : memref<4x2x125xi32, #tpu.memory_space<vmem>> -> memref<1x1x125xi32, #tpu.memory_space<vmem>>
        %dma_start3A_199 = tpu.memref_squeeze %dma_start3A_198 : memref<1x1x125xi32, #tpu.memory_space<vmem>> -> memref<125xi32, #tpu.memory_space<vmem>>
        %dma_start3A_200 = arith.constant 0 : i32
        %dma_start3A_201 = arith.constant 0 : i32
        %dma_start3A_202 = tpu.memref_slice %arg2[%dma_start3A_200, %dma_start3A_201] : memref<10000x128xf32, #tpu.memory_space<hbm>> -> memref<10000x128xf32, #tpu.memory_space<hbm>>
        tpu.enqueue_indirect_dma source(%dma_start3A_202 : memref<10000x128xf32, #tpu.memory_space<hbm>>) target(%dma_start3A_196 : memref<125x128xf32, #tpu.memory_space<vmem>>) offsets(%dma_start3A_199 : memref<125xi32, #tpu.memory_space<vmem>>) semaphore(%arg11 : memref<!tpu.dma_semaphore, #tpu.memory_space<semaphore_mem>>)
        %run_scoped3A_203 = arith.constant 1 : i32
        %run_scoped3A_204 = arith.constant 1 : i32
        "tpu.region"() ({
          %run_scoped3A_234 = tpu.sem_alloc : memref<!tpu.dma_semaphore, #tpu.memory_space<semaphore_mem>>
          %dma_start3A_235 = arith.constant 0 : i32
          %dma_start3A_236 = arith.constant 0 : i32
          %dma_start3A_237 = tpu.memref_slice %arg7[%rem3A_104, %dma_start3A_235, %dma_start3A_236] : memref<3x125x128xf32, #tpu.memory_space<vmem>> -> memref<1x125x128xf32, #tpu.memory_space<vmem>>
          %dma_start3A_238 = tpu.memref_squeeze %dma_start3A_237 : memref<1x125x128xf32, #tpu.memory_space<vmem>> -> memref<125x128xf32, #tpu.memory_space<vmem>>
          %dma_start3A_239 = arith.constant 0 : i32
          %dma_start3A_240 = tpu.memref_slice %arg6[%run_scoped3A_203, %run_scoped3A_204, %dma_start3A_239] : memref<4x2x125xi32, #tpu.memory_space<vmem>> -> memref<1x1x125xi32, #tpu.memory_space<vmem>>
          %dma_start3A_241 = tpu.memref_squeeze %dma_start3A_240 : memref<1x1x125xi32, #tpu.memory_space<vmem>> -> memref<125xi32, #tpu.memory_space<vmem>>
          %dma_start3A_242 = arith.constant 0 : i32
          %dma_start3A_243 = arith.constant 0 : i32
          %dma_start3A_244 = tpu.memref_slice %arg8[%dma_start3A_242, %dma_start3A_243] : memref<10000x128xf32, #tpu.memory_space<vmem_shared>> -> memref<10000x128xf32, #tpu.memory_space<vmem_shared>>
          tpu.enqueue_indirect_dma source(%dma_start3A_238 : memref<125x128xf32, #tpu.memory_space<vmem>>) target(%dma_start3A_244 : memref<10000x128xf32, #tpu.memory_space<vmem_shared>>) offsets(%dma_start3A_241 : memref<125xi32, #tpu.memory_space<vmem>>) semaphore(%run_scoped3A_234 : memref<!tpu.dma_semaphore, #tpu.memory_space<semaphore_mem>>) {add = true}
          %dma_wait3A_245 = arith.constant 0 : i32
          %dma_wait3A_246 = arith.constant 0 : i32
          %dma_wait3A_247 = tpu.memref_slice %arg7[%rem3A_104, %dma_wait3A_245, %dma_wait3A_246] : memref<3x125x128xf32, #tpu.memory_space<vmem>> -> memref<1x125x128xf32, #tpu.memory_space<vmem>>
          %dma_wait3A_248 = tpu.memref_squeeze %dma_wait3A_247 : memref<1x125x128xf32, #tpu.memory_space<vmem>> -> memref<125x128xf32, #tpu.memory_space<vmem>>
          %dma_wait3A_249 = arith.constant 0 : i32
          %dma_wait3A_250 = tpu.memref_slice %arg6[%run_scoped3A_203, %run_scoped3A_204, %dma_wait3A_249] : memref<4x2x125xi32, #tpu.memory_space<vmem>> -> memref<1x1x125xi32, #tpu.memory_space<vmem>>
          %dma_wait3A_251 = tpu.memref_squeeze %dma_wait3A_250 : memref<1x1x125xi32, #tpu.memory_space<vmem>> -> memref<125xi32, #tpu.memory_space<vmem>>
          %dma_wait3A_252 = arith.constant 0 : i32
          %dma_wait3A_253 = arith.constant 0 : i32
          %dma_wait3A_254 = tpu.memref_slice %arg8[%dma_wait3A_252, %dma_wait3A_253] : memref<10000x128xf32, #tpu.memory_space<vmem_shared>> -> memref<10000x128xf32, #tpu.memory_space<vmem_shared>>
          tpu.wait_indirect_dma semaphore(%run_scoped3A_234 : memref<!tpu.dma_semaphore, #tpu.memory_space<semaphore_mem>>) src(%dma_wait3A_248 : memref<125x128xf32, #tpu.memory_space<vmem>>) dst(%dma_wait3A_254 : memref<10000x128xf32, #tpu.memory_space<vmem_shared>>)
          tpu.yield
        }) : () -> ()
        %dma_wait3A_205 = arith.constant 2 : i32
        %dma_wait3A_206 = arith.constant 0 : i32
        %dma_wait3A_207 = arith.constant 0 : i32
        %dma_wait3A_208 = arith.constant 0 : i32
        %dma_wait3A_209 = tpu.memref_slice %arg7[%rem3A_108, %dma_wait3A_207, %dma_wait3A_208] : memref<3x125x128xf32, #tpu.memory_space<vmem>> -> memref<1x125x128xf32, #tpu.memory_space<vmem>>
        %dma_wait3A_210 = tpu.memref_squeeze %dma_wait3A_209 : memref<1x125x128xf32, #tpu.memory_space<vmem>> -> memref<125x128xf32, #tpu.memory_space<vmem>>
        %dma_wait3A_211 = arith.constant 0 : i32
        %dma_wait3A_212 = tpu.memref_slice %arg6[%dma_wait3A_205, %dma_wait3A_206, %dma_wait3A_211] : memref<4x2x125xi32, #tpu.memory_space<vmem>> -> memref<1x1x125xi32, #tpu.memory_space<vmem>>
        %dma_wait3A_213 = tpu.memref_squeeze %dma_wait3A_212 : memref<1x1x125xi32, #tpu.memory_space<vmem>> -> memref<125xi32, #tpu.memory_space<vmem>>
        %dma_wait3A_214 = arith.constant 0 : i32
        %dma_wait3A_215 = arith.constant 0 : i32
        %dma_wait3A_216 = tpu.memref_slice %arg2[%dma_wait3A_214, %dma_wait3A_215] : memref<10000x128xf32, #tpu.memory_space<hbm>> -> memref<10000x128xf32, #tpu.memory_space<hbm>>
        tpu.wait_indirect_dma semaphore(%arg10 : memref<!tpu.dma_semaphore, #tpu.memory_space<semaphore_mem>>) src(%dma_wait3A_216 : memref<10000x128xf32, #tpu.memory_space<hbm>>) dst(%dma_wait3A_210 : memref<125x128xf32, #tpu.memory_space<vmem>>)
        %dma_wait3A_217 = arith.constant 0 : i32
        %dma_wait3A_218 = arith.constant 0 : i32
        %dma_wait3A_219 = arith.constant 0 : i32
        %dma_wait3A_220 = tpu.memref_slice %arg6[%dma_wait3A_217, %dma_wait3A_218, %dma_wait3A_219] : memref<4x2x125xi32, #tpu.memory_space<vmem>> -> memref<1x2x125xi32, #tpu.memory_space<vmem>>
        %dma_wait3A_221 = tpu.memref_squeeze %dma_wait3A_220 : memref<1x2x125xi32, #tpu.memory_space<vmem>> -> memref<2x125xi32, #tpu.memory_space<vmem>>
        %dma_wait3A_222 = arith.constant 0 : i32
        %dma_wait3A_223 = arith.constant 0 : i32
        %dma_wait3A_224 = tpu.memref_slice %arg4[%add3A_173, %dma_wait3A_222, %dma_wait3A_223] : memref<2560x2x125xi32, #tpu.memory_space<hbm>> -> memref<1x2x125xi32, #tpu.memory_space<hbm>>
        %dma_wait3A_225 = tpu.memref_squeeze %dma_wait3A_224 : memref<1x2x125xi32, #tpu.memory_space<hbm>> -> memref<2x125xi32, #tpu.memory_space<hbm>>
        %dma_wait3A_226 = arith.constant 0 : i32
        %dma_wait3A_227 = arith.constant 0 : i32
        %dma_wait3A_228 = tpu.memref_slice %arg6[%dma_wait3A_217, %dma_wait3A_226, %dma_wait3A_227] : memref<4x2x125xi32, #tpu.memory_space<vmem>> -> memref<1x2x125xi32, #tpu.memory_space<vmem>>
        %dma_wait3A_229 = tpu.memref_squeeze %dma_wait3A_228 : memref<1x2x125xi32, #tpu.memory_space<vmem>> -> memref<2x125xi32, #tpu.memory_space<vmem>>
        %dma_wait3A_230 = arith.constant 0 : i32
        %dma_wait3A_231 = arith.constant 0 : i32
        %dma_wait3A_232 = tpu.memref_slice %arg4[%add3A_173, %dma_wait3A_230, %dma_wait3A_231] : memref<2560x2x125xi32, #tpu.memory_space<hbm>> -> memref<1x2x125xi32, #tpu.memory_space<hbm>>
        %dma_wait3A_233 = tpu.memref_squeeze %dma_wait3A_232 : memref<1x2x125xi32, #tpu.memory_space<hbm>> -> memref<2x125xi32, #tpu.memory_space<hbm>>
        tpu.wait_dma2 semaphore(%arg9 : memref<!tpu.dma_semaphore, #tpu.memory_space<semaphore_mem>>) src(%dma_wait3A_233 : memref<2x125xi32, #tpu.memory_space<hbm>>) dst(%dma_wait3A_229 : memref<2x125xi32, #tpu.memory_space<vmem>>)
      } else {
      }
      %eq3A_118 = arith.constant 19 : i32
      %eq3A_119 = arith.cmpi eq, %scan3A_25, %eq3A_118 : i32
      %convert_element_type3A_120 = arith.extui %eq3A_119 : i1 to i32
      %cond3A_121 = arith.constant 0 : i32
      %cond3A_122 = arith.cmpi ne, %convert_element_type3A_120, %cond3A_121 : i32
      scf.if %cond3A_122 {
        %dma_start3A_171 = arith.constant 3 : i32
        %dma_start3A_172 = arith.constant 0 : i32
        %dma_start3A_173 = arith.constant 0 : i32
        %dma_start3A_174 = arith.constant 0 : i32
        %dma_start3A_175 = tpu.memref_slice %arg7[%rem3A_112, %dma_start3A_173, %dma_start3A_174] : memref<3x125x128xf32, #tpu.memory_space<vmem>> -> memref<1x125x128xf32, #tpu.memory_space<vmem>>
        %dma_start3A_176 = tpu.memref_squeeze %dma_start3A_175 : memref<1x125x128xf32, #tpu.memory_space<vmem>> -> memref<125x128xf32, #tpu.memory_space<vmem>>
        %dma_start3A_177 = arith.constant 0 : i32
        %dma_start3A_178 = tpu.memref_slice %arg6[%dma_start3A_171, %dma_start3A_172, %dma_start3A_177] : memref<4x2x125xi32, #tpu.memory_space<vmem>> -> memref<1x1x125xi32, #tpu.memory_space<vmem>>
        %dma_start3A_179 = tpu.memref_squeeze %dma_start3A_178 : memref<1x1x125xi32, #tpu.memory_space<vmem>> -> memref<125xi32, #tpu.memory_space<vmem>>
        %dma_start3A_180 = arith.constant 0 : i32
        %dma_start3A_181 = arith.constant 0 : i32
        %dma_start3A_182 = tpu.memref_slice %arg2[%dma_start3A_180, %dma_start3A_181] : memref<10000x128xf32, #tpu.memory_space<hbm>> -> memref<10000x128xf32, #tpu.memory_space<hbm>>
        tpu.enqueue_indirect_dma source(%dma_start3A_182 : memref<10000x128xf32, #tpu.memory_space<hbm>>) target(%dma_start3A_176 : memref<125x128xf32, #tpu.memory_space<vmem>>) offsets(%dma_start3A_179 : memref<125xi32, #tpu.memory_space<vmem>>) semaphore(%arg11 : memref<!tpu.dma_semaphore, #tpu.memory_space<semaphore_mem>>)
        %run_scoped3A_183 = arith.constant 1 : i32
        %run_scoped3A_184 = arith.constant 1 : i32
        "tpu.region"() ({
          %run_scoped3A_197 = tpu.sem_alloc : memref<!tpu.dma_semaphore, #tpu.memory_space<semaphore_mem>>
          %dma_start3A_198 = arith.constant 0 : i32
          %dma_start3A_199 = arith.constant 0 : i32
          %dma_start3A_200 = tpu.memref_slice %arg7[%rem3A_104, %dma_start3A_198, %dma_start3A_199] : memref<3x125x128xf32, #tpu.memory_space<vmem>> -> memref<1x125x128xf32, #tpu.memory_space<vmem>>
          %dma_start3A_201 = tpu.memref_squeeze %dma_start3A_200 : memref<1x125x128xf32, #tpu.memory_space<vmem>> -> memref<125x128xf32, #tpu.memory_space<vmem>>
          %dma_start3A_202 = arith.constant 0 : i32
          %dma_start3A_203 = tpu.memref_slice %arg6[%run_scoped3A_183, %run_scoped3A_184, %dma_start3A_202] : memref<4x2x125xi32, #tpu.memory_space<vmem>> -> memref<1x1x125xi32, #tpu.memory_space<vmem>>
          %dma_start3A_204 = tpu.memref_squeeze %dma_start3A_203 : memref<1x1x125xi32, #tpu.memory_space<vmem>> -> memref<125xi32, #tpu.memory_space<vmem>>
          %dma_start3A_205 = arith.constant 0 : i32
          %dma_start3A_206 = arith.constant 0 : i32
          %dma_start3A_207 = tpu.memref_slice %arg8[%dma_start3A_205, %dma_start3A_206] : memref<10000x128xf32, #tpu.memory_space<vmem_shared>> -> memref<10000x128xf32, #tpu.memory_space<vmem_shared>>
          tpu.enqueue_indirect_dma source(%dma_start3A_201 : memref<125x128xf32, #tpu.memory_space<vmem>>) target(%dma_start3A_207 : memref<10000x128xf32, #tpu.memory_space<vmem_shared>>) offsets(%dma_start3A_204 : memref<125xi32, #tpu.memory_space<vmem>>) semaphore(%run_scoped3A_197 : memref<!tpu.dma_semaphore, #tpu.memory_space<semaphore_mem>>) {add = true}
          %dma_wait3A_208 = arith.constant 0 : i32
          %dma_wait3A_209 = arith.constant 0 : i32
          %dma_wait3A_210 = tpu.memref_slice %arg7[%rem3A_104, %dma_wait3A_208, %dma_wait3A_209] : memref<3x125x128xf32, #tpu.memory_space<vmem>> -> memref<1x125x128xf32, #tpu.memory_space<vmem>>
          %dma_wait3A_211 = tpu.memref_squeeze %dma_wait3A_210 : memref<1x125x128xf32, #tpu.memory_space<vmem>> -> memref<125x128xf32, #tpu.memory_space<vmem>>
          %dma_wait3A_212 = arith.constant 0 : i32
          %dma_wait3A_213 = tpu.memref_slice %arg6[%run_scoped3A_183, %run_scoped3A_184, %dma_wait3A_212] : memref<4x2x125xi32, #tpu.memory_space<vmem>> -> memref<1x1x125xi32, #tpu.memory_space<vmem>>
          %dma_wait3A_214 = tpu.memref_squeeze %dma_wait3A_213 : memref<1x1x125xi32, #tpu.memory_space<vmem>> -> memref<125xi32, #tpu.memory_space<vmem>>
          %dma_wait3A_215 = arith.constant 0 : i32
          %dma_wait3A_216 = arith.constant 0 : i32
          %dma_wait3A_217 = tpu.memref_slice %arg8[%dma_wait3A_215, %dma_wait3A_216] : memref<10000x128xf32, #tpu.memory_space<vmem_shared>> -> memref<10000x128xf32, #tpu.memory_space<vmem_shared>>
          tpu.wait_indirect_dma semaphore(%run_scoped3A_197 : memref<!tpu.dma_semaphore, #tpu.memory_space<semaphore_mem>>) src(%dma_wait3A_211 : memref<125x128xf32, #tpu.memory_space<vmem>>) dst(%dma_wait3A_217 : memref<10000x128xf32, #tpu.memory_space<vmem_shared>>)
          tpu.yield
        }) : () -> ()
        %dma_wait3A_185 = arith.constant 2 : i32
        %dma_wait3A_186 = arith.constant 0 : i32
        %dma_wait3A_187 = arith.constant 0 : i32
        %dma_wait3A_188 = arith.constant 0 : i32
        %dma_wait3A_189 = tpu.memref_slice %arg7[%rem3A_108, %dma_wait3A_187, %dma_wait3A_188] : memref<3x125x128xf32, #tpu.memory_space<vmem>> -> memref<1x125x128xf32, #tpu.memory_space<vmem>>
        %dma_wait3A_190 = tpu.memref_squeeze %dma_wait3A_189 : memref<1x125x128xf32, #tpu.memory_space<vmem>> -> memref<125x128xf32, #tpu.memory_space<vmem>>
        %dma_wait3A_191 = arith.constant 0 : i32
        %dma_wait3A_192 = tpu.memref_slice %arg6[%dma_wait3A_185, %dma_wait3A_186, %dma_wait3A_191] : memref<4x2x125xi32, #tpu.memory_space<vmem>> -> memref<1x1x125xi32, #tpu.memory_space<vmem>>
        %dma_wait3A_193 = tpu.memref_squeeze %dma_wait3A_192 : memref<1x1x125xi32, #tpu.memory_space<vmem>> -> memref<125xi32, #tpu.memory_space<vmem>>
        %dma_wait3A_194 = arith.constant 0 : i32
        %dma_wait3A_195 = arith.constant 0 : i32
        %dma_wait3A_196 = tpu.memref_slice %arg2[%dma_wait3A_194, %dma_wait3A_195] : memref<10000x128xf32, #tpu.memory_space<hbm>> -> memref<10000x128xf32, #tpu.memory_space<hbm>>
        tpu.wait_indirect_dma semaphore(%arg10 : memref<!tpu.dma_semaphore, #tpu.memory_space<semaphore_mem>>) src(%dma_wait3A_196 : memref<10000x128xf32, #tpu.memory_space<hbm>>) dst(%dma_wait3A_190 : memref<125x128xf32, #tpu.memory_space<vmem>>)
      } else {
      }
      %mul3A_123 = arith.constant 4 : i32
      %mul3A_124 = arith.muli %scan3A_25, %mul3A_123 : i32
      %add3A_125 = arith.constant 2 : i32
      %add3A_126 = arith.addi %mul3A_124, %add3A_125 : i32
      %rem3A_127 = arith.constant 3 : i32
      %rem3A_128 = arith.remsi %add3A_126, %rem3A_127 : i32
      %add3A_129 = arith.constant 1 : i32
      %add3A_130 = arith.addi %add3A_126, %add3A_129 : i32
      %rem3A_131 = arith.constant 3 : i32
      %rem3A_132 = arith.remsi %add3A_130, %rem3A_131 : i32
      %add3A_133 = arith.constant 2 : i32
      %add3A_134 = arith.addi %add3A_126, %add3A_133 : i32
      %rem3A_135 = arith.constant 3 : i32
      %rem3A_136 = arith.remsi %add3A_134, %rem3A_135 : i32
      %lt3A_137 = arith.constant 19 : i32
      %lt3A_138 = arith.cmpi slt, %scan3A_25, %lt3A_137 : i32
      %convert_element_type3A_139 = arith.extui %lt3A_138 : i1 to i32
      %cond3A_140 = arith.constant 0 : i32
      %cond3A_141 = arith.cmpi ne, %convert_element_type3A_139, %cond3A_140 : i32
      scf.if %cond3A_141 {
        %add3A_171 = arith.addi %mul3A_2, %add3A_126 : i32
        %add3A_172 = arith.constant 3 : i32
        %add3A_173 = arith.addi %add3A_171, %add3A_172 : i32
        %dma_start3A_174 = arith.constant 1 : i32
        %dma_start3A_175 = arith.constant 0 : i32
        %dma_start3A_176 = arith.constant 0 : i32
        %dma_start3A_177 = tpu.memref_slice %arg6[%dma_start3A_174, %dma_start3A_175, %dma_start3A_176] : memref<4x2x125xi32, #tpu.memory_space<vmem>> -> memref<1x2x125xi32, #tpu.memory_space<vmem>>
        %dma_start3A_178 = tpu.memref_squeeze %dma_start3A_177 : memref<1x2x125xi32, #tpu.memory_space<vmem>> -> memref<2x125xi32, #tpu.memory_space<vmem>>
        %dma_start3A_179 = arith.constant 0 : i32
        %dma_start3A_180 = arith.constant 0 : i32
        %dma_start3A_181 = tpu.memref_slice %arg4[%add3A_173, %dma_start3A_179, %dma_start3A_180] : memref<2560x2x125xi32, #tpu.memory_space<hbm>> -> memref<1x2x125xi32, #tpu.memory_space<hbm>>
        %dma_start3A_182 = tpu.memref_squeeze %dma_start3A_181 : memref<1x2x125xi32, #tpu.memory_space<hbm>> -> memref<2x125xi32, #tpu.memory_space<hbm>>
        %dma_start3A_183 = arith.constant 0 : i32
        %dma_start3A_184 = arith.constant 0 : i32
        %dma_start3A_185 = tpu.memref_slice %arg6[%dma_start3A_174, %dma_start3A_183, %dma_start3A_184] : memref<4x2x125xi32, #tpu.memory_space<vmem>> -> memref<1x2x125xi32, #tpu.memory_space<vmem>>
        %dma_start3A_186 = tpu.memref_squeeze %dma_start3A_185 : memref<1x2x125xi32, #tpu.memory_space<vmem>> -> memref<2x125xi32, #tpu.memory_space<vmem>>
        %dma_start3A_187 = arith.constant 0 : i32
        %dma_start3A_188 = arith.constant 0 : i32
        %dma_start3A_189 = tpu.memref_slice %arg4[%add3A_173, %dma_start3A_187, %dma_start3A_188] : memref<2560x2x125xi32, #tpu.memory_space<hbm>> -> memref<1x2x125xi32, #tpu.memory_space<hbm>>
        %dma_start3A_190 = tpu.memref_squeeze %dma_start3A_189 : memref<1x2x125xi32, #tpu.memory_space<hbm>> -> memref<2x125xi32, #tpu.memory_space<hbm>>
        tpu.enqueue_dma source(%dma_start3A_190 : memref<2x125xi32, #tpu.memory_space<hbm>>) target(%dma_start3A_186 : memref<2x125xi32, #tpu.memory_space<vmem>>) target_semaphore(%arg9 : memref<!tpu.dma_semaphore, #tpu.memory_space<semaphore_mem>>)
        %dma_start3A_191 = arith.constant 0 : i32
        %dma_start3A_192 = arith.constant 0 : i32
        %dma_start3A_193 = arith.constant 0 : i32
        %dma_start3A_194 = arith.constant 0 : i32
        %dma_start3A_195 = tpu.memref_slice %arg7[%rem3A_136, %dma_start3A_193, %dma_start3A_194] : memref<3x125x128xf32, #tpu.memory_space<vmem>> -> memref<1x125x128xf32, #tpu.memory_space<vmem>>
        %dma_start3A_196 = tpu.memref_squeeze %dma_start3A_195 : memref<1x125x128xf32, #tpu.memory_space<vmem>> -> memref<125x128xf32, #tpu.memory_space<vmem>>
        %dma_start3A_197 = arith.constant 0 : i32
        %dma_start3A_198 = tpu.memref_slice %arg6[%dma_start3A_191, %dma_start3A_192, %dma_start3A_197] : memref<4x2x125xi32, #tpu.memory_space<vmem>> -> memref<1x1x125xi32, #tpu.memory_space<vmem>>
        %dma_start3A_199 = tpu.memref_squeeze %dma_start3A_198 : memref<1x1x125xi32, #tpu.memory_space<vmem>> -> memref<125xi32, #tpu.memory_space<vmem>>
        %dma_start3A_200 = arith.constant 0 : i32
        %dma_start3A_201 = arith.constant 0 : i32
        %dma_start3A_202 = tpu.memref_slice %arg2[%dma_start3A_200, %dma_start3A_201] : memref<10000x128xf32, #tpu.memory_space<hbm>> -> memref<10000x128xf32, #tpu.memory_space<hbm>>
        tpu.enqueue_indirect_dma source(%dma_start3A_202 : memref<10000x128xf32, #tpu.memory_space<hbm>>) target(%dma_start3A_196 : memref<125x128xf32, #tpu.memory_space<vmem>>) offsets(%dma_start3A_199 : memref<125xi32, #tpu.memory_space<vmem>>) semaphore(%arg10 : memref<!tpu.dma_semaphore, #tpu.memory_space<semaphore_mem>>)
        %run_scoped3A_203 = arith.constant 2 : i32
        %run_scoped3A_204 = arith.constant 1 : i32
        "tpu.region"() ({
          %run_scoped3A_234 = tpu.sem_alloc : memref<!tpu.dma_semaphore, #tpu.memory_space<semaphore_mem>>
          %dma_start3A_235 = arith.constant 0 : i32
          %dma_start3A_236 = arith.constant 0 : i32
          %dma_start3A_237 = tpu.memref_slice %arg7[%rem3A_128, %dma_start3A_235, %dma_start3A_236] : memref<3x125x128xf32, #tpu.memory_space<vmem>> -> memref<1x125x128xf32, #tpu.memory_space<vmem>>
          %dma_start3A_238 = tpu.memref_squeeze %dma_start3A_237 : memref<1x125x128xf32, #tpu.memory_space<vmem>> -> memref<125x128xf32, #tpu.memory_space<vmem>>
          %dma_start3A_239 = arith.constant 0 : i32
          %dma_start3A_240 = tpu.memref_slice %arg6[%run_scoped3A_203, %run_scoped3A_204, %dma_start3A_239] : memref<4x2x125xi32, #tpu.memory_space<vmem>> -> memref<1x1x125xi32, #tpu.memory_space<vmem>>
          %dma_start3A_241 = tpu.memref_squeeze %dma_start3A_240 : memref<1x1x125xi32, #tpu.memory_space<vmem>> -> memref<125xi32, #tpu.memory_space<vmem>>
          %dma_start3A_242 = arith.constant 0 : i32
          %dma_start3A_243 = arith.constant 0 : i32
          %dma_start3A_244 = tpu.memref_slice %arg8[%dma_start3A_242, %dma_start3A_243] : memref<10000x128xf32, #tpu.memory_space<vmem_shared>> -> memref<10000x128xf32, #tpu.memory_space<vmem_shared>>
          tpu.enqueue_indirect_dma source(%dma_start3A_238 : memref<125x128xf32, #tpu.memory_space<vmem>>) target(%dma_start3A_244 : memref<10000x128xf32, #tpu.memory_space<vmem_shared>>) offsets(%dma_start3A_241 : memref<125xi32, #tpu.memory_space<vmem>>) semaphore(%run_scoped3A_234 : memref<!tpu.dma_semaphore, #tpu.memory_space<semaphore_mem>>) {add = true}
          %dma_wait3A_245 = arith.constant 0 : i32
          %dma_wait3A_246 = arith.constant 0 : i32
          %dma_wait3A_247 = tpu.memref_slice %arg7[%rem3A_128, %dma_wait3A_245, %dma_wait3A_246] : memref<3x125x128xf32, #tpu.memory_space<vmem>> -> memref<1x125x128xf32, #tpu.memory_space<vmem>>
          %dma_wait3A_248 = tpu.memref_squeeze %dma_wait3A_247 : memref<1x125x128xf32, #tpu.memory_space<vmem>> -> memref<125x128xf32, #tpu.memory_space<vmem>>
          %dma_wait3A_249 = arith.constant 0 : i32
          %dma_wait3A_250 = tpu.memref_slice %arg6[%run_scoped3A_203, %run_scoped3A_204, %dma_wait3A_249] : memref<4x2x125xi32, #tpu.memory_space<vmem>> -> memref<1x1x125xi32, #tpu.memory_space<vmem>>
          %dma_wait3A_251 = tpu.memref_squeeze %dma_wait3A_250 : memref<1x1x125xi32, #tpu.memory_space<vmem>> -> memref<125xi32, #tpu.memory_space<vmem>>
          %dma_wait3A_252 = arith.constant 0 : i32
          %dma_wait3A_253 = arith.constant 0 : i32
          %dma_wait3A_254 = tpu.memref_slice %arg8[%dma_wait3A_252, %dma_wait3A_253] : memref<10000x128xf32, #tpu.memory_space<vmem_shared>> -> memref<10000x128xf32, #tpu.memory_space<vmem_shared>>
          tpu.wait_indirect_dma semaphore(%run_scoped3A_234 : memref<!tpu.dma_semaphore, #tpu.memory_space<semaphore_mem>>) src(%dma_wait3A_248 : memref<125x128xf32, #tpu.memory_space<vmem>>) dst(%dma_wait3A_254 : memref<10000x128xf32, #tpu.memory_space<vmem_shared>>)
          tpu.yield
        }) : () -> ()
        %dma_wait3A_205 = arith.constant 3 : i32
        %dma_wait3A_206 = arith.constant 0 : i32
        %dma_wait3A_207 = arith.constant 0 : i32
        %dma_wait3A_208 = arith.constant 0 : i32
        %dma_wait3A_209 = tpu.memref_slice %arg7[%rem3A_132, %dma_wait3A_207, %dma_wait3A_208] : memref<3x125x128xf32, #tpu.memory_space<vmem>> -> memref<1x125x128xf32, #tpu.memory_space<vmem>>
        %dma_wait3A_210 = tpu.memref_squeeze %dma_wait3A_209 : memref<1x125x128xf32, #tpu.memory_space<vmem>> -> memref<125x128xf32, #tpu.memory_space<vmem>>
        %dma_wait3A_211 = arith.constant 0 : i32
        %dma_wait3A_212 = tpu.memref_slice %arg6[%dma_wait3A_205, %dma_wait3A_206, %dma_wait3A_211] : memref<4x2x125xi32, #tpu.memory_space<vmem>> -> memref<1x1x125xi32, #tpu.memory_space<vmem>>
        %dma_wait3A_213 = tpu.memref_squeeze %dma_wait3A_212 : memref<1x1x125xi32, #tpu.memory_space<vmem>> -> memref<125xi32, #tpu.memory_space<vmem>>
        %dma_wait3A_214 = arith.constant 0 : i32
        %dma_wait3A_215 = arith.constant 0 : i32
        %dma_wait3A_216 = tpu.memref_slice %arg2[%dma_wait3A_214, %dma_wait3A_215] : memref<10000x128xf32, #tpu.memory_space<hbm>> -> memref<10000x128xf32, #tpu.memory_space<hbm>>
        tpu.wait_indirect_dma semaphore(%arg11 : memref<!tpu.dma_semaphore, #tpu.memory_space<semaphore_mem>>) src(%dma_wait3A_216 : memref<10000x128xf32, #tpu.memory_space<hbm>>) dst(%dma_wait3A_210 : memref<125x128xf32, #tpu.memory_space<vmem>>)
        %dma_wait3A_217 = arith.constant 1 : i32
        %dma_wait3A_218 = arith.constant 0 : i32
        %dma_wait3A_219 = arith.constant 0 : i32
        %dma_wait3A_220 = tpu.memref_slice %arg6[%dma_wait3A_217, %dma_wait3A_218, %dma_wait3A_219] : memref<4x2x125xi32, #tpu.memory_space<vmem>> -> memref<1x2x125xi32, #tpu.memory_space<vmem>>
        %dma_wait3A_221 = tpu.memref_squeeze %dma_wait3A_220 : memref<1x2x125xi32, #tpu.memory_space<vmem>> -> memref<2x125xi32, #tpu.memory_space<vmem>>
        %dma_wait3A_222 = arith.constant 0 : i32
        %dma_wait3A_223 = arith.constant 0 : i32
        %dma_wait3A_224 = tpu.memref_slice %arg4[%add3A_173, %dma_wait3A_222, %dma_wait3A_223] : memref<2560x2x125xi32, #tpu.memory_space<hbm>> -> memref<1x2x125xi32, #tpu.memory_space<hbm>>
        %dma_wait3A_225 = tpu.memref_squeeze %dma_wait3A_224 : memref<1x2x125xi32, #tpu.memory_space<hbm>> -> memref<2x125xi32, #tpu.memory_space<hbm>>
        %dma_wait3A_226 = arith.constant 0 : i32
        %dma_wait3A_227 = arith.constant 0 : i32
        %dma_wait3A_228 = tpu.memref_slice %arg6[%dma_wait3A_217, %dma_wait3A_226, %dma_wait3A_227] : memref<4x2x125xi32, #tpu.memory_space<vmem>> -> memref<1x2x125xi32, #tpu.memory_space<vmem>>
        %dma_wait3A_229 = tpu.memref_squeeze %dma_wait3A_228 : memref<1x2x125xi32, #tpu.memory_space<vmem>> -> memref<2x125xi32, #tpu.memory_space<vmem>>
        %dma_wait3A_230 = arith.constant 0 : i32
        %dma_wait3A_231 = arith.constant 0 : i32
        %dma_wait3A_232 = tpu.memref_slice %arg4[%add3A_173, %dma_wait3A_230, %dma_wait3A_231] : memref<2560x2x125xi32, #tpu.memory_space<hbm>> -> memref<1x2x125xi32, #tpu.memory_space<hbm>>
        %dma_wait3A_233 = tpu.memref_squeeze %dma_wait3A_232 : memref<1x2x125xi32, #tpu.memory_space<hbm>> -> memref<2x125xi32, #tpu.memory_space<hbm>>
        tpu.wait_dma2 semaphore(%arg9 : memref<!tpu.dma_semaphore, #tpu.memory_space<semaphore_mem>>) src(%dma_wait3A_233 : memref<2x125xi32, #tpu.memory_space<hbm>>) dst(%dma_wait3A_229 : memref<2x125xi32, #tpu.memory_space<vmem>>)
      } else {
      }
      %eq3A_142 = arith.constant 19 : i32
      %eq3A_143 = arith.cmpi eq, %scan3A_25, %eq3A_142 : i32
      %convert_element_type3A_144 = arith.extui %eq3A_143 : i1 to i32
      %cond3A_145 = arith.constant 0 : i32
      %cond3A_146 = arith.cmpi ne, %convert_element_type3A_144, %cond3A_145 : i32
      scf.if %cond3A_146 {
        %run_scoped3A_171 = arith.constant 2 : i32
        %run_scoped3A_172 = arith.constant 1 : i32
        "tpu.region"() ({
          %run_scoped3A_185 = tpu.sem_alloc : memref<!tpu.dma_semaphore, #tpu.memory_space<semaphore_mem>>
          %dma_start3A_186 = arith.constant 0 : i32
          %dma_start3A_187 = arith.constant 0 : i32
          %dma_start3A_188 = tpu.memref_slice %arg7[%rem3A_128, %dma_start3A_186, %dma_start3A_187] : memref<3x125x128xf32, #tpu.memory_space<vmem>> -> memref<1x125x128xf32, #tpu.memory_space<vmem>>
          %dma_start3A_189 = tpu.memref_squeeze %dma_start3A_188 : memref<1x125x128xf32, #tpu.memory_space<vmem>> -> memref<125x128xf32, #tpu.memory_space<vmem>>
          %dma_start3A_190 = arith.constant 0 : i32
          %dma_start3A_191 = tpu.memref_slice %arg6[%run_scoped3A_171, %run_scoped3A_172, %dma_start3A_190] : memref<4x2x125xi32, #tpu.memory_space<vmem>> -> memref<1x1x125xi32, #tpu.memory_space<vmem>>
          %dma_start3A_192 = tpu.memref_squeeze %dma_start3A_191 : memref<1x1x125xi32, #tpu.memory_space<vmem>> -> memref<125xi32, #tpu.memory_space<vmem>>
          %dma_start3A_193 = arith.constant 0 : i32
          %dma_start3A_194 = arith.constant 0 : i32
          %dma_start3A_195 = tpu.memref_slice %arg8[%dma_start3A_193, %dma_start3A_194] : memref<10000x128xf32, #tpu.memory_space<vmem_shared>> -> memref<10000x128xf32, #tpu.memory_space<vmem_shared>>
          tpu.enqueue_indirect_dma source(%dma_start3A_189 : memref<125x128xf32, #tpu.memory_space<vmem>>) target(%dma_start3A_195 : memref<10000x128xf32, #tpu.memory_space<vmem_shared>>) offsets(%dma_start3A_192 : memref<125xi32, #tpu.memory_space<vmem>>) semaphore(%run_scoped3A_185 : memref<!tpu.dma_semaphore, #tpu.memory_space<semaphore_mem>>) {add = true}
          %dma_wait3A_196 = arith.constant 0 : i32
          %dma_wait3A_197 = arith.constant 0 : i32
          %dma_wait3A_198 = tpu.memref_slice %arg7[%rem3A_128, %dma_wait3A_196, %dma_wait3A_197] : memref<3x125x128xf32, #tpu.memory_space<vmem>> -> memref<1x125x128xf32, #tpu.memory_space<vmem>>
          %dma_wait3A_199 = tpu.memref_squeeze %dma_wait3A_198 : memref<1x125x128xf32, #tpu.memory_space<vmem>> -> memref<125x128xf32, #tpu.memory_space<vmem>>
          %dma_wait3A_200 = arith.constant 0 : i32
          %dma_wait3A_201 = tpu.memref_slice %arg6[%run_scoped3A_171, %run_scoped3A_172, %dma_wait3A_200] : memref<4x2x125xi32, #tpu.memory_space<vmem>> -> memref<1x1x125xi32, #tpu.memory_space<vmem>>
          %dma_wait3A_202 = tpu.memref_squeeze %dma_wait3A_201 : memref<1x1x125xi32, #tpu.memory_space<vmem>> -> memref<125xi32, #tpu.memory_space<vmem>>
          %dma_wait3A_203 = arith.constant 0 : i32
          %dma_wait3A_204 = arith.constant 0 : i32
          %dma_wait3A_205 = tpu.memref_slice %arg8[%dma_wait3A_203, %dma_wait3A_204] : memref<10000x128xf32, #tpu.memory_space<vmem_shared>> -> memref<10000x128xf32, #tpu.memory_space<vmem_shared>>
          tpu.wait_indirect_dma semaphore(%run_scoped3A_185 : memref<!tpu.dma_semaphore, #tpu.memory_space<semaphore_mem>>) src(%dma_wait3A_199 : memref<125x128xf32, #tpu.memory_space<vmem>>) dst(%dma_wait3A_205 : memref<10000x128xf32, #tpu.memory_space<vmem_shared>>)
          tpu.yield
        }) : () -> ()
        %dma_wait3A_173 = arith.constant 3 : i32
        %dma_wait3A_174 = arith.constant 0 : i32
        %dma_wait3A_175 = arith.constant 0 : i32
        %dma_wait3A_176 = arith.constant 0 : i32
        %dma_wait3A_177 = tpu.memref_slice %arg7[%rem3A_132, %dma_wait3A_175, %dma_wait3A_176] : memref<3x125x128xf32, #tpu.memory_space<vmem>> -> memref<1x125x128xf32, #tpu.memory_space<vmem>>
        %dma_wait3A_178 = tpu.memref_squeeze %dma_wait3A_177 : memref<1x125x128xf32, #tpu.memory_space<vmem>> -> memref<125x128xf32, #tpu.memory_space<vmem>>
        %dma_wait3A_179 = arith.constant 0 : i32
        %dma_wait3A_180 = tpu.memref_slice %arg6[%dma_wait3A_173, %dma_wait3A_174, %dma_wait3A_179] : memref<4x2x125xi32, #tpu.memory_space<vmem>> -> memref<1x1x125xi32, #tpu.memory_space<vmem>>
        %dma_wait3A_181 = tpu.memref_squeeze %dma_wait3A_180 : memref<1x1x125xi32, #tpu.memory_space<vmem>> -> memref<125xi32, #tpu.memory_space<vmem>>
        %dma_wait3A_182 = arith.constant 0 : i32
        %dma_wait3A_183 = arith.constant 0 : i32
        %dma_wait3A_184 = tpu.memref_slice %arg2[%dma_wait3A_182, %dma_wait3A_183] : memref<10000x128xf32, #tpu.memory_space<hbm>> -> memref<10000x128xf32, #tpu.memory_space<hbm>>
        tpu.wait_indirect_dma semaphore(%arg11 : memref<!tpu.dma_semaphore, #tpu.memory_space<semaphore_mem>>) src(%dma_wait3A_184 : memref<10000x128xf32, #tpu.memory_space<hbm>>) dst(%dma_wait3A_178 : memref<125x128xf32, #tpu.memory_space<vmem>>)
      } else {
      }
      %mul3A_147 = arith.constant 4 : i32
      %mul3A_148 = arith.muli %scan3A_25, %mul3A_147 : i32
      %add3A_149 = arith.constant 3 : i32
      %add3A_150 = arith.addi %mul3A_148, %add3A_149 : i32
      %rem3A_151 = arith.constant 3 : i32
      %rem3A_152 = arith.remsi %add3A_150, %rem3A_151 : i32
      %add3A_153 = arith.constant 1 : i32
      %add3A_154 = arith.addi %add3A_150, %add3A_153 : i32
      %rem3A_155 = arith.constant 3 : i32
      %rem3A_156 = arith.remsi %add3A_154, %rem3A_155 : i32
      %add3A_157 = arith.constant 2 : i32
      %add3A_158 = arith.addi %add3A_150, %add3A_157 : i32
      %rem3A_159 = arith.constant 3 : i32
      %rem3A_160 = arith.remsi %add3A_158, %rem3A_159 : i32
      %lt3A_161 = arith.constant 19 : i32
      %lt3A_162 = arith.cmpi slt, %scan3A_25, %lt3A_161 : i32
      %convert_element_type3A_163 = arith.extui %lt3A_162 : i1 to i32
      %cond3A_164 = arith.constant 0 : i32
      %cond3A_165 = arith.cmpi ne, %convert_element_type3A_163, %cond3A_164 : i32
      scf.if %cond3A_165 {
        %add3A_171 = arith.addi %mul3A_2, %add3A_150 : i32
        %add3A_172 = arith.constant 3 : i32
        %add3A_173 = arith.addi %add3A_171, %add3A_172 : i32
        %dma_start3A_174 = arith.constant 2 : i32
        %dma_start3A_175 = arith.constant 0 : i32
        %dma_start3A_176 = arith.constant 0 : i32
        %dma_start3A_177 = tpu.memref_slice %arg6[%dma_start3A_174, %dma_start3A_175, %dma_start3A_176] : memref<4x2x125xi32, #tpu.memory_space<vmem>> -> memref<1x2x125xi32, #tpu.memory_space<vmem>>
        %dma_start3A_178 = tpu.memref_squeeze %dma_start3A_177 : memref<1x2x125xi32, #tpu.memory_space<vmem>> -> memref<2x125xi32, #tpu.memory_space<vmem>>
        %dma_start3A_179 = arith.constant 0 : i32
        %dma_start3A_180 = arith.constant 0 : i32
        %dma_start3A_181 = tpu.memref_slice %arg4[%add3A_173, %dma_start3A_179, %dma_start3A_180] : memref<2560x2x125xi32, #tpu.memory_space<hbm>> -> memref<1x2x125xi32, #tpu.memory_space<hbm>>
        %dma_start3A_182 = tpu.memref_squeeze %dma_start3A_181 : memref<1x2x125xi32, #tpu.memory_space<hbm>> -> memref<2x125xi32, #tpu.memory_space<hbm>>
        %dma_start3A_183 = arith.constant 0 : i32
        %dma_start3A_184 = arith.constant 0 : i32
        %dma_start3A_185 = tpu.memref_slice %arg6[%dma_start3A_174, %dma_start3A_183, %dma_start3A_184] : memref<4x2x125xi32, #tpu.memory_space<vmem>> -> memref<1x2x125xi32, #tpu.memory_space<vmem>>
        %dma_start3A_186 = tpu.memref_squeeze %dma_start3A_185 : memref<1x2x125xi32, #tpu.memory_space<vmem>> -> memref<2x125xi32, #tpu.memory_space<vmem>>
        %dma_start3A_187 = arith.constant 0 : i32
        %dma_start3A_188 = arith.constant 0 : i32
        %dma_start3A_189 = tpu.memref_slice %arg4[%add3A_173, %dma_start3A_187, %dma_start3A_188] : memref<2560x2x125xi32, #tpu.memory_space<hbm>> -> memref<1x2x125xi32, #tpu.memory_space<hbm>>
        %dma_start3A_190 = tpu.memref_squeeze %dma_start3A_189 : memref<1x2x125xi32, #tpu.memory_space<hbm>> -> memref<2x125xi32, #tpu.memory_space<hbm>>
        tpu.enqueue_dma source(%dma_start3A_190 : memref<2x125xi32, #tpu.memory_space<hbm>>) target(%dma_start3A_186 : memref<2x125xi32, #tpu.memory_space<vmem>>) target_semaphore(%arg9 : memref<!tpu.dma_semaphore, #tpu.memory_space<semaphore_mem>>)
        %dma_start3A_191 = arith.constant 1 : i32
        %dma_start3A_192 = arith.constant 0 : i32
        %dma_start3A_193 = arith.constant 0 : i32
        %dma_start3A_194 = arith.constant 0 : i32
        %dma_start3A_195 = tpu.memref_slice %arg7[%rem3A_160, %dma_start3A_193, %dma_start3A_194] : memref<3x125x128xf32, #tpu.memory_space<vmem>> -> memref<1x125x128xf32, #tpu.memory_space<vmem>>
        %dma_start3A_196 = tpu.memref_squeeze %dma_start3A_195 : memref<1x125x128xf32, #tpu.memory_space<vmem>> -> memref<125x128xf32, #tpu.memory_space<vmem>>
        %dma_start3A_197 = arith.constant 0 : i32
        %dma_start3A_198 = tpu.memref_slice %arg6[%dma_start3A_191, %dma_start3A_192, %dma_start3A_197] : memref<4x2x125xi32, #tpu.memory_space<vmem>> -> memref<1x1x125xi32, #tpu.memory_space<vmem>>
        %dma_start3A_199 = tpu.memref_squeeze %dma_start3A_198 : memref<1x1x125xi32, #tpu.memory_space<vmem>> -> memref<125xi32, #tpu.memory_space<vmem>>
        %dma_start3A_200 = arith.constant 0 : i32
        %dma_start3A_201 = arith.constant 0 : i32
        %dma_start3A_202 = tpu.memref_slice %arg2[%dma_start3A_200, %dma_start3A_201] : memref<10000x128xf32, #tpu.memory_space<hbm>> -> memref<10000x128xf32, #tpu.memory_space<hbm>>
        tpu.enqueue_indirect_dma source(%dma_start3A_202 : memref<10000x128xf32, #tpu.memory_space<hbm>>) target(%dma_start3A_196 : memref<125x128xf32, #tpu.memory_space<vmem>>) offsets(%dma_start3A_199 : memref<125xi32, #tpu.memory_space<vmem>>) semaphore(%arg11 : memref<!tpu.dma_semaphore, #tpu.memory_space<semaphore_mem>>)
        %run_scoped3A_203 = arith.constant 3 : i32
        %run_scoped3A_204 = arith.constant 1 : i32
        "tpu.region"() ({
          %run_scoped3A_234 = tpu.sem_alloc : memref<!tpu.dma_semaphore, #tpu.memory_space<semaphore_mem>>
          %dma_start3A_235 = arith.constant 0 : i32
          %dma_start3A_236 = arith.constant 0 : i32
          %dma_start3A_237 = tpu.memref_slice %arg7[%rem3A_152, %dma_start3A_235, %dma_start3A_236] : memref<3x125x128xf32, #tpu.memory_space<vmem>> -> memref<1x125x128xf32, #tpu.memory_space<vmem>>
          %dma_start3A_238 = tpu.memref_squeeze %dma_start3A_237 : memref<1x125x128xf32, #tpu.memory_space<vmem>> -> memref<125x128xf32, #tpu.memory_space<vmem>>
          %dma_start3A_239 = arith.constant 0 : i32
          %dma_start3A_240 = tpu.memref_slice %arg6[%run_scoped3A_203, %run_scoped3A_204, %dma_start3A_239] : memref<4x2x125xi32, #tpu.memory_space<vmem>> -> memref<1x1x125xi32, #tpu.memory_space<vmem>>
          %dma_start3A_241 = tpu.memref_squeeze %dma_start3A_240 : memref<1x1x125xi32, #tpu.memory_space<vmem>> -> memref<125xi32, #tpu.memory_space<vmem>>
          %dma_start3A_242 = arith.constant 0 : i32
          %dma_start3A_243 = arith.constant 0 : i32
          %dma_start3A_244 = tpu.memref_slice %arg8[%dma_start3A_242, %dma_start3A_243] : memref<10000x128xf32, #tpu.memory_space<vmem_shared>> -> memref<10000x128xf32, #tpu.memory_space<vmem_shared>>
          tpu.enqueue_indirect_dma source(%dma_start3A_238 : memref<125x128xf32, #tpu.memory_space<vmem>>) target(%dma_start3A_244 : memref<10000x128xf32, #tpu.memory_space<vmem_shared>>) offsets(%dma_start3A_241 : memref<125xi32, #tpu.memory_space<vmem>>) semaphore(%run_scoped3A_234 : memref<!tpu.dma_semaphore, #tpu.memory_space<semaphore_mem>>) {add = true}
          %dma_wait3A_245 = arith.constant 0 : i32
          %dma_wait3A_246 = arith.constant 0 : i32
          %dma_wait3A_247 = tpu.memref_slice %arg7[%rem3A_152, %dma_wait3A_245, %dma_wait3A_246] : memref<3x125x128xf32, #tpu.memory_space<vmem>> -> memref<1x125x128xf32, #tpu.memory_space<vmem>>
          %dma_wait3A_248 = tpu.memref_squeeze %dma_wait3A_247 : memref<1x125x128xf32, #tpu.memory_space<vmem>> -> memref<125x128xf32, #tpu.memory_space<vmem>>
          %dma_wait3A_249 = arith.constant 0 : i32
          %dma_wait3A_250 = tpu.memref_slice %arg6[%run_scoped3A_203, %run_scoped3A_204, %dma_wait3A_249] : memref<4x2x125xi32, #tpu.memory_space<vmem>> -> memref<1x1x125xi32, #tpu.memory_space<vmem>>
          %dma_wait3A_251 = tpu.memref_squeeze %dma_wait3A_250 : memref<1x1x125xi32, #tpu.memory_space<vmem>> -> memref<125xi32, #tpu.memory_space<vmem>>
          %dma_wait3A_252 = arith.constant 0 : i32
          %dma_wait3A_253 = arith.constant 0 : i32
          %dma_wait3A_254 = tpu.memref_slice %arg8[%dma_wait3A_252, %dma_wait3A_253] : memref<10000x128xf32, #tpu.memory_space<vmem_shared>> -> memref<10000x128xf32, #tpu.memory_space<vmem_shared>>
          tpu.wait_indirect_dma semaphore(%run_scoped3A_234 : memref<!tpu.dma_semaphore, #tpu.memory_space<semaphore_mem>>) src(%dma_wait3A_248 : memref<125x128xf32, #tpu.memory_space<vmem>>) dst(%dma_wait3A_254 : memref<10000x128xf32, #tpu.memory_space<vmem_shared>>)
          tpu.yield
        }) : () -> ()
        %dma_wait3A_205 = arith.constant 0 : i32
        %dma_wait3A_206 = arith.constant 0 : i32
        %dma_wait3A_207 = arith.constant 0 : i32
        %dma_wait3A_208 = arith.constant 0 : i32
        %dma_wait3A_209 = tpu.memref_slice %arg7[%rem3A_156, %dma_wait3A_207, %dma_wait3A_208] : memref<3x125x128xf32, #tpu.memory_space<vmem>> -> memref<1x125x128xf32, #tpu.memory_space<vmem>>
        %dma_wait3A_210 = tpu.memref_squeeze %dma_wait3A_209 : memref<1x125x128xf32, #tpu.memory_space<vmem>> -> memref<125x128xf32, #tpu.memory_space<vmem>>
        %dma_wait3A_211 = arith.constant 0 : i32
        %dma_wait3A_212 = tpu.memref_slice %arg6[%dma_wait3A_205, %dma_wait3A_206, %dma_wait3A_211] : memref<4x2x125xi32, #tpu.memory_space<vmem>> -> memref<1x1x125xi32, #tpu.memory_space<vmem>>
        %dma_wait3A_213 = tpu.memref_squeeze %dma_wait3A_212 : memref<1x1x125xi32, #tpu.memory_space<vmem>> -> memref<125xi32, #tpu.memory_space<vmem>>
        %dma_wait3A_214 = arith.constant 0 : i32
        %dma_wait3A_215 = arith.constant 0 : i32
        %dma_wait3A_216 = tpu.memref_slice %arg2[%dma_wait3A_214, %dma_wait3A_215] : memref<10000x128xf32, #tpu.memory_space<hbm>> -> memref<10000x128xf32, #tpu.memory_space<hbm>>
        tpu.wait_indirect_dma semaphore(%arg10 : memref<!tpu.dma_semaphore, #tpu.memory_space<semaphore_mem>>) src(%dma_wait3A_216 : memref<10000x128xf32, #tpu.memory_space<hbm>>) dst(%dma_wait3A_210 : memref<125x128xf32, #tpu.memory_space<vmem>>)
        %dma_wait3A_217 = arith.constant 2 : i32
        %dma_wait3A_218 = arith.constant 0 : i32
        %dma_wait3A_219 = arith.constant 0 : i32
        %dma_wait3A_220 = tpu.memref_slice %arg6[%dma_wait3A_217, %dma_wait3A_218, %dma_wait3A_219] : memref<4x2x125xi32, #tpu.memory_space<vmem>> -> memref<1x2x125xi32, #tpu.memory_space<vmem>>
        %dma_wait3A_221 = tpu.memref_squeeze %dma_wait3A_220 : memref<1x2x125xi32, #tpu.memory_space<vmem>> -> memref<2x125xi32, #tpu.memory_space<vmem>>
        %dma_wait3A_222 = arith.constant 0 : i32
        %dma_wait3A_223 = arith.constant 0 : i32
        %dma_wait3A_224 = tpu.memref_slice %arg4[%add3A_173, %dma_wait3A_222, %dma_wait3A_223] : memref<2560x2x125xi32, #tpu.memory_space<hbm>> -> memref<1x2x125xi32, #tpu.memory_space<hbm>>
        %dma_wait3A_225 = tpu.memref_squeeze %dma_wait3A_224 : memref<1x2x125xi32, #tpu.memory_space<hbm>> -> memref<2x125xi32, #tpu.memory_space<hbm>>
        %dma_wait3A_226 = arith.constant 0 : i32
        %dma_wait3A_227 = arith.constant 0 : i32
        %dma_wait3A_228 = tpu.memref_slice %arg6[%dma_wait3A_217, %dma_wait3A_226, %dma_wait3A_227] : memref<4x2x125xi32, #tpu.memory_space<vmem>> -> memref<1x2x125xi32, #tpu.memory_space<vmem>>
        %dma_wait3A_229 = tpu.memref_squeeze %dma_wait3A_228 : memref<1x2x125xi32, #tpu.memory_space<vmem>> -> memref<2x125xi32, #tpu.memory_space<vmem>>
        %dma_wait3A_230 = arith.constant 0 : i32
        %dma_wait3A_231 = arith.constant 0 : i32
        %dma_wait3A_232 = tpu.memref_slice %arg4[%add3A_173, %dma_wait3A_230, %dma_wait3A_231] : memref<2560x2x125xi32, #tpu.memory_space<hbm>> -> memref<1x2x125xi32, #tpu.memory_space<hbm>>
        %dma_wait3A_233 = tpu.memref_squeeze %dma_wait3A_232 : memref<1x2x125xi32, #tpu.memory_space<hbm>> -> memref<2x125xi32, #tpu.memory_space<hbm>>
        tpu.wait_dma2 semaphore(%arg9 : memref<!tpu.dma_semaphore, #tpu.memory_space<semaphore_mem>>) src(%dma_wait3A_233 : memref<2x125xi32, #tpu.memory_space<hbm>>) dst(%dma_wait3A_229 : memref<2x125xi32, #tpu.memory_space<vmem>>)
      } else {
      }
      %eq3A_166 = arith.constant 19 : i32
      %eq3A_167 = arith.cmpi eq, %scan3A_25, %eq3A_166 : i32
      %convert_element_type3A_168 = arith.extui %eq3A_167 : i1 to i32
      %cond3A_169 = arith.constant 0 : i32
      %cond3A_170 = arith.cmpi ne, %convert_element_type3A_168, %cond3A_169 : i32
      scf.if %cond3A_170 {
        %run_scoped3A_171 = arith.constant 3 : i32
        %run_scoped3A_172 = arith.constant 1 : i32
        "tpu.region"() ({
          %run_scoped3A_173 = tpu.sem_alloc : memref<!tpu.dma_semaphore, #tpu.memory_space<semaphore_mem>>
          %dma_start3A_174 = arith.constant 0 : i32
          %dma_start3A_175 = arith.constant 0 : i32
          %dma_start3A_176 = tpu.memref_slice %arg7[%rem3A_152, %dma_start3A_174, %dma_start3A_175] : memref<3x125x128xf32, #tpu.memory_space<vmem>> -> memref<1x125x128xf32, #tpu.memory_space<vmem>>
          %dma_start3A_177 = tpu.memref_squeeze %dma_start3A_176 : memref<1x125x128xf32, #tpu.memory_space<vmem>> -> memref<125x128xf32, #tpu.memory_space<vmem>>
          %dma_start3A_178 = arith.constant 0 : i32
          %dma_start3A_179 = tpu.memref_slice %arg6[%run_scoped3A_171, %run_scoped3A_172, %dma_start3A_178] : memref<4x2x125xi32, #tpu.memory_space<vmem>> -> memref<1x1x125xi32, #tpu.memory_space<vmem>>
          %dma_start3A_180 = tpu.memref_squeeze %dma_start3A_179 : memref<1x1x125xi32, #tpu.memory_space<vmem>> -> memref<125xi32, #tpu.memory_space<vmem>>
          %dma_start3A_181 = arith.constant 0 : i32
          %dma_start3A_182 = arith.constant 0 : i32
          %dma_start3A_183 = tpu.memref_slice %arg8[%dma_start3A_181, %dma_start3A_182] : memref<10000x128xf32, #tpu.memory_space<vmem_shared>> -> memref<10000x128xf32, #tpu.memory_space<vmem_shared>>
          tpu.enqueue_indirect_dma source(%dma_start3A_177 : memref<125x128xf32, #tpu.memory_space<vmem>>) target(%dma_start3A_183 : memref<10000x128xf32, #tpu.memory_space<vmem_shared>>) offsets(%dma_start3A_180 : memref<125xi32, #tpu.memory_space<vmem>>) semaphore(%run_scoped3A_173 : memref<!tpu.dma_semaphore, #tpu.memory_space<semaphore_mem>>) {add = true}
          %dma_wait3A_184 = arith.constant 0 : i32
          %dma_wait3A_185 = arith.constant 0 : i32
          %dma_wait3A_186 = tpu.memref_slice %arg7[%rem3A_152, %dma_wait3A_184, %dma_wait3A_185] : memref<3x125x128xf32, #tpu.memory_space<vmem>> -> memref<1x125x128xf32, #tpu.memory_space<vmem>>
          %dma_wait3A_187 = tpu.memref_squeeze %dma_wait3A_186 : memref<1x125x128xf32, #tpu.memory_space<vmem>> -> memref<125x128xf32, #tpu.memory_space<vmem>>
          %dma_wait3A_188 = arith.constant 0 : i32
          %dma_wait3A_189 = tpu.memref_slice %arg6[%run_scoped3A_171, %run_scoped3A_172, %dma_wait3A_188] : memref<4x2x125xi32, #tpu.memory_space<vmem>> -> memref<1x1x125xi32, #tpu.memory_space<vmem>>
          %dma_wait3A_190 = tpu.memref_squeeze %dma_wait3A_189 : memref<1x1x125xi32, #tpu.memory_space<vmem>> -> memref<125xi32, #tpu.memory_space<vmem>>
          %dma_wait3A_191 = arith.constant 0 : i32
          %dma_wait3A_192 = arith.constant 0 : i32
          %dma_wait3A_193 = tpu.memref_slice %arg8[%dma_wait3A_191, %dma_wait3A_192] : memref<10000x128xf32, #tpu.memory_space<vmem_shared>> -> memref<10000x128xf32, #tpu.memory_space<vmem_shared>>
          tpu.wait_indirect_dma semaphore(%run_scoped3A_173 : memref<!tpu.dma_semaphore, #tpu.memory_space<semaphore_mem>>) src(%dma_wait3A_187 : memref<125x128xf32, #tpu.memory_space<vmem>>) dst(%dma_wait3A_193 : memref<10000x128xf32, #tpu.memory_space<vmem_shared>>)
          tpu.yield
        }) : () -> ()
      } else {
      }
    }
    %scan3A_13 = arith.constant 20 : i32
    %barrier3A_14 = arith.constant 0 : index
    tpu.barrier barrier_id(%barrier3A_14)
    %lt3A_15 = arith.constant 15 : i32
    %lt3A_16 = arith.cmpi slt, %arg1, %lt3A_15 : i32
    %convert_element_type3A_17 = arith.extui %lt3A_16 : i1 to i32
    %cond3A_18 = arith.constant 0 : i32
    %cond3A_19 = arith.cmpi ne, %convert_element_type3A_17, %cond3A_18 : i32
    scf.if %cond3A_19 {
      %mul3A_25 = arith.constant 632 : i32
      %mul3A_26 = arith.muli %arg1, %mul3A_25 : i32
      %mul3A_27 = arith.constant 632 : i32
      %mul3A_28 = arith.muli %arg1, %mul3A_27 : i32
      "tpu.region"() ({
        %run_scoped3A = tpu.sem_alloc : memref<!tpu.dma_semaphore, #tpu.memory_space<semaphore_mem>>
        %dma_start3A = arith.constant 0 : i32
        %dma_start3A_29 = tpu.memref_slice %arg5[%arg0, %mul3A_28, %dma_start3A] : memref<2x10000x128xf32, #tpu.memory_space<hbm>> -> memref<1x632x128xf32, #tpu.memory_space<hbm>>
        %dma_start3A_30 = tpu.memref_squeeze %dma_start3A_29 : memref<1x632x128xf32, #tpu.memory_space<hbm>> -> memref<632x128xf32, #tpu.memory_space<hbm>>
        %dma_start3A_31 = arith.constant 0 : i32
        %dma_start3A_32 = tpu.memref_slice %arg8[%mul3A_26, %dma_start3A_31] : memref<10000x128xf32, #tpu.memory_space<vmem_shared>> -> memref<632x128xf32, #tpu.memory_space<vmem_shared>>
        tpu.enqueue_dma source(%dma_start3A_32 : memref<632x128xf32, #tpu.memory_space<vmem_shared>>) target(%dma_start3A_30 : memref<632x128xf32, #tpu.memory_space<hbm>>) target_semaphore(%run_scoped3A : memref<!tpu.dma_semaphore, #tpu.memory_space<semaphore_mem>>)
        %dma_wait3A = arith.constant 0 : i32
        %dma_wait3A_33 = tpu.memref_slice %arg5[%arg0, %mul3A_28, %dma_wait3A] : memref<2x10000x128xf32, #tpu.memory_space<hbm>> -> memref<1x632x128xf32, #tpu.memory_space<hbm>>
        %dma_wait3A_34 = tpu.memref_squeeze %dma_wait3A_33 : memref<1x632x128xf32, #tpu.memory_space<hbm>> -> memref<632x128xf32, #tpu.memory_space<hbm>>
        %dma_wait3A_35 = arith.constant 0 : i32
        %dma_wait3A_36 = tpu.memref_slice %arg8[%mul3A_26, %dma_wait3A_35] : memref<10000x128xf32, #tpu.memory_space<vmem_shared>> -> memref<632x128xf32, #tpu.memory_space<vmem_shared>>
        tpu.wait_dma2 semaphore(%run_scoped3A : memref<!tpu.dma_semaphore, #tpu.memory_space<semaphore_mem>>) src(%dma_wait3A_36 : memref<632x128xf32, #tpu.memory_space<vmem_shared>>) dst(%dma_wait3A_34 : memref<632x128xf32, #tpu.memory_space<hbm>>)
        tpu.yield
      }) : () -> ()
    } else {
    }
    %eq3A_20 = arith.constant 15 : i32
    %eq3A_21 = arith.cmpi eq, %arg1, %eq3A_20 : i32
    %convert_element_type3A_22 = arith.extui %eq3A_21 : i1 to i32
    %cond3A_23 = arith.constant 0 : i32
    %cond3A_24 = arith.cmpi ne, %convert_element_type3A_22, %cond3A_23 : i32
    scf.if %cond3A_24 {
      "tpu.region"() ({
        %run_scoped3A = tpu.sem_alloc : memref<!tpu.dma_semaphore, #tpu.memory_space<semaphore_mem>>
        %dma_start3A = arith.constant 9480 : i32
        %dma_start3A_25 = arith.constant 0 : i32
        %dma_start3A_26 = tpu.memref_slice %arg5[%arg0, %dma_start3A, %dma_start3A_25] : memref<2x10000x128xf32, #tpu.memory_space<hbm>> -> memref<1x520x128xf32, #tpu.memory_space<hbm>>
        %dma_start3A_27 = tpu.memref_squeeze %dma_start3A_26 : memref<1x520x128xf32, #tpu.memory_space<hbm>> -> memref<520x128xf32, #tpu.memory_space<hbm>>
        %dma_start3A_28 = arith.constant 9480 : i32
        %dma_start3A_29 = arith.constant 0 : i32
        %dma_start3A_30 = tpu.memref_slice %arg8[%dma_start3A_28, %dma_start3A_29] : memref<10000x128xf32, #tpu.memory_space<vmem_shared>> -> memref<520x128xf32, #tpu.memory_space<vmem_shared>>
        tpu.enqueue_dma source(%dma_start3A_30 : memref<520x128xf32, #tpu.memory_space<vmem_shared>>) target(%dma_start3A_27 : memref<520x128xf32, #tpu.memory_space<hbm>>) target_semaphore(%run_scoped3A : memref<!tpu.dma_semaphore, #tpu.memory_space<semaphore_mem>>)
        %dma_wait3A = arith.constant 9480 : i32
        %dma_wait3A_31 = arith.constant 0 : i32
        %dma_wait3A_32 = tpu.memref_slice %arg5[%arg0, %dma_wait3A, %dma_wait3A_31] : memref<2x10000x128xf32, #tpu.memory_space<hbm>> -> memref<1x520x128xf32, #tpu.memory_space<hbm>>
        %dma_wait3A_33 = tpu.memref_squeeze %dma_wait3A_32 : memref<1x520x128xf32, #tpu.memory_space<hbm>> -> memref<520x128xf32, #tpu.memory_space<hbm>>
        %dma_wait3A_34 = arith.constant 9480 : i32
        %dma_wait3A_35 = arith.constant 0 : i32
        %dma_wait3A_36 = tpu.memref_slice %arg8[%dma_wait3A_34, %dma_wait3A_35] : memref<10000x128xf32, #tpu.memory_space<vmem_shared>> -> memref<520x128xf32, #tpu.memory_space<vmem_shared>>
        tpu.wait_dma2 semaphore(%run_scoped3A : memref<!tpu.dma_semaphore, #tpu.memory_space<semaphore_mem>>) src(%dma_wait3A_36 : memref<520x128xf32, #tpu.memory_space<vmem_shared>>) dst(%dma_wait3A_33 : memref<520x128xf32, #tpu.memory_space<hbm>>)
        tpu.yield
      }) : () -> ()
    } else {
    }
    return
  }
}

module attributes {stable_mosaic.version = 14 : i64} {
  func.func @_mm0_body(%arg0: i32, %arg1: memref<2000x128xf32, #tpu.memory_space<vmem>>, %arg2: memref<128x128xf32, #tpu.memory_space<vmem>>, %arg3: memref<2000x128xf32, #tpu.memory_space<vmem>>) attributes {dimension_semantics = [#tpu.dimension_semantics<arbitrary>], iteration_bounds = array<i64: 5>, scalar_prefetch = 0 : i64, scratch_operands = 0 : i64, tpu.core_type = #tpu.core_type<tc>, window_params = [{transform_indices = @transform_0, window_bounds = array<i64: 2000, 128>}, {pipeline_mode = #tpu.pipeline_mode<synchronous>, transform_indices = @transform_1, window_bounds = array<i64: 128, 128>}, {transform_indices = @transform_2, window_bounds = array<i64: 2000, 128>}]} {
    %get3A = arith.constant 0 : index
    %get3A_0 = arith.constant 0 : index
    %get3A_1 = vector.load %arg1[%get3A, %get3A_0] : memref<2000x128xf32, #tpu.memory_space<vmem>>, vector<2000x128xf32>
    %get3A_2 = arith.constant 0 : index
    %get3A_3 = arith.constant 0 : index
    %get3A_4 = vector.load %arg2[%get3A_2, %get3A_3] : memref<128x128xf32, #tpu.memory_space<vmem>>, vector<128x128xf32>
    %dot_general3A = arith.constant dense<0.000000e+00> : vector<2000x128xf32>
    %dot_general3A_5 = tpu.matmul %get3A_1, %get3A_4, %dot_general3A {dimension_numbers = #tpu.dot_dimension_numbers<[1], [0], [0], [1], [0, 0, 1, 1], [], []>, transpose_lhs_hint = false} : vector<2000x128xf32>, vector<128x128xf32>, vector<2000x128xf32> -> vector<2000x128xf32>
    %swap3A = arith.constant 0 : index
    %swap3A_6 = arith.constant 0 : index
    %swap3A_7 = vector.load %arg3[%swap3A, %swap3A_6] : memref<2000x128xf32, #tpu.memory_space<vmem>>, vector<2000x128xf32>
    tpu.vector_store %arg3[%swap3A, %swap3A_6], %dot_general3A_5 {strides = array<i32>} : memref<2000x128xf32, #tpu.memory_space<vmem>>, vector<2000x128xf32>,
    return
  }
  func.func @transform_0(%arg0: i32) -> (i32, i32) {
    %c0_i32 = arith.constant 0 : i32
    %c0_i32_0 = arith.constant 0 : i32
    return %arg0, %c0_i32 : i32, i32
  }
  func.func @transform_1(%arg0: i32) -> (i32, i32) {
    %c0_i32 = arith.constant 0 : i32
    %c0_i32_0 = arith.constant 0 : i32
    %c0_i32_1 = arith.constant 0 : i32
    return %c0_i32, %c0_i32_0 : i32, i32
  }
  func.func @transform_2(%arg0: i32) -> (i32, i32) {
    %c0_i32 = arith.constant 0 : i32
    %c0_i32_0 = arith.constant 0 : i32
    return %arg0, %c0_i32 : i32, i32
  }
}

module attributes {stable_mosaic.version = 14 : i64} {
  func.func @_scale_body(%arg0: i32, %arg1: memref<2000x128xf32, #tpu.memory_space<vmem>>, %arg2: memref<2000x2xf32, #tpu.memory_space<vmem>>, %arg3: memref<2000x128xf32, #tpu.memory_space<vmem>>, %arg4: memref<2000x1xf32, #tpu.memory_space<vmem>>) attributes {dimension_semantics = [#tpu.dimension_semantics<arbitrary>], iteration_bounds = array<i64: 5>, scalar_prefetch = 0 : i64, scratch_operands = 0 : i64, tpu.core_type = #tpu.core_type<tc>, window_params = [{transform_indices = @transform_0, window_bounds = array<i64: 2000, 128>}, {transform_indices = @transform_1, window_bounds = array<i64: 2000, 2>}, {transform_indices = @transform_2, window_bounds = array<i64: 2000, 128>}, {transform_indices = @transform_3, window_bounds = array<i64: 2000, 1>}]} {
    %get3A = arith.constant 0 : index
    %get3A_0 = arith.constant 0 : index
    %get3A_1 = vector.load %arg2[%get3A, %get3A_0] : memref<2000x2xf32, #tpu.memory_space<vmem>>, vector<2000x1xf32>
    %get3A_2 = arith.constant 0 : index
    %get3A_3 = arith.constant 1 : index
    %get3A_4 = vector.load %arg2[%get3A_2, %get3A_3] : memref<2000x2xf32, #tpu.memory_space<vmem>>, vector<2000x1xf32>
    %add3A = arith.addf %get3A_1, %get3A_4 : vector<2000x1xf32>
    %rsqrt3A = math.rsqrt %add3A : vector<2000x1xf32>
    %get3A_5 = arith.constant 0 : index
    %get3A_6 = arith.constant 0 : index
    %get3A_7 = vector.load %arg1[%get3A_5, %get3A_6] : memref<2000x128xf32, #tpu.memory_space<vmem>>, vector<2000x128xf32>
    %mul3A = vector.broadcast %rsqrt3A : vector<2000x1xf32> to vector<2000x128xf32>
    %mul3A_8 = arith.mulf %get3A_7, %mul3A : vector<2000x128xf32>
    %swap3A = arith.constant 0 : index
    %swap3A_9 = arith.constant 0 : index
    %swap3A_10 = vector.load %arg3[%swap3A, %swap3A_9] : memref<2000x128xf32, #tpu.memory_space<vmem>>, vector<2000x128xf32>
    tpu.vector_store %arg3[%swap3A, %swap3A_9], %mul3A_8 {strides = array<i32>} : memref<2000x128xf32, #tpu.memory_space<vmem>>, vector<2000x128xf32>,
    %swap3A_11 = arith.constant 0 : index
    %swap3A_12 = arith.constant 0 : index
    %swap3A_13 = vector.load %arg4[%swap3A_11, %swap3A_12] : memref<2000x1xf32, #tpu.memory_space<vmem>>, vector<2000x1xf32>
    tpu.vector_store %arg4[%swap3A_11, %swap3A_12], %rsqrt3A {strides = array<i32>} : memref<2000x1xf32, #tpu.memory_space<vmem>>, vector<2000x1xf32>,
    return
  }
  func.func @transform_0(%arg0: i32) -> (i32, i32) {
    %c0_i32 = arith.constant 0 : i32
    %c0_i32_0 = arith.constant 0 : i32
    return %arg0, %c0_i32 : i32, i32
  }
  func.func @transform_1(%arg0: i32) -> (i32, i32) {
    %c0_i32 = arith.constant 0 : i32
    %c0_i32_0 = arith.constant 0 : i32
    return %arg0, %c0_i32 : i32, i32
  }
  func.func @transform_2(%arg0: i32) -> (i32, i32) {
    %c0_i32 = arith.constant 0 : i32
    %c0_i32_0 = arith.constant 0 : i32
    return %arg0, %c0_i32 : i32, i32
  }
  func.func @transform_3(%arg0: i32) -> (i32, i32) {
    %c0_i32 = arith.constant 0 : i32
    %c0_i32_0 = arith.constant 0 : i32
    return %arg0, %c0_i32 : i32, i32
  }
}

module attributes {stable_mosaic.version = 14 : i64} {
  func.func @_mid_body(%arg0: i32, %arg1: memref<2x2000x128xf32, #tpu.memory_space<vmem>>, %arg2: memref<2000x1xf32, #tpu.memory_space<vmem>>, %arg3: memref<1x128xf32, #tpu.memory_space<vmem>>, %arg4: memref<128x128xf32, #tpu.memory_space<vmem>>, %arg5: memref<2000x128xf32, #tpu.memory_space<vmem>>) attributes {dimension_semantics = [#tpu.dimension_semantics<arbitrary>], iteration_bounds = array<i64: 5>, scalar_prefetch = 0 : i64, scratch_operands = 0 : i64, tpu.core_type = #tpu.core_type<tc>, window_params = [{transform_indices = @transform_0, window_bounds = array<i64: 2, 2000, 128>}, {transform_indices = @transform_1, window_bounds = array<i64: 2000, 1>}, {pipeline_mode = #tpu.pipeline_mode<synchronous>, transform_indices = @transform_2, window_bounds = array<i64: 1, 128>}, {pipeline_mode = #tpu.pipeline_mode<synchronous>, transform_indices = @transform_3, window_bounds = array<i64: 128, 128>}, {transform_indices = @transform_4, window_bounds = array<i64: 2000, 128>}]} {
    %get3A = arith.constant 0 : index
    %get3A_0 = arith.constant 0 : index
    %get3A_1 = vector.load %arg2[%get3A, %get3A_0] : memref<2000x1xf32, #tpu.memory_space<vmem>>, vector<2000x1xf32>
    %get3A_2 = arith.constant 0 : index
    %get3A_3 = arith.constant 0 : index
    %get3A_4 = arith.constant 0 : index
    %get3A_5 = vector.load %arg1[%get3A_2, %get3A_3, %get3A_4] : memref<2x2000x128xf32, #tpu.memory_space<vmem>>, vector<1x2000x128xf32>
    %get3A_6 = vector.shape_cast %get3A_5 : vector<1x2000x128xf32> to vector<2000x128xf32>
    %get3A_7 = arith.constant 1 : index
    %get3A_8 = arith.constant 0 : index
    %get3A_9 = arith.constant 0 : index
    %get3A_10 = vector.load %arg1[%get3A_7, %get3A_8, %get3A_9] : memref<2x2000x128xf32, #tpu.memory_space<vmem>>, vector<1x2000x128xf32>
    %get3A_11 = vector.shape_cast %get3A_10 : vector<1x2000x128xf32> to vector<2000x128xf32>
    %add3A = arith.addf %get3A_6, %get3A_11 : vector<2000x128xf32>
    %mul3A = vector.broadcast %get3A_1 : vector<2000x1xf32> to vector<2000x128xf32>
    %mul3A_12 = arith.mulf %mul3A, %add3A : vector<2000x128xf32>
    %get3A_13 = arith.constant 0 : index
    %get3A_14 = arith.constant 0 : index
    %get3A_15 = vector.load %arg3[%get3A_13, %get3A_14] : memref<1x128xf32, #tpu.memory_space<vmem>>, vector<1x128xf32>
    %add3A_16 = vector.broadcast %get3A_15 : vector<1x128xf32> to vector<2000x128xf32>
    %add3A_17 = arith.addf %mul3A_12, %add3A_16 : vector<2000x128xf32>
    %max3A = arith.constant 0.000000e+00 : f32
    %max3A_18 = vector.broadcast %max3A : f32 to vector<2000x128xf32>
    %max3A_19 = arith.maximumf %add3A_17, %max3A_18 : vector<2000x128xf32>
    %get3A_20 = arith.constant 0 : index
    %get3A_21 = arith.constant 0 : index
    %get3A_22 = vector.load %arg4[%get3A_20, %get3A_21] : memref<128x128xf32, #tpu.memory_space<vmem>>, vector<128x128xf32>
    %dot_general3A = arith.constant dense<0.000000e+00> : vector<2000x128xf32>
    %dot_general3A_23 = tpu.matmul %max3A_19, %get3A_22, %dot_general3A {dimension_numbers = #tpu.dot_dimension_numbers<[1], [0], [0], [1], [0, 0, 1, 1], [], []>, transpose_lhs_hint = false} : vector<2000x128xf32>, vector<128x128xf32>, vector<2000x128xf32> -> vector<2000x128xf32>
    %get3A_24 = arith.constant 0 : index
    %get3A_25 = arith.constant 0 : index
    %get3A_26 = vector.load %arg2[%get3A_24, %get3A_25] : memref<2000x1xf32, #tpu.memory_space<vmem>>, vector<2000x1xf32>
    %mul3A_27 = vector.broadcast %get3A_26 : vector<2000x1xf32> to vector<2000x128xf32>
    %mul3A_28 = arith.mulf %dot_general3A_23, %mul3A_27 : vector<2000x128xf32>
    %swap3A = arith.constant 0 : index
    %swap3A_29 = arith.constant 0 : index
    %swap3A_30 = vector.load %arg5[%swap3A, %swap3A_29] : memref<2000x128xf32, #tpu.memory_space<vmem>>, vector<2000x128xf32>
    tpu.vector_store %arg5[%swap3A, %swap3A_29], %mul3A_28 {strides = array<i32>} : memref<2000x128xf32, #tpu.memory_space<vmem>>, vector<2000x128xf32>,
    return
  }
  func.func @transform_0(%arg0: i32) -> (i32, i32, i32) {
    %c0_i32 = arith.constant 0 : i32
    %c0_i32_0 = arith.constant 0 : i32
    %c0_i32_1 = arith.constant 0 : i32
    return %c0_i32, %arg0, %c0_i32_0 : i32, i32, i32
  }
  func.func @transform_1(%arg0: i32) -> (i32, i32) {
    %c0_i32 = arith.constant 0 : i32
    %c0_i32_0 = arith.constant 0 : i32
    return %arg0, %c0_i32 : i32, i32
  }
  func.func @transform_2(%arg0: i32) -> (i32, i32) {
    %c0_i32 = arith.constant 0 : i32
    %c0_i32_0 = arith.constant 0 : i32
    %c0_i32_1 = arith.constant 0 : i32
    return %c0_i32, %c0_i32_0 : i32, i32
  }
  func.func @transform_3(%arg0: i32) -> (i32, i32) {
    %c0_i32 = arith.constant 0 : i32
    %c0_i32_0 = arith.constant 0 : i32
    %c0_i32_1 = arith.constant 0 : i32
    return %c0_i32, %c0_i32_0 : i32, i32
  }
  func.func @transform_4(%arg0: i32) -> (i32, i32) {
    %c0_i32 = arith.constant 0 : i32
    %c0_i32_0 = arith.constant 0 : i32
    return %arg0, %c0_i32 : i32, i32
  }
}

module attributes {stable_mosaic.version = 14 : i64} {
  func.func @_fin_body(%arg0: i32, %arg1: memref<2x2000x128xf32, #tpu.memory_space<vmem>>, %arg2: memref<2000x1xf32, #tpu.memory_space<vmem>>, %arg3: memref<1x128xf32, #tpu.memory_space<vmem>>, %arg4: memref<2000x128xf32, #tpu.memory_space<vmem>>) attributes {dimension_semantics = [#tpu.dimension_semantics<arbitrary>], iteration_bounds = array<i64: 5>, scalar_prefetch = 0 : i64, scratch_operands = 0 : i64, tpu.core_type = #tpu.core_type<tc>, window_params = [{transform_indices = @transform_0, window_bounds = array<i64: 2, 2000, 128>}, {transform_indices = @transform_1, window_bounds = array<i64: 2000, 1>}, {pipeline_mode = #tpu.pipeline_mode<synchronous>, transform_indices = @transform_2, window_bounds = array<i64: 1, 128>}, {transform_indices = @transform_3, window_bounds = array<i64: 2000, 128>}]} {
    %get3A = arith.constant 0 : index
    %get3A_0 = arith.constant 0 : index
    %get3A_1 = vector.load %arg2[%get3A, %get3A_0] : memref<2000x1xf32, #tpu.memory_space<vmem>>, vector<2000x1xf32>
    %get3A_2 = arith.constant 0 : index
    %get3A_3 = arith.constant 0 : index
    %get3A_4 = arith.constant 0 : index
    %get3A_5 = vector.load %arg1[%get3A_2, %get3A_3, %get3A_4] : memref<2x2000x128xf32, #tpu.memory_space<vmem>>, vector<1x2000x128xf32>
    %get3A_6 = vector.shape_cast %get3A_5 : vector<1x2000x128xf32> to vector<2000x128xf32>
    %get3A_7 = arith.constant 1 : index
    %get3A_8 = arith.constant 0 : index
    %get3A_9 = arith.constant 0 : index
    %get3A_10 = vector.load %arg1[%get3A_7, %get3A_8, %get3A_9] : memref<2x2000x128xf32, #tpu.memory_space<vmem>>, vector<1x2000x128xf32>
    %get3A_11 = vector.shape_cast %get3A_10 : vector<1x2000x128xf32> to vector<2000x128xf32>
    %add3A = arith.addf %get3A_6, %get3A_11 : vector<2000x128xf32>
    %mul3A = vector.broadcast %get3A_1 : vector<2000x1xf32> to vector<2000x128xf32>
    %mul3A_12 = arith.mulf %mul3A, %add3A : vector<2000x128xf32>
    %get3A_13 = arith.constant 0 : index
    %get3A_14 = arith.constant 0 : index
    %get3A_15 = vector.load %arg3[%get3A_13, %get3A_14] : memref<1x128xf32, #tpu.memory_space<vmem>>, vector<1x128xf32>
    %add3A_16 = vector.broadcast %get3A_15 : vector<1x128xf32> to vector<2000x128xf32>
    %add3A_17 = arith.addf %mul3A_12, %add3A_16 : vector<2000x128xf32>
    %swap3A = arith.constant 0 : index
    %swap3A_18 = arith.constant 0 : index
    %swap3A_19 = vector.load %arg4[%swap3A, %swap3A_18] : memref<2000x128xf32, #tpu.memory_space<vmem>>, vector<2000x128xf32>
    tpu.vector_store %arg4[%swap3A, %swap3A_18], %add3A_17 {strides = array<i32>} : memref<2000x128xf32, #tpu.memory_space<vmem>>, vector<2000x128xf32>,
    return
  }
  func.func @transform_0(%arg0: i32) -> (i32, i32, i32) {
    %c0_i32 = arith.constant 0 : i32
    %c0_i32_0 = arith.constant 0 : i32
    %c0_i32_1 = arith.constant 0 : i32
    return %c0_i32, %arg0, %c0_i32_0 : i32, i32, i32
  }
  func.func @transform_1(%arg0: i32) -> (i32, i32) {
    %c0_i32 = arith.constant 0 : i32
    %c0_i32_0 = arith.constant 0 : i32
    return %arg0, %c0_i32 : i32, i32
  }
  func.func @transform_2(%arg0: i32) -> (i32, i32) {
    %c0_i32 = arith.constant 0 : i32
    %c0_i32_0 = arith.constant 0 : i32
    %c0_i32_1 = arith.constant 0 : i32
    return %c0_i32, %c0_i32_0 : i32, i32
  }
  func.func @transform_3(%arg0: i32) -> (i32, i32) {
    %c0_i32 = arith.constant 0 : i32
    %c0_i32_0 = arith.constant 0 : i32
    return %arg0, %c0_i32 : i32, i32
  }
}

</mosaic_0001>

<sc_bundles>
// kernel: kernel.12.cloned.1.call-start
scs
__scs_entry_jumppad:
0x0: {  	(pc) =	sbr.rel $0x88, $3  }
0x1: {  	(tag) =	ssettag $0x0;
	lr =	simm.s32 $0x1  }
0x2: {  	[smem:$0x3F9B] =	sst lr;
	_ =	strace $0xD0000000  }
0x3: {  	_ = 	snop  }
0x4: {  	_ = 	snop  }
0x5: {  	_ = 	snop  }
0x6: {  	_ = 	snop  }
0x7: {  	_ = 	snop  }
__scs_overlays_trampoline_lowered:
0x8: {  	[smem:$0x3FAA] =	sst s0  }
0x9: {  	[smem:$0x3FAB] =	sst s1  }
0xa: {  	[smem:$0x3FAC] =	sst s2  }
0xb: {  	[smem:$0x3FAD] =	sst s3  }
0xc: {  	[smem:$0x3FAE] =	sst s4  }
0xd: {  	[smem:$0x3FAF] =	sst s5  }
0xe: {  	[smem:$0x3FB0] =	sst s6  }
0xf: {  	[smem:$0x3FB1] =	sst s7  }
0x10: {  	[smem:$0x3FB2] =	sst s8  }
0x11: {  	[smem:$0x3FB3] =	sst s9;
	s0 =	simm.s32 @!p0 $0x0  }
0x12: {  	s1 =	sld [smem:$0x3F99];
	s0 =	simm.s32 @p0 $0x1  }
0x13: {  	[smem:$0x3FB4] =	sst s0;
	s0 =	simm.s32 @!p1 $0x0  }
0x14: {  	s2 =	sld [smem:$0x3F98];
	s0 =	simm.s32 @p1 $0x1  }
0x15: {  	[smem:$0x3FB5] =	sst s0;
	s0 =	simm.s32 @!p2 $0x0  }
0x16: {  	s3 =	sld [smem:$0x3FDB];
	s0 =	simm.s32 @p2 $0x1  }
0x17: {  	s4 =	simm.s32 $0x1BF5;
	[smem:$0x3FB7] =	sst s0  }
0x18: {  	s0 =	sld [smem:$0x3F9A];
	_ =	swait.ge [sflag:s4], $0x0  }
0x19: {  	s7 =	sld [smem:$0x3F9B]  }
0x1a: {  	s8 =	sadd.s32 $0xFFFFE003, lr  }
0x1b: {  	s9 =	sadd.s32 $0xFFFFFEF7, lr;
	s5 =	simm.s32 $0xFFFFFFFF;
	p2 =	slt.u32 s8, $0xFFFFF086  }
0x1c: {  	p1 =	slt.u32 s9, $0xF7A;
	s5 =	simm.s32 @!p2 $0x0  }
0x1d: {  	s5 =	simm.s32 @p1 $0x1;
	p0 =	seq.s32 s7, s2  }
0x1e: {  	s7 =	smul.u32 @!p0 $0xF7A, s2;
	p2 =	seq.s32 @!p0 s5, $0x0  }
0x1f: {  	s9 =	smul.u32 $0xF7A, s1;
	s8 =	simm.s32 @!p0 $0x1BF5;
	p2 =	por !p2, p0  }
0x20: {  	[sflag:s8] =	ssyncset.s32 @!p0 $0xFFFFF086;
	s6 =	sadd.s32 @!p0 s3, s7;
	s7 =	simm.s32 @!p0 $0x108  }
0x21: {  	s3 =	sadd.s32 s3, s9;
	s6 =	sadd.s32 @!p0 $0x88, s6;
	s7 =	simm.s32 @p2 $0x1082  }
0x22: {  	[simem:s7], [sflag:s8] =	dma.local @!p0 [hbm:s6], $0xF7A  }
0x23: {  	s9 =	sor.u32 $0xD0000000, s2;
	s6 =	simm.s32 $0x108;
	_ =	swait.ge @!p0 [sflag:s8], $0x0  }
0x24: {  	s3 =	sadd.s32 $0x88, s3;
	s6 =	simm.s32 @!p1 $0x1082;
	[sflag:s4] =	ssyncset.s32 $0xFFFFF086  }
0x25: {  	[simem:s6], [sflag:s4] =	dma.local [hbm:s3], $0xF7A  }
0x26: {  	[smem:$0x3F9B] =	sst s1;
	(tag) =	ssettag s2;
	_ =	strace s9  }
0x27: {  	s1 =	sld [smem:$0x3FAB]  }
0x28: {  	s2 =	sld [smem:$0x3FAC]  }
0x29: {  	s4 =	sld [smem:$0x3FAE]  }
0x2a: {  	p0 =	seq.s32 s5, $0x0;
	s5 =	sld [smem:$0x3FAF]  }
0x2b: {  	s6 =	sld [smem:$0x3FB0]  }
0x2c: {  	s7 =	sld [smem:$0x3FB1]  }
0x2d: {  	s3 =	simm.s32 $0x108;
	s8 =	sld [smem:$0x3FB2]  }
0x2e: {  	s3 =	simm.s32 @!p0 $0x1082;
	s9 =	sld [smem:$0x3FB3]  }
0x2f: {  	lr =	sadd.s32 s0, s3;
	s0 =	sld [smem:$0x3FAA]  }
0x30: {  	s3 =	sld [smem:$0x3FAD]  }
0x31: {  	[smem:$0x3FB6] =	sst s10  }
0x32: {  	s10 =	sld [smem:$0x3FB4];
	_ =	sdelay $0x3  }
0x33: {  	p0 =	seq.s32 s10, $0x1;
	s10 =	sld [smem:$0x3FB6];
	_ =	sdelay $0x3  }
0x34: {  	[smem:$0x3FB6] =	sst s10  }
0x35: {  	s10 =	sld [smem:$0x3FB5];
	_ =	sdelay $0x3  }
0x36: {  	p1 =	seq.s32 s10, $0x1;
	s10 =	sld [smem:$0x3FB6];
	_ =	sdelay $0x3  }
0x37: {  	[smem:$0x3FB6] =	sst s10  }
0x38: {  	s10 =	sld [smem:$0x3FB7]  }
0x39: {  	_ = 	snop;
	(pc) =	sbr.ind lr, $3  }
0x3a: {  	_ = 	snop  }
0x3b: {  	_ = 	snop  }
0x3c: {  	p2 =	seq.s32 s10, $0x1;
	s10 =	sld [smem:$0x3FB6]  }
0x3d: {  	_ =	shalt  }
0x3e: {  	_ =	shalt  }
0x3f: {  	_ =	shalt  }
0x40: {  	_ =	shalt  }
0x41: {  	_ =	shalt  }
0x42: {  	_ =	shalt  }
0x43: {  	_ =	shalt  }
0x44: {  	_ =	shalt  }
0x45: {  	_ =	shalt  }
0x46: {  	_ =	shalt  }
0x47: {  	_ =	shalt  }
0x48: {  	_ =	shalt  }
0x49: {  	_ =	shalt  }
0x4a: {  	_ =	shalt  }
0x4b: {  	_ =	shalt  }
0x4c: {  	_ =	shalt  }
0x4d: {  	_ =	shalt  }
0x4e: {  	_ =	shalt  }
0x4f: {  	_ =	shalt  }
0x50: {  	_ =	shalt  }
0x51: {  	_ =	shalt  }
0x52: {  	_ =	shalt  }
0x53: {  	_ =	shalt  }
0x54: {  	_ =	shalt  }
0x55: {  	_ =	shalt  }
0x56: {  	_ =	shalt  }
0x57: {  	_ =	shalt  }
0x58: {  	_ =	shalt  }
0x59: {  	_ =	shalt  }
0x5a: {  	_ =	shalt  }
0x5b: {  	_ =	shalt  }
0x5c: {  	_ =	shalt  }
0x5d: {  	_ =	shalt  }
0x5e: {  	_ =	shalt  }
0x5f: {  	_ =	shalt  }
0x60: {  	_ =	shalt  }
0x61: {  	_ =	shalt  }
0x62: {  	_ =	shalt  }
0x63: {  	_ =	shalt  }
0x64: {  	_ =	shalt  }
0x65: {  	_ =	shalt  }
0x66: {  	_ =	shalt  }
0x67: {  	_ =	shalt  }
0x68: {  	_ =	shalt  }
0x69: {  	_ =	shalt  }
0x6a: {  	_ =	shalt  }
0x6b: {  	_ =	shalt  }
0x6c: {  	_ =	shalt  }
0x6d: {  	_ =	shalt  }
0x6e: {  	_ =	shalt  }
0x6f: {  	_ =	shalt  }
0x70: {  	_ =	shalt  }
0x71: {  	_ =	shalt  }
0x72: {  	_ =	shalt  }
0x73: {  	_ =	shalt  }
0x74: {  	_ =	shalt  }
0x75: {  	_ =	shalt  }
0x76: {  	_ =	shalt  }
0x77: {  	_ =	shalt  }
0x78: {  	_ =	shalt  }
0x79: {  	_ =	shalt  }
0x7a: {  	_ =	shalt  }
0x7b: {  	_ =	shalt  }
0x7c: {  	_ =	shalt  }
0x7d: {  	_ =	shalt  }
0x7e: {  	_ =	shalt  }
0x7f: {  	_ =	shalt  }
0x80: {  	_ =	shalt  }
0x81: {  	_ =	shalt  }
0x82: {  	_ =	shalt  }
0x83: {  	_ =	shalt  }
0x84: {  	_ =	shalt  }
0x85: {  	_ =	shalt  }
0x86: {  	_ =	shalt  }
0x87: {  	_ =	shalt  }
.Lfunc_end0:
.L_simem_size_0:
called_computation.1_lowered:
.L_overlay_start_0:
0x88: {  	s2 =	sld [smem:$0x3FD9]  }
0x89: {  	s3 =	sld [smem:$0x3FFE];
	_ =	sdelay $0x1  }
0x8a: {  	s1 =	srdreg.scid  }
0x8b: {  	s0 =	sand.u32 $0x1, s1  }
0x8c: {  	s17 =	sshll.u32 s0, $0xA;
	s2 =	sadd.s32 s3, s2  }
0x8d: {  	s2 =	sadd.s32 s2, s17  }
0x8e: {  	[smem:$0x3FC2] =	sst s2  }
0x8f: {  	_ = 	snop  }
0x90: {  	s2 =	sld [smem:$0x3FD0];
	(tm) =	ssettm $0x1  }
0x91: {  	s18 =	sld [smem:$0x3FFB];
	_ =	sdelay $0x3  }
0x92: {  	_ =	strace s18  }
0x93: {  	s3 =	sld [smem:$0x3FFC];
	_ =	sdelay $0x3  }
0x94: {  	_ =	strace s3  }
0x95: {  	s3 =	sld [smem:$0x3FFD];
	_ =	sdelay $0x3  }
0x96: {  	_ =	strace s3  }
0x97: {  	_ =	strace $0x8FFFFFFF  }
0x98: {  	s19 =	sld [smem:$0x3FDB];
	_ =	sdelay $0x1  }
0x99: {  	s4 =	simm.s32 $_scs_section_size  }
0x9a: {  	s5 =	simm.s32 $_size__tile_overlayer_lowered;
	s6 =	simm.s32 $_tile_overlayer_lowered  }
0x9b: {  	s22 =	simm.s32 $0x1BFF;
	s21 =	sshll.u32 s6, $0x1;
	s3 =	sadd.s32 s4, s19  }
0x9c: {  	s7 =	simm.s32 $0x0;
	s20 =	sshll.u32 s5, $0x1;
	s5 =	sadd.s32 s21, s3  }
0x9d: {  	[timem:s7], [sflag:s22] =	dma.local [hbm:s5], s20  }
0x9e: {  	_ =	swait.ge [sflag:s22], s20  }
0x9f: {  	s4 =	ssub.s32 $0x0, s20;
	[sflag:s22] =	ssyncset.done $0x0  }
0xa0: {  	[sflag:s22] =	ssyncadd.s32 s4;
	_ =	sdelay $0x1  }
0xa1: {  	s23 =	simm.s32 $0x1B8B  }
0xa2: {  	_ =	swait.ge [sflag:s23], $0x1  }
0xa3: {  	[sflag:s23] =	ssyncset.done $0x0  }
0xa4: {  	s25 =	simm.s32 $0x1B8E;
	s24 =	sld [smem:$0x3FFE];
	[sflag:s23] =	ssyncadd.s32 $0xFFFFFFFF  }
0xa5: {  	s26 =	simm.s32 $execute0_lowered;
	[smem:$0x3FD2] =	sst s25  }
0xa6: {  	s5 =	sshll.u32 s26, $0x1;
	_ =	strace $0x80000049;
	[dreg:$0x1] =	wrdreg $0xFFFFFFFF  }
0xa7: {  	s28 =	simm.s32 $_size_execute0_lowered;
	s3 =	sadd.s32 s3, s5;
	[dreg:$0x0] =	wrdreg $0x0  }
0xa8: {  	s5 =	sshll.u32 s28, $0x1;
	[dreg:$0x2] =	wrdreg s3  }
0xa9: {  	[dreg:$0x3] =	wrdreg s5  }
0xaa: {  	[dreg:$0x4] =	wrdreg $0xC0  }
0xab: {  	_ =	task [dreg:s7], $0x5FFFF  }
0xac: {  	[dreg:$0x1] =	wrdreg $0xFFFFFFFF  }
0xad: {  	[dreg:$0x0] =	wrdreg $0x60  }
0xae: {  	[dreg:$0x2] =	wrdreg s2  }
0xaf: {  	[dreg:$0x3] =	wrdreg s24  }
0xb0: {  	[dreg:$0x4] =	wrdreg $0xC4000  }
0xb1: {  	[dreg:$0x5] =	wrdreg $0x9  }
0xb2: {  	_ =	task.clear_ibuf [dreg:s7], $0x6FFFF;
	_ =	strace $0x90000049  }
0xb3: {  	s29 =	simm.s32 $0x9;
	_ =	strace $0x8000004B  }
0xb4: {  	_ =	swait.ge [sflag:s29], $0x1  }
0xb5: {  	[sflag:s29] =	ssyncadd.s32 $0xFFFFFFFF  }
0xb6: {  	_ =	strace $0x9000004B  }
0xb7: {  	_ =	sfence  }
0xb8: {  	s30 =	sld [smem:$0x0];
	_ =	sdelay $0x2  }
0xb9: {  	s31 =	sshll.u32 s1, $0xD;
	s1 =	sshrl.u32 s1, $0x2  }
0xba: {  	s3 =	sand.u32 $0x4000, s31;
	s1 =	sadd.s32 s1, s30  }
0xbb: {  	s0 =	sor.u32 s3, s0;
	s1 =	sshll.u32 s1, $0x11  }
0xbc: {  	s0 =	sor.u32 s1, s0  }
0xbd: {  	s0 =	sadd.s32 $0x8F2B, s0  }
0xbe: {  	[sflag:s0] =	ssyncadd.remote.s32 $0x1  }
0xbf: {  	_ =	sfence.sel $0xFFFF  }
0xc0: {  	[dreg:$0x0] =	wrdreg $0xFFFFFFFF;
	(pc) =	sbr.abs _section_cstart, $3  }
0xc1: {  	[dreg:$0x1] =	wrdreg $0xFFFFFFFF  }
0xc2: {  	_ =	task.clear_ibuf [dreg:s7], $0x2FFFF;
	_ =	strace $0x9FFFFFFF  }
0xc3: {  	(tm) =	ssettm $0x7FFFFFFF  }
tec
execute0_lowered:
.L_overlay_start_1:
0x0: {  	(tag) =	ssettag $0x1  }
0x1: {  	s1 =	rddreg [dreg:$0x0]  }
0x2: {  	s0 =	rddreg [dreg:$0x1]  }
0x3: {  	s2 =	rddreg [dreg:$0x2]  }
0x4: {  	s4 =	simm.s32 $0x0;
	s14 =	stileid.u32;
	s5 =	srdreg.scid  }
0x5: {  	s17 =	simm.s32 $0x7D;
	s18 =	simm.s32 $0x200;
	s19 =	simm.s32 $0x80  }
0x6: {  	s20 =	simm.s32 $0x6;
	s28 =	simm.s32 $0x5;
	s29 =	simm.s32 $0x100  }
0x7: {  	s30 =	simm.s32 $0x0;
	[smem:$0x7FF] =	sst s4;
	s6 =	smul.u32 $0x4F000, s14  }
0x8: {  	s16 =	sadd.s32 $0x16800, s0;
	s3 =	sadd.s32 $0x2800, s0;
	s7 =	smul.u32 $0x2780, s14  }
0x9: {  	s0 =	sadd.s32 $0x19000, s0;
	s5 =	sand.u32 $0x1, s5;
	s12 =	smul.u32 $0x13C00, s14  }
0xa: {  	s13 =	sadd.s32 $0x128400, s2;
	p0 =	seq.s32 s14, $0xF;
	s26 =	smul.u32 $0xA00, s14  }
0xb: {  	_ =	strace $0x8000004A;
	s8 =	ssub.s32 $0x2, s5;
	s10 =	smul.u32 $0x138800, s5  }
0xc: {  	s9 =	sshll.u32 s5, $0x4;
	s25 =	smul.u32 $0xA000, s5;
	p1 =	sne.s32 @p0 s5, $0x0  }
0xd: {  	s13 =	sshrl.u32 @p0 s13, $0x3;
	s11 =	sshrl.u32 s8, $0x1;
	s9 =	sor.u32 s14, s9  }
0xe: {  	s6 =	sshrl.u32 s6, $0x2;
	s7 =	sadd.s32 s1, s7;
	p1 =	por !p1, !p0  }
0xf: {  	s11 =	ssub.s32 s8, s11;
	s21 =	smul.u32 $0xA00, s9;
	s15 =	sadd.s32 s6, s2  }
0x10: {  	s22 =	sadd.s32 s12, s10;
	s12 =	sadd.s32 $0x25080, s1;
	s24 =	sshrl.u32 s10, $0x3  }
0x11: {  	s10 =	smov.u32 s16;
	s23 =	sshrl.u32 s22, $0x3;
	s31 =	smax.u32 s11, $0x1  }
0x12: {  	s10 =	smov.u32 @p1 s12;
	p1 =	sne.s32 @!p0 s5, $0x0;
	s12 =	sshll.u32 @!p0 s14, $0x6  }
0x13: {  	s15 =	sshrl.u32 @!p0 s15, $0x3;
	s22 =	simm.s32 $0x1;
	s6 =	sadd.s32 s3, s21  }
0x14: {  	s8 =	sadd.s32 s0, s23;
	s0 =	sadd.s32 s0, s24;
	[dreg:$0x6] =	wrdreg s31  }
0x15: {  	s3 =	sadd.s32 s25, s3;
	p1 =	por !p1, p0;
	s14 =	sor.u32 @!p0 $0x1C04, s12  }
.Ltmp0:
0x16: {  	s21 =	simm.s32 $0x3;
	s23 =	simm.s32 $0x180;
	(pc) =	sbr.rel .LBB2_1-.Ltmp0, $4  }
0x17: {  	s24 =	simm.s32 $0x2;
	s25 =	simm.s32 $0x280;
	s0 =	sadd.s32 $0x25080, s0  }
0x18: {  	s16 =	smov.u32 @p1 s7;
	[dreg:$0x5] =	wrdreg s0;
	s0 =	sadd.s32 s26, s3  }
0x19: {  	[dreg:$0x4] =	wrdreg s8;
	s11 =	smov.u32 s16;
	s0 =	sadd.s32 $0xC0, s0  }
0x1a: {  	s16 =	simm.s32 $0x300;
	s26 =	simm.s32 $0x380;
	[dreg:$0x7] =	wrdreg s0  }
.LBB2_4:
0x1b: {  	[tilespmem:s7], [sflag:$0x3] =	stream.indirect.gather [hbm4b:s1+s17], $0x80, s16, s17, $0xb8;
	[tilespmem:$0x1FC80] =	vst v63  }
0x1c: {  	_ = 	snop  }
0x1d: {  	[spmem:s2] =	stream.indirect.scatter.add.f32 [tilespmem:s5], [sflag:$0x6], $0x80, s23, s17, $0xb8;
	[tilespmem:$0x1FC80] =	vst v63  }
0x1e: {  	_ =	swait.ge [sflag:s20], $0x3E80  }
0x1f: {  	[sflag:s20] =	ssyncset.done $0x0  }
0x20: {  	[sflag:s20] =	ssyncadd.s32 $0xFFFFC180  }
0x21: {  	_ =	swait.ge [sflag:s24], $0x3E80  }
0x22: {  	[sflag:s24] =	ssyncset.done $0x0  }
0x23: {  	[sflag:s24] =	ssyncadd.s32 $0xFFFFC180  }
0x24: {  	[spmem:s2] =	stream.indirect.scatter.add.f32 [tilespmem:s3], [sflag:$0x6], $0x80, s25, s17, $0xb8;
	[tilespmem:$0x1FC80] =	vst v63  }
0x25: {  	_ =	swait.ge [sflag:s20], $0x3E80  }
0x26: {  	[sflag:s20] =	ssyncset.done $0x0  }
0x27: {  	[sflag:s20] =	ssyncadd.s32 $0xFFFFC180  }
0x28: {  	_ =	swait.ge [sflag:s21], $0x3E80  }
0x29: {  	[sflag:s21] =	ssyncset.done $0x0  }
0x2a: {  	[sflag:s21] =	ssyncadd.s32 $0xFFFFC180  }
0x2b: {  	[spmem:s2] =	stream.indirect.scatter.add.f32 [tilespmem:s7], [sflag:$0x5], $0x80, s26, s17, $0xb8;
	[tilespmem:$0x1FC80] =	vst v63  }
0x2c: {  	_ =	swait.ge [sflag:s28], $0x3E80  }
0x2d: {  	[sflag:s28] =	ssyncset.done $0x0  }
0x2e: {  	[sflag:s28] =	ssyncadd.s32 $0xFFFFC180  }
0x2f: {  	[bflag:$0x0] =	sbarrier.arrive $0xFFFF  }
0x30: {  	s0 =	simm.s32 @p0 $0x1FC5;
	s3 =	rddreg [dreg:$0x5]  }
0x31: {  	[hbm:s3], [sflag:s0] =	dma.local @p0 [spmem:s13], $0x2080  }
0x32: {  	s0 =	simm.s32 @p0 $0x5  }
0x33: {  	_ =	swait.ge @p0 [sflag:s0], $0x2080  }
0x34: {  	[sflag:s0] =	ssyncset.done @p0 $0x0  }
0x35: {  	s3 =	rddreg [dreg:$0x4];
	[sflag:s0] =	ssyncadd.s32 @p0 $0xFFFFDF80;
	s0 =	sor.u32 @!p0 $0x1C05, s12  }
0x36: {  	[hbm:s3], [sflag:s0] =	dma.local @!p0 [spmem:s15], $0x2780  }
0x37: {  	s0 =	simm.s32 @!p0 $0x5  }
0x38: {  	_ =	swait.ge @!p0 [sflag:s0], $0x2780  }
0x39: {  	s30 =	sadd.s32 $0x1, s30;
	s31 =	rddreg [dreg:$0x6]  }
0x3a: {  	p1 =	sne.s32 s30, s31  }
.Ltmp1:
0x3b: {  	_ = 	snop;
	(pc) =	sbr.rel @!p1 .LBB2_5-.Ltmp1, $3  }
0x3c: {  	_ =	sdelay $0x1  }
0x3d: {  	[sflag:s0] =	ssyncset.done @!p0 $0x0  }
0x3e: {  	[sflag:s0] =	ssyncadd.s32 @!p0 $0xFFFFD880  }
.LBB2_1:
0x3f: {  	s0 =	simm.s32 @p0 $0x1FC4  }
0x40: {  	[spmem:s13], [sflag:s0] =	dma.local @p0 [hbm:s10], $0x2080  }
0x41: {  	s3 =	simm.s32 @p0 $0x1;
	s0 =	simm.s32 @p0 $0x0  }
0x42: {  	[tilespmem:s0], [sflag:$0x1] =	stream.linear.gather @p0 [hbm4b:s6+s0], $0x300, $0x38;
	[tilespmem:$0x1FC80] =	vst v63  }
0x43: {  	_ =	swait.ge @p0 [sflag:s3], $0x300  }
0x44: {  	[sflag:s3] =	ssyncset.done @p0 $0x0  }
0x45: {  	s5 =	simm.s32 @p0 $0x400;
	[sflag:s3] =	ssyncadd.s32 @p0 $0xFFFFFD00;
	s3 =	simm.s32 @p0 $0x7D  }
0x46: {  	[tilespmem:s5], [sflag:$0x2] =	stream.indirect.gather @p0 [hbm4b:s1+s3], $0x80, s0, s3, $0xb8;
	[tilespmem:$0x1FC80] =	vst v63  }
0x47: {  	s0 =	simm.s32 @p0 $0x100;
	s5 =	simm.s32 @p0 $0x4400  }
0x48: {  	[tilespmem:s5], [sflag:$0x3] =	stream.indirect.gather @p0 [hbm4b:s1+s3], $0x80, s0, s3, $0xb8;
	[tilespmem:$0x1FC80] =	vst v63  }
0x49: {  	s0 =	simm.s32 @p0 $0x2  }
0x4a: {  	_ =	swait.ge @p0 [sflag:s0], $0x3E80  }
0x4b: {  	[sflag:s0] =	ssyncset.done @p0 $0x0  }
0x4c: {  	[sflag:s0] =	ssyncadd.s32 @p0 $0xFFFFC180;
	s0 =	simm.s32 @p0 $0x4  }
0x4d: {  	_ =	swait.ge @p0 [sflag:s0], $0x2080  }
0x4e: {  	[sflag:s0] =	ssyncset.done @p0 $0x0  }
0x4f: {  	s3 =	simm.s32 @!p0 $0x1;
	[sflag:s0] =	ssyncadd.s32 @p0 $0xFFFFDF80;
	s0 =	simm.s32 @!p0 $0x0  }
0x50: {  	[spmem:s15], [sflag:s14] =	dma.local @!p0 [hbm:s11], $0x2780  }
0x51: {  	[tilespmem:s0], [sflag:$0x1] =	stream.linear.gather @!p0 [hbm4b:s6+s0], $0x300, $0x38;
	[tilespmem:$0x1FC80] =	vst v63  }
0x52: {  	_ =	swait.ge @!p0 [sflag:s3], $0x300  }
0x53: {  	[sflag:s3] =	ssyncset.done @!p0 $0x0  }
0x54: {  	s5 =	simm.s32 @!p0 $0x400;
	[sflag:s3] =	ssyncadd.s32 @!p0 $0xFFFFFD00;
	s3 =	simm.s32 @!p0 $0x7D  }
0x55: {  	[tilespmem:s5], [sflag:$0x2] =	stream.indirect.gather @!p0 [hbm4b:s1+s3], $0x80, s0, s3, $0xb8;
	[tilespmem:$0x1FC80] =	vst v63  }
0x56: {  	s0 =	simm.s32 @!p0 $0x100;
	s5 =	simm.s32 @!p0 $0x4400  }
0x57: {  	[tilespmem:s5], [sflag:$0x3] =	stream.indirect.gather @!p0 [hbm4b:s1+s3], $0x80, s0, s3, $0xb8;
	[tilespmem:$0x1FC80] =	vst v63  }
0x58: {  	s0 =	simm.s32 @!p0 $0x2  }
0x59: {  	_ =	swait.ge @!p0 [sflag:s0], $0x3E80  }
0x5a: {  	[sflag:s0] =	ssyncset.done @!p0 $0x0  }
0x5b: {  	[sflag:s0] =	ssyncadd.s32 @!p0 $0xFFFFC180;
	s0 =	simm.s32 @!p0 $0x4  }
0x5c: {  	_ =	swait.ge @!p0 [sflag:s0], $0x2780  }
0x5d: {  	[sflag:s0] =	ssyncset.done @!p0 $0x0  }
0x5e: {  	[sflag:s0] =	ssyncadd.s32 @!p0 $0xFFFFD880  }
0x5f: {  	[bflag:$0x0] =	sbarrier.arrive $0xFFFF  }
0x60: {  	s0 =	simm.s32 $0x0;
	s31 =	rddreg [dreg:$0x7]  }
.LBB2_2:
0x61: {  	s5 =	smul.u32 $0xAB, s0;
	s8 =	sadd.s32 $0xFFFFFFA0, s31  }
0x62: {  	[tilespmem:s16], [sflag:$0x1] =	stream.linear.gather [hbm4b:s8+s4], $0x100, $0x38;
	[tilespmem:$0x1FC80] =	vst v63  }
0x63: {  	s3 =	sadd.s32 $0x156, s5  }
0x64: {  	s3 =	sshrl.u32 s3, $0x9  }
0x65: {  	s3 =	sand.u32 $0x7F, s3  }
0x66: {  	s7 =	sshrl.u32 s5, $0x9;
	s3 =	smul.u32 $0x3, s3  }
0x67: {  	s7 =	sand.u32 $0x7F, s7  }
0x68: {  	s7 =	smul.u32 $0x3, s7;
	s3 =	ssub.s32 s0, s3  }
0x69: {  	s3 =	sadd.s32 $0x2, s3  }
0x6a: {  	s7 =	ssub.s32 s0, s7;
	s3 =	sand.u32 $0xFF, s3  }
0x6b: {  	s9 =	sadd.s32 $0xAB, s5;
	s7 =	sand.u32 $0xFF, s7;
	s3 =	sshll.u32 s3, $0xE  }
0x6c: {  	s5 =	sadd.s32 $0x201, s5;
	s7 =	sshll.u32 s7, $0xE;
	s3 =	sor.u32 $0x400, s3  }
0x6d: {  	[tilespmem:s3], [sflag:$0x2] =	stream.indirect.gather [hbm4b:s1+s17], $0x80, s18, s17, $0xb8;
	[tilespmem:$0x1FC80] =	vst v63  }
0x6e: {  	s5 =	sshrl.u32 s5, $0x9;
	s7 =	sor.u32 $0x400, s7  }
0x6f: {  	[spmem:s2] =	stream.indirect.scatter.add.f32 [tilespmem:s7], [sflag:$0x6], $0x80, s19, s17, $0xb8;
	[tilespmem:$0x1FC80] =	vst v63  }
0x70: {  	s8 =	sshrl.u32 s9, $0x9;
	s5 =	sand.u32 $0x7F, s5;
	_ =	swait.ge [sflag:s20], $0x3E80  }
0x71: {  	s5 =	smul.u32 $0x3, s5;
	s7 =	sand.u32 $0x7F, s8;
	[sflag:s20] =	ssyncset.done $0x0  }
0x72: {  	s7 =	smul.u32 $0x3, s7;
	[sflag:s20] =	ssyncadd.s32 $0xFFFFC180  }
0x73: {  	p1 =	seq.s32 s0, $0x4C;
	s5 =	ssub.s32 s0, s5;
	_ =	swait.ge [sflag:s21], $0x3E80  }
.Ltmp2:
0x74: {  	s7 =	ssub.s32 s0, s7;
	[sflag:s21] =	ssyncset.done $0x0;
	(pc) =	sbr.rel @p1 .LBB2_4-.Ltmp2, $4  }
0x75: {  	s5 =	sadd.s32 $0x3, s5;
	s7 =	sadd.s32 $0x1, s7;
	[sflag:s21] =	ssyncadd.s32 $0xFFFFC180  }
0x76: {  	s5 =	sand.u32 $0xFF, s5;
	s7 =	sand.u32 $0xFF, s7;
	_ =	swait.ge [sflag:s22], $0x100  }
0x77: {  	s9 =	sshll.u32 s5, $0xE;
	s7 =	sshll.u32 s7, $0xE;
	[sflag:s22] =	ssyncset.done $0x0  }
0x78: {  	s5 =	sor.u32 $0x400, s7;
	s7 =	sor.u32 $0x400, s9;
	[sflag:s22] =	ssyncadd.s32 $0xFFFFFF00  }
0x79: {  	s8 =	sadd.s32 $0xFFFFFFC0, s31  }
0x7a: {  	[tilespmem:s4], [sflag:$0x1] =	stream.linear.gather [hbm4b:s8+s4], $0x100, $0x38;
	[tilespmem:$0x1FC80] =	vst v63  }
0x7b: {  	_ = 	snop  }
0x7c: {  	[tilespmem:s7], [sflag:$0x3] =	stream.indirect.gather [hbm4b:s1+s17], $0x80, s16, s17, $0xb8;
	[tilespmem:$0x1FC80] =	vst v63  }
0x7d: {  	_ = 	snop  }
0x7e: {  	[spmem:s2] =	stream.indirect.scatter.add.f32 [tilespmem:s5], [sflag:$0x6], $0x80, s23, s17, $0xb8;
	[tilespmem:$0x1FC80] =	vst v63  }
0x7f: {  	s5 =	sadd.s32 $0x4, s0  }
0x80: {  	_ =	swait.ge [sflag:s20], $0x3E80;
	s9 =	sand.u32 $0xFF, s5  }
0x81: {  	[sflag:s20] =	ssyncset.done $0x0;
	s8 =	smul.u32 $0xAB, s9  }
0x82: {  	[sflag:s20] =	ssyncadd.s32 $0xFFFFC180  }
0x83: {  	_ =	swait.ge [sflag:s24], $0x3E80;
	s8 =	sshrl.u32 s8, $0x9  }
0x84: {  	[sflag:s24] =	ssyncset.done $0x0;
	s8 =	smul.u32 $0x3, s8  }
0x85: {  	[sflag:s24] =	ssyncadd.s32 $0xFFFFC180  }
0x86: {  	_ =	swait.ge [sflag:s22], $0x100;
	s8 =	ssub.s32 s5, s8  }
0x87: {  	[sflag:s22] =	ssyncset.done $0x0;
	s8 =	sand.u32 $0xFF, s8  }
0x88: {  	s9 =	sadd.s32 $0xFFFFFFE0, s31;
	[sflag:s22] =	ssyncadd.s32 $0xFFFFFF00;
	s8 =	sshll.u32 s8, $0xE  }
0x89: {  	[tilespmem:s29], [sflag:$0x1] =	stream.linear.gather [hbm4b:s9+s4], $0x100, $0x38;
	[tilespmem:$0x1FC80] =	vst v63  }
0x8a: {  	s8 =	sor.u32 $0x400, s8  }
0x8b: {  	[tilespmem:s8], [sflag:$0x2] =	stream.indirect.gather [hbm4b:s1+s17], $0x80, s4, s17, $0xb8;
	[tilespmem:$0x1FC80] =	vst v63  }
0x8c: {  	s8 =	sadd.s32 $0x5, s0  }
0x8d: {  	[spmem:s2] =	stream.indirect.scatter.add.f32 [tilespmem:s3], [sflag:$0x6], $0x80, s25, s17, $0xb8;
	[tilespmem:$0x1FC80] =	vst v63  }
0x8e: {  	s9 =	sand.u32 $0xFF, s8;
	_ =	swait.ge [sflag:s20], $0x3E80  }
0x8f: {  	s3 =	smul.u32 $0xAB, s9;
	[sflag:s20] =	ssyncset.done $0x0  }
0x90: {  	[sflag:s20] =	ssyncadd.s32 $0xFFFFC180  }
0x91: {  	s3 =	sshrl.u32 s3, $0x9;
	_ =	swait.ge [sflag:s21], $0x3E80  }
0x92: {  	s3 =	smul.u32 $0x3, s3;
	[sflag:s21] =	ssyncset.done $0x0  }
0x93: {  	[sflag:s21] =	ssyncadd.s32 $0xFFFFC180  }
0x94: {  	s0 =	ssub.s32 s8, s3;
	_ =	swait.ge [sflag:s22], $0x100  }
0x95: {  	s0 =	sand.u32 $0xFF, s0;
	[sflag:s22] =	ssyncset.done $0x0  }
0x96: {  	s0 =	sshll.u32 s0, $0xE;
	[sflag:s22] =	ssyncadd.s32 $0xFFFFFF00  }
0x97: {  	[tilespmem:s18], [sflag:$0x1] =	stream.linear.gather [hbm4b:s31+s4], $0x100, $0x38;
	[tilespmem:$0x1FC80] =	vst v63  }
0x98: {  	s0 =	sor.u32 $0x400, s0  }
0x99: {  	[tilespmem:s0], [sflag:$0x3] =	stream.indirect.gather [hbm4b:s1+s17], $0x80, s29, s17, $0xb8;
	[tilespmem:$0x1FC80] =	vst v63  }
0x9a: {  	_ = 	snop  }
0x9b: {  	[spmem:s2] =	stream.indirect.scatter.add.f32 [tilespmem:s7], [sflag:$0x6], $0x80, s26, s17, $0xb8;
	[tilespmem:$0x1FC80] =	vst v63  }
0x9c: {  	_ =	swait.ge [sflag:s20], $0x3E80  }
0x9d: {  	[sflag:s20] =	ssyncset.done $0x0  }
0x9e: {  	[sflag:s20] =	ssyncadd.s32 $0xFFFFC180  }
0x9f: {  	_ =	swait.ge [sflag:s24], $0x3E80  }
.Ltmp3:
0xa0: {  	[sflag:s24] =	ssyncset.done $0x0;
	(pc) =	sbr.rel .LBB2_2-.Ltmp3, $4  }
0xa1: {  	[sflag:s24] =	ssyncadd.s32 $0xFFFFC180  }
0xa2: {  	_ =	swait.ge [sflag:s22], $0x100  }
0xa3: {  	[sflag:s22] =	ssyncset.done $0x0  }
0xa4: {  	s31 =	sadd.s32 $0x80, s31;
	s0 =	smov.u32 s5;
	[sflag:s22] =	ssyncadd.s32 $0xFFFFFF00  }
.LBB2_5:
0xa5: {  	_ =	sfence.sel $0x180000  }
0xa6: {  	[bflag:$0x0] =	sbarrier.arrive $0xFFFF  }
0xa7: {  	_ =	strace $0x9000004A  }
0xa8: {  	s0 =	stileid.u32;
	[bflag:$0x2] =	sbarrier.arrive $0xFFFF  }
0xa9: {  	p0 =	sne.s32 s0, $0x0;
	s0 =	rddreg [dreg:$0x3]  }
0xaa: {  	s0 =	sadd.s32 @!p0 $0x100000, s0  }
0xab: {  	[sflag:s0] =	ssyncadd.tile.s32 @!p0 $0x1;
	_ =	shalt  }
.Lfunc_end2:
_tile_overlayer_lowered:
.L_overlay_start_2:
0xac: {  	(tag) =	ssettag $0x2  }
0xad: {  	s0 =	rddreg [dreg:$0x0];
	s2 =	stileid.u32  }
0xae: {  	s1 =	rddreg [dreg:$0x1];
	p0 =	sne.s32 s2, $0x0  }
0xaf: {  	s3 =	rddreg [dreg:$0x2];
	[bflag:$0x3] =	sbarrier.arrive $0xFFFF;
	s2 =	simm.s32 @!p0 $0x1C05  }
0xb0: {  	[timem:s3], [sflag:s2] =	dma.local @!p0 [hbm:s0], s1  }
0xb1: {  	s0 =	simm.s32 @!p0 $0x5  }
0xb2: {  	_ =	swait.ge @!p0 [sflag:s0], s1  }
0xb3: {  	s1 =	ssub.s32 @!p0 $0x0, s1;
	[sflag:s0] =	ssyncset.done @!p0 $0x0  }
0xb4: {  	[sflag:s0] =	ssyncadd.s32 @!p0 s1  }
0xb5: {  	[bflag:$0x3] =	sbarrier.arrive $0xFFFF  }
0xb6: {  	_ =	shalt  }

// kernel: kernel.15.cloned.1.call-start
scs
__scs_entry_jumppad:
0x0: {  	(pc) =	sbr.rel $0x88, $3  }
0x1: {  	(tag) =	ssettag $0x0;
	lr =	simm.s32 $0x1  }
0x2: {  	[smem:$0x3F9B] =	sst lr;
	_ =	strace $0xD0000000  }
0x3: {  	_ = 	snop  }
0x4: {  	_ = 	snop  }
0x5: {  	_ = 	snop  }
0x6: {  	_ = 	snop  }
0x7: {  	_ = 	snop  }
__scs_overlays_trampoline_lowered:
0x8: {  	[smem:$0x3FAA] =	sst s0  }
0x9: {  	[smem:$0x3FAB] =	sst s1  }
0xa: {  	[smem:$0x3FAC] =	sst s2  }
0xb: {  	[smem:$0x3FAD] =	sst s3  }
0xc: {  	[smem:$0x3FAE] =	sst s4  }
0xd: {  	[smem:$0x3FAF] =	sst s5  }
0xe: {  	[smem:$0x3FB0] =	sst s6  }
0xf: {  	[smem:$0x3FB1] =	sst s7  }
0x10: {  	[smem:$0x3FB2] =	sst s8  }
0x11: {  	[smem:$0x3FB3] =	sst s9;
	s0 =	simm.s32 @!p0 $0x0  }
0x12: {  	s1 =	sld [smem:$0x3F99];
	s0 =	simm.s32 @p0 $0x1  }
0x13: {  	[smem:$0x3FB4] =	sst s0;
	s0 =	simm.s32 @!p1 $0x0  }
0x14: {  	s2 =	sld [smem:$0x3F98];
	s0 =	simm.s32 @p1 $0x1  }
0x15: {  	[smem:$0x3FB5] =	sst s0;
	s0 =	simm.s32 @!p2 $0x0  }
0x16: {  	s3 =	sld [smem:$0x3FDB];
	s0 =	simm.s32 @p2 $0x1  }
0x17: {  	s4 =	simm.s32 $0x1BF5;
	[smem:$0x3FB7] =	sst s0  }
0x18: {  	s0 =	sld [smem:$0x3F9A];
	_ =	swait.ge [sflag:s4], $0x0  }
0x19: {  	s7 =	sld [smem:$0x3F9B]  }
0x1a: {  	s8 =	sadd.s32 $0xFFFFE003, lr  }
0x1b: {  	s9 =	sadd.s32 $0xFFFFFEF7, lr;
	s5 =	simm.s32 $0xFFFFFFFF;
	p2 =	slt.u32 s8, $0xFFFFF086  }
0x1c: {  	p1 =	slt.u32 s9, $0xF7A;
	s5 =	simm.s32 @!p2 $0x0  }
0x1d: {  	s5 =	simm.s32 @p1 $0x1;
	p0 =	seq.s32 s7, s2  }
0x1e: {  	s7 =	smul.u32 @!p0 $0xF7A, s2;
	p2 =	seq.s32 @!p0 s5, $0x0  }
0x1f: {  	s9 =	smul.u32 $0xF7A, s1;
	s8 =	simm.s32 @!p0 $0x1BF5;
	p2 =	por !p2, p0  }
0x20: {  	[sflag:s8] =	ssyncset.s32 @!p0 $0xFFFFF086;
	s6 =	sadd.s32 @!p0 s3, s7;
	s7 =	simm.s32 @!p0 $0x108  }
0x21: {  	s3 =	sadd.s32 s3, s9;
	s6 =	sadd.s32 @!p0 $0x88, s6;
	s7 =	simm.s32 @p2 $0x1082  }
0x22: {  	[simem:s7], [sflag:s8] =	dma.local @!p0 [hbm:s6], $0xF7A  }
0x23: {  	s9 =	sor.u32 $0xD0000000, s2;
	s6 =	simm.s32 $0x108;
	_ =	swait.ge @!p0 [sflag:s8], $0x0  }
0x24: {  	s3 =	sadd.s32 $0x88, s3;
	s6 =	simm.s32 @!p1 $0x1082;
	[sflag:s4] =	ssyncset.s32 $0xFFFFF086  }
0x25: {  	[simem:s6], [sflag:s4] =	dma.local [hbm:s3], $0xF7A  }
0x26: {  	[smem:$0x3F9B] =	sst s1;
	(tag) =	ssettag s2;
	_ =	strace s9  }
0x27: {  	s1 =	sld [smem:$0x3FAB]  }
0x28: {  	s2 =	sld [smem:$0x3FAC]  }
0x29: {  	s4 =	sld [smem:$0x3FAE]  }
0x2a: {  	p0 =	seq.s32 s5, $0x0;
	s5 =	sld [smem:$0x3FAF]  }
0x2b: {  	s6 =	sld [smem:$0x3FB0]  }
0x2c: {  	s7 =	sld [smem:$0x3FB1]  }
0x2d: {  	s3 =	simm.s32 $0x108;
	s8 =	sld [smem:$0x3FB2]  }
0x2e: {  	s3 =	simm.s32 @!p0 $0x1082;
	s9 =	sld [smem:$0x3FB3]  }
0x2f: {  	lr =	sadd.s32 s0, s3;
	s0 =	sld [smem:$0x3FAA]  }
0x30: {  	s3 =	sld [smem:$0x3FAD]  }
0x31: {  	[smem:$0x3FB6] =	sst s10  }
0x32: {  	s10 =	sld [smem:$0x3FB4];
	_ =	sdelay $0x3  }
0x33: {  	p0 =	seq.s32 s10, $0x1;
	s10 =	sld [smem:$0x3FB6];
	_ =	sdelay $0x3  }
0x34: {  	[smem:$0x3FB6] =	sst s10  }
0x35: {  	s10 =	sld [smem:$0x3FB5];
	_ =	sdelay $0x3  }
0x36: {  	p1 =	seq.s32 s10, $0x1;
	s10 =	sld [smem:$0x3FB6];
	_ =	sdelay $0x3  }
0x37: {  	[smem:$0x3FB6] =	sst s10  }
0x38: {  	s10 =	sld [smem:$0x3FB7]  }
0x39: {  	_ = 	snop;
	(pc) =	sbr.ind lr, $3  }
0x3a: {  	_ = 	snop  }
0x3b: {  	_ = 	snop  }
0x3c: {  	p2 =	seq.s32 s10, $0x1;
	s10 =	sld [smem:$0x3FB6]  }
0x3d: {  	_ =	shalt  }
0x3e: {  	_ =	shalt  }
0x3f: {  	_ =	shalt  }
0x40: {  	_ =	shalt  }
0x41: {  	_ =	shalt  }
0x42: {  	_ =	shalt  }
0x43: {  	_ =	shalt  }
0x44: {  	_ =	shalt  }
0x45: {  	_ =	shalt  }
0x46: {  	_ =	shalt  }
0x47: {  	_ =	shalt  }
0x48: {  	_ =	shalt  }
0x49: {  	_ =	shalt  }
0x4a: {  	_ =	shalt  }
0x4b: {  	_ =	shalt  }
0x4c: {  	_ =	shalt  }
0x4d: {  	_ =	shalt  }
0x4e: {  	_ =	shalt  }
0x4f: {  	_ =	shalt  }
0x50: {  	_ =	shalt  }
0x51: {  	_ =	shalt  }
0x52: {  	_ =	shalt  }
0x53: {  	_ =	shalt  }
0x54: {  	_ =	shalt  }
0x55: {  	_ =	shalt  }
0x56: {  	_ =	shalt  }
0x57: {  	_ =	shalt  }
0x58: {  	_ =	shalt  }
0x59: {  	_ =	shalt  }
0x5a: {  	_ =	shalt  }
0x5b: {  	_ =	shalt  }
0x5c: {  	_ =	shalt  }
0x5d: {  	_ =	shalt  }
0x5e: {  	_ =	shalt  }
0x5f: {  	_ =	shalt  }
0x60: {  	_ =	shalt  }
0x61: {  	_ =	shalt  }
0x62: {  	_ =	shalt  }
0x63: {  	_ =	shalt  }
0x64: {  	_ =	shalt  }
0x65: {  	_ =	shalt  }
0x66: {  	_ =	shalt  }
0x67: {  	_ =	shalt  }
0x68: {  	_ =	shalt  }
0x69: {  	_ =	shalt  }
0x6a: {  	_ =	shalt  }
0x6b: {  	_ =	shalt  }
0x6c: {  	_ =	shalt  }
0x6d: {  	_ =	shalt  }
0x6e: {  	_ =	shalt  }
0x6f: {  	_ =	shalt  }
0x70: {  	_ =	shalt  }
0x71: {  	_ =	shalt  }
0x72: {  	_ =	shalt  }
0x73: {  	_ =	shalt  }
0x74: {  	_ =	shalt  }
0x75: {  	_ =	shalt  }
0x76: {  	_ =	shalt  }
0x77: {  	_ =	shalt  }
0x78: {  	_ =	shalt  }
0x79: {  	_ =	shalt  }
0x7a: {  	_ =	shalt  }
0x7b: {  	_ =	shalt  }
0x7c: {  	_ =	shalt  }
0x7d: {  	_ =	shalt  }
0x7e: {  	_ =	shalt  }
0x7f: {  	_ =	shalt  }
0x80: {  	_ =	shalt  }
0x81: {  	_ =	shalt  }
0x82: {  	_ =	shalt  }
0x83: {  	_ =	shalt  }
0x84: {  	_ =	shalt  }
0x85: {  	_ =	shalt  }
0x86: {  	_ =	shalt  }
0x87: {  	_ =	shalt  }
.Lfunc_end0:
.L_simem_size_0:
called_computation.2_lowered:
.L_overlay_start_0:
0x88: {  	s2 =	sld [smem:$0x3FD9]  }
0x89: {  	s3 =	sld [smem:$0x3FFE];
	_ =	sdelay $0x1  }
0x8a: {  	s1 =	srdreg.scid  }
0x8b: {  	s0 =	sand.u32 $0x1, s1  }
0x8c: {  	s17 =	sshll.u32 s0, $0xA;
	s2 =	sadd.s32 s3, s2  }
0x8d: {  	s2 =	sadd.s32 s2, s17  }
0x8e: {  	[smem:$0x3FC2] =	sst s2  }
0x8f: {  	_ = 	snop  }
0x90: {  	s2 =	sld [smem:$0x3FD0];
	(tm) =	ssettm $0x1  }
0x91: {  	s18 =	sld [smem:$0x3FFB];
	_ =	sdelay $0x3  }
0x92: {  	_ =	strace s18  }
0x93: {  	s3 =	sld [smem:$0x3FFC];
	_ =	sdelay $0x3  }
0x94: {  	_ =	strace s3  }
0x95: {  	s3 =	sld [smem:$0x3FFD];
	_ =	sdelay $0x3  }
0x96: {  	_ =	strace s3  }
0x97: {  	_ =	strace $0x8FFFFFFF  }
0x98: {  	s19 =	sld [smem:$0x3FDB];
	_ =	sdelay $0x1  }
0x99: {  	s4 =	simm.s32 $_scs_section_size  }
0x9a: {  	s5 =	simm.s32 $_size__tile_overlayer_lowered;
	s6 =	simm.s32 $_tile_overlayer_lowered  }
0x9b: {  	s22 =	simm.s32 $0x1BFF;
	s21 =	sshll.u32 s6, $0x1;
	s3 =	sadd.s32 s4, s19  }
0x9c: {  	s7 =	simm.s32 $0x0;
	s20 =	sshll.u32 s5, $0x1;
	s5 =	sadd.s32 s21, s3  }
0x9d: {  	[timem:s7], [sflag:s22] =	dma.local [hbm:s5], s20  }
0x9e: {  	_ =	swait.ge [sflag:s22], s20  }
0x9f: {  	s4 =	ssub.s32 $0x0, s20;
	[sflag:s22] =	ssyncset.done $0x0  }
0xa0: {  	[sflag:s22] =	ssyncadd.s32 s4;
	_ =	sdelay $0x1  }
0xa1: {  	s23 =	simm.s32 $0x1B8B  }
0xa2: {  	_ =	swait.ge [sflag:s23], $0x1  }
0xa3: {  	[sflag:s23] =	ssyncset.done $0x0  }
0xa4: {  	s25 =	simm.s32 $0x1B8E;
	s24 =	sld [smem:$0x3FFE];
	[sflag:s23] =	ssyncadd.s32 $0xFFFFFFFF  }
0xa5: {  	s26 =	simm.s32 $execute0_lowered;
	[smem:$0x3FD2] =	sst s25  }
0xa6: {  	s5 =	sshll.u32 s26, $0x1;
	_ =	strace $0x8000004C;
	[dreg:$0x1] =	wrdreg $0xFFFFFFFF  }
0xa7: {  	s28 =	simm.s32 $_size_execute0_lowered;
	s3 =	sadd.s32 s3, s5;
	[dreg:$0x0] =	wrdreg $0x0  }
0xa8: {  	s5 =	sshll.u32 s28, $0x1;
	[dreg:$0x2] =	wrdreg s3  }
0xa9: {  	[dreg:$0x3] =	wrdreg s5  }
0xaa: {  	[dreg:$0x4] =	wrdreg $0xC0  }
0xab: {  	_ =	task [dreg:s7], $0x5FFFF  }
0xac: {  	[dreg:$0x1] =	wrdreg $0xFFFFFFFF  }
0xad: {  	[dreg:$0x0] =	wrdreg $0x60  }
0xae: {  	[dreg:$0x2] =	wrdreg s2  }
0xaf: {  	[dreg:$0x3] =	wrdreg s24  }
0xb0: {  	[dreg:$0x4] =	wrdreg $0xC4000  }
0xb1: {  	[dreg:$0x5] =	wrdreg $0x9  }
0xb2: {  	_ =	task.clear_ibuf [dreg:s7], $0x6FFFF;
	_ =	strace $0x9000004C  }
0xb3: {  	s29 =	simm.s32 $0x9;
	_ =	strace $0x8000004E  }
0xb4: {  	_ =	swait.ge [sflag:s29], $0x1  }
0xb5: {  	[sflag:s29] =	ssyncadd.s32 $0xFFFFFFFF  }
0xb6: {  	_ =	strace $0x9000004E  }
0xb7: {  	_ =	sfence  }
0xb8: {  	s30 =	sld [smem:$0x0];
	_ =	sdelay $0x2  }
0xb9: {  	s31 =	sshll.u32 s1, $0xD;
	s1 =	sshrl.u32 s1, $0x2  }
0xba: {  	s3 =	sand.u32 $0x4000, s31;
	s1 =	sadd.s32 s1, s30  }
0xbb: {  	s0 =	sor.u32 s3, s0;
	s1 =	sshll.u32 s1, $0x11  }
0xbc: {  	s0 =	sor.u32 s1, s0  }
0xbd: {  	s0 =	sadd.s32 $0x8F2B, s0  }
0xbe: {  	[sflag:s0] =	ssyncadd.remote.s32 $0x1  }
0xbf: {  	_ =	sfence.sel $0xFFFF  }
0xc0: {  	[dreg:$0x0] =	wrdreg $0xFFFFFFFF;
	(pc) =	sbr.abs _section_cstart, $3  }
0xc1: {  	[dreg:$0x1] =	wrdreg $0xFFFFFFFF  }
0xc2: {  	_ =	task.clear_ibuf [dreg:s7], $0x2FFFF;
	_ =	strace $0x9FFFFFFF  }
0xc3: {  	(tm) =	ssettm $0x7FFFFFFF  }
tec
execute0_lowered:
.L_overlay_start_1:
0x0: {  	(tag) =	ssettag $0x1  }
0x1: {  	s1 =	rddreg [dreg:$0x0]  }
0x2: {  	s0 =	rddreg [dreg:$0x1]  }
0x3: {  	s2 =	rddreg [dreg:$0x2]  }
0x4: {  	s4 =	simm.s32 $0x0;
	s14 =	stileid.u32;
	s5 =	srdreg.scid  }
0x5: {  	s17 =	simm.s32 $0x7D;
	s18 =	simm.s32 $0x200;
	s19 =	simm.s32 $0x80  }
0x6: {  	s20 =	simm.s32 $0x6;
	s28 =	simm.s32 $0x5;
	s29 =	simm.s32 $0x100  }
0x7: {  	s30 =	simm.s32 $0x0;
	[smem:$0x7FF] =	sst s4;
	s6 =	smul.u32 $0x4F000, s14  }
0x8: {  	s16 =	sadd.s32 $0x16800, s0;
	s3 =	sadd.s32 $0x2800, s0;
	s7 =	smul.u32 $0x2780, s14  }
0x9: {  	s0 =	sadd.s32 $0x19000, s0;
	s5 =	sand.u32 $0x1, s5;
	s12 =	smul.u32 $0x13C00, s14  }
0xa: {  	s13 =	sadd.s32 $0x128400, s2;
	p0 =	seq.s32 s14, $0xF;
	s26 =	smul.u32 $0xA00, s14  }
0xb: {  	_ =	strace $0x8000004D;
	s8 =	ssub.s32 $0x2, s5;
	s10 =	smul.u32 $0x138800, s5  }
0xc: {  	s9 =	sshll.u32 s5, $0x4;
	s25 =	smul.u32 $0xA000, s5;
	p1 =	sne.s32 @p0 s5, $0x0  }
0xd: {  	s13 =	sshrl.u32 @p0 s13, $0x3;
	s11 =	sshrl.u32 s8, $0x1;
	s9 =	sor.u32 s14, s9  }
0xe: {  	s6 =	sshrl.u32 s6, $0x2;
	s7 =	sadd.s32 s1, s7;
	p1 =	por !p1, !p0  }
0xf: {  	s11 =	ssub.s32 s8, s11;
	s21 =	smul.u32 $0xA00, s9;
	s15 =	sadd.s32 s6, s2  }
0x10: {  	s22 =	sadd.s32 s12, s10;
	s12 =	sadd.s32 $0x25080, s1;
	s24 =	sshrl.u32 s10, $0x3  }
0x11: {  	s10 =	smov.u32 s16;
	s23 =	sshrl.u32 s22, $0x3;
	s31 =	smax.u32 s11, $0x1  }
0x12: {  	s10 =	smov.u32 @p1 s12;
	p1 =	sne.s32 @!p0 s5, $0x0;
	s12 =	sshll.u32 @!p0 s14, $0x6  }
0x13: {  	s15 =	sshrl.u32 @!p0 s15, $0x3;
	s22 =	simm.s32 $0x1;
	s6 =	sadd.s32 s3, s21  }
0x14: {  	s8 =	sadd.s32 s0, s23;
	s0 =	sadd.s32 s0, s24;
	[dreg:$0x6] =	wrdreg s31  }
0x15: {  	s3 =	sadd.s32 s25, s3;
	p1 =	por !p1, p0;
	s14 =	sor.u32 @!p0 $0x1C04, s12  }
.Ltmp0:
0x16: {  	s21 =	simm.s32 $0x3;
	s23 =	simm.s32 $0x180;
	(pc) =	sbr.rel .LBB2_1-.Ltmp0, $4  }
0x17: {  	s24 =	simm.s32 $0x2;
	s25 =	simm.s32 $0x280;
	s0 =	sadd.s32 $0x25080, s0  }
0x18: {  	s16 =	smov.u32 @p1 s7;
	[dreg:$0x5] =	wrdreg s0;
	s0 =	sadd.s32 s26, s3  }
0x19: {  	[dreg:$0x4] =	wrdreg s8;
	s11 =	smov.u32 s16;
	s0 =	sadd.s32 $0xC0, s0  }
0x1a: {  	s16 =	simm.s32 $0x300;
	s26 =	simm.s32 $0x380;
	[dreg:$0x7] =	wrdreg s0  }
.LBB2_4:
0x1b: {  	[tilespmem:s7], [sflag:$0x3] =	stream.indirect.gather [hbm4b:s1+s17], $0x80, s16, s17, $0xb8;
	[tilespmem:$0x1FC80] =	vst v63  }
0x1c: {  	_ = 	snop  }
0x1d: {  	[spmem:s2] =	stream.indirect.scatter.add.f32 [tilespmem:s5], [sflag:$0x6], $0x80, s23, s17, $0xb8;
	[tilespmem:$0x1FC80] =	vst v63  }
0x1e: {  	_ =	swait.ge [sflag:s20], $0x3E80  }
0x1f: {  	[sflag:s20] =	ssyncset.done $0x0  }
0x20: {  	[sflag:s20] =	ssyncadd.s32 $0xFFFFC180  }
0x21: {  	_ =	swait.ge [sflag:s24], $0x3E80  }
0x22: {  	[sflag:s24] =	ssyncset.done $0x0  }
0x23: {  	[sflag:s24] =	ssyncadd.s32 $0xFFFFC180  }
0x24: {  	[spmem:s2] =	stream.indirect.scatter.add.f32 [tilespmem:s3], [sflag:$0x6], $0x80, s25, s17, $0xb8;
	[tilespmem:$0x1FC80] =	vst v63  }
0x25: {  	_ =	swait.ge [sflag:s20], $0x3E80  }
0x26: {  	[sflag:s20] =	ssyncset.done $0x0  }
0x27: {  	[sflag:s20] =	ssyncadd.s32 $0xFFFFC180  }
0x28: {  	_ =	swait.ge [sflag:s21], $0x3E80  }
0x29: {  	[sflag:s21] =	ssyncset.done $0x0  }
0x2a: {  	[sflag:s21] =	ssyncadd.s32 $0xFFFFC180  }
0x2b: {  	[spmem:s2] =	stream.indirect.scatter.add.f32 [tilespmem:s7], [sflag:$0x5], $0x80, s26, s17, $0xb8;
	[tilespmem:$0x1FC80] =	vst v63  }
0x2c: {  	_ =	swait.ge [sflag:s28], $0x3E80  }
0x2d: {  	[sflag:s28] =	ssyncset.done $0x0  }
0x2e: {  	[sflag:s28] =	ssyncadd.s32 $0xFFFFC180  }
0x2f: {  	[bflag:$0x0] =	sbarrier.arrive $0xFFFF  }
0x30: {  	s0 =	simm.s32 @p0 $0x1FC5;
	s3 =	rddreg [dreg:$0x5]  }
0x31: {  	[hbm:s3], [sflag:s0] =	dma.local @p0 [spmem:s13], $0x2080  }
0x32: {  	s0 =	simm.s32 @p0 $0x5  }
0x33: {  	_ =	swait.ge @p0 [sflag:s0], $0x2080  }
0x34: {  	[sflag:s0] =	ssyncset.done @p0 $0x0  }
0x35: {  	s3 =	rddreg [dreg:$0x4];
	[sflag:s0] =	ssyncadd.s32 @p0 $0xFFFFDF80;
	s0 =	sor.u32 @!p0 $0x1C05, s12  }
0x36: {  	[hbm:s3], [sflag:s0] =	dma.local @!p0 [spmem:s15], $0x2780  }
0x37: {  	s0 =	simm.s32 @!p0 $0x5  }
0x38: {  	_ =	swait.ge @!p0 [sflag:s0], $0x2780  }
0x39: {  	s30 =	sadd.s32 $0x1, s30;
	s31 =	rddreg [dreg:$0x6]  }
0x3a: {  	p1 =	sne.s32 s30, s31  }
.Ltmp1:
0x3b: {  	_ = 	snop;
	(pc) =	sbr.rel @!p1 .LBB2_5-.Ltmp1, $3  }
0x3c: {  	_ =	sdelay $0x1  }
0x3d: {  	[sflag:s0] =	ssyncset.done @!p0 $0x0  }
0x3e: {  	[sflag:s0] =	ssyncadd.s32 @!p0 $0xFFFFD880  }
.LBB2_1:
0x3f: {  	s0 =	simm.s32 @p0 $0x1FC4  }
0x40: {  	[spmem:s13], [sflag:s0] =	dma.local @p0 [hbm:s10], $0x2080  }
0x41: {  	s3 =	simm.s32 @p0 $0x1;
	s0 =	simm.s32 @p0 $0x0  }
0x42: {  	[tilespmem:s0], [sflag:$0x1] =	stream.linear.gather @p0 [hbm4b:s6+s0], $0x300, $0x38;
	[tilespmem:$0x1FC80] =	vst v63  }
0x43: {  	_ =	swait.ge @p0 [sflag:s3], $0x300  }
0x44: {  	[sflag:s3] =	ssyncset.done @p0 $0x0  }
0x45: {  	s5 =	simm.s32 @p0 $0x400;
	[sflag:s3] =	ssyncadd.s32 @p0 $0xFFFFFD00;
	s3 =	simm.s32 @p0 $0x7D  }
0x46: {  	[tilespmem:s5], [sflag:$0x2] =	stream.indirect.gather @p0 [hbm4b:s1+s3], $0x80, s0, s3, $0xb8;
	[tilespmem:$0x1FC80] =	vst v63  }
0x47: {  	s0 =	simm.s32 @p0 $0x100;
	s5 =	simm.s32 @p0 $0x4400  }
0x48: {  	[tilespmem:s5], [sflag:$0x3] =	stream.indirect.gather @p0 [hbm4b:s1+s3], $0x80, s0, s3, $0xb8;
	[tilespmem:$0x1FC80] =	vst v63  }
0x49: {  	s0 =	simm.s32 @p0 $0x2  }
0x4a: {  	_ =	swait.ge @p0 [sflag:s0], $0x3E80  }
0x4b: {  	[sflag:s0] =	ssyncset.done @p0 $0x0  }
0x4c: {  	[sflag:s0] =	ssyncadd.s32 @p0 $0xFFFFC180;
	s0 =	simm.s32 @p0 $0x4  }
0x4d: {  	_ =	swait.ge @p0 [sflag:s0], $0x2080  }
0x4e: {  	[sflag:s0] =	ssyncset.done @p0 $0x0  }
0x4f: {  	s3 =	simm.s32 @!p0 $0x1;
	[sflag:s0] =	ssyncadd.s32 @p0 $0xFFFFDF80;
	s0 =	simm.s32 @!p0 $0x0  }
0x50: {  	[spmem:s15], [sflag:s14] =	dma.local @!p0 [hbm:s11], $0x2780  }
0x51: {  	[tilespmem:s0], [sflag:$0x1] =	stream.linear.gather @!p0 [hbm4b:s6+s0], $0x300, $0x38;
	[tilespmem:$0x1FC80] =	vst v63  }
0x52: {  	_ =	swait.ge @!p0 [sflag:s3], $0x300  }
0x53: {  	[sflag:s3] =	ssyncset.done @!p0 $0x0  }
0x54: {  	s5 =	simm.s32 @!p0 $0x400;
	[sflag:s3] =	ssyncadd.s32 @!p0 $0xFFFFFD00;
	s3 =	simm.s32 @!p0 $0x7D  }
0x55: {  	[tilespmem:s5], [sflag:$0x2] =	stream.indirect.gather @!p0 [hbm4b:s1+s3], $0x80, s0, s3, $0xb8;
	[tilespmem:$0x1FC80] =	vst v63  }
0x56: {  	s0 =	simm.s32 @!p0 $0x100;
	s5 =	simm.s32 @!p0 $0x4400  }
0x57: {  	[tilespmem:s5], [sflag:$0x3] =	stream.indirect.gather @!p0 [hbm4b:s1+s3], $0x80, s0, s3, $0xb8;
	[tilespmem:$0x1FC80] =	vst v63  }
0x58: {  	s0 =	simm.s32 @!p0 $0x2  }
0x59: {  	_ =	swait.ge @!p0 [sflag:s0], $0x3E80  }
0x5a: {  	[sflag:s0] =	ssyncset.done @!p0 $0x0  }
0x5b: {  	[sflag:s0] =	ssyncadd.s32 @!p0 $0xFFFFC180;
	s0 =	simm.s32 @!p0 $0x4  }
0x5c: {  	_ =	swait.ge @!p0 [sflag:s0], $0x2780  }
0x5d: {  	[sflag:s0] =	ssyncset.done @!p0 $0x0  }
0x5e: {  	[sflag:s0] =	ssyncadd.s32 @!p0 $0xFFFFD880  }
0x5f: {  	[bflag:$0x0] =	sbarrier.arrive $0xFFFF  }
0x60: {  	s0 =	simm.s32 $0x0;
	s31 =	rddreg [dreg:$0x7]  }
.LBB2_2:
0x61: {  	s5 =	smul.u32 $0xAB, s0;
	s8 =	sadd.s32 $0xFFFFFFA0, s31  }
0x62: {  	[tilespmem:s16], [sflag:$0x1] =	stream.linear.gather [hbm4b:s8+s4], $0x100, $0x38;
	[tilespmem:$0x1FC80] =	vst v63  }
0x63: {  	s3 =	sadd.s32 $0x156, s5  }
0x64: {  	s3 =	sshrl.u32 s3, $0x9  }
0x65: {  	s3 =	sand.u32 $0x7F, s3  }
0x66: {  	s7 =	sshrl.u32 s5, $0x9;
	s3 =	smul.u32 $0x3, s3  }
0x67: {  	s7 =	sand.u32 $0x7F, s7  }
0x68: {  	s7 =	smul.u32 $0x3, s7;
	s3 =	ssub.s32 s0, s3  }
0x69: {  	s3 =	sadd.s32 $0x2, s3  }
0x6a: {  	s7 =	ssub.s32 s0, s7;
	s3 =	sand.u32 $0xFF, s3  }
0x6b: {  	s9 =	sadd.s32 $0xAB, s5;
	s7 =	sand.u32 $0xFF, s7;
	s3 =	sshll.u32 s3, $0xE  }
0x6c: {  	s5 =	sadd.s32 $0x201, s5;
	s7 =	sshll.u32 s7, $0xE;
	s3 =	sor.u32 $0x400, s3  }
0x6d: {  	[tilespmem:s3], [sflag:$0x2] =	stream.indirect.gather [hbm4b:s1+s17], $0x80, s18, s17, $0xb8;
	[tilespmem:$0x1FC80] =	vst v63  }
0x6e: {  	s5 =	sshrl.u32 s5, $0x9;
	s7 =	sor.u32 $0x400, s7  }
0x6f: {  	[spmem:s2] =	stream.indirect.scatter.add.f32 [tilespmem:s7], [sflag:$0x6], $0x80, s19, s17, $0xb8;
	[tilespmem:$0x1FC80] =	vst v63  }
0x70: {  	s8 =	sshrl.u32 s9, $0x9;
	s5 =	sand.u32 $0x7F, s5;
	_ =	swait.ge [sflag:s20], $0x3E80  }
0x71: {  	s5 =	smul.u32 $0x3, s5;
	s7 =	sand.u32 $0x7F, s8;
	[sflag:s20] =	ssyncset.done $0x0  }
0x72: {  	s7 =	smul.u32 $0x3, s7;
	[sflag:s20] =	ssyncadd.s32 $0xFFFFC180  }
0x73: {  	p1 =	seq.s32 s0, $0x4C;
	s5 =	ssub.s32 s0, s5;
	_ =	swait.ge [sflag:s21], $0x3E80  }
.Ltmp2:
0x74: {  	s7 =	ssub.s32 s0, s7;
	[sflag:s21] =	ssyncset.done $0x0;
	(pc) =	sbr.rel @p1 .LBB2_4-.Ltmp2, $4  }
0x75: {  	s5 =	sadd.s32 $0x3, s5;
	s7 =	sadd.s32 $0x1, s7;
	[sflag:s21] =	ssyncadd.s32 $0xFFFFC180  }
0x76: {  	s5 =	sand.u32 $0xFF, s5;
	s7 =	sand.u32 $0xFF, s7;
	_ =	swait.ge [sflag:s22], $0x100  }
0x77: {  	s9 =	sshll.u32 s5, $0xE;
	s7 =	sshll.u32 s7, $0xE;
	[sflag:s22] =	ssyncset.done $0x0  }
0x78: {  	s5 =	sor.u32 $0x400, s7;
	s7 =	sor.u32 $0x400, s9;
	[sflag:s22] =	ssyncadd.s32 $0xFFFFFF00  }
0x79: {  	s8 =	sadd.s32 $0xFFFFFFC0, s31  }
0x7a: {  	[tilespmem:s4], [sflag:$0x1] =	stream.linear.gather [hbm4b:s8+s4], $0x100, $0x38;
	[tilespmem:$0x1FC80] =	vst v63  }
0x7b: {  	_ = 	snop  }
0x7c: {  	[tilespmem:s7], [sflag:$0x3] =	stream.indirect.gather [hbm4b:s1+s17], $0x80, s16, s17, $0xb8;
	[tilespmem:$0x1FC80] =	vst v63  }
0x7d: {  	_ = 	snop  }
0x7e: {  	[spmem:s2] =	stream.indirect.scatter.add.f32 [tilespmem:s5], [sflag:$0x6], $0x80, s23, s17, $0xb8;
	[tilespmem:$0x1FC80] =	vst v63  }
0x7f: {  	s5 =	sadd.s32 $0x4, s0  }
0x80: {  	_ =	swait.ge [sflag:s20], $0x3E80;
	s9 =	sand.u32 $0xFF, s5  }
0x81: {  	[sflag:s20] =	ssyncset.done $0x0;
	s8 =	smul.u32 $0xAB, s9  }
0x82: {  	[sflag:s20] =	ssyncadd.s32 $0xFFFFC180  }
0x83: {  	_ =	swait.ge [sflag:s24], $0x3E80;
	s8 =	sshrl.u32 s8, $0x9  }
0x84: {  	[sflag:s24] =	ssyncset.done $0x0;
	s8 =	smul.u32 $0x3, s8  }
0x85: {  	[sflag:s24] =	ssyncadd.s32 $0xFFFFC180  }
0x86: {  	_ =	swait.ge [sflag:s22], $0x100;
	s8 =	ssub.s32 s5, s8  }
0x87: {  	[sflag:s22] =	ssyncset.done $0x0;
	s8 =	sand.u32 $0xFF, s8  }
0x88: {  	s9 =	sadd.s32 $0xFFFFFFE0, s31;
	[sflag:s22] =	ssyncadd.s32 $0xFFFFFF00;
	s8 =	sshll.u32 s8, $0xE  }
0x89: {  	[tilespmem:s29], [sflag:$0x1] =	stream.linear.gather [hbm4b:s9+s4], $0x100, $0x38;
	[tilespmem:$0x1FC80] =	vst v63  }
0x8a: {  	s8 =	sor.u32 $0x400, s8  }
0x8b: {  	[tilespmem:s8], [sflag:$0x2] =	stream.indirect.gather [hbm4b:s1+s17], $0x80, s4, s17, $0xb8;
	[tilespmem:$0x1FC80] =	vst v63  }
0x8c: {  	s8 =	sadd.s32 $0x5, s0  }
0x8d: {  	[spmem:s2] =	stream.indirect.scatter.add.f32 [tilespmem:s3], [sflag:$0x6], $0x80, s25, s17, $0xb8;
	[tilespmem:$0x1FC80] =	vst v63  }
0x8e: {  	s9 =	sand.u32 $0xFF, s8;
	_ =	swait.ge [sflag:s20], $0x3E80  }
0x8f: {  	s3 =	smul.u32 $0xAB, s9;
	[sflag:s20] =	ssyncset.done $0x0  }
0x90: {  	[sflag:s20] =	ssyncadd.s32 $0xFFFFC180  }
0x91: {  	s3 =	sshrl.u32 s3, $0x9;
	_ =	swait.ge [sflag:s21], $0x3E80  }
0x92: {  	s3 =	smul.u32 $0x3, s3;
	[sflag:s21] =	ssyncset.done $0x0  }
0x93: {  	[sflag:s21] =	ssyncadd.s32 $0xFFFFC180  }
0x94: {  	s0 =	ssub.s32 s8, s3;
	_ =	swait.ge [sflag:s22], $0x100  }
0x95: {  	s0 =	sand.u32 $0xFF, s0;
	[sflag:s22] =	ssyncset.done $0x0  }
0x96: {  	s0 =	sshll.u32 s0, $0xE;
	[sflag:s22] =	ssyncadd.s32 $0xFFFFFF00  }
0x97: {  	[tilespmem:s18], [sflag:$0x1] =	stream.linear.gather [hbm4b:s31+s4], $0x100, $0x38;
	[tilespmem:$0x1FC80] =	vst v63  }
0x98: {  	s0 =	sor.u32 $0x400, s0  }
0x99: {  	[tilespmem:s0], [sflag:$0x3] =	stream.indirect.gather [hbm4b:s1+s17], $0x80, s29, s17, $0xb8;
	[tilespmem:$0x1FC80] =	vst v63  }
0x9a: {  	_ = 	snop  }
0x9b: {  	[spmem:s2] =	stream.indirect.scatter.add.f32 [tilespmem:s7], [sflag:$0x6], $0x80, s26, s17, $0xb8;
	[tilespmem:$0x1FC80] =	vst v63  }
0x9c: {  	_ =	swait.ge [sflag:s20], $0x3E80  }
0x9d: {  	[sflag:s20] =	ssyncset.done $0x0  }
0x9e: {  	[sflag:s20] =	ssyncadd.s32 $0xFFFFC180  }
0x9f: {  	_ =	swait.ge [sflag:s24], $0x3E80  }
.Ltmp3:
0xa0: {  	[sflag:s24] =	ssyncset.done $0x0;
	(pc) =	sbr.rel .LBB2_2-.Ltmp3, $4  }
0xa1: {  	[sflag:s24] =	ssyncadd.s32 $0xFFFFC180  }
0xa2: {  	_ =	swait.ge [sflag:s22], $0x100  }
0xa3: {  	[sflag:s22] =	ssyncset.done $0x0  }
0xa4: {  	s31 =	sadd.s32 $0x80, s31;
	s0 =	smov.u32 s5;
	[sflag:s22] =	ssyncadd.s32 $0xFFFFFF00  }
.LBB2_5:
0xa5: {  	_ =	sfence.sel $0x180000  }
0xa6: {  	[bflag:$0x0] =	sbarrier.arrive $0xFFFF  }
0xa7: {  	_ =	strace $0x9000004D  }
0xa8: {  	s0 =	stileid.u32;
	[bflag:$0x2] =	sbarrier.arrive $0xFFFF  }
0xa9: {  	p0 =	sne.s32 s0, $0x0;
	s0 =	rddreg [dreg:$0x3]  }
0xaa: {  	s0 =	sadd.s32 @!p0 $0x100000, s0  }
0xab: {  	[sflag:s0] =	ssyncadd.tile.s32 @!p0 $0x1;
	_ =	shalt  }
.Lfunc_end2:
_tile_overlayer_lowered:
.L_overlay_start_2:
0xac: {  	(tag) =	ssettag $0x2  }
0xad: {  	s0 =	rddreg [dreg:$0x0];
	s2 =	stileid.u32  }
0xae: {  	s1 =	rddreg [dreg:$0x1];
	p0 =	sne.s32 s2, $0x0  }
0xaf: {  	s3 =	rddreg [dreg:$0x2];
	[bflag:$0x3] =	sbarrier.arrive $0xFFFF;
	s2 =	simm.s32 @!p0 $0x1C05  }
0xb0: {  	[timem:s3], [sflag:s2] =	dma.local @!p0 [hbm:s0], s1  }
0xb1: {  	s0 =	simm.s32 @!p0 $0x5  }
0xb2: {  	_ =	swait.ge @!p0 [sflag:s0], s1  }
0xb3: {  	s1 =	ssub.s32 @!p0 $0x0, s1;
	[sflag:s0] =	ssyncset.done @!p0 $0x0  }
0xb4: {  	[sflag:s0] =	ssyncadd.s32 @!p0 s1  }
0xb5: {  	[bflag:$0x3] =	sbarrier.arrive $0xFFFF  }
0xb6: {  	_ =	shalt  }

// kernel: kernel.9.cloned.1.call-start
scs
__scs_entry_jumppad:
0x0: {  	(pc) =	sbr.rel $0x88, $3  }
0x1: {  	(tag) =	ssettag $0x0;
	lr =	simm.s32 $0x1  }
0x2: {  	[smem:$0x3F9B] =	sst lr;
	_ =	strace $0xD0000000  }
0x3: {  	_ = 	snop  }
0x4: {  	_ = 	snop  }
0x5: {  	_ = 	snop  }
0x6: {  	_ = 	snop  }
0x7: {  	_ = 	snop  }
__scs_overlays_trampoline_lowered:
0x8: {  	[smem:$0x3FAA] =	sst s0  }
0x9: {  	[smem:$0x3FAB] =	sst s1  }
0xa: {  	[smem:$0x3FAC] =	sst s2  }
0xb: {  	[smem:$0x3FAD] =	sst s3  }
0xc: {  	[smem:$0x3FAE] =	sst s4  }
0xd: {  	[smem:$0x3FAF] =	sst s5  }
0xe: {  	[smem:$0x3FB0] =	sst s6  }
0xf: {  	[smem:$0x3FB1] =	sst s7  }
0x10: {  	[smem:$0x3FB2] =	sst s8  }
0x11: {  	[smem:$0x3FB3] =	sst s9;
	s0 =	simm.s32 @!p0 $0x0  }
0x12: {  	s1 =	sld [smem:$0x3F99];
	s0 =	simm.s32 @p0 $0x1  }
0x13: {  	[smem:$0x3FB4] =	sst s0;
	s0 =	simm.s32 @!p1 $0x0  }
0x14: {  	s2 =	sld [smem:$0x3F98];
	s0 =	simm.s32 @p1 $0x1  }
0x15: {  	[smem:$0x3FB5] =	sst s0;
	s0 =	simm.s32 @!p2 $0x0  }
0x16: {  	s3 =	sld [smem:$0x3FDB];
	s0 =	simm.s32 @p2 $0x1  }
0x17: {  	s4 =	simm.s32 $0x1BF5;
	[smem:$0x3FB7] =	sst s0  }
0x18: {  	s0 =	sld [smem:$0x3F9A];
	_ =	swait.ge [sflag:s4], $0x0  }
0x19: {  	s7 =	sld [smem:$0x3F9B]  }
0x1a: {  	s8 =	sadd.s32 $0xFFFFE003, lr  }
0x1b: {  	s9 =	sadd.s32 $0xFFFFFEF7, lr;
	s5 =	simm.s32 $0xFFFFFFFF;
	p2 =	slt.u32 s8, $0xFFFFF086  }
0x1c: {  	p1 =	slt.u32 s9, $0xF7A;
	s5 =	simm.s32 @!p2 $0x0  }
0x1d: {  	s5 =	simm.s32 @p1 $0x1;
	p0 =	seq.s32 s7, s2  }
0x1e: {  	s7 =	smul.u32 @!p0 $0xF7A, s2;
	p2 =	seq.s32 @!p0 s5, $0x0  }
0x1f: {  	s9 =	smul.u32 $0xF7A, s1;
	s8 =	simm.s32 @!p0 $0x1BF5;
	p2 =	por !p2, p0  }
0x20: {  	[sflag:s8] =	ssyncset.s32 @!p0 $0xFFFFF086;
	s6 =	sadd.s32 @!p0 s3, s7;
	s7 =	simm.s32 @!p0 $0x108  }
0x21: {  	s3 =	sadd.s32 s3, s9;
	s6 =	sadd.s32 @!p0 $0x88, s6;
	s7 =	simm.s32 @p2 $0x1082  }
0x22: {  	[simem:s7], [sflag:s8] =	dma.local @!p0 [hbm:s6], $0xF7A  }
0x23: {  	s9 =	sor.u32 $0xD0000000, s2;
	s6 =	simm.s32 $0x108;
	_ =	swait.ge @!p0 [sflag:s8], $0x0  }
0x24: {  	s3 =	sadd.s32 $0x88, s3;
	s6 =	simm.s32 @!p1 $0x1082;
	[sflag:s4] =	ssyncset.s32 $0xFFFFF086  }
0x25: {  	[simem:s6], [sflag:s4] =	dma.local [hbm:s3], $0xF7A  }
0x26: {  	[smem:$0x3F9B] =	sst s1;
	(tag) =	ssettag s2;
	_ =	strace s9  }
0x27: {  	s1 =	sld [smem:$0x3FAB]  }
0x28: {  	s2 =	sld [smem:$0x3FAC]  }
0x29: {  	s4 =	sld [smem:$0x3FAE]  }
0x2a: {  	p0 =	seq.s32 s5, $0x0;
	s5 =	sld [smem:$0x3FAF]  }
0x2b: {  	s6 =	sld [smem:$0x3FB0]  }
0x2c: {  	s7 =	sld [smem:$0x3FB1]  }
0x2d: {  	s3 =	simm.s32 $0x108;
	s8 =	sld [smem:$0x3FB2]  }
0x2e: {  	s3 =	simm.s32 @!p0 $0x1082;
	s9 =	sld [smem:$0x3FB3]  }
0x2f: {  	lr =	sadd.s32 s0, s3;
	s0 =	sld [smem:$0x3FAA]  }
0x30: {  	s3 =	sld [smem:$0x3FAD]  }
0x31: {  	[smem:$0x3FB6] =	sst s10  }
0x32: {  	s10 =	sld [smem:$0x3FB4];
	_ =	sdelay $0x3  }
0x33: {  	p0 =	seq.s32 s10, $0x1;
	s10 =	sld [smem:$0x3FB6];
	_ =	sdelay $0x3  }
0x34: {  	[smem:$0x3FB6] =	sst s10  }
0x35: {  	s10 =	sld [smem:$0x3FB5];
	_ =	sdelay $0x3  }
0x36: {  	p1 =	seq.s32 s10, $0x1;
	s10 =	sld [smem:$0x3FB6];
	_ =	sdelay $0x3  }
0x37: {  	[smem:$0x3FB6] =	sst s10  }
0x38: {  	s10 =	sld [smem:$0x3FB7]  }
0x39: {  	_ = 	snop;
	(pc) =	sbr.ind lr, $3  }
0x3a: {  	_ = 	snop  }
0x3b: {  	_ = 	snop  }
0x3c: {  	p2 =	seq.s32 s10, $0x1;
	s10 =	sld [smem:$0x3FB6]  }
0x3d: {  	_ =	shalt  }
0x3e: {  	_ =	shalt  }
0x3f: {  	_ =	shalt  }
0x40: {  	_ =	shalt  }
0x41: {  	_ =	shalt  }
0x42: {  	_ =	shalt  }
0x43: {  	_ =	shalt  }
0x44: {  	_ =	shalt  }
0x45: {  	_ =	shalt  }
0x46: {  	_ =	shalt  }
0x47: {  	_ =	shalt  }
0x48: {  	_ =	shalt  }
0x49: {  	_ =	shalt  }
0x4a: {  	_ =	shalt  }
0x4b: {  	_ =	shalt  }
0x4c: {  	_ =	shalt  }
0x4d: {  	_ =	shalt  }
0x4e: {  	_ =	shalt  }
0x4f: {  	_ =	shalt  }
0x50: {  	_ =	shalt  }
0x51: {  	_ =	shalt  }
0x52: {  	_ =	shalt  }
0x53: {  	_ =	shalt  }
0x54: {  	_ =	shalt  }
0x55: {  	_ =	shalt  }
0x56: {  	_ =	shalt  }
0x57: {  	_ =	shalt  }
0x58: {  	_ =	shalt  }
0x59: {  	_ =	shalt  }
0x5a: {  	_ =	shalt  }
0x5b: {  	_ =	shalt  }
0x5c: {  	_ =	shalt  }
0x5d: {  	_ =	shalt  }
0x5e: {  	_ =	shalt  }
0x5f: {  	_ =	shalt  }
0x60: {  	_ =	shalt  }
0x61: {  	_ =	shalt  }
0x62: {  	_ =	shalt  }
0x63: {  	_ =	shalt  }
0x64: {  	_ =	shalt  }
0x65: {  	_ =	shalt  }
0x66: {  	_ =	shalt  }
0x67: {  	_ =	shalt  }
0x68: {  	_ =	shalt  }
0x69: {  	_ =	shalt  }
0x6a: {  	_ =	shalt  }
0x6b: {  	_ =	shalt  }
0x6c: {  	_ =	shalt  }
0x6d: {  	_ =	shalt  }
0x6e: {  	_ =	shalt  }
0x6f: {  	_ =	shalt  }
0x70: {  	_ =	shalt  }
0x71: {  	_ =	shalt  }
0x72: {  	_ =	shalt  }
0x73: {  	_ =	shalt  }
0x74: {  	_ =	shalt  }
0x75: {  	_ =	shalt  }
0x76: {  	_ =	shalt  }
0x77: {  	_ =	shalt  }
0x78: {  	_ =	shalt  }
0x79: {  	_ =	shalt  }
0x7a: {  	_ =	shalt  }
0x7b: {  	_ =	shalt  }
0x7c: {  	_ =	shalt  }
0x7d: {  	_ =	shalt  }
0x7e: {  	_ =	shalt  }
0x7f: {  	_ =	shalt  }
0x80: {  	_ =	shalt  }
0x81: {  	_ =	shalt  }
0x82: {  	_ =	shalt  }
0x83: {  	_ =	shalt  }
0x84: {  	_ =	shalt  }
0x85: {  	_ =	shalt  }
0x86: {  	_ =	shalt  }
0x87: {  	_ =	shalt  }
.Lfunc_end0:
.L_simem_size_0:
called_computation_lowered:
.L_overlay_start_0:
0x88: {  	s2 =	sld [smem:$0x3FD9]  }
0x89: {  	s3 =	sld [smem:$0x3FFE];
	_ =	sdelay $0x1  }
0x8a: {  	s1 =	srdreg.scid  }
0x8b: {  	s0 =	sand.u32 $0x1, s1  }
0x8c: {  	s18 =	sshll.u32 s0, $0xA;
	s2 =	sadd.s32 s3, s2  }
0x8d: {  	s2 =	sadd.s32 s2, s18  }
0x8e: {  	[smem:$0x3FC2] =	sst s2  }
0x8f: {  	_ = 	snop  }
0x90: {  	s2 =	sld [smem:$0x3FC8]  }
0x91: {  	s19 =	sld [smem:$0x3FD0];
	(tm) =	ssettm $0x1  }
0x92: {  	s4 =	sld [smem:$0x3FFB];
	_ =	sdelay $0x3  }
0x93: {  	_ =	strace s4  }
0x94: {  	s4 =	sld [smem:$0x3FFC];
	_ =	sdelay $0x3  }
0x95: {  	_ =	strace s4  }
0x96: {  	s4 =	sld [smem:$0x3FFD];
	_ =	sdelay $0x3  }
0x97: {  	_ =	strace s4  }
0x98: {  	_ =	strace $0x8FFFFFFF  }
0x99: {  	s20 =	sld [smem:$0x3FDB];
	_ =	sdelay $0x1  }
0x9a: {  	s5 =	simm.s32 $_scs_section_size  }
0x9b: {  	s6 =	simm.s32 $_size__tile_overlayer_lowered;
	s7 =	simm.s32 $_tile_overlayer_lowered  }
0x9c: {  	s23 =	simm.s32 $0x1BFF;
	s22 =	sshll.u32 s7, $0x1;
	s4 =	sadd.s32 s5, s20  }
0x9d: {  	s8 =	simm.s32 $0x0;
	s21 =	sshll.u32 s6, $0x1;
	s6 =	sadd.s32 s22, s4  }
0x9e: {  	[timem:s8], [sflag:s23] =	dma.local [hbm:s6], s21  }
0x9f: {  	_ =	swait.ge [sflag:s23], s21  }
0xa0: {  	s5 =	ssub.s32 $0x0, s21;
	[sflag:s23] =	ssyncset.done $0x0  }
0xa1: {  	[sflag:s23] =	ssyncadd.s32 s5;
	_ =	sdelay $0x1  }
0xa2: {  	s24 =	simm.s32 $0x1B8B  }
0xa3: {  	_ =	swait.ge [sflag:s24], $0x1  }
0xa4: {  	[sflag:s24] =	ssyncset.done $0x0  }
0xa5: {  	s25 =	simm.s32 $0x1B8E;
	[sflag:s24] =	ssyncadd.s32 $0xFFFFFFFF  }
0xa6: {  	s26 =	simm.s32 $execute0_lowered;
	[smem:$0x3FD2] =	sst s25  }
0xa7: {  	s5 =	sshll.u32 s26, $0x1;
	_ =	strace $0x80000046;
	[dreg:$0x1] =	wrdreg $0xFFFFFFFF  }
0xa8: {  	s28 =	simm.s32 $_size_execute0_lowered;
	s4 =	sadd.s32 s4, s5;
	[dreg:$0x0] =	wrdreg $0x0  }
0xa9: {  	s5 =	sshll.u32 s28, $0x1;
	[dreg:$0x2] =	wrdreg s4  }
0xaa: {  	[dreg:$0x3] =	wrdreg s5  }
0xab: {  	[dreg:$0x4] =	wrdreg $0xC0  }
0xac: {  	_ =	task [dreg:s8], $0x5FFFF  }
0xad: {  	[dreg:$0x1] =	wrdreg $0xFFFFFFFF  }
0xae: {  	[dreg:$0x0] =	wrdreg $0x60  }
0xaf: {  	[dreg:$0x2] =	wrdreg s2  }
0xb0: {  	[dreg:$0x3] =	wrdreg s19  }
0xb1: {  	[dreg:$0x4] =	wrdreg $0x52000  }
0xb2: {  	[dreg:$0x5] =	wrdreg $0x9  }
0xb3: {  	_ =	task.clear_ibuf [dreg:s8], $0x6FFFF;
	_ =	strace $0x90000046  }
0xb4: {  	s29 =	simm.s32 $0x9;
	_ =	strace $0x80000048  }
0xb5: {  	_ =	swait.ge [sflag:s29], $0x1  }
0xb6: {  	[sflag:s29] =	ssyncadd.s32 $0xFFFFFFFF  }
0xb7: {  	_ =	strace $0x90000048  }
0xb8: {  	_ =	sfence  }
0xb9: {  	s30 =	sld [smem:$0x0];
	_ =	sdelay $0x2  }
0xba: {  	s31 =	sshll.u32 s1, $0xD;
	s1 =	sshrl.u32 s1, $0x2  }
0xbb: {  	s3 =	sand.u32 $0x4000, s31;
	s1 =	sadd.s32 s1, s30  }
0xbc: {  	s0 =	sor.u32 s3, s0;
	s1 =	sshll.u32 s1, $0x11  }
0xbd: {  	s0 =	sor.u32 s1, s0  }
0xbe: {  	s0 =	sadd.s32 $0x8F2B, s0  }
0xbf: {  	[sflag:s0] =	ssyncadd.remote.s32 $0x1  }
0xc0: {  	_ =	sfence.sel $0xFFFF  }
0xc1: {  	[dreg:$0x0] =	wrdreg $0xFFFFFFFF;
	(pc) =	sbr.abs _section_cstart, $3  }
0xc2: {  	[dreg:$0x1] =	wrdreg $0xFFFFFFFF  }
0xc3: {  	_ =	task.clear_ibuf [dreg:s8], $0x2FFFF;
	_ =	strace $0x9FFFFFFF  }
0xc4: {  	(tm) =	ssettm $0x7FFFFFFF  }
0xc5: {  	_ =	shalt  }
tec
execute0_lowered:
.L_overlay_start_1:
0x0: {  	(tag) =	ssettag $0x1  }
0x1: {  	s0 =	rddreg [dreg:$0x0]  }
0x2: {  	s11 =	rddreg [dreg:$0x1]  }
0x3: {  	s10 =	rddreg [dreg:$0x2];
	s1 =	srdreg.scid  }
0x4: {  	s2 =	simm.s32 $0x0;
	s17 =	simm.s32 $0x1;
	s18 =	simm.s32 $0x2  }
0x5: {  	s19 =	simm.s32 $0x80;
	s20 =	simm.s32 $0x400;
	s21 =	simm.s32 $0x5  }
0x6: {  	s22 =	simm.s32 $0x1400;
	s23 =	simm.s32 $0x14000;
	s24 =	simm.s32 $0x2A00  }
0x7: {  	s25 =	simm.s32 $0x100;
	s26 =	simm.s32 $0x0;
	s12 =	sand.u32 $0x1, s1  }
0x8: {  	s1 =	stileid.u32;
	[smem:$0x7FF] =	sst s2;
	s3 =	sshll.u32 s12, $0x4  }
0x9: {  	_ =	strace $0x80000047;
	s4 =	ssub.s32 $0x2, s12;
	s14 =	smul.u32 $0x5000, s1  }
0xa: {  	s29 =	sshrl.u32 s1, $0x3;
	s9 =	sshll.u32 s1, $0x7;
	s16 =	smul.u32 $0x500, s1  }
0xb: {  	s30 =	sshll.u32 s12, $0x7;
	s12 =	sshll.u32 s12, $0x9;
	s31 =	sshll.u32 s1, $0x5  }
0xc: {  	s3 =	sor.u32 s1, s3;
	s6 =	sshrl.u32 s4, $0x1;
	s8 =	smul.u32 $0x50000, s29  }
0xd: {  	s9 =	sand.u32 $0x380, s9;
	s5 =	sshll.u32 s3, $0x5;
	s13 =	ssub.s32 s4, s6  }
0xe: {  	s14 =	sshrl.u32 s14, $0x2;
	s7 =	sadd.s32 s5, s0;
	s8 =	sshrl.u32 s8, $0x2  }
0xf: {  	s0 =	sadd.s32 s12, s0;
	s12 =	smax.u32 s13, $0x1;
	s4 =	sadd.s32 $0x10, s7  }
0x10: {  	s5 =	sadd.s32 $0x410, s7;
	s6 =	sadd.s32 $0x810, s7;
	s7 =	ssub.s32 $0x984, s3  }
0x11: {  	s15 =	sadd.s32 s8, s10;
	s8 =	ssub.s32 $0x964, s3;
	s10 =	sadd.s32 s14, s10  }
0x12: {  	s0 =	sadd.s32 s31, s0;
	s9 =	sadd.s32 s9, s15;
	s15 =	sor.u32 s30, s16  }
0x13: {  	s14 =	simm.s32 $0x2800;
	s13 =	sadd.s32 $0xC10, s0;
	s15 =	sshrl.u32 s15, $0x3  }
0x14: {  	v0 =	vimm.f32 $0.0e+00;
	v1 =	vimm.f32 $1.000000000e+00;
	s16 =	simm.s32 $0x2900;
	s11 =	sadd.s32 s11, s15;
	s15 =	simm.s32 $0x2880  }
.LBB2_1:
0x15: {  	s29 =	simm.s32 $0x100;
	s28 =	simm.s32 $0x0  }
.LBB2_2:
0x16: {  	p0 =	sne.s32 s29, $0x9F00;
	[tilespmem:s28+$0x30] =	vst v0;
	s0 =	smov.u32 s29;
	s29 =	sadd.s32 $0x100, s29  }
.Ltmp0:
0x17: {  	[tilespmem:s28+$0x20] =	vst v0;
	(pc) =	sbr.rel @p0 .LBB2_2-.Ltmp0, $3  }
0x18: {  	[tilespmem:s28+$0x0] =	vst v0  }
0x19: {  	[tilespmem:s28+$0x10] =	vst v0;
	_ =	sdelay $0x1  }
0x1a: {  	s28 =	sshra.s32 s0, $0x2  }
0x1b: {  	[tilespmem:s28+$0x30] =	vst v0  }
0x1c: {  	[tilespmem:s28+$0x20] =	vst v0  }
0x1d: {  	[tilespmem:s28+$0x0] =	vst v0  }
0x1e: {  	[tilespmem:s28+$0x10] =	vst v0;
	s28 =	simm.s32 $0x0  }
0x1f: {  	[tilespmem:s14], [sflag:$0x1] =	stream.linear.gather [hbm4b:s4+s28], $0x80, $0x38;
	[tilespmem:$0x7A00] =	vst v63  }
0x20: {  	_ = 	snop  }
0x21: {  	[tilespmem:s15], [sflag:$0x2] =	stream.linear.gather [hbm4b:s5+s28], $0x80, $0x38;
	[tilespmem:$0x7A00] =	vst v63  }
0x22: {  	s29 =	smov.u32 s13  }
0x23: {  	[tilespmem:s16], [sflag:$0x3] =	stream.linear.gather [hbm4b:s6+s28], $0x80, $0x38;
	[tilespmem:$0x7A00] =	vst v63  }
.LBB2_4:
0x24: {  	s0 =	sadd.s32 s28, s3  }
0x25: {  	_ =	swait.ge [sflag:s17], $0x80;
	s30 =	sadd.s32 $0x60, s0  }
0x26: {  	[sflag:s17] =	ssyncset.done $0x0;
	p0 =	sgt.u32 s30, $0x9C3  }
0x27: {  	[sflag:s17] =	ssyncadd.s32 $0xFFFFFF80;
	s30 =	simm.s32 @!p0 $0x0;
	s31 =	simm.s32 @!p0 $0x2980  }
0x28: {  	[tilespmem:s31], [sflag:$0x4] =	stream.linear.gather @!p0 [hbm4b:s29+s30], $0x80, $0x38;
	[tilespmem:$0x7A00] =	vst v63  }
0x29: {  	v2 =	vld [tilespmem:$0x2800];
	_ =	sdelay $0x7  }
0x2a: {  	[tilespmem:v2+s2+$0x0] =	vst.idx.add.f32.msk $0xffff, v1  }
0x2b: {  	v2 =	vld [tilespmem:$0x2810];
	_ =	sdelay $0x7  }
0x2c: {  	[tilespmem:v2+s2+$0x0] =	vst.idx.add.f32.msk $0xffff, v1  }
0x2d: {  	v2 =	vld [tilespmem:$0x2820];
	_ =	sdelay $0x7  }
0x2e: {  	[tilespmem:v2+s2+$0x0] =	vst.idx.add.f32.msk $0xffff, v1  }
0x2f: {  	v2 =	vld [tilespmem:$0x2830];
	_ =	sdelay $0x7  }
0x30: {  	[tilespmem:v2+s2+$0x0] =	vst.idx.add.f32.msk $0xffff, v1  }
0x31: {  	v2 =	vld [tilespmem:$0x2840];
	_ =	sdelay $0x7  }
0x32: {  	[tilespmem:v2+s2+$0x0] =	vst.idx.add.f32.msk $0xffff, v1  }
0x33: {  	v2 =	vld [tilespmem:$0x2850];
	_ =	sdelay $0x7  }
0x34: {  	[tilespmem:v2+s2+$0x0] =	vst.idx.add.f32.msk $0xffff, v1  }
0x35: {  	v2 =	vld [tilespmem:$0x2860];
	_ =	sdelay $0x7  }
0x36: {  	[tilespmem:v2+s2+$0x0] =	vst.idx.add.f32.msk $0xffff, v1  }
0x37: {  	v2 =	vld [tilespmem:$0x2870];
	_ =	sdelay $0x7  }
0x38: {  	s0 =	sadd.s32 $0x80, s0;
	[tilespmem:v2+s2+$0x0] =	vst.idx.add.f32.msk $0xffff, v1  }
0x39: {  	p0 =	sgt.u32 s0, $0x9C3;
	_ =	swait.ge [sflag:s18], $0x80  }
0x3a: {  	s0 =	sadd.s32 @!p0 $0x400, s29;
	[sflag:s18] =	ssyncset.done $0x0  }
0x3b: {  	s30 =	simm.s32 @!p0 $0x0;
	s31 =	simm.s32 @!p0 $0x2800;
	[sflag:s18] =	ssyncadd.s32 $0xFFFFFF80  }
0x3c: {  	[tilespmem:s31], [sflag:$0x1] =	stream.linear.gather @!p0 [hbm4b:s0+s30], $0x80, $0x38;
	[tilespmem:$0x7A00] =	vst v63  }
0x3d: {  	v2 =	vld [tilespmem:$0x2880];
	_ =	sdelay $0x7  }
0x3e: {  	[tilespmem:v2+s2+$0x0] =	vst.idx.add.f32.msk $0xffff, v1  }
0x3f: {  	v2 =	vld [tilespmem:$0x2890];
	_ =	sdelay $0x7  }
0x40: {  	[tilespmem:v2+s2+$0x0] =	vst.idx.add.f32.msk $0xffff, v1  }
0x41: {  	v2 =	vld [tilespmem:$0x28A0];
	_ =	sdelay $0x7  }
0x42: {  	[tilespmem:v2+s2+$0x0] =	vst.idx.add.f32.msk $0xffff, v1  }
0x43: {  	v2 =	vld [tilespmem:$0x28B0];
	_ =	sdelay $0x7  }
0x44: {  	[tilespmem:v2+s2+$0x0] =	vst.idx.add.f32.msk $0xffff, v1  }
0x45: {  	v2 =	vld [tilespmem:$0x28C0];
	_ =	sdelay $0x7  }
0x46: {  	[tilespmem:v2+s2+$0x0] =	vst.idx.add.f32.msk $0xffff, v1  }
0x47: {  	v2 =	vld [tilespmem:$0x28D0];
	_ =	sdelay $0x7  }
0x48: {  	[tilespmem:v2+s2+$0x0] =	vst.idx.add.f32.msk $0xffff, v1  }
0x49: {  	v2 =	vld [tilespmem:$0x28E0];
	_ =	sdelay $0x7  }
0x4a: {  	[tilespmem:v2+s2+$0x0] =	vst.idx.add.f32.msk $0xffff, v1  }
0x4b: {  	v2 =	vld [tilespmem:$0x28F0];
	_ =	sdelay $0x4  }
0x4c: {  	p1 =	sge.u32 s28, s7  }
0x4d: {  	s30 =	sadd.s32 @!p1 s28, s3  }
0x4e: {  	s30 =	sadd.s32 @!p1 $0xA0, s30  }
0x4f: {  	s0 =	simm.s32 @!p1 $0x3;
	p0 =	sgt.u32 @!p1 s30, $0x9C3;
	[tilespmem:v2+s2+$0x0] =	vst.idx.add.f32.msk $0xffff, v1  }
0x50: {  	p0 =	por p0, p1;
	_ =	swait.ge @!p1 [sflag:s0], $0x80  }
0x51: {  	s30 =	simm.s32 @!p0 $0x0;
	[sflag:s0] =	ssyncset.done @!p1 $0x0  }
0x52: {  	s31 =	simm.s32 @!p0 $0x2880;
	[sflag:s0] =	ssyncadd.s32 @!p1 $0xFFFFFF80;
	s0 =	sadd.s32 @!p0 $0x800, s29  }
0x53: {  	[tilespmem:s31], [sflag:$0x2] =	stream.linear.gather @!p0 [hbm4b:s0+s30], $0x80, $0x38;
	[tilespmem:$0x7A00] =	vst v63  }
0x54: {  	v2 =	vld @!p1 [tilespmem:$0x2900];
	_ =	sdelay $0x6  }
0x55: {  	v3 =	vimm.f32 @!p1 $1.000000000e+00;
	s0 =	simm.s32 @!p1 $0x0  }
0x56: {  	[tilespmem:v2+s0+$0x0] =	vst.idx.add.f32.msk @!p1 $0xffff, v3  }
0x57: {  	v2 =	vld @!p1 [tilespmem:$0x2910];
	_ =	sdelay $0x7  }
0x58: {  	[tilespmem:v2+s0+$0x0] =	vst.idx.add.f32.msk @!p1 $0xffff, v3  }
0x59: {  	v2 =	vld @!p1 [tilespmem:$0x2920];
	_ =	sdelay $0x7  }
0x5a: {  	[tilespmem:v2+s0+$0x0] =	vst.idx.add.f32.msk @!p1 $0xffff, v3  }
0x5b: {  	v2 =	vld @!p1 [tilespmem:$0x2930];
	_ =	sdelay $0x7  }
0x5c: {  	[tilespmem:v2+s0+$0x0] =	vst.idx.add.f32.msk @!p1 $0xffff, v3  }
0x5d: {  	v2 =	vld @!p1 [tilespmem:$0x2940];
	_ =	sdelay $0x7  }
0x5e: {  	[tilespmem:v2+s0+$0x0] =	vst.idx.add.f32.msk @!p1 $0xffff, v3  }
0x5f: {  	v2 =	vld @!p1 [tilespmem:$0x2950];
	_ =	sdelay $0x7  }
0x60: {  	[tilespmem:v2+s0+$0x0] =	vst.idx.add.f32.msk @!p1 $0xffff, v3  }
0x61: {  	v2 =	vld @!p1 [tilespmem:$0x2960];
	_ =	sdelay $0x7  }
0x62: {  	[tilespmem:v2+s0+$0x0] =	vst.idx.add.f32.msk @!p1 $0xffff, v3  }
0x63: {  	v2 =	vld @!p1 [tilespmem:$0x2970];
	_ =	sdelay $0x4  }
0x64: {  	p0 =	sge.u32 s28, s8  }
0x65: {  	s30 =	sadd.s32 @!p0 s28, s3  }
0x66: {  	s30 =	sadd.s32 @!p0 $0xC0, s30  }
0x67: {  	[tilespmem:v2+s0+$0x0] =	vst.idx.add.f32.msk @!p1 $0xffff, v3;
	s0 =	simm.s32 @!p0 $0x4;
	p1 =	sgt.u32 @!p0 s30, $0x9C3  }
0x68: {  	_ =	swait.ge @!p0 [sflag:s0], $0x80;
	p1 =	por p1, p0  }
0x69: {  	[sflag:s0] =	ssyncset.done @!p0 $0x0;
	s30 =	simm.s32 @!p1 $0x0  }
0x6a: {  	s31 =	simm.s32 @!p1 $0x2900;
	[sflag:s0] =	ssyncadd.s32 @!p0 $0xFFFFFF80;
	s0 =	sadd.s32 @!p1 $0xC00, s29  }
0x6b: {  	[tilespmem:s31], [sflag:$0x3] =	stream.linear.gather @!p1 [hbm4b:s0+s30], $0x80, $0x38;
	[tilespmem:$0x7A00] =	vst v63  }
0x6c: {  	v2 =	vld @!p0 [tilespmem:$0x2980];
	_ =	sdelay $0x6  }
0x6d: {  	v3 =	vimm.f32 @!p0 $1.000000000e+00;
	s0 =	simm.s32 @!p0 $0x0  }
0x6e: {  	[tilespmem:v2+s0+$0x0] =	vst.idx.add.f32.msk @!p0 $0xffff, v3  }
0x6f: {  	v2 =	vld @!p0 [tilespmem:$0x2990];
	_ =	sdelay $0x7  }
0x70: {  	[tilespmem:v2+s0+$0x0] =	vst.idx.add.f32.msk @!p0 $0xffff, v3  }
0x71: {  	v2 =	vld @!p0 [tilespmem:$0x29A0];
	_ =	sdelay $0x7  }
0x72: {  	[tilespmem:v2+s0+$0x0] =	vst.idx.add.f32.msk @!p0 $0xffff, v3  }
0x73: {  	v2 =	vld @!p0 [tilespmem:$0x29B0];
	_ =	sdelay $0x7  }
0x74: {  	[tilespmem:v2+s0+$0x0] =	vst.idx.add.f32.msk @!p0 $0xffff, v3  }
0x75: {  	v2 =	vld @!p0 [tilespmem:$0x29C0];
	_ =	sdelay $0x7  }
0x76: {  	[tilespmem:v2+s0+$0x0] =	vst.idx.add.f32.msk @!p0 $0xffff, v3  }
0x77: {  	v2 =	vld @!p0 [tilespmem:$0x29D0];
	_ =	sdelay $0x7  }
0x78: {  	[tilespmem:v2+s0+$0x0] =	vst.idx.add.f32.msk @!p0 $0xffff, v3  }
0x79: {  	v2 =	vld @!p0 [tilespmem:$0x29E0];
	_ =	sdelay $0x7  }
0x7a: {  	[tilespmem:v2+s0+$0x0] =	vst.idx.add.f32.msk @!p0 $0xffff, v3  }
0x7b: {  	v2 =	vld @!p0 [tilespmem:$0x29F0];
	_ =	sdelay $0x1  }
0x7c: {  	s28 =	sadd.s32 $0x80, s28  }
0x7d: {  	p1 =	sne.s32 s28, $0xA00  }
.Ltmp1:
0x7e: {  	_ = 	snop;
	(pc) =	sbr.rel @p1 .LBB2_4-.Ltmp1, $2  }
0x7f: {  	_ =	sdelay $0x2  }
0x80: {  	s29 =	sadd.s32 $0x1000, s29;
	[tilespmem:v2+s0+$0x0] =	vst.idx.add.f32.msk @!p0 $0xffff, v3  }
0x81: {  	s28 =	simm.s32 $0x0  }
0x82: {  	[spmem:s9] =	stream.strided.scatter [tilespmem:s28], [sflag:$0x5], $0x2800, s20, s19, $0x38;
	[tilespmem:$0x7A00] =	vst v63  }
0x83: {  	_ =	swait.ge [sflag:s21], $0x2800  }
0x84: {  	[sflag:s21] =	ssyncset.done $0x0  }
0x85: {  	[sflag:s21] =	ssyncadd.s32 $0xFFFFD800  }
0x86: {  	[bflag:$0x0] =	sbarrier.arrive $0xFFFF  }
0x87: {  	[tilespmem:s24], [sflag:$0x5] =	stream.strided.gather [spmem:s10], $0x2800, s23, s22, $0x38;
	[tilespmem:$0x7A00] =	vst v63  }
0x88: {  	_ =	swait.ge [sflag:s21], $0x2800  }
0x89: {  	s0 =	sand.u32 $0x70, s28;
	s29 =	sand.u32 $0x1C00, s28;
	[sflag:s21] =	ssyncset.done $0x0  }
0x8a: {  	s0 =	sor.u32 s0, s29;
	[sflag:s21] =	ssyncadd.s32 $0xFFFFD800  }
0x8b: {  	v2 =	vld [tilespmem:s0+$0x2A00];
	_ =	sdelay $0x1  }
0x8c: {  	v3 =	vld [tilespmem:s0+$0x2A80];
	_ =	sdelay $0x1  }
0x8d: {  	v4 =	vld [tilespmem:s0+$0x2B00]  }
0x8e: {  	v2 =	vadd.f32 $5.000000000e-01, v2  }
0x8f: {  	v5 =	vld [tilespmem:s0+$0x2B80]  }
0x90: {  	v2 =	vadd.f32 v3, v2  }
0x91: {  	v3 =	vld [tilespmem:s0+$0x2C00]  }
0x92: {  	v2 =	vadd.f32 v4, v2  }
0x93: {  	v56 =	vld [tilespmem:s0+$0x2C80]  }
0x94: {  	v2 =	vadd.f32 v5, v2  }
0x95: {  	v57 =	vld [tilespmem:s0+$0x2D00]  }
0x96: {  	v2 =	vadd.f32 v3, v2  }
0x97: {  	v3 =	vld [tilespmem:s0+$0x2D80]  }
0x98: {  	v2 =	vadd.f32 v56, v2  }
0x99: {  	v58 =	vld [tilespmem:s0+$0x3E00]  }
0x9a: {  	v2 =	vadd.f32 v57, v2  }
0x9b: {  	v59 =	vld [tilespmem:s0+$0x3E80]  }
0x9c: {  	v2 =	vadd.f32 v3, v2  }
0x9d: {  	v3 =	vld [tilespmem:s0+$0x3F00]  }
0x9e: {  	v2 =	vadd.f32 v58, v2  }
0x9f: {  	v60 =	vld [tilespmem:s0+$0x3F80]  }
0xa0: {  	v2 =	vadd.f32 v59, v2  }
0xa1: {  	v61 =	vld [tilespmem:s0+$0x4000]  }
0xa2: {  	v2 =	vadd.f32 v3, v2  }
0xa3: {  	v3 =	vld [tilespmem:s0+$0x4080]  }
0xa4: {  	v2 =	vadd.f32 v60, v2  }
0xa5: {  	v62 =	vld [tilespmem:s0+$0x4100]  }
0xa6: {  	v2 =	vadd.f32 v61, v2  }
0xa7: {  	v63 =	vld [tilespmem:s0+$0x4180]  }
0xa8: {  	v2 =	vadd.f32 v3, v2;
	_ =	sdelay $0x1  }
0xa9: {  	v2 =	vadd.f32 v62, v2;
	_ =	sdelay $0x1  }
0xaa: {  	s29 =	simm.s32 $0x80;
	s0 =	simm.s32 $0x10;
	v2 =	vadd.f32 v63, v2  }
0xab: {  	s30 =	simm.s32 $0x20;
	s31 =	sand.u32 $0x70, s0;
	s0 =	sand.u32 $0x1C00, s29  }
.LBB2_6:
0xac: {  	p0 =	sne.s32 s30, $0x270;
	s0 =	sor.u32 s31, s0;
	[tilespmem:s28+$0x0] =	vst v2  }
0xad: {  	v2 =	vld [tilespmem:s0+$0x2A00];
	_ =	sdelay $0x1  }
0xae: {  	v3 =	vld [tilespmem:s0+$0x2A80];
	_ =	sdelay $0x1  }
0xaf: {  	v4 =	vld [tilespmem:s0+$0x2B00]  }
0xb0: {  	v2 =	vadd.f32 $5.000000000e-01, v2  }
0xb1: {  	v5 =	vld [tilespmem:s0+$0x2B80]  }
0xb2: {  	v2 =	vadd.f32 v3, v2  }
0xb3: {  	v3 =	vld [tilespmem:s0+$0x2C00]  }
0xb4: {  	v2 =	vadd.f32 v4, v2  }
0xb5: {  	v4 =	vld [tilespmem:s0+$0x2C80]  }
0xb6: {  	v2 =	vadd.f32 v5, v2  }
0xb7: {  	v5 =	vld [tilespmem:s0+$0x2D00]  }
0xb8: {  	v2 =	vadd.f32 v3, v2  }
0xb9: {  	v3 =	vld [tilespmem:s0+$0x2D80]  }
0xba: {  	v2 =	vadd.f32 v4, v2  }
0xbb: {  	v4 =	vld [tilespmem:s0+$0x3E00]  }
0xbc: {  	v2 =	vadd.f32 v5, v2  }
0xbd: {  	v5 =	vld [tilespmem:s0+$0x3E80]  }
0xbe: {  	v2 =	vadd.f32 v3, v2  }
0xbf: {  	v3 =	vld [tilespmem:s0+$0x3F00]  }
0xc0: {  	v2 =	vadd.f32 v4, v2  }
0xc1: {  	v4 =	vld [tilespmem:s0+$0x3F80]  }
0xc2: {  	v2 =	vadd.f32 v5, v2  }
0xc3: {  	v5 =	vld [tilespmem:s0+$0x4000]  }
0xc4: {  	v2 =	vadd.f32 v3, v2  }
0xc5: {  	v3 =	vld [tilespmem:s0+$0x4080]  }
0xc6: {  	v2 =	vadd.f32 v4, v2  }
0xc7: {  	v4 =	vld [tilespmem:s0+$0x4100]  }
0xc8: {  	v2 =	vadd.f32 v5, v2  }
0xc9: {  	v5 =	vld [tilespmem:s0+$0x4180]  }
0xca: {  	v2 =	vadd.f32 v3, v2  }
.Ltmp2:
0xcb: {  	(pc) =	sbr.rel @p0 .LBB2_6-.Ltmp2, $3  }
0xcc: {  	v2 =	vadd.f32 v4, v2;
	_ =	sdelay $0x1  }
0xcd: {  	s29 =	sadd.s32 $0x80, s29;
	s28 =	sadd.s32 $0x10, s28;
	v2 =	vadd.f32 v5, v2  }
0xce: {  	s31 =	sand.u32 $0x70, s30;
	s30 =	sadd.s32 $0x10, s30;
	s0 =	sand.u32 $0x1C00, s29  }
0xcf: {  	s0 =	sor.u32 s31, s0;
	[tilespmem:s28+$0x0] =	vst v2  }
0xd0: {  	v2 =	vld [tilespmem:s0+$0x2A00];
	_ =	sdelay $0x1  }
0xd1: {  	v3 =	vld [tilespmem:s0+$0x2A80];
	_ =	sdelay $0x1  }
0xd2: {  	v4 =	vld [tilespmem:s0+$0x2B00]  }
0xd3: {  	v2 =	vadd.f32 $5.000000000e-01, v2  }
0xd4: {  	v5 =	vld [tilespmem:s0+$0x2B80]  }
0xd5: {  	v2 =	vadd.f32 v3, v2  }
0xd6: {  	v3 =	vld [tilespmem:s0+$0x2C00]  }
0xd7: {  	v2 =	vadd.f32 v4, v2  }
0xd8: {  	v56 =	vld [tilespmem:s0+$0x2C80]  }
0xd9: {  	v2 =	vadd.f32 v5, v2  }
0xda: {  	v57 =	vld [tilespmem:s0+$0x2D00]  }
0xdb: {  	v2 =	vadd.f32 v3, v2  }
0xdc: {  	v3 =	vld [tilespmem:s0+$0x2D80]  }
0xdd: {  	v2 =	vadd.f32 v56, v2  }
0xde: {  	v58 =	vld [tilespmem:s0+$0x3E00]  }
0xdf: {  	v2 =	vadd.f32 v57, v2  }
0xe0: {  	v59 =	vld [tilespmem:s0+$0x3E80]  }
0xe1: {  	v2 =	vadd.f32 v3, v2  }
0xe2: {  	v3 =	vld [tilespmem:s0+$0x3F00]  }
0xe3: {  	v2 =	vadd.f32 v58, v2  }
0xe4: {  	v60 =	vld [tilespmem:s0+$0x3F80]  }
0xe5: {  	v2 =	vadd.f32 v59, v2  }
0xe6: {  	v61 =	vld [tilespmem:s0+$0x4000]  }
0xe7: {  	v2 =	vadd.f32 v3, v2  }
0xe8: {  	v3 =	vld [tilespmem:s0+$0x4080]  }
0xe9: {  	v2 =	vadd.f32 v60, v2  }
0xea: {  	v62 =	vld [tilespmem:s0+$0x4100]  }
0xeb: {  	v2 =	vadd.f32 v61, v2  }
0xec: {  	v63 =	vld [tilespmem:s0+$0x4180]  }
0xed: {  	v2 =	vadd.f32 v3, v2;
	_ =	sdelay $0x1  }
0xee: {  	v2 =	vadd.f32 v62, v2;
	_ =	sdelay $0x1  }
0xef: {  	s26 =	sadd.s32 $0x1, s26;
	v2 =	vadd.f32 v63, v2  }
0xf0: {  	s31 =	sadd.s32 $0x10, s28;
	p0 =	sne.s32 s26, s12  }
.Ltmp3:
0xf1: {  	[tilespmem:s31+$0x0] =	vst v2;
	(pc) =	sbr.rel @p0 .LBB2_1-.Ltmp3, $4  }
0xf2: {  	[hbm4b:s11+s19] =	stream.strided.scatter [tilespmem:s2], [sflag:$0x5], $0x280, s25, s19, $0x38;
	[tilespmem:$0x7A00] =	vst v63  }
0xf3: {  	_ =	swait.ge [sflag:s21], $0x280  }
0xf4: {  	[sflag:s21] =	ssyncset.done $0x0  }
0xf5: {  	[sflag:s21] =	ssyncadd.s32 $0xFFFFFD80  }
0xf6: {  	_ =	sfence.sel $0x180000  }
0xf7: {  	[bflag:$0x0] =	sbarrier.arrive $0xFFFF  }
0xf8: {  	_ =	strace $0x90000047  }
0xf9: {  	[bflag:$0x2] =	sbarrier.arrive $0xFFFF  }
0xfa: {  	p0 =	sne.s32 s1, $0x0;
	s0 =	rddreg [dreg:$0x3]  }
0xfb: {  	s0 =	sadd.s32 @!p0 $0x100000, s0  }
0xfc: {  	[sflag:s0] =	ssyncadd.tile.s32 @!p0 $0x1;
	_ =	shalt  }
.Lfunc_end2:
_tile_overlayer_lowered:
.L_overlay_start_2:
0xfd: {  	(tag) =	ssettag $0x2  }
0xfe: {  	s0 =	rddreg [dreg:$0x0];
	s2 =	stileid.u32  }
0xff: {  	s1 =	rddreg [dreg:$0x1];
	p0 =	sne.s32 s2, $0x0  }
0x100: {  	s3 =	rddreg [dreg:$0x2];
	[bflag:$0x3] =	sbarrier.arrive $0xFFFF;
	s2 =	simm.s32 @!p0 $0x1C05  }
0x101: {  	[timem:s3], [sflag:s2] =	dma.local @!p0 [hbm:s0], s1  }
0x102: {  	s0 =	simm.s32 @!p0 $0x5  }
0x103: {  	_ =	swait.ge @!p0 [sflag:s0], s1  }
0x104: {  	s1 =	ssub.s32 @!p0 $0x0, s1;
	[sflag:s0] =	ssyncset.done @!p0 $0x0  }
0x105: {  	[sflag:s0] =	ssyncadd.s32 @!p0 s1  }
0x106: {  	[bflag:$0x3] =	sbarrier.arrive $0xFFFF  }
0x107: {  	_ =	shalt  }

</sc_bundles>
